<compile_context>
chip_gen: v7x
topology: tpu7x:2x2x1
jax: 0.10.2.dev20260603
libtpu: 0.0.44.dev20260713+nightly
codegen_flags: <defaults>
</compile_context>

<pallas_src>
import functools

import jax
import jax.numpy as jnp
from jax import lax
from jax.experimental import pallas as pl
from jax.experimental.pallas import tpu as pltpu
from jax.experimental.pallas import tpu_sc as plsc

N = 10000
E = 160000
G = 64
EPS = 1e-5

NC = 2
NS = 16
NW = NC * NS
B = 128
EPT = 5120
E_PAD = EPT * NW
STEPS = EPT // B
NROWS = 10240
RPT = NROWS // NS
JUNK = N
ZR = 64

BN = 400
GRID = N // BN


def _segsum_body(nk, x_hbm, src_hbm, dst_hbm, out_hbm,
                 acc, idx_s, idx_sc, idx_d, zbuf, buf0, buf1, sem0, sem1):
    cid = lax.axis_index("c")
    sid = lax.axis_index("s")
    tile = cid * NS + sid

    def _zb(i, carry):
        zbuf[i // 8, pl.ds((i % 8) * 16, 16)] = jnp.zeros((16,), jnp.float32)
        return carry
    lax.fori_loop(0, ZR * 8, _zb, 0)
    base = sid * RPT
    for k in range(RPT // ZR):
        pltpu.sync_copy(zbuf, acc.at[pl.ds(base + k * ZR, ZR)])

    pltpu.sync_copy(src_hbm.at[pl.ds(tile * STEPS, STEPS)], idx_s)
    pltpu.sync_copy(dst_hbm.at[pl.ds(tile * STEPS, STEPS)], idx_d)

    def _start(jrow, buf, sem):
        pltpu.async_copy(x_hbm.at[idx_sc.at[jrow]], buf, sem)

    def _drain(buf, sem):
        pltpu.make_async_copy(x_hbm.at[pl.ds(0, B)], buf, sem).wait()

    for c in range(nk):
        def _sc(i, carry):
            v = idx_s[i // 8, pl.ds((i % 8) * 16, 16)]
            idx_sc[i // 8, pl.ds((i % 8) * 16, 16)] = v * nk + c
            return carry
        lax.fori_loop(0, STEPS * 8, _sc, 0)
        plsc.subcore_barrier()

        def _step(j, carry):
            pltpu.async_copy(x_hbm.at[idx_sc.at[j]], buf0, sem0).wait()
            pltpu.sync_copy(buf0, acc.at[idx_d.at[j]], add=True)
            return carry
        lax.fori_loop(0, STEPS, _step, 0)

        plsc.subcore_barrier()
        pltpu.sync_copy(acc.at[pl.ds(base, RPT)],
                        out_hbm.at[pl.ds((c * NC + cid) * NROWS + base, RPT)])
        if c + 1 < nk:
            for k in range(RPT // ZR):
                pltpu.sync_copy(zbuf, acc.at[pl.ds(base + k * ZR, ZR)])


@functools.cache
def _get_segsum(nk):
    return pl.kernel(
        functools.partial(_segsum_body, nk),
        out_type=jax.ShapeDtypeStruct((nk * NC * NROWS, 128), jnp.float32),
        mesh=plsc.VectorSubcoreMesh(core_axis_name="c", subcore_axis_name="s",
                                    num_cores=NC, num_subcores=NS),
        scratch_types=[
            pltpu.VMEM_SHARED((NROWS, 128), jnp.float32),
            pltpu.VMEM((STEPS, B), jnp.int32),
            pltpu.VMEM((STEPS, B), jnp.int32),
            pltpu.VMEM((STEPS, B), jnp.int32),
            pltpu.VMEM((ZR, 128), jnp.float32),
            pltpu.VMEM((B, 128), jnp.float32),
            pltpu.VMEM((B, 128), jnp.float32),
            pltpu.SemaphoreType.DMA,
            pltpu.SemaphoreType.DMA,
        ],
    )


def _conv_body(p0, p1, x, wr, wt, b, r_ref, s_ref, q_ref):
    i = pl.program_id(0)
    agg = p0[...] + p1[...]
    y = jnp.dot(agg, wr[...], preferred_element_type=jnp.float32)
    y = y + jnp.dot(x[...], wt[...], preferred_element_type=jnp.float32)
    y = y + b[...]
    r = jnp.maximum(y, 0.0)
    r_ref[...] = r

    @pl.when(i == 0)
    def _():
        s_ref[...] = jnp.zeros_like(s_ref)
        q_ref[...] = jnp.zeros_like(q_ref)

    s_ref[...] += jnp.sum(r, axis=0, keepdims=True)
    q_ref[...] += jnp.sum(r * r, axis=0, keepdims=True)


def _conv_call(p0, p1, x, wr, wt, b):
    cin = x.shape[1]
    ca = p0.shape[1]
    h = wr.shape[1]
    return pl.pallas_call(
        _conv_body,
        grid=(GRID,),
        in_specs=[
            pl.BlockSpec((BN, ca), lambda i: (i, 0)),
            pl.BlockSpec((BN, ca), lambda i: (i, 0)),
            pl.BlockSpec((BN, cin), lambda i: (i, 0)),
            pl.BlockSpec((ca, h), lambda i: (0, 0)),
            pl.BlockSpec((cin, h), lambda i: (0, 0)),
            pl.BlockSpec((1, h), lambda i: (0, 0)),
        ],
        out_specs=[
            pl.BlockSpec((BN, h), lambda i: (i, 0)),
            pl.BlockSpec((1, h), lambda i: (0, 0)),
            pl.BlockSpec((1, h), lambda i: (0, 0)),
        ],
        out_shape=[
            jax.ShapeDtypeStruct((N, h), jnp.float32),
            jax.ShapeDtypeStruct((1, h), jnp.float32),
            jax.ShapeDtypeStruct((1, h), jnp.float32),
        ],
    )(p0, p1, x, wr, wt, b)


def _bn_body(r, s, q, gma, bta, h_ref):
    mean = s[...] / N
    var = q[...] / N - mean * mean
    scale = gma[...] * lax.rsqrt(var + EPS)
    h_ref[...] = (r[...] - mean) * scale + bta[...]


def _bn_call(r, s, q, gma, bta):
    h = r.shape[1]
    return pl.pallas_call(
        _bn_body,
        grid=(GRID,),
        in_specs=[
            pl.BlockSpec((BN, h), lambda i: (i, 0)),
            pl.BlockSpec((1, h), lambda i: (0, 0)),
            pl.BlockSpec((1, h), lambda i: (0, 0)),
            pl.BlockSpec((1, h), lambda i: (0, 0)),
            pl.BlockSpec((1, h), lambda i: (0, 0)),
        ],
        out_specs=pl.BlockSpec((BN, h), lambda i: (i, 0)),
        out_shape=jax.ShapeDtypeStruct((N, h), jnp.float32),
    )(r, s, q, gma, bta)


def _pre3_body(h2, w3r, w3t, b3, p3_ref, root_ref):
    p3_ref[...] = jnp.dot(h2[...], w3r[...], preferred_element_type=jnp.float32)
    root_ref[...] = (jnp.dot(h2[...], w3t[...], preferred_element_type=jnp.float32)
                     + b3[...])


def _pre3_call(h2, w3r, w3t, b3):
    h = h2.shape[1]
    ho = w3r.shape[1]
    return pl.pallas_call(
        _pre3_body,
        grid=(GRID,),
        in_specs=[
            pl.BlockSpec((BN, h), lambda i: (i, 0)),
            pl.BlockSpec((h, ho), lambda i: (0, 0)),
            pl.BlockSpec((h, ho), lambda i: (0, 0)),
            pl.BlockSpec((1, ho), lambda i: (0, 0)),
        ],
        out_specs=[
            pl.BlockSpec((BN, ho), lambda i: (i, 0)),
            pl.BlockSpec((BN, ho), lambda i: (i, 0)),
        ],
        out_shape=[
            jax.ShapeDtypeStruct((N, ho), jnp.float32),
            jax.ShapeDtypeStruct((N, ho), jnp.float32),
        ],
    )(h2, w3r, w3t, b3)


def _pool_body(a0, a1, root, bt, ps_ref, cnt_ref):
    i = pl.program_id(0)
    h3 = jnp.maximum(a0[...] + a1[...] + root[...], 0.0)
    onehot = (bt[...] == lax.broadcasted_iota(jnp.int32, (BN, G), 1))
    onehot = onehot.astype(jnp.float32)

    @pl.when(i == 0)
    def _():
        ps_ref[...] = jnp.zeros_like(ps_ref)
        cnt_ref[...] = jnp.zeros_like(cnt_ref)

    ps_ref[...] += lax.dot_general(onehot, h3, (((0,), (0,)), ((), ())),
                                   preferred_element_type=jnp.float32)
    cnt_ref[...] += lax.dot_general(onehot, jnp.ones((BN, 1), jnp.float32),
                                    (((0,), (0,)), ((), ())),
                                    preferred_element_type=jnp.float32)


def _pool_call(a0, a1, root, bt2d):
    ho = root.shape[1]
    return pl.pallas_call(
        _pool_body,
        grid=(GRID,),
        in_specs=[
            pl.BlockSpec((BN, ho), lambda i: (i, 0)),
            pl.BlockSpec((BN, ho), lambda i: (i, 0)),
            pl.BlockSpec((BN, ho), lambda i: (i, 0)),
            pl.BlockSpec((BN, 1), lambda i: (i, 0)),
        ],
        out_specs=[
            pl.BlockSpec((G, ho), lambda i: (0, 0)),
            pl.BlockSpec((G, 1), lambda i: (0, 0)),
        ],
        out_shape=[
            jax.ShapeDtypeStruct((G, ho), jnp.float32),
            jax.ShapeDtypeStruct((G, 1), jnp.float32),
        ],
    )(a0, a1, root, bt2d)


def _mlp_body(ps, cnt, gf, w1a, w1b, fb1, w2, fb2, wo, bo, out_ref):
    pooled = ps[...] / jnp.maximum(cnt[...], 1.0)
    h = jnp.dot(pooled, w1a[...], preferred_element_type=jnp.float32)
    h = h + jnp.dot(gf[...], w1b[...], preferred_element_type=jnp.float32)
    h = jnp.maximum(h + fb1[...], 0.0)
    h = jnp.maximum(jnp.dot(h, w2[...], preferred_element_type=jnp.float32)
                    + fb2[...], 0.0)
    out_ref[...] = (jnp.dot(h, wo[...], preferred_element_type=jnp.float32)
                    + bo[...])


def _mlp_call(ps, cnt, gf, w1a, w1b, fb1, w2, fb2, wo, bo):
    return pl.pallas_call(
        _mlp_body,
        out_shape=jax.ShapeDtypeStruct((G, 1), jnp.float32),
    )(ps, cnt, gf, w1a, w1b, fb1, w2, fb2, wo, bo)


def _segsum(v, src_p, dst_p):
    c = v.shape[1]
    nk = c // 128
    o = _get_segsum(nk)(v.reshape(N * nk, 128), src_p, dst_p)
    o = o.reshape(nk, NC, NROWS, 128)
    parts0 = [o[k, 0, :N] for k in range(nk)]
    parts1 = [o[k, 1, :N] for k in range(nk)]
    if nk == 1:
        return parts0[0], parts1[0]
    return jnp.concatenate(parts0, axis=1), jnp.concatenate(parts1, axis=1)


def kernel(x, edge_index, batch, global_feat,
           W1_rel, W1_root, b1, W2_rel, W2_root, b2, W3_rel, W3_root, b3,
           bn1_g, bn1_b, bn2_g, bn2_b,
           fc1_W, fc1_b, fc2_W, fc2_b, out_W, out_b):
    src = edge_index[0]
    dst = edge_index[1]
    pad = E_PAD - E
    src_p = jnp.concatenate([src, jnp.zeros((pad,), jnp.int32)]).reshape(E_PAD // B, B)
    dst_p = jnp.concatenate([dst, jnp.full((pad,), JUNK, jnp.int32)]).reshape(E_PAD // B, B)

    row = lambda v: v.reshape(1, -1)

    p0, p1 = _segsum(x, src_p, dst_p)
    r1, s1, q1 = _conv_call(p0, p1, x, W1_rel, W1_root, row(b1))
    h1 = _bn_call(r1, s1, q1, row(bn1_g), row(bn1_b))

    p0, p1 = _segsum(h1, src_p, dst_p)
    r2, s2, q2 = _conv_call(p0, p1, h1, W2_rel, W2_root, row(b2))
    h2 = _bn_call(r2, s2, q2, row(bn2_g), row(bn2_b))

    p3, root3 = _pre3_call(h2, W3_rel, W3_root, row(b3))
    a0, a1 = _segsum(p3, src_p, dst_p)
    ps, cnt = _pool_call(a0, a1, root3, batch.reshape(N, 1))

    out = _mlp_call(ps, cnt, global_feat,
                    fc1_W[:256], fc1_W[256:], row(fc1_b),
                    fc2_W, row(fc2_b), out_W, row(out_b))
    return out[:, 0]

# --- scband reference (transcript-rebuilt; emitter-appended) ---
"""Pipeline reference for scband-taxi-time-gnn-6073083756679 (READ-ONLY COPY).

The authoritative reference and input builder live on the scoring server;
editing this copy changes nothing except your own understanding.
"""

import jax, jax.numpy as jnp
import numpy as np

N = 10000
E = 160000
NODE_IN = 128
H = 512
G = 64
GF = 3
MLP = 512
EPS = 1e-5


def setup_inputs(seed: int = 0) -> dict:
    key = jax.random.key(seed)
    ks = jax.random.split(key, 32)
    inp = {}
    inp['x'] = jax.random.normal(ks[0], (N, NODE_IN), dtype=jnp.float32)
    inp['edge_index'] = jax.random.randint(ks[1], (2, E), 0, N, dtype=jnp.int32)
    inp['batch'] = jnp.sort(jax.random.randint(ks[2], (N,), 0, G, dtype=jnp.int32))
    inp['global_feat'] = jax.random.normal(ks[3], (G, GF), dtype=jnp.float32)
    s = 0.05
    inp['W1_rel'] = jax.random.normal(ks[4], (NODE_IN, H), dtype=jnp.float32) * s
    inp['W1_root'] = jax.random.normal(ks[5], (NODE_IN, H), dtype=jnp.float32) * s
    inp['b1'] = jnp.zeros((H,), dtype=jnp.float32)
    inp['W2_rel'] = jax.random.normal(ks[6], (H, H), dtype=jnp.float32) * s
    inp['W2_root'] = jax.random.normal(ks[7], (H, H), dtype=jnp.float32) * s
    inp['b2'] = jnp.zeros((H,), dtype=jnp.float32)
    inp['W3_rel'] = jax.random.normal(ks[8], (H, H // 2), dtype=jnp.float32) * s
    inp['W3_root'] = jax.random.normal(ks[9], (H, H // 2), dtype=jnp.float32) * s
    inp['b3'] = jnp.zeros((H // 2,), dtype=jnp.float32)
    inp['bn1_g'] = jnp.ones((H,), dtype=jnp.float32)
    inp['bn1_b'] = jnp.zeros((H,), dtype=jnp.float32)
    inp['bn2_g'] = jnp.ones((H,), dtype=jnp.float32)
    inp['bn2_b'] = jnp.zeros((H,), dtype=jnp.float32)
    inp['fc1_W'] = jax.random.normal(ks[10], (H // 2 + GF, MLP), dtype=jnp.float32) * s
    inp['fc1_b'] = jnp.zeros((MLP,), dtype=jnp.float32)
    inp['fc2_W'] = jax.random.normal(ks[11], (MLP, MLP // 2), dtype=jnp.float32) * s
    inp['fc2_b'] = jnp.zeros((MLP // 2,), dtype=jnp.float32)
    inp['out_W'] = jax.random.normal(ks[12], (MLP // 2, 1), dtype=jnp.float32) * s
    inp['out_b'] = jnp.zeros((1,), dtype=jnp.float32)
    return inp


def _graph_conv(x, edge_index, W_rel, W_root, b):
    # PyG GraphConv: x_i' = W_root x_i + W_rel * sum_{j in N(i)} x_j + b
    src = edge_index[0]
    dst = edge_index[1]
    msgs = jnp.take(x, src, axis=0)
    agg = jax.ops.segment_sum(msgs, dst, num_segments=x.shape[0])
    return agg @ W_rel + x @ W_root + b


def _batch_norm(x, gamma, beta):
    mean = jnp.mean(x, axis=0)
    var = jnp.var(x, axis=0)
    return gamma * (x - mean) / jnp.sqrt(var + EPS) + beta


def _global_mean_pool(x, batch, num_graphs):
    sums = jax.ops.segment_sum(x, batch, num_segments=num_graphs)
    counts = jax.ops.segment_sum(jnp.ones((x.shape[0],), dtype=x.dtype), batch, num_segments=num_graphs)
    counts = jnp.maximum(counts, 1.0)
    return sums / counts[:, None]


def reference(x, edge_index, batch, global_feat,
              W1_rel, W1_root, b1, W2_rel, W2_root, b2, W3_rel, W3_root, b3,
              bn1_g, bn1_b, bn2_g, bn2_b,
              fc1_W, fc1_b, fc2_W, fc2_b, out_W, out_b):
    h = _graph_conv(x, edge_index, W1_rel, W1_root, b1)
    h = jax.nn.relu(h)
    h = _batch_norm(h, bn1_g, bn1_b)
    h = _graph_conv(h, edge_index, W2_rel, W2_root, b2)
    h = jax.nn.relu(h)
    h = _batch_norm(h, bn2_g, bn2_b)
    h = _graph_conv(h, edge_index, W3_rel, W3_root, b3)
    h = jax.nn.relu(h)
    pooled = _global_mean_pool(h, batch, G)
    hcat = jnp.concatenate([pooled, global_feat.astype(h.dtype)], axis=1)
    hcat = jax.nn.relu(hcat @ fc1_W + fc1_b)
    hcat = jax.nn.relu(hcat @ fc2_W + fc2_b)
    out = (hcat @ out_W + out_b)[:, 0]
    return out

if __name__ == "__main__":
    import jax
    _d = setup_inputs()
    print(jax.jit(kernel)(*tuple(_d.values())))

</pallas_src>

<mosaic_0001>
#map = affine_map<(d0, d1) -> (0, 0)>
module attributes {stable_mosaic.version = 14 : i64} {
  func.func @_segsum_body(%arg0: i32, %arg1: i32, %arg2: memref<10000x128xf32, #tpu.memory_space<hbm>>, %arg3: memref<1280x128xi32, #tpu.memory_space<hbm>>, %arg4: memref<1280x128xi32, #tpu.memory_space<hbm>>, %arg5: memref<20480x128xf32, #tpu.memory_space<hbm>>, %arg6: memref<10240x128xf32, #tpu.memory_space<vmem_shared>>, %arg7: memref<40x128xi32, #tpu.memory_space<vmem>>, %arg8: memref<40x128xi32, #tpu.memory_space<vmem>>, %arg9: memref<40x128xi32, #tpu.memory_space<vmem>>, %arg10: memref<64x128xf32, #tpu.memory_space<vmem>>, %arg11: memref<128x128xf32, #tpu.memory_space<vmem>>, %arg12: memref<128x128xf32, #tpu.memory_space<vmem>>, %arg13: memref<!tpu.dma_semaphore, #tpu.memory_space<semaphore_mem>>, %arg14: memref<!tpu.dma_semaphore, #tpu.memory_space<semaphore_mem>>) attributes {dimension_semantics = [#tpu.dimension_semantics<core_parallel>, #tpu.dimension_semantics<subcore_parallel>], iteration_bounds = array<i64: 2, 16>, scalar_prefetch = 0 : i64, scratch_operands = 9 : i64, tpu.core_type = #tpu.core_type<sc_vector_subcore>, window_params = [{transform_indices = #map}, {transform_indices = #map}, {transform_indices = #map}, {transform_indices = #map}]} {
    %mul3A = arith.constant 16 : i32
    %mul3A_0 = arith.muli %arg0, %mul3A : i32
    %add3A = arith.addi %mul3A_0, %arg1 : i32
    %scan3A = arith.constant 0 : i32
    %scan3A_1 = arith.constant 0 : i32
    %scan3A_2 = arith.constant 512 : i32
    %scan3A_3 = arith.addi %scan3A_1, %scan3A_2 : i32
    %scan3A_4 = arith.constant 1 : i32
    scf.for %scan3A_50 = %scan3A_1 to %scan3A_3 step %scan3A_4  : i32 {
      %broadcast_in_dim3A = arith.constant 0.000000e+00 : f32
      %broadcast_in_dim3A_51 = vector.broadcast %broadcast_in_dim3A : f32 to vector<16xf32>
      %jit3A = arith.constant 8 : i32
      %div3A = arith.divsi %scan3A_50, %jit3A : i32
      %sign3A = arith.constant 0 : i32
      %sign3A_52 = arith.cmpi sgt, %scan3A_50, %sign3A : i32
      %sign3A_53 = arith.extui %sign3A_52 : i1 to i32
      %sign3A_54 = arith.constant 0 : i32
      %sign3A_55 = arith.cmpi slt, %scan3A_50, %sign3A_54 : i32
      %sign3A_56 = arith.extui %sign3A_55 : i1 to i32
      %sign3A_57 = arith.subi %sign3A_53, %sign3A_56 : i32
      %sign3A_58 = arith.constant 0 : i32
      %sign3A_59 = arith.cmpi sgt, %jit3A, %sign3A_58 : i32
      %sign3A_60 = arith.extui %sign3A_59 : i1 to i32
      %sign3A_61 = arith.constant 0 : i32
      %sign3A_62 = arith.cmpi slt, %jit3A, %sign3A_61 : i32
      %sign3A_63 = arith.extui %sign3A_62 : i1 to i32
      %sign3A_64 = arith.subi %sign3A_60, %sign3A_63 : i32
      %ne3A = arith.cmpi ne, %sign3A_57, %sign3A_64 : i32
      %rem3A = arith.remsi %scan3A_50, %jit3A : i32
      %ne3A_65 = arith.constant 0 : i32
      %ne3A_66 = arith.cmpi ne, %rem3A, %ne3A_65 : i32
      %and3A = arith.andi %ne3A, %ne3A_66 : i1
      %sub3A = arith.constant 1 : i32
      %sub3A_67 = arith.subi %div3A, %sub3A : i32
      %select_n3A = arith.select %and3A, %sub3A_67, %div3A : i32
      %jit3A_68 = arith.constant 8 : i32
      %eq3A = arith.constant 0 : i32
      %eq3A_69 = arith.cmpi eq, %jit3A_68, %eq3A : i32
      %jit3A_70 = arith.constant 1 : i32
      %select_n3A_71 = arith.select %eq3A_69, %jit3A_70, %jit3A_68 : i32
      %rem3A_72 = arith.remsi %scan3A_50, %select_n3A_71 : i32
      %ne3A_73 = arith.constant 0 : i32
      %ne3A_74 = arith.cmpi ne, %rem3A_72, %ne3A_73 : i32
      %lt3A = arith.constant 0 : i32
      %lt3A_75 = arith.cmpi slt, %rem3A_72, %lt3A : i32
      %lt3A_76 = arith.constant 0 : i32
      %lt3A_77 = arith.cmpi slt, %select_n3A_71, %lt3A_76 : i32
      %ne3A_78 = arith.xori %lt3A_75, %lt3A_77 : i1
      %and3A_79 = arith.andi %ne3A_78, %ne3A_74 : i1
      %add3A_80 = arith.addi %rem3A_72, %select_n3A_71 : i32
      %select_n3A_81 = arith.select %and3A_79, %add3A_80, %rem3A_72 : i32
      %mul3A_82 = arith.constant 16 : i32
      %mul3A_83 = arith.muli %select_n3A_81, %mul3A_82 : i32
      %swap3A = arith.index_cast %select_n3A : i32 to index
      %swap3A_84 = arith.index_cast %mul3A_83 : i32 to index
      %swap3A_85 = tpu.vector_load %arg10[%swap3A, %swap3A_84] {strides = array<i32>} : memref<64x128xf32, #tpu.memory_space<vmem>>, vector<1x16xf32>,
      %swap3A_86 = vector.shape_cast %swap3A_85 : vector<1x16xf32> to vector<16xf32>
      %swap3A_87 = vector.shape_cast %broadcast_in_dim3A_51 : vector<16xf32> to vector<1x16xf32>
      tpu.vector_store %arg10[%swap3A, %swap3A_84], %swap3A_87 {strides = array<i32>} : memref<64x128xf32, #tpu.memory_space<vmem>>, vector<1x16xf32>,
    }
    %scan3A_5 = arith.constant 512 : i32
    %mul3A_6 = arith.constant 640 : i32
    %mul3A_7 = arith.muli %arg1, %mul3A_6 : i32
    %add3A_8 = arith.constant 0 : i32
    %add3A_9 = arith.addi %mul3A_7, %add3A_8 : i32
    "tpu.region"() ({
      %run_scoped3A = tpu.sem_alloc : memref<!tpu.dma_semaphore, #tpu.memory_space<semaphore_mem>>
      %dma_start3A = arith.constant 0 : i32
      %dma_start3A_50 = tpu.memref_slice %arg6[%add3A_9, %dma_start3A] : memref<10240x128xf32, #tpu.memory_space<vmem_shared>> -> memref<64x128xf32, #tpu.memory_space<vmem_shared>>
      %dma_start3A_51 = arith.constant 0 : i32
      %dma_start3A_52 = tpu.memref_slice %arg6[%add3A_9, %dma_start3A_51] : memref<10240x128xf32, #tpu.memory_space<vmem_shared>> -> memref<64x128xf32, #tpu.memory_space<vmem_shared>>
      tpu.enqueue_dma source(%arg10 : memref<64x128xf32, #tpu.memory_space<vmem>>) target(%dma_start3A_52 : memref<64x128xf32, #tpu.memory_space<vmem_shared>>) target_semaphore(%run_scoped3A : memref<!tpu.dma_semaphore, #tpu.memory_space<semaphore_mem>>)
      %dma_wait3A = arith.constant 0 : i32
      %dma_wait3A_53 = tpu.memref_slice %arg6[%add3A_9, %dma_wait3A] : memref<10240x128xf32, #tpu.memory_space<vmem_shared>> -> memref<64x128xf32, #tpu.memory_space<vmem_shared>>
      %dma_wait3A_54 = arith.constant 0 : i32
      %dma_wait3A_55 = tpu.memref_slice %arg6[%add3A_9, %dma_wait3A_54] : memref<10240x128xf32, #tpu.memory_space<vmem_shared>> -> memref<64x128xf32, #tpu.memory_space<vmem_shared>>
      tpu.wait_dma2 semaphore(%run_scoped3A : memref<!tpu.dma_semaphore, #tpu.memory_space<semaphore_mem>>) src(%arg10 : memref<64x128xf32, #tpu.memory_space<vmem>>) dst(%dma_wait3A_55 : memref<64x128xf32, #tpu.memory_space<vmem_shared>>)
      tpu.yield
    }) : () -> ()
    %add3A_10 = arith.constant 64 : i32
    %add3A_11 = arith.addi %mul3A_7, %add3A_10 : i32
    "tpu.region"() ({
      %run_scoped3A = tpu.sem_alloc : memref<!tpu.dma_semaphore, #tpu.memory_space<semaphore_mem>>
      %dma_start3A = arith.constant 0 : i32
      %dma_start3A_50 = tpu.memref_slice %arg6[%add3A_11, %dma_start3A] : memref<10240x128xf32, #tpu.memory_space<vmem_shared>> -> memref<64x128xf32, #tpu.memory_space<vmem_shared>>
      %dma_start3A_51 = arith.constant 0 : i32
      %dma_start3A_52 = tpu.memref_slice %arg6[%add3A_11, %dma_start3A_51] : memref<10240x128xf32, #tpu.memory_space<vmem_shared>> -> memref<64x128xf32, #tpu.memory_space<vmem_shared>>
      tpu.enqueue_dma source(%arg10 : memref<64x128xf32, #tpu.memory_space<vmem>>) target(%dma_start3A_52 : memref<64x128xf32, #tpu.memory_space<vmem_shared>>) target_semaphore(%run_scoped3A : memref<!tpu.dma_semaphore, #tpu.memory_space<semaphore_mem>>)
      %dma_wait3A = arith.constant 0 : i32
      %dma_wait3A_53 = tpu.memref_slice %arg6[%add3A_11, %dma_wait3A] : memref<10240x128xf32, #tpu.memory_space<vmem_shared>> -> memref<64x128xf32, #tpu.memory_space<vmem_shared>>
      %dma_wait3A_54 = arith.constant 0 : i32
      %dma_wait3A_55 = tpu.memref_slice %arg6[%add3A_11, %dma_wait3A_54] : memref<10240x128xf32, #tpu.memory_space<vmem_shared>> -> memref<64x128xf32, #tpu.memory_space<vmem_shared>>
      tpu.wait_dma2 semaphore(%run_scoped3A : memref<!tpu.dma_semaphore, #tpu.memory_space<semaphore_mem>>) src(%arg10 : memref<64x128xf32, #tpu.memory_space<vmem>>) dst(%dma_wait3A_55 : memref<64x128xf32, #tpu.memory_space<vmem_shared>>)
      tpu.yield
    }) : () -> ()
    %add3A_12 = arith.constant 128 : i32
    %add3A_13 = arith.addi %mul3A_7, %add3A_12 : i32
    "tpu.region"() ({
      %run_scoped3A = tpu.sem_alloc : memref<!tpu.dma_semaphore, #tpu.memory_space<semaphore_mem>>
      %dma_start3A = arith.constant 0 : i32
      %dma_start3A_50 = tpu.memref_slice %arg6[%add3A_13, %dma_start3A] : memref<10240x128xf32, #tpu.memory_space<vmem_shared>> -> memref<64x128xf32, #tpu.memory_space<vmem_shared>>
      %dma_start3A_51 = arith.constant 0 : i32
      %dma_start3A_52 = tpu.memref_slice %arg6[%add3A_13, %dma_start3A_51] : memref<10240x128xf32, #tpu.memory_space<vmem_shared>> -> memref<64x128xf32, #tpu.memory_space<vmem_shared>>
      tpu.enqueue_dma source(%arg10 : memref<64x128xf32, #tpu.memory_space<vmem>>) target(%dma_start3A_52 : memref<64x128xf32, #tpu.memory_space<vmem_shared>>) target_semaphore(%run_scoped3A : memref<!tpu.dma_semaphore, #tpu.memory_space<semaphore_mem>>)
      %dma_wait3A = arith.constant 0 : i32
      %dma_wait3A_53 = tpu.memref_slice %arg6[%add3A_13, %dma_wait3A] : memref<10240x128xf32, #tpu.memory_space<vmem_shared>> -> memref<64x128xf32, #tpu.memory_space<vmem_shared>>
      %dma_wait3A_54 = arith.constant 0 : i32
      %dma_wait3A_55 = tpu.memref_slice %arg6[%add3A_13, %dma_wait3A_54] : memref<10240x128xf32, #tpu.memory_space<vmem_shared>> -> memref<64x128xf32, #tpu.memory_space<vmem_shared>>
      tpu.wait_dma2 semaphore(%run_scoped3A : memref<!tpu.dma_semaphore, #tpu.memory_space<semaphore_mem>>) src(%arg10 : memref<64x128xf32, #tpu.memory_space<vmem>>) dst(%dma_wait3A_55 : memref<64x128xf32, #tpu.memory_space<vmem_shared>>)
      tpu.yield
    }) : () -> ()
    %add3A_14 = arith.constant 192 : i32
    %add3A_15 = arith.addi %mul3A_7, %add3A_14 : i32
    "tpu.region"() ({
      %run_scoped3A = tpu.sem_alloc : memref<!tpu.dma_semaphore, #tpu.memory_space<semaphore_mem>>
      %dma_start3A = arith.constant 0 : i32
      %dma_start3A_50 = tpu.memref_slice %arg6[%add3A_15, %dma_start3A] : memref<10240x128xf32, #tpu.memory_space<vmem_shared>> -> memref<64x128xf32, #tpu.memory_space<vmem_shared>>
      %dma_start3A_51 = arith.constant 0 : i32
      %dma_start3A_52 = tpu.memref_slice %arg6[%add3A_15, %dma_start3A_51] : memref<10240x128xf32, #tpu.memory_space<vmem_shared>> -> memref<64x128xf32, #tpu.memory_space<vmem_shared>>
      tpu.enqueue_dma source(%arg10 : memref<64x128xf32, #tpu.memory_space<vmem>>) target(%dma_start3A_52 : memref<64x128xf32, #tpu.memory_space<vmem_shared>>) target_semaphore(%run_scoped3A : memref<!tpu.dma_semaphore, #tpu.memory_space<semaphore_mem>>)
      %dma_wait3A = arith.constant 0 : i32
      %dma_wait3A_53 = tpu.memref_slice %arg6[%add3A_15, %dma_wait3A] : memref<10240x128xf32, #tpu.memory_space<vmem_shared>> -> memref<64x128xf32, #tpu.memory_space<vmem_shared>>
      %dma_wait3A_54 = arith.constant 0 : i32
      %dma_wait3A_55 = tpu.memref_slice %arg6[%add3A_15, %dma_wait3A_54] : memref<10240x128xf32, #tpu.memory_space<vmem_shared>> -> memref<64x128xf32, #tpu.memory_space<vmem_shared>>
      tpu.wait_dma2 semaphore(%run_scoped3A : memref<!tpu.dma_semaphore, #tpu.memory_space<semaphore_mem>>) src(%arg10 : memref<64x128xf32, #tpu.memory_space<vmem>>) dst(%dma_wait3A_55 : memref<64x128xf32, #tpu.memory_space<vmem_shared>>)
      tpu.yield
    }) : () -> ()
    %add3A_16 = arith.constant 256 : i32
    %add3A_17 = arith.addi %mul3A_7, %add3A_16 : i32
    "tpu.region"() ({
      %run_scoped3A = tpu.sem_alloc : memref<!tpu.dma_semaphore, #tpu.memory_space<semaphore_mem>>
      %dma_start3A = arith.constant 0 : i32
      %dma_start3A_50 = tpu.memref_slice %arg6[%add3A_17, %dma_start3A] : memref<10240x128xf32, #tpu.memory_space<vmem_shared>> -> memref<64x128xf32, #tpu.memory_space<vmem_shared>>
      %dma_start3A_51 = arith.constant 0 : i32
      %dma_start3A_52 = tpu.memref_slice %arg6[%add3A_17, %dma_start3A_51] : memref<10240x128xf32, #tpu.memory_space<vmem_shared>> -> memref<64x128xf32, #tpu.memory_space<vmem_shared>>
      tpu.enqueue_dma source(%arg10 : memref<64x128xf32, #tpu.memory_space<vmem>>) target(%dma_start3A_52 : memref<64x128xf32, #tpu.memory_space<vmem_shared>>) target_semaphore(%run_scoped3A : memref<!tpu.dma_semaphore, #tpu.memory_space<semaphore_mem>>)
      %dma_wait3A = arith.constant 0 : i32
      %dma_wait3A_53 = tpu.memref_slice %arg6[%add3A_17, %dma_wait3A] : memref<10240x128xf32, #tpu.memory_space<vmem_shared>> -> memref<64x128xf32, #tpu.memory_space<vmem_shared>>
      %dma_wait3A_54 = arith.constant 0 : i32
      %dma_wait3A_55 = tpu.memref_slice %arg6[%add3A_17, %dma_wait3A_54] : memref<10240x128xf32, #tpu.memory_space<vmem_shared>> -> memref<64x128xf32, #tpu.memory_space<vmem_shared>>
      tpu.wait_dma2 semaphore(%run_scoped3A : memref<!tpu.dma_semaphore, #tpu.memory_space<semaphore_mem>>) src(%arg10 : memref<64x128xf32, #tpu.memory_space<vmem>>) dst(%dma_wait3A_55 : memref<64x128xf32, #tpu.memory_space<vmem_shared>>)
      tpu.yield
    }) : () -> ()
    %add3A_18 = arith.constant 320 : i32
    %add3A_19 = arith.addi %mul3A_7, %add3A_18 : i32
    "tpu.region"() ({
      %run_scoped3A = tpu.sem_alloc : memref<!tpu.dma_semaphore, #tpu.memory_space<semaphore_mem>>
      %dma_start3A = arith.constant 0 : i32
      %dma_start3A_50 = tpu.memref_slice %arg6[%add3A_19, %dma_start3A] : memref<10240x128xf32, #tpu.memory_space<vmem_shared>> -> memref<64x128xf32, #tpu.memory_space<vmem_shared>>
      %dma_start3A_51 = arith.constant 0 : i32
      %dma_start3A_52 = tpu.memref_slice %arg6[%add3A_19, %dma_start3A_51] : memref<10240x128xf32, #tpu.memory_space<vmem_shared>> -> memref<64x128xf32, #tpu.memory_space<vmem_shared>>
      tpu.enqueue_dma source(%arg10 : memref<64x128xf32, #tpu.memory_space<vmem>>) target(%dma_start3A_52 : memref<64x128xf32, #tpu.memory_space<vmem_shared>>) target_semaphore(%run_scoped3A : memref<!tpu.dma_semaphore, #tpu.memory_space<semaphore_mem>>)
      %dma_wait3A = arith.constant 0 : i32
      %dma_wait3A_53 = tpu.memref_slice %arg6[%add3A_19, %dma_wait3A] : memref<10240x128xf32, #tpu.memory_space<vmem_shared>> -> memref<64x128xf32, #tpu.memory_space<vmem_shared>>
      %dma_wait3A_54 = arith.constant 0 : i32
      %dma_wait3A_55 = tpu.memref_slice %arg6[%add3A_19, %dma_wait3A_54] : memref<10240x128xf32, #tpu.memory_space<vmem_shared>> -> memref<64x128xf32, #tpu.memory_space<vmem_shared>>
      tpu.wait_dma2 semaphore(%run_scoped3A : memref<!tpu.dma_semaphore, #tpu.memory_space<semaphore_mem>>) src(%arg10 : memref<64x128xf32, #tpu.memory_space<vmem>>) dst(%dma_wait3A_55 : memref<64x128xf32, #tpu.memory_space<vmem_shared>>)
      tpu.yield
    }) : () -> ()
    %add3A_20 = arith.constant 384 : i32
    %add3A_21 = arith.addi %mul3A_7, %add3A_20 : i32
    "tpu.region"() ({
      %run_scoped3A = tpu.sem_alloc : memref<!tpu.dma_semaphore, #tpu.memory_space<semaphore_mem>>
      %dma_start3A = arith.constant 0 : i32
      %dma_start3A_50 = tpu.memref_slice %arg6[%add3A_21, %dma_start3A] : memref<10240x128xf32, #tpu.memory_space<vmem_shared>> -> memref<64x128xf32, #tpu.memory_space<vmem_shared>>
      %dma_start3A_51 = arith.constant 0 : i32
      %dma_start3A_52 = tpu.memref_slice %arg6[%add3A_21, %dma_start3A_51] : memref<10240x128xf32, #tpu.memory_space<vmem_shared>> -> memref<64x128xf32, #tpu.memory_space<vmem_shared>>
      tpu.enqueue_dma source(%arg10 : memref<64x128xf32, #tpu.memory_space<vmem>>) target(%dma_start3A_52 : memref<64x128xf32, #tpu.memory_space<vmem_shared>>) target_semaphore(%run_scoped3A : memref<!tpu.dma_semaphore, #tpu.memory_space<semaphore_mem>>)
      %dma_wait3A = arith.constant 0 : i32
      %dma_wait3A_53 = tpu.memref_slice %arg6[%add3A_21, %dma_wait3A] : memref<10240x128xf32, #tpu.memory_space<vmem_shared>> -> memref<64x128xf32, #tpu.memory_space<vmem_shared>>
      %dma_wait3A_54 = arith.constant 0 : i32
      %dma_wait3A_55 = tpu.memref_slice %arg6[%add3A_21, %dma_wait3A_54] : memref<10240x128xf32, #tpu.memory_space<vmem_shared>> -> memref<64x128xf32, #tpu.memory_space<vmem_shared>>
      tpu.wait_dma2 semaphore(%run_scoped3A : memref<!tpu.dma_semaphore, #tpu.memory_space<semaphore_mem>>) src(%arg10 : memref<64x128xf32, #tpu.memory_space<vmem>>) dst(%dma_wait3A_55 : memref<64x128xf32, #tpu.memory_space<vmem_shared>>)
      tpu.yield
    }) : () -> ()
    %add3A_22 = arith.constant 448 : i32
    %add3A_23 = arith.addi %mul3A_7, %add3A_22 : i32
    "tpu.region"() ({
      %run_scoped3A = tpu.sem_alloc : memref<!tpu.dma_semaphore, #tpu.memory_space<semaphore_mem>>
      %dma_start3A = arith.constant 0 : i32
      %dma_start3A_50 = tpu.memref_slice %arg6[%add3A_23, %dma_start3A] : memref<10240x128xf32, #tpu.memory_space<vmem_shared>> -> memref<64x128xf32, #tpu.memory_space<vmem_shared>>
      %dma_start3A_51 = arith.constant 0 : i32
      %dma_start3A_52 = tpu.memref_slice %arg6[%add3A_23, %dma_start3A_51] : memref<10240x128xf32, #tpu.memory_space<vmem_shared>> -> memref<64x128xf32, #tpu.memory_space<vmem_shared>>
      tpu.enqueue_dma source(%arg10 : memref<64x128xf32, #tpu.memory_space<vmem>>) target(%dma_start3A_52 : memref<64x128xf32, #tpu.memory_space<vmem_shared>>) target_semaphore(%run_scoped3A : memref<!tpu.dma_semaphore, #tpu.memory_space<semaphore_mem>>)
      %dma_wait3A = arith.constant 0 : i32
      %dma_wait3A_53 = tpu.memref_slice %arg6[%add3A_23, %dma_wait3A] : memref<10240x128xf32, #tpu.memory_space<vmem_shared>> -> memref<64x128xf32, #tpu.memory_space<vmem_shared>>
      %dma_wait3A_54 = arith.constant 0 : i32
      %dma_wait3A_55 = tpu.memref_slice %arg6[%add3A_23, %dma_wait3A_54] : memref<10240x128xf32, #tpu.memory_space<vmem_shared>> -> memref<64x128xf32, #tpu.memory_space<vmem_shared>>
      tpu.wait_dma2 semaphore(%run_scoped3A : memref<!tpu.dma_semaphore, #tpu.memory_space<semaphore_mem>>) src(%arg10 : memref<64x128xf32, #tpu.memory_space<vmem>>) dst(%dma_wait3A_55 : memref<64x128xf32, #tpu.memory_space<vmem_shared>>)
      tpu.yield
    }) : () -> ()
    %add3A_24 = arith.constant 512 : i32
    %add3A_25 = arith.addi %mul3A_7, %add3A_24 : i32
    "tpu.region"() ({
      %run_scoped3A = tpu.sem_alloc : memref<!tpu.dma_semaphore, #tpu.memory_space<semaphore_mem>>
      %dma_start3A = arith.constant 0 : i32
      %dma_start3A_50 = tpu.memref_slice %arg6[%add3A_25, %dma_start3A] : memref<10240x128xf32, #tpu.memory_space<vmem_shared>> -> memref<64x128xf32, #tpu.memory_space<vmem_shared>>
      %dma_start3A_51 = arith.constant 0 : i32
      %dma_start3A_52 = tpu.memref_slice %arg6[%add3A_25, %dma_start3A_51] : memref<10240x128xf32, #tpu.memory_space<vmem_shared>> -> memref<64x128xf32, #tpu.memory_space<vmem_shared>>
      tpu.enqueue_dma source(%arg10 : memref<64x128xf32, #tpu.memory_space<vmem>>) target(%dma_start3A_52 : memref<64x128xf32, #tpu.memory_space<vmem_shared>>) target_semaphore(%run_scoped3A : memref<!tpu.dma_semaphore, #tpu.memory_space<semaphore_mem>>)
      %dma_wait3A = arith.constant 0 : i32
      %dma_wait3A_53 = tpu.memref_slice %arg6[%add3A_25, %dma_wait3A] : memref<10240x128xf32, #tpu.memory_space<vmem_shared>> -> memref<64x128xf32, #tpu.memory_space<vmem_shared>>
      %dma_wait3A_54 = arith.constant 0 : i32
      %dma_wait3A_55 = tpu.memref_slice %arg6[%add3A_25, %dma_wait3A_54] : memref<10240x128xf32, #tpu.memory_space<vmem_shared>> -> memref<64x128xf32, #tpu.memory_space<vmem_shared>>
      tpu.wait_dma2 semaphore(%run_scoped3A : memref<!tpu.dma_semaphore, #tpu.memory_space<semaphore_mem>>) src(%arg10 : memref<64x128xf32, #tpu.memory_space<vmem>>) dst(%dma_wait3A_55 : memref<64x128xf32, #tpu.memory_space<vmem_shared>>)
      tpu.yield
    }) : () -> ()
    %add3A_26 = arith.constant 576 : i32
    %add3A_27 = arith.addi %mul3A_7, %add3A_26 : i32
    "tpu.region"() ({
      %run_scoped3A = tpu.sem_alloc : memref<!tpu.dma_semaphore, #tpu.memory_space<semaphore_mem>>
      %dma_start3A = arith.constant 0 : i32
      %dma_start3A_50 = tpu.memref_slice %arg6[%add3A_27, %dma_start3A] : memref<10240x128xf32, #tpu.memory_space<vmem_shared>> -> memref<64x128xf32, #tpu.memory_space<vmem_shared>>
      %dma_start3A_51 = arith.constant 0 : i32
      %dma_start3A_52 = tpu.memref_slice %arg6[%add3A_27, %dma_start3A_51] : memref<10240x128xf32, #tpu.memory_space<vmem_shared>> -> memref<64x128xf32, #tpu.memory_space<vmem_shared>>
      tpu.enqueue_dma source(%arg10 : memref<64x128xf32, #tpu.memory_space<vmem>>) target(%dma_start3A_52 : memref<64x128xf32, #tpu.memory_space<vmem_shared>>) target_semaphore(%run_scoped3A : memref<!tpu.dma_semaphore, #tpu.memory_space<semaphore_mem>>)
      %dma_wait3A = arith.constant 0 : i32
      %dma_wait3A_53 = tpu.memref_slice %arg6[%add3A_27, %dma_wait3A] : memref<10240x128xf32, #tpu.memory_space<vmem_shared>> -> memref<64x128xf32, #tpu.memory_space<vmem_shared>>
      %dma_wait3A_54 = arith.constant 0 : i32
      %dma_wait3A_55 = tpu.memref_slice %arg6[%add3A_27, %dma_wait3A_54] : memref<10240x128xf32, #tpu.memory_space<vmem_shared>> -> memref<64x128xf32, #tpu.memory_space<vmem_shared>>
      tpu.wait_dma2 semaphore(%run_scoped3A : memref<!tpu.dma_semaphore, #tpu.memory_space<semaphore_mem>>) src(%arg10 : memref<64x128xf32, #tpu.memory_space<vmem>>) dst(%dma_wait3A_55 : memref<64x128xf32, #tpu.memory_space<vmem_shared>>)
      tpu.yield
    }) : () -> ()
    %mul3A_28 = arith.constant 40 : i32
    %mul3A_29 = arith.muli %add3A, %mul3A_28 : i32
    "tpu.region"() ({
      %run_scoped3A = tpu.sem_alloc : memref<!tpu.dma_semaphore, #tpu.memory_space<semaphore_mem>>
      %dma_start3A = arith.constant 0 : i32
      %dma_start3A_50 = tpu.memref_slice %arg3[%mul3A_29, %dma_start3A] : memref<1280x128xi32, #tpu.memory_space<hbm>> -> memref<40x128xi32, #tpu.memory_space<hbm>>
      %dma_start3A_51 = arith.constant 0 : i32
      %dma_start3A_52 = tpu.memref_slice %arg3[%mul3A_29, %dma_start3A_51] : memref<1280x128xi32, #tpu.memory_space<hbm>> -> memref<40x128xi32, #tpu.memory_space<hbm>>
      tpu.enqueue_dma source(%dma_start3A_52 : memref<40x128xi32, #tpu.memory_space<hbm>>) target(%arg7 : memref<40x128xi32, #tpu.memory_space<vmem>>) target_semaphore(%run_scoped3A : memref<!tpu.dma_semaphore, #tpu.memory_space<semaphore_mem>>)
      %dma_wait3A = arith.constant 0 : i32
      %dma_wait3A_53 = tpu.memref_slice %arg3[%mul3A_29, %dma_wait3A] : memref<1280x128xi32, #tpu.memory_space<hbm>> -> memref<40x128xi32, #tpu.memory_space<hbm>>
      %dma_wait3A_54 = arith.constant 0 : i32
      %dma_wait3A_55 = tpu.memref_slice %arg3[%mul3A_29, %dma_wait3A_54] : memref<1280x128xi32, #tpu.memory_space<hbm>> -> memref<40x128xi32, #tpu.memory_space<hbm>>
      tpu.wait_dma2 semaphore(%run_scoped3A : memref<!tpu.dma_semaphore, #tpu.memory_space<semaphore_mem>>) src(%dma_wait3A_55 : memref<40x128xi32, #tpu.memory_space<hbm>>) dst(%arg7 : memref<40x128xi32, #tpu.memory_space<vmem>>)
      tpu.yield
    }) : () -> ()
    %mul3A_30 = arith.constant 40 : i32
    %mul3A_31 = arith.muli %add3A, %mul3A_30 : i32
    "tpu.region"() ({
      %run_scoped3A = tpu.sem_alloc : memref<!tpu.dma_semaphore, #tpu.memory_space<semaphore_mem>>
      %dma_start3A = arith.constant 0 : i32
      %dma_start3A_50 = tpu.memref_slice %arg4[%mul3A_31, %dma_start3A] : memref<1280x128xi32, #tpu.memory_space<hbm>> -> memref<40x128xi32, #tpu.memory_space<hbm>>
      %dma_start3A_51 = arith.constant 0 : i32
      %dma_start3A_52 = tpu.memref_slice %arg4[%mul3A_31, %dma_start3A_51] : memref<1280x128xi32, #tpu.memory_space<hbm>> -> memref<40x128xi32, #tpu.memory_space<hbm>>
      tpu.enqueue_dma source(%dma_start3A_52 : memref<40x128xi32, #tpu.memory_space<hbm>>) target(%arg9 : memref<40x128xi32, #tpu.memory_space<vmem>>) target_semaphore(%run_scoped3A : memref<!tpu.dma_semaphore, #tpu.memory_space<semaphore_mem>>)
      %dma_wait3A = arith.constant 0 : i32
      %dma_wait3A_53 = tpu.memref_slice %arg4[%mul3A_31, %dma_wait3A] : memref<1280x128xi32, #tpu.memory_space<hbm>> -> memref<40x128xi32, #tpu.memory_space<hbm>>
      %dma_wait3A_54 = arith.constant 0 : i32
      %dma_wait3A_55 = tpu.memref_slice %arg4[%mul3A_31, %dma_wait3A_54] : memref<1280x128xi32, #tpu.memory_space<hbm>> -> memref<40x128xi32, #tpu.memory_space<hbm>>
      tpu.wait_dma2 semaphore(%run_scoped3A : memref<!tpu.dma_semaphore, #tpu.memory_space<semaphore_mem>>) src(%dma_wait3A_55 : memref<40x128xi32, #tpu.memory_space<hbm>>) dst(%arg9 : memref<40x128xi32, #tpu.memory_space<vmem>>)
      tpu.yield
    }) : () -> ()
    %scan3A_32 = arith.constant 0 : i32
    %scan3A_33 = arith.constant 0 : i32
    %scan3A_34 = arith.constant 320 : i32
    %scan3A_35 = arith.addi %scan3A_33, %scan3A_34 : i32
    %scan3A_36 = arith.constant 1 : i32
    scf.for %scan3A_50 = %scan3A_33 to %scan3A_35 step %scan3A_36  : i32 {
      %jit3A = arith.constant 8 : i32
      %div3A = arith.divsi %scan3A_50, %jit3A : i32
      %sign3A = arith.constant 0 : i32
      %sign3A_51 = arith.cmpi sgt, %scan3A_50, %sign3A : i32
      %sign3A_52 = arith.extui %sign3A_51 : i1 to i32
      %sign3A_53 = arith.constant 0 : i32
      %sign3A_54 = arith.cmpi slt, %scan3A_50, %sign3A_53 : i32
      %sign3A_55 = arith.extui %sign3A_54 : i1 to i32
      %sign3A_56 = arith.subi %sign3A_52, %sign3A_55 : i32
      %sign3A_57 = arith.constant 0 : i32
      %sign3A_58 = arith.cmpi sgt, %jit3A, %sign3A_57 : i32
      %sign3A_59 = arith.extui %sign3A_58 : i1 to i32
      %sign3A_60 = arith.constant 0 : i32
      %sign3A_61 = arith.cmpi slt, %jit3A, %sign3A_60 : i32
      %sign3A_62 = arith.extui %sign3A_61 : i1 to i32
      %sign3A_63 = arith.subi %sign3A_59, %sign3A_62 : i32
      %ne3A = arith.cmpi ne, %sign3A_56, %sign3A_63 : i32
      %rem3A = arith.remsi %scan3A_50, %jit3A : i32
      %ne3A_64 = arith.constant 0 : i32
      %ne3A_65 = arith.cmpi ne, %rem3A, %ne3A_64 : i32
      %and3A = arith.andi %ne3A, %ne3A_65 : i1
      %sub3A = arith.constant 1 : i32
      %sub3A_66 = arith.subi %div3A, %sub3A : i32
      %select_n3A = arith.select %and3A, %sub3A_66, %div3A : i32
      %jit3A_67 = arith.constant 8 : i32
      %eq3A = arith.constant 0 : i32
      %eq3A_68 = arith.cmpi eq, %jit3A_67, %eq3A : i32
      %jit3A_69 = arith.constant 1 : i32
      %select_n3A_70 = arith.select %eq3A_68, %jit3A_69, %jit3A_67 : i32
      %rem3A_71 = arith.remsi %scan3A_50, %select_n3A_70 : i32
      %ne3A_72 = arith.constant 0 : i32
      %ne3A_73 = arith.cmpi ne, %rem3A_71, %ne3A_72 : i32
      %lt3A = arith.constant 0 : i32
      %lt3A_74 = arith.cmpi slt, %rem3A_71, %lt3A : i32
      %lt3A_75 = arith.constant 0 : i32
      %lt3A_76 = arith.cmpi slt, %select_n3A_70, %lt3A_75 : i32
      %ne3A_77 = arith.xori %lt3A_74, %lt3A_76 : i1
      %and3A_78 = arith.andi %ne3A_77, %ne3A_73 : i1
      %add3A_79 = arith.addi %rem3A_71, %select_n3A_70 : i32
      %select_n3A_80 = arith.select %and3A_78, %add3A_79, %rem3A_71 : i32
      %mul3A_81 = arith.constant 16 : i32
      %mul3A_82 = arith.muli %select_n3A_80, %mul3A_81 : i32
      %get3A = arith.index_cast %select_n3A : i32 to index
      %get3A_83 = arith.index_cast %mul3A_82 : i32 to index
      %get3A_84 = tpu.vector_load %arg7[%get3A, %get3A_83] {strides = array<i32>} : memref<40x128xi32, #tpu.memory_space<vmem>>, vector<1x16xi32>,
      %get3A_85 = vector.shape_cast %get3A_84 : vector<1x16xi32> to vector<16xi32>
      %mul3A_86 = arith.constant 1 : i32
      %mul3A_87 = vector.broadcast %mul3A_86 : i32 to vector<16xi32>
      %mul3A_88 = arith.muli %get3A_85, %mul3A_87 : vector<16xi32>
      %add3A_89 = arith.constant 0 : i32
      %add3A_90 = vector.broadcast %add3A_89 : i32 to vector<16xi32>
      %add3A_91 = arith.addi %mul3A_88, %add3A_90 : vector<16xi32>
      %jit3A_92 = arith.constant 8 : i32
      %div3A_93 = arith.divsi %scan3A_50, %jit3A_92 : i32
      %sign3A_94 = arith.constant 0 : i32
      %sign3A_95 = arith.cmpi sgt, %scan3A_50, %sign3A_94 : i32
      %sign3A_96 = arith.extui %sign3A_95 : i1 to i32
      %sign3A_97 = arith.constant 0 : i32
      %sign3A_98 = arith.cmpi slt, %scan3A_50, %sign3A_97 : i32
      %sign3A_99 = arith.extui %sign3A_98 : i1 to i32
      %sign3A_100 = arith.subi %sign3A_96, %sign3A_99 : i32
      %sign3A_101 = arith.constant 0 : i32
      %sign3A_102 = arith.cmpi sgt, %jit3A_92, %sign3A_101 : i32
      %sign3A_103 = arith.extui %sign3A_102 : i1 to i32
      %sign3A_104 = arith.constant 0 : i32
      %sign3A_105 = arith.cmpi slt, %jit3A_92, %sign3A_104 : i32
      %sign3A_106 = arith.extui %sign3A_105 : i1 to i32
      %sign3A_107 = arith.subi %sign3A_103, %sign3A_106 : i32
      %ne3A_108 = arith.cmpi ne, %sign3A_100, %sign3A_107 : i32
      %rem3A_109 = arith.remsi %scan3A_50, %jit3A_92 : i32
      %ne3A_110 = arith.constant 0 : i32
      %ne3A_111 = arith.cmpi ne, %rem3A_109, %ne3A_110 : i32
      %and3A_112 = arith.andi %ne3A_108, %ne3A_111 : i1
      %sub3A_113 = arith.constant 1 : i32
      %sub3A_114 = arith.subi %div3A_93, %sub3A_113 : i32
      %select_n3A_115 = arith.select %and3A_112, %sub3A_114, %div3A_93 : i32
      %jit3A_116 = arith.constant 8 : i32
      %eq3A_117 = arith.constant 0 : i32
      %eq3A_118 = arith.cmpi eq, %jit3A_116, %eq3A_117 : i32
      %jit3A_119 = arith.constant 1 : i32
      %select_n3A_120 = arith.select %eq3A_118, %jit3A_119, %jit3A_116 : i32
      %rem3A_121 = arith.remsi %scan3A_50, %select_n3A_120 : i32
      %ne3A_122 = arith.constant 0 : i32
      %ne3A_123 = arith.cmpi ne, %rem3A_121, %ne3A_122 : i32
      %lt3A_124 = arith.constant 0 : i32
      %lt3A_125 = arith.cmpi slt, %rem3A_121, %lt3A_124 : i32
      %lt3A_126 = arith.constant 0 : i32
      %lt3A_127 = arith.cmpi slt, %select_n3A_120, %lt3A_126 : i32
      %ne3A_128 = arith.xori %lt3A_125, %lt3A_127 : i1
      %and3A_129 = arith.andi %ne3A_128, %ne3A_123 : i1
      %add3A_130 = arith.addi %rem3A_121, %select_n3A_120 : i32
      %select_n3A_131 = arith.select %and3A_129, %add3A_130, %rem3A_121 : i32
      %mul3A_132 = arith.constant 16 : i32
      %mul3A_133 = arith.muli %select_n3A_131, %mul3A_132 : i32
      %swap3A = arith.index_cast %select_n3A_115 : i32 to index
      %swap3A_134 = arith.index_cast %mul3A_133 : i32 to index
      %swap3A_135 = tpu.vector_load %arg8[%swap3A, %swap3A_134] {strides = array<i32>} : memref<40x128xi32, #tpu.memory_space<vmem>>, vector<1x16xi32>,
      %swap3A_136 = vector.shape_cast %swap3A_135 : vector<1x16xi32> to vector<16xi32>
      %swap3A_137 = vector.shape_cast %add3A_91 : vector<16xi32> to vector<1x16xi32>
      tpu.vector_store %arg8[%swap3A, %swap3A_134], %swap3A_137 {strides = array<i32>} : memref<40x128xi32, #tpu.memory_space<vmem>>, vector<1x16xi32>,
    }
    %scan3A_37 = arith.constant 320 : i32
    %barrier3A = arith.constant 0 : index
    tpu.barrier barrier_id(%barrier3A)
    %scan3A_38 = arith.constant 0 : i32
    %scan3A_39 = arith.constant 0 : i32
    %scan3A_40 = arith.constant 40 : i32
    %scan3A_41 = arith.addi %scan3A_39, %scan3A_40 : i32
    %scan3A_42 = arith.constant 1 : i32
    scf.for %scan3A_50 = %scan3A_39 to %scan3A_41 step %scan3A_42  : i32 {
      %dma_start3A = arith.constant 0 : i32
      %dma_start3A_51 = tpu.memref_slice %arg8[%scan3A_50, %dma_start3A] : memref<40x128xi32, #tpu.memory_space<vmem>> -> memref<1x128xi32, #tpu.memory_space<vmem>>
      %dma_start3A_52 = tpu.memref_squeeze %dma_start3A_51 : memref<1x128xi32, #tpu.memory_space<vmem>> -> memref<128xi32, #tpu.memory_space<vmem>>
      %dma_start3A_53 = arith.constant 0 : i32
      %dma_start3A_54 = arith.constant 0 : i32
      %dma_start3A_55 = tpu.memref_slice %arg2[%dma_start3A_53, %dma_start3A_54] : memref<10000x128xf32, #tpu.memory_space<hbm>> -> memref<10000x128xf32, #tpu.memory_space<hbm>>
      tpu.enqueue_indirect_dma source(%dma_start3A_55 : memref<10000x128xf32, #tpu.memory_space<hbm>>) target(%arg11 : memref<128x128xf32, #tpu.memory_space<vmem>>) offsets(%dma_start3A_52 : memref<128xi32, #tpu.memory_space<vmem>>) semaphore(%arg13 : memref<!tpu.dma_semaphore, #tpu.memory_space<semaphore_mem>>)
      %dma_wait3A = arith.constant 0 : i32
      %dma_wait3A_56 = tpu.memref_slice %arg8[%scan3A_50, %dma_wait3A] : memref<40x128xi32, #tpu.memory_space<vmem>> -> memref<1x128xi32, #tpu.memory_space<vmem>>
      %dma_wait3A_57 = tpu.memref_squeeze %dma_wait3A_56 : memref<1x128xi32, #tpu.memory_space<vmem>> -> memref<128xi32, #tpu.memory_space<vmem>>
      %dma_wait3A_58 = arith.constant 0 : i32
      %dma_wait3A_59 = arith.constant 0 : i32
      %dma_wait3A_60 = tpu.memref_slice %arg2[%dma_wait3A_58, %dma_wait3A_59] : memref<10000x128xf32, #tpu.memory_space<hbm>> -> memref<10000x128xf32, #tpu.memory_space<hbm>>
      tpu.wait_indirect_dma semaphore(%arg13 : memref<!tpu.dma_semaphore, #tpu.memory_space<semaphore_mem>>) src(%dma_wait3A_60 : memref<10000x128xf32, #tpu.memory_space<hbm>>) dst(%arg11 : memref<128x128xf32, #tpu.memory_space<vmem>>)
      "tpu.region"() ({
        %run_scoped3A = tpu.sem_alloc : memref<!tpu.dma_semaphore, #tpu.memory_space<semaphore_mem>>
        %dma_start3A_61 = arith.constant 0 : i32
        %dma_start3A_62 = tpu.memref_slice %arg9[%scan3A_50, %dma_start3A_61] : memref<40x128xi32, #tpu.memory_space<vmem>> -> memref<1x128xi32, #tpu.memory_space<vmem>>
        %dma_start3A_63 = tpu.memref_squeeze %dma_start3A_62 : memref<1x128xi32, #tpu.memory_space<vmem>> -> memref<128xi32, #tpu.memory_space<vmem>>
        %dma_start3A_64 = arith.constant 0 : i32
        %dma_start3A_65 = arith.constant 0 : i32
        %dma_start3A_66 = tpu.memref_slice %arg6[%dma_start3A_64, %dma_start3A_65] : memref<10240x128xf32, #tpu.memory_space<vmem_shared>> -> memref<10240x128xf32, #tpu.memory_space<vmem_shared>>
        tpu.enqueue_indirect_dma source(%arg11 : memref<128x128xf32, #tpu.memory_space<vmem>>) target(%dma_start3A_66 : memref<10240x128xf32, #tpu.memory_space<vmem_shared>>) offsets(%dma_start3A_63 : memref<128xi32, #tpu.memory_space<vmem>>) semaphore(%run_scoped3A : memref<!tpu.dma_semaphore, #tpu.memory_space<semaphore_mem>>) {add = true}
        %dma_wait3A_67 = arith.constant 0 : i32
        %dma_wait3A_68 = tpu.memref_slice %arg9[%scan3A_50, %dma_wait3A_67] : memref<40x128xi32, #tpu.memory_space<vmem>> -> memref<1x128xi32, #tpu.memory_space<vmem>>
        %dma_wait3A_69 = tpu.memref_squeeze %dma_wait3A_68 : memref<1x128xi32, #tpu.memory_space<vmem>> -> memref<128xi32, #tpu.memory_space<vmem>>
        %dma_wait3A_70 = arith.constant 0 : i32
        %dma_wait3A_71 = arith.constant 0 : i32
        %dma_wait3A_72 = tpu.memref_slice %arg6[%dma_wait3A_70, %dma_wait3A_71] : memref<10240x128xf32, #tpu.memory_space<vmem_shared>> -> memref<10240x128xf32, #tpu.memory_space<vmem_shared>>
        tpu.wait_indirect_dma semaphore(%run_scoped3A : memref<!tpu.dma_semaphore, #tpu.memory_space<semaphore_mem>>) src(%arg11 : memref<128x128xf32, #tpu.memory_space<vmem>>) dst(%dma_wait3A_72 : memref<10240x128xf32, #tpu.memory_space<vmem_shared>>)
        tpu.yield
      }) : () -> ()
    }
    %scan3A_43 = arith.constant 40 : i32
    %barrier3A_44 = arith.constant 0 : index
    tpu.barrier barrier_id(%barrier3A_44)
    %add3A_45 = arith.constant 0 : i32
    %add3A_46 = arith.addi %add3A_45, %arg0 : i32
    %mul3A_47 = arith.constant 10240 : i32
    %mul3A_48 = arith.muli %add3A_46, %mul3A_47 : i32
    %add3A_49 = arith.addi %mul3A_48, %mul3A_7 : i32
    "tpu.region"() ({
      %run_scoped3A = tpu.sem_alloc : memref<!tpu.dma_semaphore, #tpu.memory_space<semaphore_mem>>
      %dma_start3A = arith.constant 0 : i32
      %dma_start3A_50 = tpu.memref_slice %arg5[%add3A_49, %dma_start3A] : memref<20480x128xf32, #tpu.memory_space<hbm>> -> memref<640x128xf32, #tpu.memory_space<hbm>>
      %dma_start3A_51 = arith.constant 0 : i32
      %dma_start3A_52 = tpu.memref_slice %arg6[%mul3A_7, %dma_start3A_51] : memref<10240x128xf32, #tpu.memory_space<vmem_shared>> -> memref<640x128xf32, #tpu.memory_space<vmem_shared>>
      tpu.enqueue_dma source(%dma_start3A_52 : memref<640x128xf32, #tpu.memory_space<vmem_shared>>) target(%dma_start3A_50 : memref<640x128xf32, #tpu.memory_space<hbm>>) target_semaphore(%run_scoped3A : memref<!tpu.dma_semaphore, #tpu.memory_space<semaphore_mem>>)
      %dma_wait3A = arith.constant 0 : i32
      %dma_wait3A_53 = tpu.memref_slice %arg5[%add3A_49, %dma_wait3A] : memref<20480x128xf32, #tpu.memory_space<hbm>> -> memref<640x128xf32, #tpu.memory_space<hbm>>
      %dma_wait3A_54 = arith.constant 0 : i32
      %dma_wait3A_55 = tpu.memref_slice %arg6[%mul3A_7, %dma_wait3A_54] : memref<10240x128xf32, #tpu.memory_space<vmem_shared>> -> memref<640x128xf32, #tpu.memory_space<vmem_shared>>
      tpu.wait_dma2 semaphore(%run_scoped3A : memref<!tpu.dma_semaphore, #tpu.memory_space<semaphore_mem>>) src(%dma_wait3A_55 : memref<640x128xf32, #tpu.memory_space<vmem_shared>>) dst(%dma_wait3A_53 : memref<640x128xf32, #tpu.memory_space<hbm>>)
      tpu.yield
    }) : () -> ()
    return
  }
}

#map = affine_map<(d0, d1) -> (0, 0)>
module attributes {stable_mosaic.version = 14 : i64} {
  func.func @_segsum_body(%arg0: i32, %arg1: i32, %arg2: memref<20000x128xf32, #tpu.memory_space<hbm>>, %arg3: memref<1280x128xi32, #tpu.memory_space<hbm>>, %arg4: memref<1280x128xi32, #tpu.memory_space<hbm>>, %arg5: memref<40960x128xf32, #tpu.memory_space<hbm>>, %arg6: memref<10240x128xf32, #tpu.memory_space<vmem_shared>>, %arg7: memref<40x128xi32, #tpu.memory_space<vmem>>, %arg8: memref<40x128xi32, #tpu.memory_space<vmem>>, %arg9: memref<40x128xi32, #tpu.memory_space<vmem>>, %arg10: memref<64x128xf32, #tpu.memory_space<vmem>>, %arg11: memref<128x128xf32, #tpu.memory_space<vmem>>, %arg12: memref<128x128xf32, #tpu.memory_space<vmem>>, %arg13: memref<!tpu.dma_semaphore, #tpu.memory_space<semaphore_mem>>, %arg14: memref<!tpu.dma_semaphore, #tpu.memory_space<semaphore_mem>>) attributes {dimension_semantics = [#tpu.dimension_semantics<core_parallel>, #tpu.dimension_semantics<subcore_parallel>], iteration_bounds = array<i64: 2, 16>, scalar_prefetch = 0 : i64, scratch_operands = 9 : i64, tpu.core_type = #tpu.core_type<sc_vector_subcore>, window_params = [{transform_indices = #map}, {transform_indices = #map}, {transform_indices = #map}, {transform_indices = #map}]} {
    %mul3A = arith.constant 16 : i32
    %mul3A_0 = arith.muli %arg0, %mul3A : i32
    %add3A = arith.addi %mul3A_0, %arg1 : i32
    %scan3A = arith.constant 0 : i32
    %scan3A_1 = arith.constant 0 : i32
    %scan3A_2 = arith.constant 512 : i32
    %scan3A_3 = arith.addi %scan3A_1, %scan3A_2 : i32
    %scan3A_4 = arith.constant 1 : i32
    scf.for %scan3A_89 = %scan3A_1 to %scan3A_3 step %scan3A_4  : i32 {
      %broadcast_in_dim3A = arith.constant 0.000000e+00 : f32
      %broadcast_in_dim3A_90 = vector.broadcast %broadcast_in_dim3A : f32 to vector<16xf32>
      %jit3A = arith.constant 8 : i32
      %div3A = arith.divsi %scan3A_89, %jit3A : i32
      %sign3A = arith.constant 0 : i32
      %sign3A_91 = arith.cmpi sgt, %scan3A_89, %sign3A : i32
      %sign3A_92 = arith.extui %sign3A_91 : i1 to i32
      %sign3A_93 = arith.constant 0 : i32
      %sign3A_94 = arith.cmpi slt, %scan3A_89, %sign3A_93 : i32
      %sign3A_95 = arith.extui %sign3A_94 : i1 to i32
      %sign3A_96 = arith.subi %sign3A_92, %sign3A_95 : i32
      %sign3A_97 = arith.constant 0 : i32
      %sign3A_98 = arith.cmpi sgt, %jit3A, %sign3A_97 : i32
      %sign3A_99 = arith.extui %sign3A_98 : i1 to i32
      %sign3A_100 = arith.constant 0 : i32
      %sign3A_101 = arith.cmpi slt, %jit3A, %sign3A_100 : i32
      %sign3A_102 = arith.extui %sign3A_101 : i1 to i32
      %sign3A_103 = arith.subi %sign3A_99, %sign3A_102 : i32
      %ne3A = arith.cmpi ne, %sign3A_96, %sign3A_103 : i32
      %rem3A = arith.remsi %scan3A_89, %jit3A : i32
      %ne3A_104 = arith.constant 0 : i32
      %ne3A_105 = arith.cmpi ne, %rem3A, %ne3A_104 : i32
      %and3A = arith.andi %ne3A, %ne3A_105 : i1
      %sub3A = arith.constant 1 : i32
      %sub3A_106 = arith.subi %div3A, %sub3A : i32
      %select_n3A = arith.select %and3A, %sub3A_106, %div3A : i32
      %jit3A_107 = arith.constant 8 : i32
      %eq3A = arith.constant 0 : i32
      %eq3A_108 = arith.cmpi eq, %jit3A_107, %eq3A : i32
      %jit3A_109 = arith.constant 1 : i32
      %select_n3A_110 = arith.select %eq3A_108, %jit3A_109, %jit3A_107 : i32
      %rem3A_111 = arith.remsi %scan3A_89, %select_n3A_110 : i32
      %ne3A_112 = arith.constant 0 : i32
      %ne3A_113 = arith.cmpi ne, %rem3A_111, %ne3A_112 : i32
      %lt3A = arith.constant 0 : i32
      %lt3A_114 = arith.cmpi slt, %rem3A_111, %lt3A : i32
      %lt3A_115 = arith.constant 0 : i32
      %lt3A_116 = arith.cmpi slt, %select_n3A_110, %lt3A_115 : i32
      %ne3A_117 = arith.xori %lt3A_114, %lt3A_116 : i1
      %and3A_118 = arith.andi %ne3A_117, %ne3A_113 : i1
      %add3A_119 = arith.addi %rem3A_111, %select_n3A_110 : i32
      %select_n3A_120 = arith.select %and3A_118, %add3A_119, %rem3A_111 : i32
      %mul3A_121 = arith.constant 16 : i32
      %mul3A_122 = arith.muli %select_n3A_120, %mul3A_121 : i32
      %swap3A = arith.index_cast %select_n3A : i32 to index
      %swap3A_123 = arith.index_cast %mul3A_122 : i32 to index
      %swap3A_124 = tpu.vector_load %arg10[%swap3A, %swap3A_123] {strides = array<i32>} : memref<64x128xf32, #tpu.memory_space<vmem>>, vector<1x16xf32>,
      %swap3A_125 = vector.shape_cast %swap3A_124 : vector<1x16xf32> to vector<16xf32>
      %swap3A_126 = vector.shape_cast %broadcast_in_dim3A_90 : vector<16xf32> to vector<1x16xf32>
      tpu.vector_store %arg10[%swap3A, %swap3A_123], %swap3A_126 {strides = array<i32>} : memref<64x128xf32, #tpu.memory_space<vmem>>, vector<1x16xf32>,
    }
    %scan3A_5 = arith.constant 512 : i32
    %mul3A_6 = arith.constant 640 : i32
    %mul3A_7 = arith.muli %arg1, %mul3A_6 : i32
    %add3A_8 = arith.constant 0 : i32
    %add3A_9 = arith.addi %mul3A_7, %add3A_8 : i32
    "tpu.region"() ({
      %run_scoped3A = tpu.sem_alloc : memref<!tpu.dma_semaphore, #tpu.memory_space<semaphore_mem>>
      %dma_start3A = arith.constant 0 : i32
      %dma_start3A_89 = tpu.memref_slice %arg6[%add3A_9, %dma_start3A] : memref<10240x128xf32, #tpu.memory_space<vmem_shared>> -> memref<64x128xf32, #tpu.memory_space<vmem_shared>>
      %dma_start3A_90 = arith.constant 0 : i32
      %dma_start3A_91 = tpu.memref_slice %arg6[%add3A_9, %dma_start3A_90] : memref<10240x128xf32, #tpu.memory_space<vmem_shared>> -> memref<64x128xf32, #tpu.memory_space<vmem_shared>>
      tpu.enqueue_dma source(%arg10 : memref<64x128xf32, #tpu.memory_space<vmem>>) target(%dma_start3A_91 : memref<64x128xf32, #tpu.memory_space<vmem_shared>>) target_semaphore(%run_scoped3A : memref<!tpu.dma_semaphore, #tpu.memory_space<semaphore_mem>>)
      %dma_wait3A = arith.constant 0 : i32
      %dma_wait3A_92 = tpu.memref_slice %arg6[%add3A_9, %dma_wait3A] : memref<10240x128xf32, #tpu.memory_space<vmem_shared>> -> memref<64x128xf32, #tpu.memory_space<vmem_shared>>
      %dma_wait3A_93 = arith.constant 0 : i32
      %dma_wait3A_94 = tpu.memref_slice %arg6[%add3A_9, %dma_wait3A_93] : memref<10240x128xf32, #tpu.memory_space<vmem_shared>> -> memref<64x128xf32, #tpu.memory_space<vmem_shared>>
      tpu.wait_dma2 semaphore(%run_scoped3A : memref<!tpu.dma_semaphore, #tpu.memory_space<semaphore_mem>>) src(%arg10 : memref<64x128xf32, #tpu.memory_space<vmem>>) dst(%dma_wait3A_94 : memref<64x128xf32, #tpu.memory_space<vmem_shared>>)
      tpu.yield
    }) : () -> ()
    %add3A_10 = arith.constant 64 : i32
    %add3A_11 = arith.addi %mul3A_7, %add3A_10 : i32
    "tpu.region"() ({
      %run_scoped3A = tpu.sem_alloc : memref<!tpu.dma_semaphore, #tpu.memory_space<semaphore_mem>>
      %dma_start3A = arith.constant 0 : i32
      %dma_start3A_89 = tpu.memref_slice %arg6[%add3A_11, %dma_start3A] : memref<10240x128xf32, #tpu.memory_space<vmem_shared>> -> memref<64x128xf32, #tpu.memory_space<vmem_shared>>
      %dma_start3A_90 = arith.constant 0 : i32
      %dma_start3A_91 = tpu.memref_slice %arg6[%add3A_11, %dma_start3A_90] : memref<10240x128xf32, #tpu.memory_space<vmem_shared>> -> memref<64x128xf32, #tpu.memory_space<vmem_shared>>
      tpu.enqueue_dma source(%arg10 : memref<64x128xf32, #tpu.memory_space<vmem>>) target(%dma_start3A_91 : memref<64x128xf32, #tpu.memory_space<vmem_shared>>) target_semaphore(%run_scoped3A : memref<!tpu.dma_semaphore, #tpu.memory_space<semaphore_mem>>)
      %dma_wait3A = arith.constant 0 : i32
      %dma_wait3A_92 = tpu.memref_slice %arg6[%add3A_11, %dma_wait3A] : memref<10240x128xf32, #tpu.memory_space<vmem_shared>> -> memref<64x128xf32, #tpu.memory_space<vmem_shared>>
      %dma_wait3A_93 = arith.constant 0 : i32
      %dma_wait3A_94 = tpu.memref_slice %arg6[%add3A_11, %dma_wait3A_93] : memref<10240x128xf32, #tpu.memory_space<vmem_shared>> -> memref<64x128xf32, #tpu.memory_space<vmem_shared>>
      tpu.wait_dma2 semaphore(%run_scoped3A : memref<!tpu.dma_semaphore, #tpu.memory_space<semaphore_mem>>) src(%arg10 : memref<64x128xf32, #tpu.memory_space<vmem>>) dst(%dma_wait3A_94 : memref<64x128xf32, #tpu.memory_space<vmem_shared>>)
      tpu.yield
    }) : () -> ()
    %add3A_12 = arith.constant 128 : i32
    %add3A_13 = arith.addi %mul3A_7, %add3A_12 : i32
    "tpu.region"() ({
      %run_scoped3A = tpu.sem_alloc : memref<!tpu.dma_semaphore, #tpu.memory_space<semaphore_mem>>
      %dma_start3A = arith.constant 0 : i32
      %dma_start3A_89 = tpu.memref_slice %arg6[%add3A_13, %dma_start3A] : memref<10240x128xf32, #tpu.memory_space<vmem_shared>> -> memref<64x128xf32, #tpu.memory_space<vmem_shared>>
      %dma_start3A_90 = arith.constant 0 : i32
      %dma_start3A_91 = tpu.memref_slice %arg6[%add3A_13, %dma_start3A_90] : memref<10240x128xf32, #tpu.memory_space<vmem_shared>> -> memref<64x128xf32, #tpu.memory_space<vmem_shared>>
      tpu.enqueue_dma source(%arg10 : memref<64x128xf32, #tpu.memory_space<vmem>>) target(%dma_start3A_91 : memref<64x128xf32, #tpu.memory_space<vmem_shared>>) target_semaphore(%run_scoped3A : memref<!tpu.dma_semaphore, #tpu.memory_space<semaphore_mem>>)
      %dma_wait3A = arith.constant 0 : i32
      %dma_wait3A_92 = tpu.memref_slice %arg6[%add3A_13, %dma_wait3A] : memref<10240x128xf32, #tpu.memory_space<vmem_shared>> -> memref<64x128xf32, #tpu.memory_space<vmem_shared>>
      %dma_wait3A_93 = arith.constant 0 : i32
      %dma_wait3A_94 = tpu.memref_slice %arg6[%add3A_13, %dma_wait3A_93] : memref<10240x128xf32, #tpu.memory_space<vmem_shared>> -> memref<64x128xf32, #tpu.memory_space<vmem_shared>>
      tpu.wait_dma2 semaphore(%run_scoped3A : memref<!tpu.dma_semaphore, #tpu.memory_space<semaphore_mem>>) src(%arg10 : memref<64x128xf32, #tpu.memory_space<vmem>>) dst(%dma_wait3A_94 : memref<64x128xf32, #tpu.memory_space<vmem_shared>>)
      tpu.yield
    }) : () -> ()
    %add3A_14 = arith.constant 192 : i32
    %add3A_15 = arith.addi %mul3A_7, %add3A_14 : i32
    "tpu.region"() ({
      %run_scoped3A = tpu.sem_alloc : memref<!tpu.dma_semaphore, #tpu.memory_space<semaphore_mem>>
      %dma_start3A = arith.constant 0 : i32
      %dma_start3A_89 = tpu.memref_slice %arg6[%add3A_15, %dma_start3A] : memref<10240x128xf32, #tpu.memory_space<vmem_shared>> -> memref<64x128xf32, #tpu.memory_space<vmem_shared>>
      %dma_start3A_90 = arith.constant 0 : i32
      %dma_start3A_91 = tpu.memref_slice %arg6[%add3A_15, %dma_start3A_90] : memref<10240x128xf32, #tpu.memory_space<vmem_shared>> -> memref<64x128xf32, #tpu.memory_space<vmem_shared>>
      tpu.enqueue_dma source(%arg10 : memref<64x128xf32, #tpu.memory_space<vmem>>) target(%dma_start3A_91 : memref<64x128xf32, #tpu.memory_space<vmem_shared>>) target_semaphore(%run_scoped3A : memref<!tpu.dma_semaphore, #tpu.memory_space<semaphore_mem>>)
      %dma_wait3A = arith.constant 0 : i32
      %dma_wait3A_92 = tpu.memref_slice %arg6[%add3A_15, %dma_wait3A] : memref<10240x128xf32, #tpu.memory_space<vmem_shared>> -> memref<64x128xf32, #tpu.memory_space<vmem_shared>>
      %dma_wait3A_93 = arith.constant 0 : i32
      %dma_wait3A_94 = tpu.memref_slice %arg6[%add3A_15, %dma_wait3A_93] : memref<10240x128xf32, #tpu.memory_space<vmem_shared>> -> memref<64x128xf32, #tpu.memory_space<vmem_shared>>
      tpu.wait_dma2 semaphore(%run_scoped3A : memref<!tpu.dma_semaphore, #tpu.memory_space<semaphore_mem>>) src(%arg10 : memref<64x128xf32, #tpu.memory_space<vmem>>) dst(%dma_wait3A_94 : memref<64x128xf32, #tpu.memory_space<vmem_shared>>)
      tpu.yield
    }) : () -> ()
    %add3A_16 = arith.constant 256 : i32
    %add3A_17 = arith.addi %mul3A_7, %add3A_16 : i32
    "tpu.region"() ({
      %run_scoped3A = tpu.sem_alloc : memref<!tpu.dma_semaphore, #tpu.memory_space<semaphore_mem>>
      %dma_start3A = arith.constant 0 : i32
      %dma_start3A_89 = tpu.memref_slice %arg6[%add3A_17, %dma_start3A] : memref<10240x128xf32, #tpu.memory_space<vmem_shared>> -> memref<64x128xf32, #tpu.memory_space<vmem_shared>>
      %dma_start3A_90 = arith.constant 0 : i32
      %dma_start3A_91 = tpu.memref_slice %arg6[%add3A_17, %dma_start3A_90] : memref<10240x128xf32, #tpu.memory_space<vmem_shared>> -> memref<64x128xf32, #tpu.memory_space<vmem_shared>>
      tpu.enqueue_dma source(%arg10 : memref<64x128xf32, #tpu.memory_space<vmem>>) target(%dma_start3A_91 : memref<64x128xf32, #tpu.memory_space<vmem_shared>>) target_semaphore(%run_scoped3A : memref<!tpu.dma_semaphore, #tpu.memory_space<semaphore_mem>>)
      %dma_wait3A = arith.constant 0 : i32
      %dma_wait3A_92 = tpu.memref_slice %arg6[%add3A_17, %dma_wait3A] : memref<10240x128xf32, #tpu.memory_space<vmem_shared>> -> memref<64x128xf32, #tpu.memory_space<vmem_shared>>
      %dma_wait3A_93 = arith.constant 0 : i32
      %dma_wait3A_94 = tpu.memref_slice %arg6[%add3A_17, %dma_wait3A_93] : memref<10240x128xf32, #tpu.memory_space<vmem_shared>> -> memref<64x128xf32, #tpu.memory_space<vmem_shared>>
      tpu.wait_dma2 semaphore(%run_scoped3A : memref<!tpu.dma_semaphore, #tpu.memory_space<semaphore_mem>>) src(%arg10 : memref<64x128xf32, #tpu.memory_space<vmem>>) dst(%dma_wait3A_94 : memref<64x128xf32, #tpu.memory_space<vmem_shared>>)
      tpu.yield
    }) : () -> ()
    %add3A_18 = arith.constant 320 : i32
    %add3A_19 = arith.addi %mul3A_7, %add3A_18 : i32
    "tpu.region"() ({
      %run_scoped3A = tpu.sem_alloc : memref<!tpu.dma_semaphore, #tpu.memory_space<semaphore_mem>>
      %dma_start3A = arith.constant 0 : i32
      %dma_start3A_89 = tpu.memref_slice %arg6[%add3A_19, %dma_start3A] : memref<10240x128xf32, #tpu.memory_space<vmem_shared>> -> memref<64x128xf32, #tpu.memory_space<vmem_shared>>
      %dma_start3A_90 = arith.constant 0 : i32
      %dma_start3A_91 = tpu.memref_slice %arg6[%add3A_19, %dma_start3A_90] : memref<10240x128xf32, #tpu.memory_space<vmem_shared>> -> memref<64x128xf32, #tpu.memory_space<vmem_shared>>
      tpu.enqueue_dma source(%arg10 : memref<64x128xf32, #tpu.memory_space<vmem>>) target(%dma_start3A_91 : memref<64x128xf32, #tpu.memory_space<vmem_shared>>) target_semaphore(%run_scoped3A : memref<!tpu.dma_semaphore, #tpu.memory_space<semaphore_mem>>)
      %dma_wait3A = arith.constant 0 : i32
      %dma_wait3A_92 = tpu.memref_slice %arg6[%add3A_19, %dma_wait3A] : memref<10240x128xf32, #tpu.memory_space<vmem_shared>> -> memref<64x128xf32, #tpu.memory_space<vmem_shared>>
      %dma_wait3A_93 = arith.constant 0 : i32
      %dma_wait3A_94 = tpu.memref_slice %arg6[%add3A_19, %dma_wait3A_93] : memref<10240x128xf32, #tpu.memory_space<vmem_shared>> -> memref<64x128xf32, #tpu.memory_space<vmem_shared>>
      tpu.wait_dma2 semaphore(%run_scoped3A : memref<!tpu.dma_semaphore, #tpu.memory_space<semaphore_mem>>) src(%arg10 : memref<64x128xf32, #tpu.memory_space<vmem>>) dst(%dma_wait3A_94 : memref<64x128xf32, #tpu.memory_space<vmem_shared>>)
      tpu.yield
    }) : () -> ()
    %add3A_20 = arith.constant 384 : i32
    %add3A_21 = arith.addi %mul3A_7, %add3A_20 : i32
    "tpu.region"() ({
      %run_scoped3A = tpu.sem_alloc : memref<!tpu.dma_semaphore, #tpu.memory_space<semaphore_mem>>
      %dma_start3A = arith.constant 0 : i32
      %dma_start3A_89 = tpu.memref_slice %arg6[%add3A_21, %dma_start3A] : memref<10240x128xf32, #tpu.memory_space<vmem_shared>> -> memref<64x128xf32, #tpu.memory_space<vmem_shared>>
      %dma_start3A_90 = arith.constant 0 : i32
      %dma_start3A_91 = tpu.memref_slice %arg6[%add3A_21, %dma_start3A_90] : memref<10240x128xf32, #tpu.memory_space<vmem_shared>> -> memref<64x128xf32, #tpu.memory_space<vmem_shared>>
      tpu.enqueue_dma source(%arg10 : memref<64x128xf32, #tpu.memory_space<vmem>>) target(%dma_start3A_91 : memref<64x128xf32, #tpu.memory_space<vmem_shared>>) target_semaphore(%run_scoped3A : memref<!tpu.dma_semaphore, #tpu.memory_space<semaphore_mem>>)
      %dma_wait3A = arith.constant 0 : i32
      %dma_wait3A_92 = tpu.memref_slice %arg6[%add3A_21, %dma_wait3A] : memref<10240x128xf32, #tpu.memory_space<vmem_shared>> -> memref<64x128xf32, #tpu.memory_space<vmem_shared>>
      %dma_wait3A_93 = arith.constant 0 : i32
      %dma_wait3A_94 = tpu.memref_slice %arg6[%add3A_21, %dma_wait3A_93] : memref<10240x128xf32, #tpu.memory_space<vmem_shared>> -> memref<64x128xf32, #tpu.memory_space<vmem_shared>>
      tpu.wait_dma2 semaphore(%run_scoped3A : memref<!tpu.dma_semaphore, #tpu.memory_space<semaphore_mem>>) src(%arg10 : memref<64x128xf32, #tpu.memory_space<vmem>>) dst(%dma_wait3A_94 : memref<64x128xf32, #tpu.memory_space<vmem_shared>>)
      tpu.yield
    }) : () -> ()
    %add3A_22 = arith.constant 448 : i32
    %add3A_23 = arith.addi %mul3A_7, %add3A_22 : i32
    "tpu.region"() ({
      %run_scoped3A = tpu.sem_alloc : memref<!tpu.dma_semaphore, #tpu.memory_space<semaphore_mem>>
      %dma_start3A = arith.constant 0 : i32
      %dma_start3A_89 = tpu.memref_slice %arg6[%add3A_23, %dma_start3A] : memref<10240x128xf32, #tpu.memory_space<vmem_shared>> -> memref<64x128xf32, #tpu.memory_space<vmem_shared>>
      %dma_start3A_90 = arith.constant 0 : i32
      %dma_start3A_91 = tpu.memref_slice %arg6[%add3A_23, %dma_start3A_90] : memref<10240x128xf32, #tpu.memory_space<vmem_shared>> -> memref<64x128xf32, #tpu.memory_space<vmem_shared>>
      tpu.enqueue_dma source(%arg10 : memref<64x128xf32, #tpu.memory_space<vmem>>) target(%dma_start3A_91 : memref<64x128xf32, #tpu.memory_space<vmem_shared>>) target_semaphore(%run_scoped3A : memref<!tpu.dma_semaphore, #tpu.memory_space<semaphore_mem>>)
      %dma_wait3A = arith.constant 0 : i32
      %dma_wait3A_92 = tpu.memref_slice %arg6[%add3A_23, %dma_wait3A] : memref<10240x128xf32, #tpu.memory_space<vmem_shared>> -> memref<64x128xf32, #tpu.memory_space<vmem_shared>>
      %dma_wait3A_93 = arith.constant 0 : i32
      %dma_wait3A_94 = tpu.memref_slice %arg6[%add3A_23, %dma_wait3A_93] : memref<10240x128xf32, #tpu.memory_space<vmem_shared>> -> memref<64x128xf32, #tpu.memory_space<vmem_shared>>
      tpu.wait_dma2 semaphore(%run_scoped3A : memref<!tpu.dma_semaphore, #tpu.memory_space<semaphore_mem>>) src(%arg10 : memref<64x128xf32, #tpu.memory_space<vmem>>) dst(%dma_wait3A_94 : memref<64x128xf32, #tpu.memory_space<vmem_shared>>)
      tpu.yield
    }) : () -> ()
    %add3A_24 = arith.constant 512 : i32
    %add3A_25 = arith.addi %mul3A_7, %add3A_24 : i32
    "tpu.region"() ({
      %run_scoped3A = tpu.sem_alloc : memref<!tpu.dma_semaphore, #tpu.memory_space<semaphore_mem>>
      %dma_start3A = arith.constant 0 : i32
      %dma_start3A_89 = tpu.memref_slice %arg6[%add3A_25, %dma_start3A] : memref<10240x128xf32, #tpu.memory_space<vmem_shared>> -> memref<64x128xf32, #tpu.memory_space<vmem_shared>>
      %dma_start3A_90 = arith.constant 0 : i32
      %dma_start3A_91 = tpu.memref_slice %arg6[%add3A_25, %dma_start3A_90] : memref<10240x128xf32, #tpu.memory_space<vmem_shared>> -> memref<64x128xf32, #tpu.memory_space<vmem_shared>>
      tpu.enqueue_dma source(%arg10 : memref<64x128xf32, #tpu.memory_space<vmem>>) target(%dma_start3A_91 : memref<64x128xf32, #tpu.memory_space<vmem_shared>>) target_semaphore(%run_scoped3A : memref<!tpu.dma_semaphore, #tpu.memory_space<semaphore_mem>>)
      %dma_wait3A = arith.constant 0 : i32
      %dma_wait3A_92 = tpu.memref_slice %arg6[%add3A_25, %dma_wait3A] : memref<10240x128xf32, #tpu.memory_space<vmem_shared>> -> memref<64x128xf32, #tpu.memory_space<vmem_shared>>
      %dma_wait3A_93 = arith.constant 0 : i32
      %dma_wait3A_94 = tpu.memref_slice %arg6[%add3A_25, %dma_wait3A_93] : memref<10240x128xf32, #tpu.memory_space<vmem_shared>> -> memref<64x128xf32, #tpu.memory_space<vmem_shared>>
      tpu.wait_dma2 semaphore(%run_scoped3A : memref<!tpu.dma_semaphore, #tpu.memory_space<semaphore_mem>>) src(%arg10 : memref<64x128xf32, #tpu.memory_space<vmem>>) dst(%dma_wait3A_94 : memref<64x128xf32, #tpu.memory_space<vmem_shared>>)
      tpu.yield
    }) : () -> ()
    %add3A_26 = arith.constant 576 : i32
    %add3A_27 = arith.addi %mul3A_7, %add3A_26 : i32
    "tpu.region"() ({
      %run_scoped3A = tpu.sem_alloc : memref<!tpu.dma_semaphore, #tpu.memory_space<semaphore_mem>>
      %dma_start3A = arith.constant 0 : i32
      %dma_start3A_89 = tpu.memref_slice %arg6[%add3A_27, %dma_start3A] : memref<10240x128xf32, #tpu.memory_space<vmem_shared>> -> memref<64x128xf32, #tpu.memory_space<vmem_shared>>
      %dma_start3A_90 = arith.constant 0 : i32
      %dma_start3A_91 = tpu.memref_slice %arg6[%add3A_27, %dma_start3A_90] : memref<10240x128xf32, #tpu.memory_space<vmem_shared>> -> memref<64x128xf32, #tpu.memory_space<vmem_shared>>
      tpu.enqueue_dma source(%arg10 : memref<64x128xf32, #tpu.memory_space<vmem>>) target(%dma_start3A_91 : memref<64x128xf32, #tpu.memory_space<vmem_shared>>) target_semaphore(%run_scoped3A : memref<!tpu.dma_semaphore, #tpu.memory_space<semaphore_mem>>)
      %dma_wait3A = arith.constant 0 : i32
      %dma_wait3A_92 = tpu.memref_slice %arg6[%add3A_27, %dma_wait3A] : memref<10240x128xf32, #tpu.memory_space<vmem_shared>> -> memref<64x128xf32, #tpu.memory_space<vmem_shared>>
      %dma_wait3A_93 = arith.constant 0 : i32
      %dma_wait3A_94 = tpu.memref_slice %arg6[%add3A_27, %dma_wait3A_93] : memref<10240x128xf32, #tpu.memory_space<vmem_shared>> -> memref<64x128xf32, #tpu.memory_space<vmem_shared>>
      tpu.wait_dma2 semaphore(%run_scoped3A : memref<!tpu.dma_semaphore, #tpu.memory_space<semaphore_mem>>) src(%arg10 : memref<64x128xf32, #tpu.memory_space<vmem>>) dst(%dma_wait3A_94 : memref<64x128xf32, #tpu.memory_space<vmem_shared>>)
      tpu.yield
    }) : () -> ()
    %mul3A_28 = arith.constant 40 : i32
    %mul3A_29 = arith.muli %add3A, %mul3A_28 : i32
    "tpu.region"() ({
      %run_scoped3A = tpu.sem_alloc : memref<!tpu.dma_semaphore, #tpu.memory_space<semaphore_mem>>
      %dma_start3A = arith.constant 0 : i32
      %dma_start3A_89 = tpu.memref_slice %arg3[%mul3A_29, %dma_start3A] : memref<1280x128xi32, #tpu.memory_space<hbm>> -> memref<40x128xi32, #tpu.memory_space<hbm>>
      %dma_start3A_90 = arith.constant 0 : i32
      %dma_start3A_91 = tpu.memref_slice %arg3[%mul3A_29, %dma_start3A_90] : memref<1280x128xi32, #tpu.memory_space<hbm>> -> memref<40x128xi32, #tpu.memory_space<hbm>>
      tpu.enqueue_dma source(%dma_start3A_91 : memref<40x128xi32, #tpu.memory_space<hbm>>) target(%arg7 : memref<40x128xi32, #tpu.memory_space<vmem>>) target_semaphore(%run_scoped3A : memref<!tpu.dma_semaphore, #tpu.memory_space<semaphore_mem>>)
      %dma_wait3A = arith.constant 0 : i32
      %dma_wait3A_92 = tpu.memref_slice %arg3[%mul3A_29, %dma_wait3A] : memref<1280x128xi32, #tpu.memory_space<hbm>> -> memref<40x128xi32, #tpu.memory_space<hbm>>
      %dma_wait3A_93 = arith.constant 0 : i32
      %dma_wait3A_94 = tpu.memref_slice %arg3[%mul3A_29, %dma_wait3A_93] : memref<1280x128xi32, #tpu.memory_space<hbm>> -> memref<40x128xi32, #tpu.memory_space<hbm>>
      tpu.wait_dma2 semaphore(%run_scoped3A : memref<!tpu.dma_semaphore, #tpu.memory_space<semaphore_mem>>) src(%dma_wait3A_94 : memref<40x128xi32, #tpu.memory_space<hbm>>) dst(%arg7 : memref<40x128xi32, #tpu.memory_space<vmem>>)
      tpu.yield
    }) : () -> ()
    %mul3A_30 = arith.constant 40 : i32
    %mul3A_31 = arith.muli %add3A, %mul3A_30 : i32
    "tpu.region"() ({
      %run_scoped3A = tpu.sem_alloc : memref<!tpu.dma_semaphore, #tpu.memory_space<semaphore_mem>>
      %dma_start3A = arith.constant 0 : i32
      %dma_start3A_89 = tpu.memref_slice %arg4[%mul3A_31, %dma_start3A] : memref<1280x128xi32, #tpu.memory_space<hbm>> -> memref<40x128xi32, #tpu.memory_space<hbm>>
      %dma_start3A_90 = arith.constant 0 : i32
      %dma_start3A_91 = tpu.memref_slice %arg4[%mul3A_31, %dma_start3A_90] : memref<1280x128xi32, #tpu.memory_space<hbm>> -> memref<40x128xi32, #tpu.memory_space<hbm>>
      tpu.enqueue_dma source(%dma_start3A_91 : memref<40x128xi32, #tpu.memory_space<hbm>>) target(%arg9 : memref<40x128xi32, #tpu.memory_space<vmem>>) target_semaphore(%run_scoped3A : memref<!tpu.dma_semaphore, #tpu.memory_space<semaphore_mem>>)
      %dma_wait3A = arith.constant 0 : i32
      %dma_wait3A_92 = tpu.memref_slice %arg4[%mul3A_31, %dma_wait3A] : memref<1280x128xi32, #tpu.memory_space<hbm>> -> memref<40x128xi32, #tpu.memory_space<hbm>>
      %dma_wait3A_93 = arith.constant 0 : i32
      %dma_wait3A_94 = tpu.memref_slice %arg4[%mul3A_31, %dma_wait3A_93] : memref<1280x128xi32, #tpu.memory_space<hbm>> -> memref<40x128xi32, #tpu.memory_space<hbm>>
      tpu.wait_dma2 semaphore(%run_scoped3A : memref<!tpu.dma_semaphore, #tpu.memory_space<semaphore_mem>>) src(%dma_wait3A_94 : memref<40x128xi32, #tpu.memory_space<hbm>>) dst(%arg9 : memref<40x128xi32, #tpu.memory_space<vmem>>)
      tpu.yield
    }) : () -> ()
    %scan3A_32 = arith.constant 0 : i32
    %scan3A_33 = arith.constant 0 : i32
    %scan3A_34 = arith.constant 320 : i32
    %scan3A_35 = arith.addi %scan3A_33, %scan3A_34 : i32
    %scan3A_36 = arith.constant 1 : i32
    scf.for %scan3A_89 = %scan3A_33 to %scan3A_35 step %scan3A_36  : i32 {
      %jit3A = arith.constant 8 : i32
      %div3A = arith.divsi %scan3A_89, %jit3A : i32
      %sign3A = arith.constant 0 : i32
      %sign3A_90 = arith.cmpi sgt, %scan3A_89, %sign3A : i32
      %sign3A_91 = arith.extui %sign3A_90 : i1 to i32
      %sign3A_92 = arith.constant 0 : i32
      %sign3A_93 = arith.cmpi slt, %scan3A_89, %sign3A_92 : i32
      %sign3A_94 = arith.extui %sign3A_93 : i1 to i32
      %sign3A_95 = arith.subi %sign3A_91, %sign3A_94 : i32
      %sign3A_96 = arith.constant 0 : i32
      %sign3A_97 = arith.cmpi sgt, %jit3A, %sign3A_96 : i32
      %sign3A_98 = arith.extui %sign3A_97 : i1 to i32
      %sign3A_99 = arith.constant 0 : i32
      %sign3A_100 = arith.cmpi slt, %jit3A, %sign3A_99 : i32
      %sign3A_101 = arith.extui %sign3A_100 : i1 to i32
      %sign3A_102 = arith.subi %sign3A_98, %sign3A_101 : i32
      %ne3A = arith.cmpi ne, %sign3A_95, %sign3A_102 : i32
      %rem3A = arith.remsi %scan3A_89, %jit3A : i32
      %ne3A_103 = arith.constant 0 : i32
      %ne3A_104 = arith.cmpi ne, %rem3A, %ne3A_103 : i32
      %and3A = arith.andi %ne3A, %ne3A_104 : i1
      %sub3A = arith.constant 1 : i32
      %sub3A_105 = arith.subi %div3A, %sub3A : i32
      %select_n3A = arith.select %and3A, %sub3A_105, %div3A : i32
      %jit3A_106 = arith.constant 8 : i32
      %eq3A = arith.constant 0 : i32
      %eq3A_107 = arith.cmpi eq, %jit3A_106, %eq3A : i32
      %jit3A_108 = arith.constant 1 : i32
      %select_n3A_109 = arith.select %eq3A_107, %jit3A_108, %jit3A_106 : i32
      %rem3A_110 = arith.remsi %scan3A_89, %select_n3A_109 : i32
      %ne3A_111 = arith.constant 0 : i32
      %ne3A_112 = arith.cmpi ne, %rem3A_110, %ne3A_111 : i32
      %lt3A = arith.constant 0 : i32
      %lt3A_113 = arith.cmpi slt, %rem3A_110, %lt3A : i32
      %lt3A_114 = arith.constant 0 : i32
      %lt3A_115 = arith.cmpi slt, %select_n3A_109, %lt3A_114 : i32
      %ne3A_116 = arith.xori %lt3A_113, %lt3A_115 : i1
      %and3A_117 = arith.andi %ne3A_116, %ne3A_112 : i1
      %add3A_118 = arith.addi %rem3A_110, %select_n3A_109 : i32
      %select_n3A_119 = arith.select %and3A_117, %add3A_118, %rem3A_110 : i32
      %mul3A_120 = arith.constant 16 : i32
      %mul3A_121 = arith.muli %select_n3A_119, %mul3A_120 : i32
      %get3A = arith.index_cast %select_n3A : i32 to index
      %get3A_122 = arith.index_cast %mul3A_121 : i32 to index
      %get3A_123 = tpu.vector_load %arg7[%get3A, %get3A_122] {strides = array<i32>} : memref<40x128xi32, #tpu.memory_space<vmem>>, vector<1x16xi32>,
      %get3A_124 = vector.shape_cast %get3A_123 : vector<1x16xi32> to vector<16xi32>
      %mul3A_125 = arith.constant 2 : i32
      %mul3A_126 = vector.broadcast %mul3A_125 : i32 to vector<16xi32>
      %mul3A_127 = arith.muli %get3A_124, %mul3A_126 : vector<16xi32>
      %add3A_128 = arith.constant 0 : i32
      %add3A_129 = vector.broadcast %add3A_128 : i32 to vector<16xi32>
      %add3A_130 = arith.addi %mul3A_127, %add3A_129 : vector<16xi32>
      %jit3A_131 = arith.constant 8 : i32
      %div3A_132 = arith.divsi %scan3A_89, %jit3A_131 : i32
      %sign3A_133 = arith.constant 0 : i32
      %sign3A_134 = arith.cmpi sgt, %scan3A_89, %sign3A_133 : i32
      %sign3A_135 = arith.extui %sign3A_134 : i1 to i32
      %sign3A_136 = arith.constant 0 : i32
      %sign3A_137 = arith.cmpi slt, %scan3A_89, %sign3A_136 : i32
      %sign3A_138 = arith.extui %sign3A_137 : i1 to i32
      %sign3A_139 = arith.subi %sign3A_135, %sign3A_138 : i32
      %sign3A_140 = arith.constant 0 : i32
      %sign3A_141 = arith.cmpi sgt, %jit3A_131, %sign3A_140 : i32
      %sign3A_142 = arith.extui %sign3A_141 : i1 to i32
      %sign3A_143 = arith.constant 0 : i32
      %sign3A_144 = arith.cmpi slt, %jit3A_131, %sign3A_143 : i32
      %sign3A_145 = arith.extui %sign3A_144 : i1 to i32
      %sign3A_146 = arith.subi %sign3A_142, %sign3A_145 : i32
      %ne3A_147 = arith.cmpi ne, %sign3A_139, %sign3A_146 : i32
      %rem3A_148 = arith.remsi %scan3A_89, %jit3A_131 : i32
      %ne3A_149 = arith.constant 0 : i32
      %ne3A_150 = arith.cmpi ne, %rem3A_148, %ne3A_149 : i32
      %and3A_151 = arith.andi %ne3A_147, %ne3A_150 : i1
      %sub3A_152 = arith.constant 1 : i32
      %sub3A_153 = arith.subi %div3A_132, %sub3A_152 : i32
      %select_n3A_154 = arith.select %and3A_151, %sub3A_153, %div3A_132 : i32
      %jit3A_155 = arith.constant 8 : i32
      %eq3A_156 = arith.constant 0 : i32
      %eq3A_157 = arith.cmpi eq, %jit3A_155, %eq3A_156 : i32
      %jit3A_158 = arith.constant 1 : i32
      %select_n3A_159 = arith.select %eq3A_157, %jit3A_158, %jit3A_155 : i32
      %rem3A_160 = arith.remsi %scan3A_89, %select_n3A_159 : i32
      %ne3A_161 = arith.constant 0 : i32
      %ne3A_162 = arith.cmpi ne, %rem3A_160, %ne3A_161 : i32
      %lt3A_163 = arith.constant 0 : i32
      %lt3A_164 = arith.cmpi slt, %rem3A_160, %lt3A_163 : i32
      %lt3A_165 = arith.constant 0 : i32
      %lt3A_166 = arith.cmpi slt, %select_n3A_159, %lt3A_165 : i32
      %ne3A_167 = arith.xori %lt3A_164, %lt3A_166 : i1
      %and3A_168 = arith.andi %ne3A_167, %ne3A_162 : i1
      %add3A_169 = arith.addi %rem3A_160, %select_n3A_159 : i32
      %select_n3A_170 = arith.select %and3A_168, %add3A_169, %rem3A_160 : i32
      %mul3A_171 = arith.constant 16 : i32
      %mul3A_172 = arith.muli %select_n3A_170, %mul3A_171 : i32
      %swap3A = arith.index_cast %select_n3A_154 : i32 to index
      %swap3A_173 = arith.index_cast %mul3A_172 : i32 to index
      %swap3A_174 = tpu.vector_load %arg8[%swap3A, %swap3A_173] {strides = array<i32>} : memref<40x128xi32, #tpu.memory_space<vmem>>, vector<1x16xi32>,
      %swap3A_175 = vector.shape_cast %swap3A_174 : vector<1x16xi32> to vector<16xi32>
      %swap3A_176 = vector.shape_cast %add3A_130 : vector<16xi32> to vector<1x16xi32>
      tpu.vector_store %arg8[%swap3A, %swap3A_173], %swap3A_176 {strides = array<i32>} : memref<40x128xi32, #tpu.memory_space<vmem>>, vector<1x16xi32>,
    }
    %scan3A_37 = arith.constant 320 : i32
    %barrier3A = arith.constant 0 : index
    tpu.barrier barrier_id(%barrier3A)
    %scan3A_38 = arith.constant 0 : i32
    %scan3A_39 = arith.constant 0 : i32
    %scan3A_40 = arith.constant 40 : i32
    %scan3A_41 = arith.addi %scan3A_39, %scan3A_40 : i32
    %scan3A_42 = arith.constant 1 : i32
    scf.for %scan3A_89 = %scan3A_39 to %scan3A_41 step %scan3A_42  : i32 {
      %dma_start3A = arith.constant 0 : i32
      %dma_start3A_90 = tpu.memref_slice %arg8[%scan3A_89, %dma_start3A] : memref<40x128xi32, #tpu.memory_space<vmem>> -> memref<1x128xi32, #tpu.memory_space<vmem>>
      %dma_start3A_91 = tpu.memref_squeeze %dma_start3A_90 : memref<1x128xi32, #tpu.memory_space<vmem>> -> memref<128xi32, #tpu.memory_space<vmem>>
      %dma_start3A_92 = arith.constant 0 : i32
      %dma_start3A_93 = arith.constant 0 : i32
      %dma_start3A_94 = tpu.memref_slice %arg2[%dma_start3A_92, %dma_start3A_93] : memref<20000x128xf32, #tpu.memory_space<hbm>> -> memref<20000x128xf32, #tpu.memory_space<hbm>>
      tpu.enqueue_indirect_dma source(%dma_start3A_94 : memref<20000x128xf32, #tpu.memory_space<hbm>>) target(%arg11 : memref<128x128xf32, #tpu.memory_space<vmem>>) offsets(%dma_start3A_91 : memref<128xi32, #tpu.memory_space<vmem>>) semaphore(%arg13 : memref<!tpu.dma_semaphore, #tpu.memory_space<semaphore_mem>>)
      %dma_wait3A = arith.constant 0 : i32
      %dma_wait3A_95 = tpu.memref_slice %arg8[%scan3A_89, %dma_wait3A] : memref<40x128xi32, #tpu.memory_space<vmem>> -> memref<1x128xi32, #tpu.memory_space<vmem>>
      %dma_wait3A_96 = tpu.memref_squeeze %dma_wait3A_95 : memref<1x128xi32, #tpu.memory_space<vmem>> -> memref<128xi32, #tpu.memory_space<vmem>>
      %dma_wait3A_97 = arith.constant 0 : i32
      %dma_wait3A_98 = arith.constant 0 : i32
      %dma_wait3A_99 = tpu.memref_slice %arg2[%dma_wait3A_97, %dma_wait3A_98] : memref<20000x128xf32, #tpu.memory_space<hbm>> -> memref<20000x128xf32, #tpu.memory_space<hbm>>
      tpu.wait_indirect_dma semaphore(%arg13 : memref<!tpu.dma_semaphore, #tpu.memory_space<semaphore_mem>>) src(%dma_wait3A_99 : memref<20000x128xf32, #tpu.memory_space<hbm>>) dst(%arg11 : memref<128x128xf32, #tpu.memory_space<vmem>>)
      "tpu.region"() ({
        %run_scoped3A = tpu.sem_alloc : memref<!tpu.dma_semaphore, #tpu.memory_space<semaphore_mem>>
        %dma_start3A_100 = arith.constant 0 : i32
        %dma_start3A_101 = tpu.memref_slice %arg9[%scan3A_89, %dma_start3A_100] : memref<40x128xi32, #tpu.memory_space<vmem>> -> memref<1x128xi32, #tpu.memory_space<vmem>>
        %dma_start3A_102 = tpu.memref_squeeze %dma_start3A_101 : memref<1x128xi32, #tpu.memory_space<vmem>> -> memref<128xi32, #tpu.memory_space<vmem>>
        %dma_start3A_103 = arith.constant 0 : i32
        %dma_start3A_104 = arith.constant 0 : i32
        %dma_start3A_105 = tpu.memref_slice %arg6[%dma_start3A_103, %dma_start3A_104] : memref<10240x128xf32, #tpu.memory_space<vmem_shared>> -> memref<10240x128xf32, #tpu.memory_space<vmem_shared>>
        tpu.enqueue_indirect_dma source(%arg11 : memref<128x128xf32, #tpu.memory_space<vmem>>) target(%dma_start3A_105 : memref<10240x128xf32, #tpu.memory_space<vmem_shared>>) offsets(%dma_start3A_102 : memref<128xi32, #tpu.memory_space<vmem>>) semaphore(%run_scoped3A : memref<!tpu.dma_semaphore, #tpu.memory_space<semaphore_mem>>) {add = true}
        %dma_wait3A_106 = arith.constant 0 : i32
        %dma_wait3A_107 = tpu.memref_slice %arg9[%scan3A_89, %dma_wait3A_106] : memref<40x128xi32, #tpu.memory_space<vmem>> -> memref<1x128xi32, #tpu.memory_space<vmem>>
        %dma_wait3A_108 = tpu.memref_squeeze %dma_wait3A_107 : memref<1x128xi32, #tpu.memory_space<vmem>> -> memref<128xi32, #tpu.memory_space<vmem>>
        %dma_wait3A_109 = arith.constant 0 : i32
        %dma_wait3A_110 = arith.constant 0 : i32
        %dma_wait3A_111 = tpu.memref_slice %arg6[%dma_wait3A_109, %dma_wait3A_110] : memref<10240x128xf32, #tpu.memory_space<vmem_shared>> -> memref<10240x128xf32, #tpu.memory_space<vmem_shared>>
        tpu.wait_indirect_dma semaphore(%run_scoped3A : memref<!tpu.dma_semaphore, #tpu.memory_space<semaphore_mem>>) src(%arg11 : memref<128x128xf32, #tpu.memory_space<vmem>>) dst(%dma_wait3A_111 : memref<10240x128xf32, #tpu.memory_space<vmem_shared>>)
        tpu.yield
      }) : () -> ()
    }
    %scan3A_43 = arith.constant 40 : i32
    %barrier3A_44 = arith.constant 0 : index
    tpu.barrier barrier_id(%barrier3A_44)
    %add3A_45 = arith.constant 0 : i32
    %add3A_46 = arith.addi %add3A_45, %arg0 : i32
    %mul3A_47 = arith.constant 10240 : i32
    %mul3A_48 = arith.muli %add3A_46, %mul3A_47 : i32
    %add3A_49 = arith.addi %mul3A_48, %mul3A_7 : i32
    "tpu.region"() ({
      %run_scoped3A = tpu.sem_alloc : memref<!tpu.dma_semaphore, #tpu.memory_space<semaphore_mem>>
      %dma_start3A = arith.constant 0 : i32
      %dma_start3A_89 = tpu.memref_slice %arg5[%add3A_49, %dma_start3A] : memref<40960x128xf32, #tpu.memory_space<hbm>> -> memref<640x128xf32, #tpu.memory_space<hbm>>
      %dma_start3A_90 = arith.constant 0 : i32
      %dma_start3A_91 = tpu.memref_slice %arg6[%mul3A_7, %dma_start3A_90] : memref<10240x128xf32, #tpu.memory_space<vmem_shared>> -> memref<640x128xf32, #tpu.memory_space<vmem_shared>>
      tpu.enqueue_dma source(%dma_start3A_91 : memref<640x128xf32, #tpu.memory_space<vmem_shared>>) target(%dma_start3A_89 : memref<640x128xf32, #tpu.memory_space<hbm>>) target_semaphore(%run_scoped3A : memref<!tpu.dma_semaphore, #tpu.memory_space<semaphore_mem>>)
      %dma_wait3A = arith.constant 0 : i32
      %dma_wait3A_92 = tpu.memref_slice %arg5[%add3A_49, %dma_wait3A] : memref<40960x128xf32, #tpu.memory_space<hbm>> -> memref<640x128xf32, #tpu.memory_space<hbm>>
      %dma_wait3A_93 = arith.constant 0 : i32
      %dma_wait3A_94 = tpu.memref_slice %arg6[%mul3A_7, %dma_wait3A_93] : memref<10240x128xf32, #tpu.memory_space<vmem_shared>> -> memref<640x128xf32, #tpu.memory_space<vmem_shared>>
      tpu.wait_dma2 semaphore(%run_scoped3A : memref<!tpu.dma_semaphore, #tpu.memory_space<semaphore_mem>>) src(%dma_wait3A_94 : memref<640x128xf32, #tpu.memory_space<vmem_shared>>) dst(%dma_wait3A_92 : memref<640x128xf32, #tpu.memory_space<hbm>>)
      tpu.yield
    }) : () -> ()
    %add3A_50 = arith.constant 0 : i32
    %add3A_51 = arith.addi %mul3A_7, %add3A_50 : i32
    "tpu.region"() ({
      %run_scoped3A = tpu.sem_alloc : memref<!tpu.dma_semaphore, #tpu.memory_space<semaphore_mem>>
      %dma_start3A = arith.constant 0 : i32
      %dma_start3A_89 = tpu.memref_slice %arg6[%add3A_51, %dma_start3A] : memref<10240x128xf32, #tpu.memory_space<vmem_shared>> -> memref<64x128xf32, #tpu.memory_space<vmem_shared>>
      %dma_start3A_90 = arith.constant 0 : i32
      %dma_start3A_91 = tpu.memref_slice %arg6[%add3A_51, %dma_start3A_90] : memref<10240x128xf32, #tpu.memory_space<vmem_shared>> -> memref<64x128xf32, #tpu.memory_space<vmem_shared>>
      tpu.enqueue_dma source(%arg10 : memref<64x128xf32, #tpu.memory_space<vmem>>) target(%dma_start3A_91 : memref<64x128xf32, #tpu.memory_space<vmem_shared>>) target_semaphore(%run_scoped3A : memref<!tpu.dma_semaphore, #tpu.memory_space<semaphore_mem>>)
      %dma_wait3A = arith.constant 0 : i32
      %dma_wait3A_92 = tpu.memref_slice %arg6[%add3A_51, %dma_wait3A] : memref<10240x128xf32, #tpu.memory_space<vmem_shared>> -> memref<64x128xf32, #tpu.memory_space<vmem_shared>>
      %dma_wait3A_93 = arith.constant 0 : i32
      %dma_wait3A_94 = tpu.memref_slice %arg6[%add3A_51, %dma_wait3A_93] : memref<10240x128xf32, #tpu.memory_space<vmem_shared>> -> memref<64x128xf32, #tpu.memory_space<vmem_shared>>
      tpu.wait_dma2 semaphore(%run_scoped3A : memref<!tpu.dma_semaphore, #tpu.memory_space<semaphore_mem>>) src(%arg10 : memref<64x128xf32, #tpu.memory_space<vmem>>) dst(%dma_wait3A_94 : memref<64x128xf32, #tpu.memory_space<vmem_shared>>)
      tpu.yield
    }) : () -> ()
    %add3A_52 = arith.constant 64 : i32
    %add3A_53 = arith.addi %mul3A_7, %add3A_52 : i32
    "tpu.region"() ({
      %run_scoped3A = tpu.sem_alloc : memref<!tpu.dma_semaphore, #tpu.memory_space<semaphore_mem>>
      %dma_start3A = arith.constant 0 : i32
      %dma_start3A_89 = tpu.memref_slice %arg6[%add3A_53, %dma_start3A] : memref<10240x128xf32, #tpu.memory_space<vmem_shared>> -> memref<64x128xf32, #tpu.memory_space<vmem_shared>>
      %dma_start3A_90 = arith.constant 0 : i32
      %dma_start3A_91 = tpu.memref_slice %arg6[%add3A_53, %dma_start3A_90] : memref<10240x128xf32, #tpu.memory_space<vmem_shared>> -> memref<64x128xf32, #tpu.memory_space<vmem_shared>>
      tpu.enqueue_dma source(%arg10 : memref<64x128xf32, #tpu.memory_space<vmem>>) target(%dma_start3A_91 : memref<64x128xf32, #tpu.memory_space<vmem_shared>>) target_semaphore(%run_scoped3A : memref<!tpu.dma_semaphore, #tpu.memory_space<semaphore_mem>>)
      %dma_wait3A = arith.constant 0 : i32
      %dma_wait3A_92 = tpu.memref_slice %arg6[%add3A_53, %dma_wait3A] : memref<10240x128xf32, #tpu.memory_space<vmem_shared>> -> memref<64x128xf32, #tpu.memory_space<vmem_shared>>
      %dma_wait3A_93 = arith.constant 0 : i32
      %dma_wait3A_94 = tpu.memref_slice %arg6[%add3A_53, %dma_wait3A_93] : memref<10240x128xf32, #tpu.memory_space<vmem_shared>> -> memref<64x128xf32, #tpu.memory_space<vmem_shared>>
      tpu.wait_dma2 semaphore(%run_scoped3A : memref<!tpu.dma_semaphore, #tpu.memory_space<semaphore_mem>>) src(%arg10 : memref<64x128xf32, #tpu.memory_space<vmem>>) dst(%dma_wait3A_94 : memref<64x128xf32, #tpu.memory_space<vmem_shared>>)
      tpu.yield
    }) : () -> ()
    %add3A_54 = arith.constant 128 : i32
    %add3A_55 = arith.addi %mul3A_7, %add3A_54 : i32
    "tpu.region"() ({
      %run_scoped3A = tpu.sem_alloc : memref<!tpu.dma_semaphore, #tpu.memory_space<semaphore_mem>>
      %dma_start3A = arith.constant 0 : i32
      %dma_start3A_89 = tpu.memref_slice %arg6[%add3A_55, %dma_start3A] : memref<10240x128xf32, #tpu.memory_space<vmem_shared>> -> memref<64x128xf32, #tpu.memory_space<vmem_shared>>
      %dma_start3A_90 = arith.constant 0 : i32
      %dma_start3A_91 = tpu.memref_slice %arg6[%add3A_55, %dma_start3A_90] : memref<10240x128xf32, #tpu.memory_space<vmem_shared>> -> memref<64x128xf32, #tpu.memory_space<vmem_shared>>
      tpu.enqueue_dma source(%arg10 : memref<64x128xf32, #tpu.memory_space<vmem>>) target(%dma_start3A_91 : memref<64x128xf32, #tpu.memory_space<vmem_shared>>) target_semaphore(%run_scoped3A : memref<!tpu.dma_semaphore, #tpu.memory_space<semaphore_mem>>)
      %dma_wait3A = arith.constant 0 : i32
      %dma_wait3A_92 = tpu.memref_slice %arg6[%add3A_55, %dma_wait3A] : memref<10240x128xf32, #tpu.memory_space<vmem_shared>> -> memref<64x128xf32, #tpu.memory_space<vmem_shared>>
      %dma_wait3A_93 = arith.constant 0 : i32
      %dma_wait3A_94 = tpu.memref_slice %arg6[%add3A_55, %dma_wait3A_93] : memref<10240x128xf32, #tpu.memory_space<vmem_shared>> -> memref<64x128xf32, #tpu.memory_space<vmem_shared>>
      tpu.wait_dma2 semaphore(%run_scoped3A : memref<!tpu.dma_semaphore, #tpu.memory_space<semaphore_mem>>) src(%arg10 : memref<64x128xf32, #tpu.memory_space<vmem>>) dst(%dma_wait3A_94 : memref<64x128xf32, #tpu.memory_space<vmem_shared>>)
      tpu.yield
    }) : () -> ()
    %add3A_56 = arith.constant 192 : i32
    %add3A_57 = arith.addi %mul3A_7, %add3A_56 : i32
    "tpu.region"() ({
      %run_scoped3A = tpu.sem_alloc : memref<!tpu.dma_semaphore, #tpu.memory_space<semaphore_mem>>
      %dma_start3A = arith.constant 0 : i32
      %dma_start3A_89 = tpu.memref_slice %arg6[%add3A_57, %dma_start3A] : memref<10240x128xf32, #tpu.memory_space<vmem_shared>> -> memref<64x128xf32, #tpu.memory_space<vmem_shared>>
      %dma_start3A_90 = arith.constant 0 : i32
      %dma_start3A_91 = tpu.memref_slice %arg6[%add3A_57, %dma_start3A_90] : memref<10240x128xf32, #tpu.memory_space<vmem_shared>> -> memref<64x128xf32, #tpu.memory_space<vmem_shared>>
      tpu.enqueue_dma source(%arg10 : memref<64x128xf32, #tpu.memory_space<vmem>>) target(%dma_start3A_91 : memref<64x128xf32, #tpu.memory_space<vmem_shared>>) target_semaphore(%run_scoped3A : memref<!tpu.dma_semaphore, #tpu.memory_space<semaphore_mem>>)
      %dma_wait3A = arith.constant 0 : i32
      %dma_wait3A_92 = tpu.memref_slice %arg6[%add3A_57, %dma_wait3A] : memref<10240x128xf32, #tpu.memory_space<vmem_shared>> -> memref<64x128xf32, #tpu.memory_space<vmem_shared>>
      %dma_wait3A_93 = arith.constant 0 : i32
      %dma_wait3A_94 = tpu.memref_slice %arg6[%add3A_57, %dma_wait3A_93] : memref<10240x128xf32, #tpu.memory_space<vmem_shared>> -> memref<64x128xf32, #tpu.memory_space<vmem_shared>>
      tpu.wait_dma2 semaphore(%run_scoped3A : memref<!tpu.dma_semaphore, #tpu.memory_space<semaphore_mem>>) src(%arg10 : memref<64x128xf32, #tpu.memory_space<vmem>>) dst(%dma_wait3A_94 : memref<64x128xf32, #tpu.memory_space<vmem_shared>>)
      tpu.yield
    }) : () -> ()
    %add3A_58 = arith.constant 256 : i32
    %add3A_59 = arith.addi %mul3A_7, %add3A_58 : i32
    "tpu.region"() ({
      %run_scoped3A = tpu.sem_alloc : memref<!tpu.dma_semaphore, #tpu.memory_space<semaphore_mem>>
      %dma_start3A = arith.constant 0 : i32
      %dma_start3A_89 = tpu.memref_slice %arg6[%add3A_59, %dma_start3A] : memref<10240x128xf32, #tpu.memory_space<vmem_shared>> -> memref<64x128xf32, #tpu.memory_space<vmem_shared>>
      %dma_start3A_90 = arith.constant 0 : i32
      %dma_start3A_91 = tpu.memref_slice %arg6[%add3A_59, %dma_start3A_90] : memref<10240x128xf32, #tpu.memory_space<vmem_shared>> -> memref<64x128xf32, #tpu.memory_space<vmem_shared>>
      tpu.enqueue_dma source(%arg10 : memref<64x128xf32, #tpu.memory_space<vmem>>) target(%dma_start3A_91 : memref<64x128xf32, #tpu.memory_space<vmem_shared>>) target_semaphore(%run_scoped3A : memref<!tpu.dma_semaphore, #tpu.memory_space<semaphore_mem>>)
      %dma_wait3A = arith.constant 0 : i32
      %dma_wait3A_92 = tpu.memref_slice %arg6[%add3A_59, %dma_wait3A] : memref<10240x128xf32, #tpu.memory_space<vmem_shared>> -> memref<64x128xf32, #tpu.memory_space<vmem_shared>>
      %dma_wait3A_93 = arith.constant 0 : i32
      %dma_wait3A_94 = tpu.memref_slice %arg6[%add3A_59, %dma_wait3A_93] : memref<10240x128xf32, #tpu.memory_space<vmem_shared>> -> memref<64x128xf32, #tpu.memory_space<vmem_shared>>
      tpu.wait_dma2 semaphore(%run_scoped3A : memref<!tpu.dma_semaphore, #tpu.memory_space<semaphore_mem>>) src(%arg10 : memref<64x128xf32, #tpu.memory_space<vmem>>) dst(%dma_wait3A_94 : memref<64x128xf32, #tpu.memory_space<vmem_shared>>)
      tpu.yield
    }) : () -> ()
    %add3A_60 = arith.constant 320 : i32
    %add3A_61 = arith.addi %mul3A_7, %add3A_60 : i32
    "tpu.region"() ({
      %run_scoped3A = tpu.sem_alloc : memref<!tpu.dma_semaphore, #tpu.memory_space<semaphore_mem>>
      %dma_start3A = arith.constant 0 : i32
      %dma_start3A_89 = tpu.memref_slice %arg6[%add3A_61, %dma_start3A] : memref<10240x128xf32, #tpu.memory_space<vmem_shared>> -> memref<64x128xf32, #tpu.memory_space<vmem_shared>>
      %dma_start3A_90 = arith.constant 0 : i32
      %dma_start3A_91 = tpu.memref_slice %arg6[%add3A_61, %dma_start3A_90] : memref<10240x128xf32, #tpu.memory_space<vmem_shared>> -> memref<64x128xf32, #tpu.memory_space<vmem_shared>>
      tpu.enqueue_dma source(%arg10 : memref<64x128xf32, #tpu.memory_space<vmem>>) target(%dma_start3A_91 : memref<64x128xf32, #tpu.memory_space<vmem_shared>>) target_semaphore(%run_scoped3A : memref<!tpu.dma_semaphore, #tpu.memory_space<semaphore_mem>>)
      %dma_wait3A = arith.constant 0 : i32
      %dma_wait3A_92 = tpu.memref_slice %arg6[%add3A_61, %dma_wait3A] : memref<10240x128xf32, #tpu.memory_space<vmem_shared>> -> memref<64x128xf32, #tpu.memory_space<vmem_shared>>
      %dma_wait3A_93 = arith.constant 0 : i32
      %dma_wait3A_94 = tpu.memref_slice %arg6[%add3A_61, %dma_wait3A_93] : memref<10240x128xf32, #tpu.memory_space<vmem_shared>> -> memref<64x128xf32, #tpu.memory_space<vmem_shared>>
      tpu.wait_dma2 semaphore(%run_scoped3A : memref<!tpu.dma_semaphore, #tpu.memory_space<semaphore_mem>>) src(%arg10 : memref<64x128xf32, #tpu.memory_space<vmem>>) dst(%dma_wait3A_94 : memref<64x128xf32, #tpu.memory_space<vmem_shared>>)
      tpu.yield
    }) : () -> ()
    %add3A_62 = arith.constant 384 : i32
    %add3A_63 = arith.addi %mul3A_7, %add3A_62 : i32
    "tpu.region"() ({
      %run_scoped3A = tpu.sem_alloc : memref<!tpu.dma_semaphore, #tpu.memory_space<semaphore_mem>>
      %dma_start3A = arith.constant 0 : i32
      %dma_start3A_89 = tpu.memref_slice %arg6[%add3A_63, %dma_start3A] : memref<10240x128xf32, #tpu.memory_space<vmem_shared>> -> memref<64x128xf32, #tpu.memory_space<vmem_shared>>
      %dma_start3A_90 = arith.constant 0 : i32
      %dma_start3A_91 = tpu.memref_slice %arg6[%add3A_63, %dma_start3A_90] : memref<10240x128xf32, #tpu.memory_space<vmem_shared>> -> memref<64x128xf32, #tpu.memory_space<vmem_shared>>
      tpu.enqueue_dma source(%arg10 : memref<64x128xf32, #tpu.memory_space<vmem>>) target(%dma_start3A_91 : memref<64x128xf32, #tpu.memory_space<vmem_shared>>) target_semaphore(%run_scoped3A : memref<!tpu.dma_semaphore, #tpu.memory_space<semaphore_mem>>)
      %dma_wait3A = arith.constant 0 : i32
      %dma_wait3A_92 = tpu.memref_slice %arg6[%add3A_63, %dma_wait3A] : memref<10240x128xf32, #tpu.memory_space<vmem_shared>> -> memref<64x128xf32, #tpu.memory_space<vmem_shared>>
      %dma_wait3A_93 = arith.constant 0 : i32
      %dma_wait3A_94 = tpu.memref_slice %arg6[%add3A_63, %dma_wait3A_93] : memref<10240x128xf32, #tpu.memory_space<vmem_shared>> -> memref<64x128xf32, #tpu.memory_space<vmem_shared>>
      tpu.wait_dma2 semaphore(%run_scoped3A : memref<!tpu.dma_semaphore, #tpu.memory_space<semaphore_mem>>) src(%arg10 : memref<64x128xf32, #tpu.memory_space<vmem>>) dst(%dma_wait3A_94 : memref<64x128xf32, #tpu.memory_space<vmem_shared>>)
      tpu.yield
    }) : () -> ()
    %add3A_64 = arith.constant 448 : i32
    %add3A_65 = arith.addi %mul3A_7, %add3A_64 : i32
    "tpu.region"() ({
      %run_scoped3A = tpu.sem_alloc : memref<!tpu.dma_semaphore, #tpu.memory_space<semaphore_mem>>
      %dma_start3A = arith.constant 0 : i32
      %dma_start3A_89 = tpu.memref_slice %arg6[%add3A_65, %dma_start3A] : memref<10240x128xf32, #tpu.memory_space<vmem_shared>> -> memref<64x128xf32, #tpu.memory_space<vmem_shared>>
      %dma_start3A_90 = arith.constant 0 : i32
      %dma_start3A_91 = tpu.memref_slice %arg6[%add3A_65, %dma_start3A_90] : memref<10240x128xf32, #tpu.memory_space<vmem_shared>> -> memref<64x128xf32, #tpu.memory_space<vmem_shared>>
      tpu.enqueue_dma source(%arg10 : memref<64x128xf32, #tpu.memory_space<vmem>>) target(%dma_start3A_91 : memref<64x128xf32, #tpu.memory_space<vmem_shared>>) target_semaphore(%run_scoped3A : memref<!tpu.dma_semaphore, #tpu.memory_space<semaphore_mem>>)
      %dma_wait3A = arith.constant 0 : i32
      %dma_wait3A_92 = tpu.memref_slice %arg6[%add3A_65, %dma_wait3A] : memref<10240x128xf32, #tpu.memory_space<vmem_shared>> -> memref<64x128xf32, #tpu.memory_space<vmem_shared>>
      %dma_wait3A_93 = arith.constant 0 : i32
      %dma_wait3A_94 = tpu.memref_slice %arg6[%add3A_65, %dma_wait3A_93] : memref<10240x128xf32, #tpu.memory_space<vmem_shared>> -> memref<64x128xf32, #tpu.memory_space<vmem_shared>>
      tpu.wait_dma2 semaphore(%run_scoped3A : memref<!tpu.dma_semaphore, #tpu.memory_space<semaphore_mem>>) src(%arg10 : memref<64x128xf32, #tpu.memory_space<vmem>>) dst(%dma_wait3A_94 : memref<64x128xf32, #tpu.memory_space<vmem_shared>>)
      tpu.yield
    }) : () -> ()
    %add3A_66 = arith.constant 512 : i32
    %add3A_67 = arith.addi %mul3A_7, %add3A_66 : i32
    "tpu.region"() ({
      %run_scoped3A = tpu.sem_alloc : memref<!tpu.dma_semaphore, #tpu.memory_space<semaphore_mem>>
      %dma_start3A = arith.constant 0 : i32
      %dma_start3A_89 = tpu.memref_slice %arg6[%add3A_67, %dma_start3A] : memref<10240x128xf32, #tpu.memory_space<vmem_shared>> -> memref<64x128xf32, #tpu.memory_space<vmem_shared>>
      %dma_start3A_90 = arith.constant 0 : i32
      %dma_start3A_91 = tpu.memref_slice %arg6[%add3A_67, %dma_start3A_90] : memref<10240x128xf32, #tpu.memory_space<vmem_shared>> -> memref<64x128xf32, #tpu.memory_space<vmem_shared>>
      tpu.enqueue_dma source(%arg10 : memref<64x128xf32, #tpu.memory_space<vmem>>) target(%dma_start3A_91 : memref<64x128xf32, #tpu.memory_space<vmem_shared>>) target_semaphore(%run_scoped3A : memref<!tpu.dma_semaphore, #tpu.memory_space<semaphore_mem>>)
      %dma_wait3A = arith.constant 0 : i32
      %dma_wait3A_92 = tpu.memref_slice %arg6[%add3A_67, %dma_wait3A] : memref<10240x128xf32, #tpu.memory_space<vmem_shared>> -> memref<64x128xf32, #tpu.memory_space<vmem_shared>>
      %dma_wait3A_93 = arith.constant 0 : i32
      %dma_wait3A_94 = tpu.memref_slice %arg6[%add3A_67, %dma_wait3A_93] : memref<10240x128xf32, #tpu.memory_space<vmem_shared>> -> memref<64x128xf32, #tpu.memory_space<vmem_shared>>
      tpu.wait_dma2 semaphore(%run_scoped3A : memref<!tpu.dma_semaphore, #tpu.memory_space<semaphore_mem>>) src(%arg10 : memref<64x128xf32, #tpu.memory_space<vmem>>) dst(%dma_wait3A_94 : memref<64x128xf32, #tpu.memory_space<vmem_shared>>)
      tpu.yield
    }) : () -> ()
    %add3A_68 = arith.constant 576 : i32
    %add3A_69 = arith.addi %mul3A_7, %add3A_68 : i32
    "tpu.region"() ({
      %run_scoped3A = tpu.sem_alloc : memref<!tpu.dma_semaphore, #tpu.memory_space<semaphore_mem>>
      %dma_start3A = arith.constant 0 : i32
      %dma_start3A_89 = tpu.memref_slice %arg6[%add3A_69, %dma_start3A] : memref<10240x128xf32, #tpu.memory_space<vmem_shared>> -> memref<64x128xf32, #tpu.memory_space<vmem_shared>>
      %dma_start3A_90 = arith.constant 0 : i32
      %dma_start3A_91 = tpu.memref_slice %arg6[%add3A_69, %dma_start3A_90] : memref<10240x128xf32, #tpu.memory_space<vmem_shared>> -> memref<64x128xf32, #tpu.memory_space<vmem_shared>>
      tpu.enqueue_dma source(%arg10 : memref<64x128xf32, #tpu.memory_space<vmem>>) target(%dma_start3A_91 : memref<64x128xf32, #tpu.memory_space<vmem_shared>>) target_semaphore(%run_scoped3A : memref<!tpu.dma_semaphore, #tpu.memory_space<semaphore_mem>>)
      %dma_wait3A = arith.constant 0 : i32
      %dma_wait3A_92 = tpu.memref_slice %arg6[%add3A_69, %dma_wait3A] : memref<10240x128xf32, #tpu.memory_space<vmem_shared>> -> memref<64x128xf32, #tpu.memory_space<vmem_shared>>
      %dma_wait3A_93 = arith.constant 0 : i32
      %dma_wait3A_94 = tpu.memref_slice %arg6[%add3A_69, %dma_wait3A_93] : memref<10240x128xf32, #tpu.memory_space<vmem_shared>> -> memref<64x128xf32, #tpu.memory_space<vmem_shared>>
      tpu.wait_dma2 semaphore(%run_scoped3A : memref<!tpu.dma_semaphore, #tpu.memory_space<semaphore_mem>>) src(%arg10 : memref<64x128xf32, #tpu.memory_space<vmem>>) dst(%dma_wait3A_94 : memref<64x128xf32, #tpu.memory_space<vmem_shared>>)
      tpu.yield
    }) : () -> ()
    %scan3A_70 = arith.constant 0 : i32
    %scan3A_71 = arith.constant 0 : i32
    %scan3A_72 = arith.constant 320 : i32
    %scan3A_73 = arith.addi %scan3A_71, %scan3A_72 : i32
    %scan3A_74 = arith.constant 1 : i32
    scf.for %scan3A_89 = %scan3A_71 to %scan3A_73 step %scan3A_74  : i32 {
      %jit3A = arith.constant 8 : i32
      %div3A = arith.divsi %scan3A_89, %jit3A : i32
      %sign3A = arith.constant 0 : i32
      %sign3A_90 = arith.cmpi sgt, %scan3A_89, %sign3A : i32
      %sign3A_91 = arith.extui %sign3A_90 : i1 to i32
      %sign3A_92 = arith.constant 0 : i32
      %sign3A_93 = arith.cmpi slt, %scan3A_89, %sign3A_92 : i32
      %sign3A_94 = arith.extui %sign3A_93 : i1 to i32
      %sign3A_95 = arith.subi %sign3A_91, %sign3A_94 : i32
      %sign3A_96 = arith.constant 0 : i32
      %sign3A_97 = arith.cmpi sgt, %jit3A, %sign3A_96 : i32
      %sign3A_98 = arith.extui %sign3A_97 : i1 to i32
      %sign3A_99 = arith.constant 0 : i32
      %sign3A_100 = arith.cmpi slt, %jit3A, %sign3A_99 : i32
      %sign3A_101 = arith.extui %sign3A_100 : i1 to i32
      %sign3A_102 = arith.subi %sign3A_98, %sign3A_101 : i32
      %ne3A = arith.cmpi ne, %sign3A_95, %sign3A_102 : i32
      %rem3A = arith.remsi %scan3A_89, %jit3A : i32
      %ne3A_103 = arith.constant 0 : i32
      %ne3A_104 = arith.cmpi ne, %rem3A, %ne3A_103 : i32
      %and3A = arith.andi %ne3A, %ne3A_104 : i1
      %sub3A = arith.constant 1 : i32
      %sub3A_105 = arith.subi %div3A, %sub3A : i32
      %select_n3A = arith.select %and3A, %sub3A_105, %div3A : i32
      %jit3A_106 = arith.constant 8 : i32
      %eq3A = arith.constant 0 : i32
      %eq3A_107 = arith.cmpi eq, %jit3A_106, %eq3A : i32
      %jit3A_108 = arith.constant 1 : i32
      %select_n3A_109 = arith.select %eq3A_107, %jit3A_108, %jit3A_106 : i32
      %rem3A_110 = arith.remsi %scan3A_89, %select_n3A_109 : i32
      %ne3A_111 = arith.constant 0 : i32
      %ne3A_112 = arith.cmpi ne, %rem3A_110, %ne3A_111 : i32
      %lt3A = arith.constant 0 : i32
      %lt3A_113 = arith.cmpi slt, %rem3A_110, %lt3A : i32
      %lt3A_114 = arith.constant 0 : i32
      %lt3A_115 = arith.cmpi slt, %select_n3A_109, %lt3A_114 : i32
      %ne3A_116 = arith.xori %lt3A_113, %lt3A_115 : i1
      %and3A_117 = arith.andi %ne3A_116, %ne3A_112 : i1
      %add3A_118 = arith.addi %rem3A_110, %select_n3A_109 : i32
      %select_n3A_119 = arith.select %and3A_117, %add3A_118, %rem3A_110 : i32
      %mul3A_120 = arith.constant 16 : i32
      %mul3A_121 = arith.muli %select_n3A_119, %mul3A_120 : i32
      %get3A = arith.index_cast %select_n3A : i32 to index
      %get3A_122 = arith.index_cast %mul3A_121 : i32 to index
      %get3A_123 = tpu.vector_load %arg7[%get3A, %get3A_122] {strides = array<i32>} : memref<40x128xi32, #tpu.memory_space<vmem>>, vector<1x16xi32>,
      %get3A_124 = vector.shape_cast %get3A_123 : vector<1x16xi32> to vector<16xi32>
      %mul3A_125 = arith.constant 2 : i32
      %mul3A_126 = vector.broadcast %mul3A_125 : i32 to vector<16xi32>
      %mul3A_127 = arith.muli %get3A_124, %mul3A_126 : vector<16xi32>
      %add3A_128 = arith.constant 1 : i32
      %add3A_129 = vector.broadcast %add3A_128 : i32 to vector<16xi32>
      %add3A_130 = arith.addi %mul3A_127, %add3A_129 : vector<16xi32>
      %jit3A_131 = arith.constant 8 : i32
      %div3A_132 = arith.divsi %scan3A_89, %jit3A_131 : i32
      %sign3A_133 = arith.constant 0 : i32
      %sign3A_134 = arith.cmpi sgt, %scan3A_89, %sign3A_133 : i32
      %sign3A_135 = arith.extui %sign3A_134 : i1 to i32
      %sign3A_136 = arith.constant 0 : i32
      %sign3A_137 = arith.cmpi slt, %scan3A_89, %sign3A_136 : i32
      %sign3A_138 = arith.extui %sign3A_137 : i1 to i32
      %sign3A_139 = arith.subi %sign3A_135, %sign3A_138 : i32
      %sign3A_140 = arith.constant 0 : i32
      %sign3A_141 = arith.cmpi sgt, %jit3A_131, %sign3A_140 : i32
      %sign3A_142 = arith.extui %sign3A_141 : i1 to i32
      %sign3A_143 = arith.constant 0 : i32
      %sign3A_144 = arith.cmpi slt, %jit3A_131, %sign3A_143 : i32
      %sign3A_145 = arith.extui %sign3A_144 : i1 to i32
      %sign3A_146 = arith.subi %sign3A_142, %sign3A_145 : i32
      %ne3A_147 = arith.cmpi ne, %sign3A_139, %sign3A_146 : i32
      %rem3A_148 = arith.remsi %scan3A_89, %jit3A_131 : i32
      %ne3A_149 = arith.constant 0 : i32
      %ne3A_150 = arith.cmpi ne, %rem3A_148, %ne3A_149 : i32
      %and3A_151 = arith.andi %ne3A_147, %ne3A_150 : i1
      %sub3A_152 = arith.constant 1 : i32
      %sub3A_153 = arith.subi %div3A_132, %sub3A_152 : i32
      %select_n3A_154 = arith.select %and3A_151, %sub3A_153, %div3A_132 : i32
      %jit3A_155 = arith.constant 8 : i32
      %eq3A_156 = arith.constant 0 : i32
      %eq3A_157 = arith.cmpi eq, %jit3A_155, %eq3A_156 : i32
      %jit3A_158 = arith.constant 1 : i32
      %select_n3A_159 = arith.select %eq3A_157, %jit3A_158, %jit3A_155 : i32
      %rem3A_160 = arith.remsi %scan3A_89, %select_n3A_159 : i32
      %ne3A_161 = arith.constant 0 : i32
      %ne3A_162 = arith.cmpi ne, %rem3A_160, %ne3A_161 : i32
      %lt3A_163 = arith.constant 0 : i32
      %lt3A_164 = arith.cmpi slt, %rem3A_160, %lt3A_163 : i32
      %lt3A_165 = arith.constant 0 : i32
      %lt3A_166 = arith.cmpi slt, %select_n3A_159, %lt3A_165 : i32
      %ne3A_167 = arith.xori %lt3A_164, %lt3A_166 : i1
      %and3A_168 = arith.andi %ne3A_167, %ne3A_162 : i1
      %add3A_169 = arith.addi %rem3A_160, %select_n3A_159 : i32
      %select_n3A_170 = arith.select %and3A_168, %add3A_169, %rem3A_160 : i32
      %mul3A_171 = arith.constant 16 : i32
      %mul3A_172 = arith.muli %select_n3A_170, %mul3A_171 : i32
      %swap3A = arith.index_cast %select_n3A_154 : i32 to index
      %swap3A_173 = arith.index_cast %mul3A_172 : i32 to index
      %swap3A_174 = tpu.vector_load %arg8[%swap3A, %swap3A_173] {strides = array<i32>} : memref<40x128xi32, #tpu.memory_space<vmem>>, vector<1x16xi32>,
      %swap3A_175 = vector.shape_cast %swap3A_174 : vector<1x16xi32> to vector<16xi32>
      %swap3A_176 = vector.shape_cast %add3A_130 : vector<16xi32> to vector<1x16xi32>
      tpu.vector_store %arg8[%swap3A, %swap3A_173], %swap3A_176 {strides = array<i32>} : memref<40x128xi32, #tpu.memory_space<vmem>>, vector<1x16xi32>,
    }
    %scan3A_75 = arith.constant 320 : i32
    %barrier3A_76 = arith.constant 0 : index
    tpu.barrier barrier_id(%barrier3A_76)
    %scan3A_77 = arith.constant 0 : i32
    %scan3A_78 = arith.constant 0 : i32
    %scan3A_79 = arith.constant 40 : i32
    %scan3A_80 = arith.addi %scan3A_78, %scan3A_79 : i32
    %scan3A_81 = arith.constant 1 : i32
    scf.for %scan3A_89 = %scan3A_78 to %scan3A_80 step %scan3A_81  : i32 {
      %dma_start3A = arith.constant 0 : i32
      %dma_start3A_90 = tpu.memref_slice %arg8[%scan3A_89, %dma_start3A] : memref<40x128xi32, #tpu.memory_space<vmem>> -> memref<1x128xi32, #tpu.memory_space<vmem>>
      %dma_start3A_91 = tpu.memref_squeeze %dma_start3A_90 : memref<1x128xi32, #tpu.memory_space<vmem>> -> memref<128xi32, #tpu.memory_space<vmem>>
      %dma_start3A_92 = arith.constant 0 : i32
      %dma_start3A_93 = arith.constant 0 : i32
      %dma_start3A_94 = tpu.memref_slice %arg2[%dma_start3A_92, %dma_start3A_93] : memref<20000x128xf32, #tpu.memory_space<hbm>> -> memref<20000x128xf32, #tpu.memory_space<hbm>>
      tpu.enqueue_indirect_dma source(%dma_start3A_94 : memref<20000x128xf32, #tpu.memory_space<hbm>>) target(%arg11 : memref<128x128xf32, #tpu.memory_space<vmem>>) offsets(%dma_start3A_91 : memref<128xi32, #tpu.memory_space<vmem>>) semaphore(%arg13 : memref<!tpu.dma_semaphore, #tpu.memory_space<semaphore_mem>>)
      %dma_wait3A = arith.constant 0 : i32
      %dma_wait3A_95 = tpu.memref_slice %arg8[%scan3A_89, %dma_wait3A] : memref<40x128xi32, #tpu.memory_space<vmem>> -> memref<1x128xi32, #tpu.memory_space<vmem>>
      %dma_wait3A_96 = tpu.memref_squeeze %dma_wait3A_95 : memref<1x128xi32, #tpu.memory_space<vmem>> -> memref<128xi32, #tpu.memory_space<vmem>>
      %dma_wait3A_97 = arith.constant 0 : i32
      %dma_wait3A_98 = arith.constant 0 : i32
      %dma_wait3A_99 = tpu.memref_slice %arg2[%dma_wait3A_97, %dma_wait3A_98] : memref<20000x128xf32, #tpu.memory_space<hbm>> -> memref<20000x128xf32, #tpu.memory_space<hbm>>
      tpu.wait_indirect_dma semaphore(%arg13 : memref<!tpu.dma_semaphore, #tpu.memory_space<semaphore_mem>>) src(%dma_wait3A_99 : memref<20000x128xf32, #tpu.memory_space<hbm>>) dst(%arg11 : memref<128x128xf32, #tpu.memory_space<vmem>>)
      "tpu.region"() ({
        %run_scoped3A = tpu.sem_alloc : memref<!tpu.dma_semaphore, #tpu.memory_space<semaphore_mem>>
        %dma_start3A_100 = arith.constant 0 : i32
        %dma_start3A_101 = tpu.memref_slice %arg9[%scan3A_89, %dma_start3A_100] : memref<40x128xi32, #tpu.memory_space<vmem>> -> memref<1x128xi32, #tpu.memory_space<vmem>>
        %dma_start3A_102 = tpu.memref_squeeze %dma_start3A_101 : memref<1x128xi32, #tpu.memory_space<vmem>> -> memref<128xi32, #tpu.memory_space<vmem>>
        %dma_start3A_103 = arith.constant 0 : i32
        %dma_start3A_104 = arith.constant 0 : i32
        %dma_start3A_105 = tpu.memref_slice %arg6[%dma_start3A_103, %dma_start3A_104] : memref<10240x128xf32, #tpu.memory_space<vmem_shared>> -> memref<10240x128xf32, #tpu.memory_space<vmem_shared>>
        tpu.enqueue_indirect_dma source(%arg11 : memref<128x128xf32, #tpu.memory_space<vmem>>) target(%dma_start3A_105 : memref<10240x128xf32, #tpu.memory_space<vmem_shared>>) offsets(%dma_start3A_102 : memref<128xi32, #tpu.memory_space<vmem>>) semaphore(%run_scoped3A : memref<!tpu.dma_semaphore, #tpu.memory_space<semaphore_mem>>) {add = true}
        %dma_wait3A_106 = arith.constant 0 : i32
        %dma_wait3A_107 = tpu.memref_slice %arg9[%scan3A_89, %dma_wait3A_106] : memref<40x128xi32, #tpu.memory_space<vmem>> -> memref<1x128xi32, #tpu.memory_space<vmem>>
        %dma_wait3A_108 = tpu.memref_squeeze %dma_wait3A_107 : memref<1x128xi32, #tpu.memory_space<vmem>> -> memref<128xi32, #tpu.memory_space<vmem>>
        %dma_wait3A_109 = arith.constant 0 : i32
        %dma_wait3A_110 = arith.constant 0 : i32
        %dma_wait3A_111 = tpu.memref_slice %arg6[%dma_wait3A_109, %dma_wait3A_110] : memref<10240x128xf32, #tpu.memory_space<vmem_shared>> -> memref<10240x128xf32, #tpu.memory_space<vmem_shared>>
        tpu.wait_indirect_dma semaphore(%run_scoped3A : memref<!tpu.dma_semaphore, #tpu.memory_space<semaphore_mem>>) src(%arg11 : memref<128x128xf32, #tpu.memory_space<vmem>>) dst(%dma_wait3A_111 : memref<10240x128xf32, #tpu.memory_space<vmem_shared>>)
        tpu.yield
      }) : () -> ()
    }
    %scan3A_82 = arith.constant 40 : i32
    %barrier3A_83 = arith.constant 0 : index
    tpu.barrier barrier_id(%barrier3A_83)
    %add3A_84 = arith.constant 2 : i32
    %add3A_85 = arith.addi %add3A_84, %arg0 : i32
    %mul3A_86 = arith.constant 10240 : i32
    %mul3A_87 = arith.muli %add3A_85, %mul3A_86 : i32
    %add3A_88 = arith.addi %mul3A_87, %mul3A_7 : i32
    "tpu.region"() ({
      %run_scoped3A = tpu.sem_alloc : memref<!tpu.dma_semaphore, #tpu.memory_space<semaphore_mem>>
      %dma_start3A = arith.constant 0 : i32
      %dma_start3A_89 = tpu.memref_slice %arg5[%add3A_88, %dma_start3A] : memref<40960x128xf32, #tpu.memory_space<hbm>> -> memref<640x128xf32, #tpu.memory_space<hbm>>
      %dma_start3A_90 = arith.constant 0 : i32
      %dma_start3A_91 = tpu.memref_slice %arg6[%mul3A_7, %dma_start3A_90] : memref<10240x128xf32, #tpu.memory_space<vmem_shared>> -> memref<640x128xf32, #tpu.memory_space<vmem_shared>>
      tpu.enqueue_dma source(%dma_start3A_91 : memref<640x128xf32, #tpu.memory_space<vmem_shared>>) target(%dma_start3A_89 : memref<640x128xf32, #tpu.memory_space<hbm>>) target_semaphore(%run_scoped3A : memref<!tpu.dma_semaphore, #tpu.memory_space<semaphore_mem>>)
      %dma_wait3A = arith.constant 0 : i32
      %dma_wait3A_92 = tpu.memref_slice %arg5[%add3A_88, %dma_wait3A] : memref<40960x128xf32, #tpu.memory_space<hbm>> -> memref<640x128xf32, #tpu.memory_space<hbm>>
      %dma_wait3A_93 = arith.constant 0 : i32
      %dma_wait3A_94 = tpu.memref_slice %arg6[%mul3A_7, %dma_wait3A_93] : memref<10240x128xf32, #tpu.memory_space<vmem_shared>> -> memref<640x128xf32, #tpu.memory_space<vmem_shared>>
      tpu.wait_dma2 semaphore(%run_scoped3A : memref<!tpu.dma_semaphore, #tpu.memory_space<semaphore_mem>>) src(%dma_wait3A_94 : memref<640x128xf32, #tpu.memory_space<vmem_shared>>) dst(%dma_wait3A_92 : memref<640x128xf32, #tpu.memory_space<hbm>>)
      tpu.yield
    }) : () -> ()
    return
  }
}

#map = affine_map<(d0, d1) -> (0, 0)>
module attributes {stable_mosaic.version = 14 : i64} {
  func.func @_segsum_body(%arg0: i32, %arg1: i32, %arg2: memref<40000x128xf32, #tpu.memory_space<hbm>>, %arg3: memref<1280x128xi32, #tpu.memory_space<hbm>>, %arg4: memref<1280x128xi32, #tpu.memory_space<hbm>>, %arg5: memref<81920x128xf32, #tpu.memory_space<hbm>>, %arg6: memref<10240x128xf32, #tpu.memory_space<vmem_shared>>, %arg7: memref<40x128xi32, #tpu.memory_space<vmem>>, %arg8: memref<40x128xi32, #tpu.memory_space<vmem>>, %arg9: memref<40x128xi32, #tpu.memory_space<vmem>>, %arg10: memref<64x128xf32, #tpu.memory_space<vmem>>, %arg11: memref<128x128xf32, #tpu.memory_space<vmem>>, %arg12: memref<128x128xf32, #tpu.memory_space<vmem>>, %arg13: memref<!tpu.dma_semaphore, #tpu.memory_space<semaphore_mem>>, %arg14: memref<!tpu.dma_semaphore, #tpu.memory_space<semaphore_mem>>) attributes {dimension_semantics = [#tpu.dimension_semantics<core_parallel>, #tpu.dimension_semantics<subcore_parallel>], iteration_bounds = array<i64: 2, 16>, scalar_prefetch = 0 : i64, scratch_operands = 9 : i64, tpu.core_type = #tpu.core_type<sc_vector_subcore>, window_params = [{transform_indices = #map}, {transform_indices = #map}, {transform_indices = #map}, {transform_indices = #map}]} {
    %mul3A = arith.constant 16 : i32
    %mul3A_0 = arith.muli %arg0, %mul3A : i32
    %add3A = arith.addi %mul3A_0, %arg1 : i32
    %scan3A = arith.constant 0 : i32
    %scan3A_1 = arith.constant 0 : i32
    %scan3A_2 = arith.constant 512 : i32
    %scan3A_3 = arith.addi %scan3A_1, %scan3A_2 : i32
    %scan3A_4 = arith.constant 1 : i32
    scf.for %scan3A_167 = %scan3A_1 to %scan3A_3 step %scan3A_4  : i32 {
      %broadcast_in_dim3A = arith.constant 0.000000e+00 : f32
      %broadcast_in_dim3A_168 = vector.broadcast %broadcast_in_dim3A : f32 to vector<16xf32>
      %jit3A = arith.constant 8 : i32
      %div3A = arith.divsi %scan3A_167, %jit3A : i32
      %sign3A = arith.constant 0 : i32
      %sign3A_169 = arith.cmpi sgt, %scan3A_167, %sign3A : i32
      %sign3A_170 = arith.extui %sign3A_169 : i1 to i32
      %sign3A_171 = arith.constant 0 : i32
      %sign3A_172 = arith.cmpi slt, %scan3A_167, %sign3A_171 : i32
      %sign3A_173 = arith.extui %sign3A_172 : i1 to i32
      %sign3A_174 = arith.subi %sign3A_170, %sign3A_173 : i32
      %sign3A_175 = arith.constant 0 : i32
      %sign3A_176 = arith.cmpi sgt, %jit3A, %sign3A_175 : i32
      %sign3A_177 = arith.extui %sign3A_176 : i1 to i32
      %sign3A_178 = arith.constant 0 : i32
      %sign3A_179 = arith.cmpi slt, %jit3A, %sign3A_178 : i32
      %sign3A_180 = arith.extui %sign3A_179 : i1 to i32
      %sign3A_181 = arith.subi %sign3A_177, %sign3A_180 : i32
      %ne3A = arith.cmpi ne, %sign3A_174, %sign3A_181 : i32
      %rem3A = arith.remsi %scan3A_167, %jit3A : i32
      %ne3A_182 = arith.constant 0 : i32
      %ne3A_183 = arith.cmpi ne, %rem3A, %ne3A_182 : i32
      %and3A = arith.andi %ne3A, %ne3A_183 : i1
      %sub3A = arith.constant 1 : i32
      %sub3A_184 = arith.subi %div3A, %sub3A : i32
      %select_n3A = arith.select %and3A, %sub3A_184, %div3A : i32
      %jit3A_185 = arith.constant 8 : i32
      %eq3A = arith.constant 0 : i32
      %eq3A_186 = arith.cmpi eq, %jit3A_185, %eq3A : i32
      %jit3A_187 = arith.constant 1 : i32
      %select_n3A_188 = arith.select %eq3A_186, %jit3A_187, %jit3A_185 : i32
      %rem3A_189 = arith.remsi %scan3A_167, %select_n3A_188 : i32
      %ne3A_190 = arith.constant 0 : i32
      %ne3A_191 = arith.cmpi ne, %rem3A_189, %ne3A_190 : i32
      %lt3A = arith.constant 0 : i32
      %lt3A_192 = arith.cmpi slt, %rem3A_189, %lt3A : i32
      %lt3A_193 = arith.constant 0 : i32
      %lt3A_194 = arith.cmpi slt, %select_n3A_188, %lt3A_193 : i32
      %ne3A_195 = arith.xori %lt3A_192, %lt3A_194 : i1
      %and3A_196 = arith.andi %ne3A_195, %ne3A_191 : i1
      %add3A_197 = arith.addi %rem3A_189, %select_n3A_188 : i32
      %select_n3A_198 = arith.select %and3A_196, %add3A_197, %rem3A_189 : i32
      %mul3A_199 = arith.constant 16 : i32
      %mul3A_200 = arith.muli %select_n3A_198, %mul3A_199 : i32
      %swap3A = arith.index_cast %select_n3A : i32 to index
      %swap3A_201 = arith.index_cast %mul3A_200 : i32 to index
      %swap3A_202 = tpu.vector_load %arg10[%swap3A, %swap3A_201] {strides = array<i32>} : memref<64x128xf32, #tpu.memory_space<vmem>>, vector<1x16xf32>,
      %swap3A_203 = vector.shape_cast %swap3A_202 : vector<1x16xf32> to vector<16xf32>
      %swap3A_204 = vector.shape_cast %broadcast_in_dim3A_168 : vector<16xf32> to vector<1x16xf32>
      tpu.vector_store %arg10[%swap3A, %swap3A_201], %swap3A_204 {strides = array<i32>} : memref<64x128xf32, #tpu.memory_space<vmem>>, vector<1x16xf32>,
    }
    %scan3A_5 = arith.constant 512 : i32
    %mul3A_6 = arith.constant 640 : i32
    %mul3A_7 = arith.muli %arg1, %mul3A_6 : i32
    %add3A_8 = arith.constant 0 : i32
    %add3A_9 = arith.addi %mul3A_7, %add3A_8 : i32
    "tpu.region"() ({
      %run_scoped3A = tpu.sem_alloc : memref<!tpu.dma_semaphore, #tpu.memory_space<semaphore_mem>>
      %dma_start3A = arith.constant 0 : i32
      %dma_start3A_167 = tpu.memref_slice %arg6[%add3A_9, %dma_start3A] : memref<10240x128xf32, #tpu.memory_space<vmem_shared>> -> memref<64x128xf32, #tpu.memory_space<vmem_shared>>
      %dma_start3A_168 = arith.constant 0 : i32
      %dma_start3A_169 = tpu.memref_slice %arg6[%add3A_9, %dma_start3A_168] : memref<10240x128xf32, #tpu.memory_space<vmem_shared>> -> memref<64x128xf32, #tpu.memory_space<vmem_shared>>
      tpu.enqueue_dma source(%arg10 : memref<64x128xf32, #tpu.memory_space<vmem>>) target(%dma_start3A_169 : memref<64x128xf32, #tpu.memory_space<vmem_shared>>) target_semaphore(%run_scoped3A : memref<!tpu.dma_semaphore, #tpu.memory_space<semaphore_mem>>)
      %dma_wait3A = arith.constant 0 : i32
      %dma_wait3A_170 = tpu.memref_slice %arg6[%add3A_9, %dma_wait3A] : memref<10240x128xf32, #tpu.memory_space<vmem_shared>> -> memref<64x128xf32, #tpu.memory_space<vmem_shared>>
      %dma_wait3A_171 = arith.constant 0 : i32
      %dma_wait3A_172 = tpu.memref_slice %arg6[%add3A_9, %dma_wait3A_171] : memref<10240x128xf32, #tpu.memory_space<vmem_shared>> -> memref<64x128xf32, #tpu.memory_space<vmem_shared>>
      tpu.wait_dma2 semaphore(%run_scoped3A : memref<!tpu.dma_semaphore, #tpu.memory_space<semaphore_mem>>) src(%arg10 : memref<64x128xf32, #tpu.memory_space<vmem>>) dst(%dma_wait3A_172 : memref<64x128xf32, #tpu.memory_space<vmem_shared>>)
      tpu.yield
    }) : () -> ()
    %add3A_10 = arith.constant 64 : i32
    %add3A_11 = arith.addi %mul3A_7, %add3A_10 : i32
    "tpu.region"() ({
      %run_scoped3A = tpu.sem_alloc : memref<!tpu.dma_semaphore, #tpu.memory_space<semaphore_mem>>
      %dma_start3A = arith.constant 0 : i32
      %dma_start3A_167 = tpu.memref_slice %arg6[%add3A_11, %dma_start3A] : memref<10240x128xf32, #tpu.memory_space<vmem_shared>> -> memref<64x128xf32, #tpu.memory_space<vmem_shared>>
      %dma_start3A_168 = arith.constant 0 : i32
      %dma_start3A_169 = tpu.memref_slice %arg6[%add3A_11, %dma_start3A_168] : memref<10240x128xf32, #tpu.memory_space<vmem_shared>> -> memref<64x128xf32, #tpu.memory_space<vmem_shared>>
      tpu.enqueue_dma source(%arg10 : memref<64x128xf32, #tpu.memory_space<vmem>>) target(%dma_start3A_169 : memref<64x128xf32, #tpu.memory_space<vmem_shared>>) target_semaphore(%run_scoped3A : memref<!tpu.dma_semaphore, #tpu.memory_space<semaphore_mem>>)
      %dma_wait3A = arith.constant 0 : i32
      %dma_wait3A_170 = tpu.memref_slice %arg6[%add3A_11, %dma_wait3A] : memref<10240x128xf32, #tpu.memory_space<vmem_shared>> -> memref<64x128xf32, #tpu.memory_space<vmem_shared>>
      %dma_wait3A_171 = arith.constant 0 : i32
      %dma_wait3A_172 = tpu.memref_slice %arg6[%add3A_11, %dma_wait3A_171] : memref<10240x128xf32, #tpu.memory_space<vmem_shared>> -> memref<64x128xf32, #tpu.memory_space<vmem_shared>>
      tpu.wait_dma2 semaphore(%run_scoped3A : memref<!tpu.dma_semaphore, #tpu.memory_space<semaphore_mem>>) src(%arg10 : memref<64x128xf32, #tpu.memory_space<vmem>>) dst(%dma_wait3A_172 : memref<64x128xf32, #tpu.memory_space<vmem_shared>>)
      tpu.yield
    }) : () -> ()
    %add3A_12 = arith.constant 128 : i32
    %add3A_13 = arith.addi %mul3A_7, %add3A_12 : i32
    "tpu.region"() ({
      %run_scoped3A = tpu.sem_alloc : memref<!tpu.dma_semaphore, #tpu.memory_space<semaphore_mem>>
      %dma_start3A = arith.constant 0 : i32
      %dma_start3A_167 = tpu.memref_slice %arg6[%add3A_13, %dma_start3A] : memref<10240x128xf32, #tpu.memory_space<vmem_shared>> -> memref<64x128xf32, #tpu.memory_space<vmem_shared>>
      %dma_start3A_168 = arith.constant 0 : i32
      %dma_start3A_169 = tpu.memref_slice %arg6[%add3A_13, %dma_start3A_168] : memref<10240x128xf32, #tpu.memory_space<vmem_shared>> -> memref<64x128xf32, #tpu.memory_space<vmem_shared>>
      tpu.enqueue_dma source(%arg10 : memref<64x128xf32, #tpu.memory_space<vmem>>) target(%dma_start3A_169 : memref<64x128xf32, #tpu.memory_space<vmem_shared>>) target_semaphore(%run_scoped3A : memref<!tpu.dma_semaphore, #tpu.memory_space<semaphore_mem>>)
      %dma_wait3A = arith.constant 0 : i32
      %dma_wait3A_170 = tpu.memref_slice %arg6[%add3A_13, %dma_wait3A] : memref<10240x128xf32, #tpu.memory_space<vmem_shared>> -> memref<64x128xf32, #tpu.memory_space<vmem_shared>>
      %dma_wait3A_171 = arith.constant 0 : i32
      %dma_wait3A_172 = tpu.memref_slice %arg6[%add3A_13, %dma_wait3A_171] : memref<10240x128xf32, #tpu.memory_space<vmem_shared>> -> memref<64x128xf32, #tpu.memory_space<vmem_shared>>
      tpu.wait_dma2 semaphore(%run_scoped3A : memref<!tpu.dma_semaphore, #tpu.memory_space<semaphore_mem>>) src(%arg10 : memref<64x128xf32, #tpu.memory_space<vmem>>) dst(%dma_wait3A_172 : memref<64x128xf32, #tpu.memory_space<vmem_shared>>)
      tpu.yield
    }) : () -> ()
    %add3A_14 = arith.constant 192 : i32
    %add3A_15 = arith.addi %mul3A_7, %add3A_14 : i32
    "tpu.region"() ({
      %run_scoped3A = tpu.sem_alloc : memref<!tpu.dma_semaphore, #tpu.memory_space<semaphore_mem>>
      %dma_start3A = arith.constant 0 : i32
      %dma_start3A_167 = tpu.memref_slice %arg6[%add3A_15, %dma_start3A] : memref<10240x128xf32, #tpu.memory_space<vmem_shared>> -> memref<64x128xf32, #tpu.memory_space<vmem_shared>>
      %dma_start3A_168 = arith.constant 0 : i32
      %dma_start3A_169 = tpu.memref_slice %arg6[%add3A_15, %dma_start3A_168] : memref<10240x128xf32, #tpu.memory_space<vmem_shared>> -> memref<64x128xf32, #tpu.memory_space<vmem_shared>>
      tpu.enqueue_dma source(%arg10 : memref<64x128xf32, #tpu.memory_space<vmem>>) target(%dma_start3A_169 : memref<64x128xf32, #tpu.memory_space<vmem_shared>>) target_semaphore(%run_scoped3A : memref<!tpu.dma_semaphore, #tpu.memory_space<semaphore_mem>>)
      %dma_wait3A = arith.constant 0 : i32
      %dma_wait3A_170 = tpu.memref_slice %arg6[%add3A_15, %dma_wait3A] : memref<10240x128xf32, #tpu.memory_space<vmem_shared>> -> memref<64x128xf32, #tpu.memory_space<vmem_shared>>
      %dma_wait3A_171 = arith.constant 0 : i32
      %dma_wait3A_172 = tpu.memref_slice %arg6[%add3A_15, %dma_wait3A_171] : memref<10240x128xf32, #tpu.memory_space<vmem_shared>> -> memref<64x128xf32, #tpu.memory_space<vmem_shared>>
      tpu.wait_dma2 semaphore(%run_scoped3A : memref<!tpu.dma_semaphore, #tpu.memory_space<semaphore_mem>>) src(%arg10 : memref<64x128xf32, #tpu.memory_space<vmem>>) dst(%dma_wait3A_172 : memref<64x128xf32, #tpu.memory_space<vmem_shared>>)
      tpu.yield
    }) : () -> ()
    %add3A_16 = arith.constant 256 : i32
    %add3A_17 = arith.addi %mul3A_7, %add3A_16 : i32
    "tpu.region"() ({
      %run_scoped3A = tpu.sem_alloc : memref<!tpu.dma_semaphore, #tpu.memory_space<semaphore_mem>>
      %dma_start3A = arith.constant 0 : i32
      %dma_start3A_167 = tpu.memref_slice %arg6[%add3A_17, %dma_start3A] : memref<10240x128xf32, #tpu.memory_space<vmem_shared>> -> memref<64x128xf32, #tpu.memory_space<vmem_shared>>
      %dma_start3A_168 = arith.constant 0 : i32
      %dma_start3A_169 = tpu.memref_slice %arg6[%add3A_17, %dma_start3A_168] : memref<10240x128xf32, #tpu.memory_space<vmem_shared>> -> memref<64x128xf32, #tpu.memory_space<vmem_shared>>
      tpu.enqueue_dma source(%arg10 : memref<64x128xf32, #tpu.memory_space<vmem>>) target(%dma_start3A_169 : memref<64x128xf32, #tpu.memory_space<vmem_shared>>) target_semaphore(%run_scoped3A : memref<!tpu.dma_semaphore, #tpu.memory_space<semaphore_mem>>)
      %dma_wait3A = arith.constant 0 : i32
      %dma_wait3A_170 = tpu.memref_slice %arg6[%add3A_17, %dma_wait3A] : memref<10240x128xf32, #tpu.memory_space<vmem_shared>> -> memref<64x128xf32, #tpu.memory_space<vmem_shared>>
      %dma_wait3A_171 = arith.constant 0 : i32
      %dma_wait3A_172 = tpu.memref_slice %arg6[%add3A_17, %dma_wait3A_171] : memref<10240x128xf32, #tpu.memory_space<vmem_shared>> -> memref<64x128xf32, #tpu.memory_space<vmem_shared>>
      tpu.wait_dma2 semaphore(%run_scoped3A : memref<!tpu.dma_semaphore, #tpu.memory_space<semaphore_mem>>) src(%arg10 : memref<64x128xf32, #tpu.memory_space<vmem>>) dst(%dma_wait3A_172 : memref<64x128xf32, #tpu.memory_space<vmem_shared>>)
      tpu.yield
    }) : () -> ()
    %add3A_18 = arith.constant 320 : i32
    %add3A_19 = arith.addi %mul3A_7, %add3A_18 : i32
    "tpu.region"() ({
      %run_scoped3A = tpu.sem_alloc : memref<!tpu.dma_semaphore, #tpu.memory_space<semaphore_mem>>
      %dma_start3A = arith.constant 0 : i32
      %dma_start3A_167 = tpu.memref_slice %arg6[%add3A_19, %dma_start3A] : memref<10240x128xf32, #tpu.memory_space<vmem_shared>> -> memref<64x128xf32, #tpu.memory_space<vmem_shared>>
      %dma_start3A_168 = arith.constant 0 : i32
      %dma_start3A_169 = tpu.memref_slice %arg6[%add3A_19, %dma_start3A_168] : memref<10240x128xf32, #tpu.memory_space<vmem_shared>> -> memref<64x128xf32, #tpu.memory_space<vmem_shared>>
      tpu.enqueue_dma source(%arg10 : memref<64x128xf32, #tpu.memory_space<vmem>>) target(%dma_start3A_169 : memref<64x128xf32, #tpu.memory_space<vmem_shared>>) target_semaphore(%run_scoped3A : memref<!tpu.dma_semaphore, #tpu.memory_space<semaphore_mem>>)
      %dma_wait3A = arith.constant 0 : i32
      %dma_wait3A_170 = tpu.memref_slice %arg6[%add3A_19, %dma_wait3A] : memref<10240x128xf32, #tpu.memory_space<vmem_shared>> -> memref<64x128xf32, #tpu.memory_space<vmem_shared>>
      %dma_wait3A_171 = arith.constant 0 : i32
      %dma_wait3A_172 = tpu.memref_slice %arg6[%add3A_19, %dma_wait3A_171] : memref<10240x128xf32, #tpu.memory_space<vmem_shared>> -> memref<64x128xf32, #tpu.memory_space<vmem_shared>>
      tpu.wait_dma2 semaphore(%run_scoped3A : memref<!tpu.dma_semaphore, #tpu.memory_space<semaphore_mem>>) src(%arg10 : memref<64x128xf32, #tpu.memory_space<vmem>>) dst(%dma_wait3A_172 : memref<64x128xf32, #tpu.memory_space<vmem_shared>>)
      tpu.yield
    }) : () -> ()
    %add3A_20 = arith.constant 384 : i32
    %add3A_21 = arith.addi %mul3A_7, %add3A_20 : i32
    "tpu.region"() ({
      %run_scoped3A = tpu.sem_alloc : memref<!tpu.dma_semaphore, #tpu.memory_space<semaphore_mem>>
      %dma_start3A = arith.constant 0 : i32
      %dma_start3A_167 = tpu.memref_slice %arg6[%add3A_21, %dma_start3A] : memref<10240x128xf32, #tpu.memory_space<vmem_shared>> -> memref<64x128xf32, #tpu.memory_space<vmem_shared>>
      %dma_start3A_168 = arith.constant 0 : i32
      %dma_start3A_169 = tpu.memref_slice %arg6[%add3A_21, %dma_start3A_168] : memref<10240x128xf32, #tpu.memory_space<vmem_shared>> -> memref<64x128xf32, #tpu.memory_space<vmem_shared>>
      tpu.enqueue_dma source(%arg10 : memref<64x128xf32, #tpu.memory_space<vmem>>) target(%dma_start3A_169 : memref<64x128xf32, #tpu.memory_space<vmem_shared>>) target_semaphore(%run_scoped3A : memref<!tpu.dma_semaphore, #tpu.memory_space<semaphore_mem>>)
      %dma_wait3A = arith.constant 0 : i32
      %dma_wait3A_170 = tpu.memref_slice %arg6[%add3A_21, %dma_wait3A] : memref<10240x128xf32, #tpu.memory_space<vmem_shared>> -> memref<64x128xf32, #tpu.memory_space<vmem_shared>>
      %dma_wait3A_171 = arith.constant 0 : i32
      %dma_wait3A_172 = tpu.memref_slice %arg6[%add3A_21, %dma_wait3A_171] : memref<10240x128xf32, #tpu.memory_space<vmem_shared>> -> memref<64x128xf32, #tpu.memory_space<vmem_shared>>
      tpu.wait_dma2 semaphore(%run_scoped3A : memref<!tpu.dma_semaphore, #tpu.memory_space<semaphore_mem>>) src(%arg10 : memref<64x128xf32, #tpu.memory_space<vmem>>) dst(%dma_wait3A_172 : memref<64x128xf32, #tpu.memory_space<vmem_shared>>)
      tpu.yield
    }) : () -> ()
    %add3A_22 = arith.constant 448 : i32
    %add3A_23 = arith.addi %mul3A_7, %add3A_22 : i32
    "tpu.region"() ({
      %run_scoped3A = tpu.sem_alloc : memref<!tpu.dma_semaphore, #tpu.memory_space<semaphore_mem>>
      %dma_start3A = arith.constant 0 : i32
      %dma_start3A_167 = tpu.memref_slice %arg6[%add3A_23, %dma_start3A] : memref<10240x128xf32, #tpu.memory_space<vmem_shared>> -> memref<64x128xf32, #tpu.memory_space<vmem_shared>>
      %dma_start3A_168 = arith.constant 0 : i32
      %dma_start3A_169 = tpu.memref_slice %arg6[%add3A_23, %dma_start3A_168] : memref<10240x128xf32, #tpu.memory_space<vmem_shared>> -> memref<64x128xf32, #tpu.memory_space<vmem_shared>>
      tpu.enqueue_dma source(%arg10 : memref<64x128xf32, #tpu.memory_space<vmem>>) target(%dma_start3A_169 : memref<64x128xf32, #tpu.memory_space<vmem_shared>>) target_semaphore(%run_scoped3A : memref<!tpu.dma_semaphore, #tpu.memory_space<semaphore_mem>>)
      %dma_wait3A = arith.constant 0 : i32
      %dma_wait3A_170 = tpu.memref_slice %arg6[%add3A_23, %dma_wait3A] : memref<10240x128xf32, #tpu.memory_space<vmem_shared>> -> memref<64x128xf32, #tpu.memory_space<vmem_shared>>
      %dma_wait3A_171 = arith.constant 0 : i32
      %dma_wait3A_172 = tpu.memref_slice %arg6[%add3A_23, %dma_wait3A_171] : memref<10240x128xf32, #tpu.memory_space<vmem_shared>> -> memref<64x128xf32, #tpu.memory_space<vmem_shared>>
      tpu.wait_dma2 semaphore(%run_scoped3A : memref<!tpu.dma_semaphore, #tpu.memory_space<semaphore_mem>>) src(%arg10 : memref<64x128xf32, #tpu.memory_space<vmem>>) dst(%dma_wait3A_172 : memref<64x128xf32, #tpu.memory_space<vmem_shared>>)
      tpu.yield
    }) : () -> ()
    %add3A_24 = arith.constant 512 : i32
    %add3A_25 = arith.addi %mul3A_7, %add3A_24 : i32
    "tpu.region"() ({
      %run_scoped3A = tpu.sem_alloc : memref<!tpu.dma_semaphore, #tpu.memory_space<semaphore_mem>>
      %dma_start3A = arith.constant 0 : i32
      %dma_start3A_167 = tpu.memref_slice %arg6[%add3A_25, %dma_start3A] : memref<10240x128xf32, #tpu.memory_space<vmem_shared>> -> memref<64x128xf32, #tpu.memory_space<vmem_shared>>
      %dma_start3A_168 = arith.constant 0 : i32
      %dma_start3A_169 = tpu.memref_slice %arg6[%add3A_25, %dma_start3A_168] : memref<10240x128xf32, #tpu.memory_space<vmem_shared>> -> memref<64x128xf32, #tpu.memory_space<vmem_shared>>
      tpu.enqueue_dma source(%arg10 : memref<64x128xf32, #tpu.memory_space<vmem>>) target(%dma_start3A_169 : memref<64x128xf32, #tpu.memory_space<vmem_shared>>) target_semaphore(%run_scoped3A : memref<!tpu.dma_semaphore, #tpu.memory_space<semaphore_mem>>)
      %dma_wait3A = arith.constant 0 : i32
      %dma_wait3A_170 = tpu.memref_slice %arg6[%add3A_25, %dma_wait3A] : memref<10240x128xf32, #tpu.memory_space<vmem_shared>> -> memref<64x128xf32, #tpu.memory_space<vmem_shared>>
      %dma_wait3A_171 = arith.constant 0 : i32
      %dma_wait3A_172 = tpu.memref_slice %arg6[%add3A_25, %dma_wait3A_171] : memref<10240x128xf32, #tpu.memory_space<vmem_shared>> -> memref<64x128xf32, #tpu.memory_space<vmem_shared>>
      tpu.wait_dma2 semaphore(%run_scoped3A : memref<!tpu.dma_semaphore, #tpu.memory_space<semaphore_mem>>) src(%arg10 : memref<64x128xf32, #tpu.memory_space<vmem>>) dst(%dma_wait3A_172 : memref<64x128xf32, #tpu.memory_space<vmem_shared>>)
      tpu.yield
    }) : () -> ()
    %add3A_26 = arith.constant 576 : i32
    %add3A_27 = arith.addi %mul3A_7, %add3A_26 : i32
    "tpu.region"() ({
      %run_scoped3A = tpu.sem_alloc : memref<!tpu.dma_semaphore, #tpu.memory_space<semaphore_mem>>
      %dma_start3A = arith.constant 0 : i32
      %dma_start3A_167 = tpu.memref_slice %arg6[%add3A_27, %dma_start3A] : memref<10240x128xf32, #tpu.memory_space<vmem_shared>> -> memref<64x128xf32, #tpu.memory_space<vmem_shared>>
      %dma_start3A_168 = arith.constant 0 : i32
      %dma_start3A_169 = tpu.memref_slice %arg6[%add3A_27, %dma_start3A_168] : memref<10240x128xf32, #tpu.memory_space<vmem_shared>> -> memref<64x128xf32, #tpu.memory_space<vmem_shared>>
      tpu.enqueue_dma source(%arg10 : memref<64x128xf32, #tpu.memory_space<vmem>>) target(%dma_start3A_169 : memref<64x128xf32, #tpu.memory_space<vmem_shared>>) target_semaphore(%run_scoped3A : memref<!tpu.dma_semaphore, #tpu.memory_space<semaphore_mem>>)
      %dma_wait3A = arith.constant 0 : i32
      %dma_wait3A_170 = tpu.memref_slice %arg6[%add3A_27, %dma_wait3A] : memref<10240x128xf32, #tpu.memory_space<vmem_shared>> -> memref<64x128xf32, #tpu.memory_space<vmem_shared>>
      %dma_wait3A_171 = arith.constant 0 : i32
      %dma_wait3A_172 = tpu.memref_slice %arg6[%add3A_27, %dma_wait3A_171] : memref<10240x128xf32, #tpu.memory_space<vmem_shared>> -> memref<64x128xf32, #tpu.memory_space<vmem_shared>>
      tpu.wait_dma2 semaphore(%run_scoped3A : memref<!tpu.dma_semaphore, #tpu.memory_space<semaphore_mem>>) src(%arg10 : memref<64x128xf32, #tpu.memory_space<vmem>>) dst(%dma_wait3A_172 : memref<64x128xf32, #tpu.memory_space<vmem_shared>>)
      tpu.yield
    }) : () -> ()
    %mul3A_28 = arith.constant 40 : i32
    %mul3A_29 = arith.muli %add3A, %mul3A_28 : i32
    "tpu.region"() ({
      %run_scoped3A = tpu.sem_alloc : memref<!tpu.dma_semaphore, #tpu.memory_space<semaphore_mem>>
      %dma_start3A = arith.constant 0 : i32
      %dma_start3A_167 = tpu.memref_slice %arg3[%mul3A_29, %dma_start3A] : memref<1280x128xi32, #tpu.memory_space<hbm>> -> memref<40x128xi32, #tpu.memory_space<hbm>>
      %dma_start3A_168 = arith.constant 0 : i32
      %dma_start3A_169 = tpu.memref_slice %arg3[%mul3A_29, %dma_start3A_168] : memref<1280x128xi32, #tpu.memory_space<hbm>> -> memref<40x128xi32, #tpu.memory_space<hbm>>
      tpu.enqueue_dma source(%dma_start3A_169 : memref<40x128xi32, #tpu.memory_space<hbm>>) target(%arg7 : memref<40x128xi32, #tpu.memory_space<vmem>>) target_semaphore(%run_scoped3A : memref<!tpu.dma_semaphore, #tpu.memory_space<semaphore_mem>>)
      %dma_wait3A = arith.constant 0 : i32
      %dma_wait3A_170 = tpu.memref_slice %arg3[%mul3A_29, %dma_wait3A] : memref<1280x128xi32, #tpu.memory_space<hbm>> -> memref<40x128xi32, #tpu.memory_space<hbm>>
      %dma_wait3A_171 = arith.constant 0 : i32
      %dma_wait3A_172 = tpu.memref_slice %arg3[%mul3A_29, %dma_wait3A_171] : memref<1280x128xi32, #tpu.memory_space<hbm>> -> memref<40x128xi32, #tpu.memory_space<hbm>>
      tpu.wait_dma2 semaphore(%run_scoped3A : memref<!tpu.dma_semaphore, #tpu.memory_space<semaphore_mem>>) src(%dma_wait3A_172 : memref<40x128xi32, #tpu.memory_space<hbm>>) dst(%arg7 : memref<40x128xi32, #tpu.memory_space<vmem>>)
      tpu.yield
    }) : () -> ()
    %mul3A_30 = arith.constant 40 : i32
    %mul3A_31 = arith.muli %add3A, %mul3A_30 : i32
    "tpu.region"() ({
      %run_scoped3A = tpu.sem_alloc : memref<!tpu.dma_semaphore, #tpu.memory_space<semaphore_mem>>
      %dma_start3A = arith.constant 0 : i32
      %dma_start3A_167 = tpu.memref_slice %arg4[%mul3A_31, %dma_start3A] : memref<1280x128xi32, #tpu.memory_space<hbm>> -> memref<40x128xi32, #tpu.memory_space<hbm>>
      %dma_start3A_168 = arith.constant 0 : i32
      %dma_start3A_169 = tpu.memref_slice %arg4[%mul3A_31, %dma_start3A_168] : memref<1280x128xi32, #tpu.memory_space<hbm>> -> memref<40x128xi32, #tpu.memory_space<hbm>>
      tpu.enqueue_dma source(%dma_start3A_169 : memref<40x128xi32, #tpu.memory_space<hbm>>) target(%arg9 : memref<40x128xi32, #tpu.memory_space<vmem>>) target_semaphore(%run_scoped3A : memref<!tpu.dma_semaphore, #tpu.memory_space<semaphore_mem>>)
      %dma_wait3A = arith.constant 0 : i32
      %dma_wait3A_170 = tpu.memref_slice %arg4[%mul3A_31, %dma_wait3A] : memref<1280x128xi32, #tpu.memory_space<hbm>> -> memref<40x128xi32, #tpu.memory_space<hbm>>
      %dma_wait3A_171 = arith.constant 0 : i32
      %dma_wait3A_172 = tpu.memref_slice %arg4[%mul3A_31, %dma_wait3A_171] : memref<1280x128xi32, #tpu.memory_space<hbm>> -> memref<40x128xi32, #tpu.memory_space<hbm>>
      tpu.wait_dma2 semaphore(%run_scoped3A : memref<!tpu.dma_semaphore, #tpu.memory_space<semaphore_mem>>) src(%dma_wait3A_172 : memref<40x128xi32, #tpu.memory_space<hbm>>) dst(%arg9 : memref<40x128xi32, #tpu.memory_space<vmem>>)
      tpu.yield
    }) : () -> ()
    %scan3A_32 = arith.constant 0 : i32
    %scan3A_33 = arith.constant 0 : i32
    %scan3A_34 = arith.constant 320 : i32
    %scan3A_35 = arith.addi %scan3A_33, %scan3A_34 : i32
    %scan3A_36 = arith.constant 1 : i32
    scf.for %scan3A_167 = %scan3A_33 to %scan3A_35 step %scan3A_36  : i32 {
      %jit3A = arith.constant 8 : i32
      %div3A = arith.divsi %scan3A_167, %jit3A : i32
      %sign3A = arith.constant 0 : i32
      %sign3A_168 = arith.cmpi sgt, %scan3A_167, %sign3A : i32
      %sign3A_169 = arith.extui %sign3A_168 : i1 to i32
      %sign3A_170 = arith.constant 0 : i32
      %sign3A_171 = arith.cmpi slt, %scan3A_167, %sign3A_170 : i32
      %sign3A_172 = arith.extui %sign3A_171 : i1 to i32
      %sign3A_173 = arith.subi %sign3A_169, %sign3A_172 : i32
      %sign3A_174 = arith.constant 0 : i32
      %sign3A_175 = arith.cmpi sgt, %jit3A, %sign3A_174 : i32
      %sign3A_176 = arith.extui %sign3A_175 : i1 to i32
      %sign3A_177 = arith.constant 0 : i32
      %sign3A_178 = arith.cmpi slt, %jit3A, %sign3A_177 : i32
      %sign3A_179 = arith.extui %sign3A_178 : i1 to i32
      %sign3A_180 = arith.subi %sign3A_176, %sign3A_179 : i32
      %ne3A = arith.cmpi ne, %sign3A_173, %sign3A_180 : i32
      %rem3A = arith.remsi %scan3A_167, %jit3A : i32
      %ne3A_181 = arith.constant 0 : i32
      %ne3A_182 = arith.cmpi ne, %rem3A, %ne3A_181 : i32
      %and3A = arith.andi %ne3A, %ne3A_182 : i1
      %sub3A = arith.constant 1 : i32
      %sub3A_183 = arith.subi %div3A, %sub3A : i32
      %select_n3A = arith.select %and3A, %sub3A_183, %div3A : i32
      %jit3A_184 = arith.constant 8 : i32
      %eq3A = arith.constant 0 : i32
      %eq3A_185 = arith.cmpi eq, %jit3A_184, %eq3A : i32
      %jit3A_186 = arith.constant 1 : i32
      %select_n3A_187 = arith.select %eq3A_185, %jit3A_186, %jit3A_184 : i32
      %rem3A_188 = arith.remsi %scan3A_167, %select_n3A_187 : i32
      %ne3A_189 = arith.constant 0 : i32
      %ne3A_190 = arith.cmpi ne, %rem3A_188, %ne3A_189 : i32
      %lt3A = arith.constant 0 : i32
      %lt3A_191 = arith.cmpi slt, %rem3A_188, %lt3A : i32
      %lt3A_192 = arith.constant 0 : i32
      %lt3A_193 = arith.cmpi slt, %select_n3A_187, %lt3A_192 : i32
      %ne3A_194 = arith.xori %lt3A_191, %lt3A_193 : i1
      %and3A_195 = arith.andi %ne3A_194, %ne3A_190 : i1
      %add3A_196 = arith.addi %rem3A_188, %select_n3A_187 : i32
      %select_n3A_197 = arith.select %and3A_195, %add3A_196, %rem3A_188 : i32
      %mul3A_198 = arith.constant 16 : i32
      %mul3A_199 = arith.muli %select_n3A_197, %mul3A_198 : i32
      %get3A = arith.index_cast %select_n3A : i32 to index
      %get3A_200 = arith.index_cast %mul3A_199 : i32 to index
      %get3A_201 = tpu.vector_load %arg7[%get3A, %get3A_200] {strides = array<i32>} : memref<40x128xi32, #tpu.memory_space<vmem>>, vector<1x16xi32>,
      %get3A_202 = vector.shape_cast %get3A_201 : vector<1x16xi32> to vector<16xi32>
      %mul3A_203 = arith.constant 4 : i32
      %mul3A_204 = vector.broadcast %mul3A_203 : i32 to vector<16xi32>
      %mul3A_205 = arith.muli %get3A_202, %mul3A_204 : vector<16xi32>
      %add3A_206 = arith.constant 0 : i32
      %add3A_207 = vector.broadcast %add3A_206 : i32 to vector<16xi32>
      %add3A_208 = arith.addi %mul3A_205, %add3A_207 : vector<16xi32>
      %jit3A_209 = arith.constant 8 : i32
      %div3A_210 = arith.divsi %scan3A_167, %jit3A_209 : i32
      %sign3A_211 = arith.constant 0 : i32
      %sign3A_212 = arith.cmpi sgt, %scan3A_167, %sign3A_211 : i32
      %sign3A_213 = arith.extui %sign3A_212 : i1 to i32
      %sign3A_214 = arith.constant 0 : i32
      %sign3A_215 = arith.cmpi slt, %scan3A_167, %sign3A_214 : i32
      %sign3A_216 = arith.extui %sign3A_215 : i1 to i32
      %sign3A_217 = arith.subi %sign3A_213, %sign3A_216 : i32
      %sign3A_218 = arith.constant 0 : i32
      %sign3A_219 = arith.cmpi sgt, %jit3A_209, %sign3A_218 : i32
      %sign3A_220 = arith.extui %sign3A_219 : i1 to i32
      %sign3A_221 = arith.constant 0 : i32
      %sign3A_222 = arith.cmpi slt, %jit3A_209, %sign3A_221 : i32
      %sign3A_223 = arith.extui %sign3A_222 : i1 to i32
      %sign3A_224 = arith.subi %sign3A_220, %sign3A_223 : i32
      %ne3A_225 = arith.cmpi ne, %sign3A_217, %sign3A_224 : i32
      %rem3A_226 = arith.remsi %scan3A_167, %jit3A_209 : i32
      %ne3A_227 = arith.constant 0 : i32
      %ne3A_228 = arith.cmpi ne, %rem3A_226, %ne3A_227 : i32
      %and3A_229 = arith.andi %ne3A_225, %ne3A_228 : i1
      %sub3A_230 = arith.constant 1 : i32
      %sub3A_231 = arith.subi %div3A_210, %sub3A_230 : i32
      %select_n3A_232 = arith.select %and3A_229, %sub3A_231, %div3A_210 : i32
      %jit3A_233 = arith.constant 8 : i32
      %eq3A_234 = arith.constant 0 : i32
      %eq3A_235 = arith.cmpi eq, %jit3A_233, %eq3A_234 : i32
      %jit3A_236 = arith.constant 1 : i32
      %select_n3A_237 = arith.select %eq3A_235, %jit3A_236, %jit3A_233 : i32
      %rem3A_238 = arith.remsi %scan3A_167, %select_n3A_237 : i32
      %ne3A_239 = arith.constant 0 : i32
      %ne3A_240 = arith.cmpi ne, %rem3A_238, %ne3A_239 : i32
      %lt3A_241 = arith.constant 0 : i32
      %lt3A_242 = arith.cmpi slt, %rem3A_238, %lt3A_241 : i32
      %lt3A_243 = arith.constant 0 : i32
      %lt3A_244 = arith.cmpi slt, %select_n3A_237, %lt3A_243 : i32
      %ne3A_245 = arith.xori %lt3A_242, %lt3A_244 : i1
      %and3A_246 = arith.andi %ne3A_245, %ne3A_240 : i1
      %add3A_247 = arith.addi %rem3A_238, %select_n3A_237 : i32
      %select_n3A_248 = arith.select %and3A_246, %add3A_247, %rem3A_238 : i32
      %mul3A_249 = arith.constant 16 : i32
      %mul3A_250 = arith.muli %select_n3A_248, %mul3A_249 : i32
      %swap3A = arith.index_cast %select_n3A_232 : i32 to index
      %swap3A_251 = arith.index_cast %mul3A_250 : i32 to index
      %swap3A_252 = tpu.vector_load %arg8[%swap3A, %swap3A_251] {strides = array<i32>} : memref<40x128xi32, #tpu.memory_space<vmem>>, vector<1x16xi32>,
      %swap3A_253 = vector.shape_cast %swap3A_252 : vector<1x16xi32> to vector<16xi32>
      %swap3A_254 = vector.shape_cast %add3A_208 : vector<16xi32> to vector<1x16xi32>
      tpu.vector_store %arg8[%swap3A, %swap3A_251], %swap3A_254 {strides = array<i32>} : memref<40x128xi32, #tpu.memory_space<vmem>>, vector<1x16xi32>,
    }
    %scan3A_37 = arith.constant 320 : i32
    %barrier3A = arith.constant 0 : index
    tpu.barrier barrier_id(%barrier3A)
    %scan3A_38 = arith.constant 0 : i32
    %scan3A_39 = arith.constant 0 : i32
    %scan3A_40 = arith.constant 40 : i32
    %scan3A_41 = arith.addi %scan3A_39, %scan3A_40 : i32
    %scan3A_42 = arith.constant 1 : i32
    scf.for %scan3A_167 = %scan3A_39 to %scan3A_41 step %scan3A_42  : i32 {
      %dma_start3A = arith.constant 0 : i32
      %dma_start3A_168 = tpu.memref_slice %arg8[%scan3A_167, %dma_start3A] : memref<40x128xi32, #tpu.memory_space<vmem>> -> memref<1x128xi32, #tpu.memory_space<vmem>>
      %dma_start3A_169 = tpu.memref_squeeze %dma_start3A_168 : memref<1x128xi32, #tpu.memory_space<vmem>> -> memref<128xi32, #tpu.memory_space<vmem>>
      %dma_start3A_170 = arith.constant 0 : i32
      %dma_start3A_171 = arith.constant 0 : i32
      %dma_start3A_172 = tpu.memref_slice %arg2[%dma_start3A_170, %dma_start3A_171] : memref<40000x128xf32, #tpu.memory_space<hbm>> -> memref<40000x128xf32, #tpu.memory_space<hbm>>
      tpu.enqueue_indirect_dma source(%dma_start3A_172 : memref<40000x128xf32, #tpu.memory_space<hbm>>) target(%arg11 : memref<128x128xf32, #tpu.memory_space<vmem>>) offsets(%dma_start3A_169 : memref<128xi32, #tpu.memory_space<vmem>>) semaphore(%arg13 : memref<!tpu.dma_semaphore, #tpu.memory_space<semaphore_mem>>)
      %dma_wait3A = arith.constant 0 : i32
      %dma_wait3A_173 = tpu.memref_slice %arg8[%scan3A_167, %dma_wait3A] : memref<40x128xi32, #tpu.memory_space<vmem>> -> memref<1x128xi32, #tpu.memory_space<vmem>>
      %dma_wait3A_174 = tpu.memref_squeeze %dma_wait3A_173 : memref<1x128xi32, #tpu.memory_space<vmem>> -> memref<128xi32, #tpu.memory_space<vmem>>
      %dma_wait3A_175 = arith.constant 0 : i32
      %dma_wait3A_176 = arith.constant 0 : i32
      %dma_wait3A_177 = tpu.memref_slice %arg2[%dma_wait3A_175, %dma_wait3A_176] : memref<40000x128xf32, #tpu.memory_space<hbm>> -> memref<40000x128xf32, #tpu.memory_space<hbm>>
      tpu.wait_indirect_dma semaphore(%arg13 : memref<!tpu.dma_semaphore, #tpu.memory_space<semaphore_mem>>) src(%dma_wait3A_177 : memref<40000x128xf32, #tpu.memory_space<hbm>>) dst(%arg11 : memref<128x128xf32, #tpu.memory_space<vmem>>)
      "tpu.region"() ({
        %run_scoped3A = tpu.sem_alloc : memref<!tpu.dma_semaphore, #tpu.memory_space<semaphore_mem>>
        %dma_start3A_178 = arith.constant 0 : i32
        %dma_start3A_179 = tpu.memref_slice %arg9[%scan3A_167, %dma_start3A_178] : memref<40x128xi32, #tpu.memory_space<vmem>> -> memref<1x128xi32, #tpu.memory_space<vmem>>
        %dma_start3A_180 = tpu.memref_squeeze %dma_start3A_179 : memref<1x128xi32, #tpu.memory_space<vmem>> -> memref<128xi32, #tpu.memory_space<vmem>>
        %dma_start3A_181 = arith.constant 0 : i32
        %dma_start3A_182 = arith.constant 0 : i32
        %dma_start3A_183 = tpu.memref_slice %arg6[%dma_start3A_181, %dma_start3A_182] : memref<10240x128xf32, #tpu.memory_space<vmem_shared>> -> memref<10240x128xf32, #tpu.memory_space<vmem_shared>>
        tpu.enqueue_indirect_dma source(%arg11 : memref<128x128xf32, #tpu.memory_space<vmem>>) target(%dma_start3A_183 : memref<10240x128xf32, #tpu.memory_space<vmem_shared>>) offsets(%dma_start3A_180 : memref<128xi32, #tpu.memory_space<vmem>>) semaphore(%run_scoped3A : memref<!tpu.dma_semaphore, #tpu.memory_space<semaphore_mem>>) {add = true}
        %dma_wait3A_184 = arith.constant 0 : i32
        %dma_wait3A_185 = tpu.memref_slice %arg9[%scan3A_167, %dma_wait3A_184] : memref<40x128xi32, #tpu.memory_space<vmem>> -> memref<1x128xi32, #tpu.memory_space<vmem>>
        %dma_wait3A_186 = tpu.memref_squeeze %dma_wait3A_185 : memref<1x128xi32, #tpu.memory_space<vmem>> -> memref<128xi32, #tpu.memory_space<vmem>>
        %dma_wait3A_187 = arith.constant 0 : i32
        %dma_wait3A_188 = arith.constant 0 : i32
        %dma_wait3A_189 = tpu.memref_slice %arg6[%dma_wait3A_187, %dma_wait3A_188] : memref<10240x128xf32, #tpu.memory_space<vmem_shared>> -> memref<10240x128xf32, #tpu.memory_space<vmem_shared>>
        tpu.wait_indirect_dma semaphore(%run_scoped3A : memref<!tpu.dma_semaphore, #tpu.memory_space<semaphore_mem>>) src(%arg11 : memref<128x128xf32, #tpu.memory_space<vmem>>) dst(%dma_wait3A_189 : memref<10240x128xf32, #tpu.memory_space<vmem_shared>>)
        tpu.yield
      }) : () -> ()
    }
    %scan3A_43 = arith.constant 40 : i32
    %barrier3A_44 = arith.constant 0 : index
    tpu.barrier barrier_id(%barrier3A_44)
    %add3A_45 = arith.constant 0 : i32
    %add3A_46 = arith.addi %add3A_45, %arg0 : i32
    %mul3A_47 = arith.constant 10240 : i32
    %mul3A_48 = arith.muli %add3A_46, %mul3A_47 : i32
    %add3A_49 = arith.addi %mul3A_48, %mul3A_7 : i32
    "tpu.region"() ({
      %run_scoped3A = tpu.sem_alloc : memref<!tpu.dma_semaphore, #tpu.memory_space<semaphore_mem>>
      %dma_start3A = arith.constant 0 : i32
      %dma_start3A_167 = tpu.memref_slice %arg5[%add3A_49, %dma_start3A] : memref<81920x128xf32, #tpu.memory_space<hbm>> -> memref<640x128xf32, #tpu.memory_space<hbm>>
      %dma_start3A_168 = arith.constant 0 : i32
      %dma_start3A_169 = tpu.memref_slice %arg6[%mul3A_7, %dma_start3A_168] : memref<10240x128xf32, #tpu.memory_space<vmem_shared>> -> memref<640x128xf32, #tpu.memory_space<vmem_shared>>
      tpu.enqueue_dma source(%dma_start3A_169 : memref<640x128xf32, #tpu.memory_space<vmem_shared>>) target(%dma_start3A_167 : memref<640x128xf32, #tpu.memory_space<hbm>>) target_semaphore(%run_scoped3A : memref<!tpu.dma_semaphore, #tpu.memory_space<semaphore_mem>>)
      %dma_wait3A = arith.constant 0 : i32
      %dma_wait3A_170 = tpu.memref_slice %arg5[%add3A_49, %dma_wait3A] : memref<81920x128xf32, #tpu.memory_space<hbm>> -> memref<640x128xf32, #tpu.memory_space<hbm>>
      %dma_wait3A_171 = arith.constant 0 : i32
      %dma_wait3A_172 = tpu.memref_slice %arg6[%mul3A_7, %dma_wait3A_171] : memref<10240x128xf32, #tpu.memory_space<vmem_shared>> -> memref<640x128xf32, #tpu.memory_space<vmem_shared>>
      tpu.wait_dma2 semaphore(%run_scoped3A : memref<!tpu.dma_semaphore, #tpu.memory_space<semaphore_mem>>) src(%dma_wait3A_172 : memref<640x128xf32, #tpu.memory_space<vmem_shared>>) dst(%dma_wait3A_170 : memref<640x128xf32, #tpu.memory_space<hbm>>)
      tpu.yield
    }) : () -> ()
    %add3A_50 = arith.constant 0 : i32
    %add3A_51 = arith.addi %mul3A_7, %add3A_50 : i32
    "tpu.region"() ({
      %run_scoped3A = tpu.sem_alloc : memref<!tpu.dma_semaphore, #tpu.memory_space<semaphore_mem>>
      %dma_start3A = arith.constant 0 : i32
      %dma_start3A_167 = tpu.memref_slice %arg6[%add3A_51, %dma_start3A] : memref<10240x128xf32, #tpu.memory_space<vmem_shared>> -> memref<64x128xf32, #tpu.memory_space<vmem_shared>>
      %dma_start3A_168 = arith.constant 0 : i32
      %dma_start3A_169 = tpu.memref_slice %arg6[%add3A_51, %dma_start3A_168] : memref<10240x128xf32, #tpu.memory_space<vmem_shared>> -> memref<64x128xf32, #tpu.memory_space<vmem_shared>>
      tpu.enqueue_dma source(%arg10 : memref<64x128xf32, #tpu.memory_space<vmem>>) target(%dma_start3A_169 : memref<64x128xf32, #tpu.memory_space<vmem_shared>>) target_semaphore(%run_scoped3A : memref<!tpu.dma_semaphore, #tpu.memory_space<semaphore_mem>>)
      %dma_wait3A = arith.constant 0 : i32
      %dma_wait3A_170 = tpu.memref_slice %arg6[%add3A_51, %dma_wait3A] : memref<10240x128xf32, #tpu.memory_space<vmem_shared>> -> memref<64x128xf32, #tpu.memory_space<vmem_shared>>
      %dma_wait3A_171 = arith.constant 0 : i32
      %dma_wait3A_172 = tpu.memref_slice %arg6[%add3A_51, %dma_wait3A_171] : memref<10240x128xf32, #tpu.memory_space<vmem_shared>> -> memref<64x128xf32, #tpu.memory_space<vmem_shared>>
      tpu.wait_dma2 semaphore(%run_scoped3A : memref<!tpu.dma_semaphore, #tpu.memory_space<semaphore_mem>>) src(%arg10 : memref<64x128xf32, #tpu.memory_space<vmem>>) dst(%dma_wait3A_172 : memref<64x128xf32, #tpu.memory_space<vmem_shared>>)
      tpu.yield
    }) : () -> ()
    %add3A_52 = arith.constant 64 : i32
    %add3A_53 = arith.addi %mul3A_7, %add3A_52 : i32
    "tpu.region"() ({
      %run_scoped3A = tpu.sem_alloc : memref<!tpu.dma_semaphore, #tpu.memory_space<semaphore_mem>>
      %dma_start3A = arith.constant 0 : i32
      %dma_start3A_167 = tpu.memref_slice %arg6[%add3A_53, %dma_start3A] : memref<10240x128xf32, #tpu.memory_space<vmem_shared>> -> memref<64x128xf32, #tpu.memory_space<vmem_shared>>
      %dma_start3A_168 = arith.constant 0 : i32
      %dma_start3A_169 = tpu.memref_slice %arg6[%add3A_53, %dma_start3A_168] : memref<10240x128xf32, #tpu.memory_space<vmem_shared>> -> memref<64x128xf32, #tpu.memory_space<vmem_shared>>
      tpu.enqueue_dma source(%arg10 : memref<64x128xf32, #tpu.memory_space<vmem>>) target(%dma_start3A_169 : memref<64x128xf32, #tpu.memory_space<vmem_shared>>) target_semaphore(%run_scoped3A : memref<!tpu.dma_semaphore, #tpu.memory_space<semaphore_mem>>)
      %dma_wait3A = arith.constant 0 : i32
      %dma_wait3A_170 = tpu.memref_slice %arg6[%add3A_53, %dma_wait3A] : memref<10240x128xf32, #tpu.memory_space<vmem_shared>> -> memref<64x128xf32, #tpu.memory_space<vmem_shared>>
      %dma_wait3A_171 = arith.constant 0 : i32
      %dma_wait3A_172 = tpu.memref_slice %arg6[%add3A_53, %dma_wait3A_171] : memref<10240x128xf32, #tpu.memory_space<vmem_shared>> -> memref<64x128xf32, #tpu.memory_space<vmem_shared>>
      tpu.wait_dma2 semaphore(%run_scoped3A : memref<!tpu.dma_semaphore, #tpu.memory_space<semaphore_mem>>) src(%arg10 : memref<64x128xf32, #tpu.memory_space<vmem>>) dst(%dma_wait3A_172 : memref<64x128xf32, #tpu.memory_space<vmem_shared>>)
      tpu.yield
    }) : () -> ()
    %add3A_54 = arith.constant 128 : i32
    %add3A_55 = arith.addi %mul3A_7, %add3A_54 : i32
    "tpu.region"() ({
      %run_scoped3A = tpu.sem_alloc : memref<!tpu.dma_semaphore, #tpu.memory_space<semaphore_mem>>
      %dma_start3A = arith.constant 0 : i32
      %dma_start3A_167 = tpu.memref_slice %arg6[%add3A_55, %dma_start3A] : memref<10240x128xf32, #tpu.memory_space<vmem_shared>> -> memref<64x128xf32, #tpu.memory_space<vmem_shared>>
      %dma_start3A_168 = arith.constant 0 : i32
      %dma_start3A_169 = tpu.memref_slice %arg6[%add3A_55, %dma_start3A_168] : memref<10240x128xf32, #tpu.memory_space<vmem_shared>> -> memref<64x128xf32, #tpu.memory_space<vmem_shared>>
      tpu.enqueue_dma source(%arg10 : memref<64x128xf32, #tpu.memory_space<vmem>>) target(%dma_start3A_169 : memref<64x128xf32, #tpu.memory_space<vmem_shared>>) target_semaphore(%run_scoped3A : memref<!tpu.dma_semaphore, #tpu.memory_space<semaphore_mem>>)
      %dma_wait3A = arith.constant 0 : i32
      %dma_wait3A_170 = tpu.memref_slice %arg6[%add3A_55, %dma_wait3A] : memref<10240x128xf32, #tpu.memory_space<vmem_shared>> -> memref<64x128xf32, #tpu.memory_space<vmem_shared>>
      %dma_wait3A_171 = arith.constant 0 : i32
      %dma_wait3A_172 = tpu.memref_slice %arg6[%add3A_55, %dma_wait3A_171] : memref<10240x128xf32, #tpu.memory_space<vmem_shared>> -> memref<64x128xf32, #tpu.memory_space<vmem_shared>>
      tpu.wait_dma2 semaphore(%run_scoped3A : memref<!tpu.dma_semaphore, #tpu.memory_space<semaphore_mem>>) src(%arg10 : memref<64x128xf32, #tpu.memory_space<vmem>>) dst(%dma_wait3A_172 : memref<64x128xf32, #tpu.memory_space<vmem_shared>>)
      tpu.yield
    }) : () -> ()
    %add3A_56 = arith.constant 192 : i32
    %add3A_57 = arith.addi %mul3A_7, %add3A_56 : i32
    "tpu.region"() ({
      %run_scoped3A = tpu.sem_alloc : memref<!tpu.dma_semaphore, #tpu.memory_space<semaphore_mem>>
      %dma_start3A = arith.constant 0 : i32
      %dma_start3A_167 = tpu.memref_slice %arg6[%add3A_57, %dma_start3A] : memref<10240x128xf32, #tpu.memory_space<vmem_shared>> -> memref<64x128xf32, #tpu.memory_space<vmem_shared>>
      %dma_start3A_168 = arith.constant 0 : i32
      %dma_start3A_169 = tpu.memref_slice %arg6[%add3A_57, %dma_start3A_168] : memref<10240x128xf32, #tpu.memory_space<vmem_shared>> -> memref<64x128xf32, #tpu.memory_space<vmem_shared>>
      tpu.enqueue_dma source(%arg10 : memref<64x128xf32, #tpu.memory_space<vmem>>) target(%dma_start3A_169 : memref<64x128xf32, #tpu.memory_space<vmem_shared>>) target_semaphore(%run_scoped3A : memref<!tpu.dma_semaphore, #tpu.memory_space<semaphore_mem>>)
      %dma_wait3A = arith.constant 0 : i32
      %dma_wait3A_170 = tpu.memref_slice %arg6[%add3A_57, %dma_wait3A] : memref<10240x128xf32, #tpu.memory_space<vmem_shared>> -> memref<64x128xf32, #tpu.memory_space<vmem_shared>>
      %dma_wait3A_171 = arith.constant 0 : i32
      %dma_wait3A_172 = tpu.memref_slice %arg6[%add3A_57, %dma_wait3A_171] : memref<10240x128xf32, #tpu.memory_space<vmem_shared>> -> memref<64x128xf32, #tpu.memory_space<vmem_shared>>
      tpu.wait_dma2 semaphore(%run_scoped3A : memref<!tpu.dma_semaphore, #tpu.memory_space<semaphore_mem>>) src(%arg10 : memref<64x128xf32, #tpu.memory_space<vmem>>) dst(%dma_wait3A_172 : memref<64x128xf32, #tpu.memory_space<vmem_shared>>)
      tpu.yield
    }) : () -> ()
    %add3A_58 = arith.constant 256 : i32
    %add3A_59 = arith.addi %mul3A_7, %add3A_58 : i32
    "tpu.region"() ({
      %run_scoped3A = tpu.sem_alloc : memref<!tpu.dma_semaphore, #tpu.memory_space<semaphore_mem>>
      %dma_start3A = arith.constant 0 : i32
      %dma_start3A_167 = tpu.memref_slice %arg6[%add3A_59, %dma_start3A] : memref<10240x128xf32, #tpu.memory_space<vmem_shared>> -> memref<64x128xf32, #tpu.memory_space<vmem_shared>>
      %dma_start3A_168 = arith.constant 0 : i32
      %dma_start3A_169 = tpu.memref_slice %arg6[%add3A_59, %dma_start3A_168] : memref<10240x128xf32, #tpu.memory_space<vmem_shared>> -> memref<64x128xf32, #tpu.memory_space<vmem_shared>>
      tpu.enqueue_dma source(%arg10 : memref<64x128xf32, #tpu.memory_space<vmem>>) target(%dma_start3A_169 : memref<64x128xf32, #tpu.memory_space<vmem_shared>>) target_semaphore(%run_scoped3A : memref<!tpu.dma_semaphore, #tpu.memory_space<semaphore_mem>>)
      %dma_wait3A = arith.constant 0 : i32
      %dma_wait3A_170 = tpu.memref_slice %arg6[%add3A_59, %dma_wait3A] : memref<10240x128xf32, #tpu.memory_space<vmem_shared>> -> memref<64x128xf32, #tpu.memory_space<vmem_shared>>
      %dma_wait3A_171 = arith.constant 0 : i32
      %dma_wait3A_172 = tpu.memref_slice %arg6[%add3A_59, %dma_wait3A_171] : memref<10240x128xf32, #tpu.memory_space<vmem_shared>> -> memref<64x128xf32, #tpu.memory_space<vmem_shared>>
      tpu.wait_dma2 semaphore(%run_scoped3A : memref<!tpu.dma_semaphore, #tpu.memory_space<semaphore_mem>>) src(%arg10 : memref<64x128xf32, #tpu.memory_space<vmem>>) dst(%dma_wait3A_172 : memref<64x128xf32, #tpu.memory_space<vmem_shared>>)
      tpu.yield
    }) : () -> ()
    %add3A_60 = arith.constant 320 : i32
    %add3A_61 = arith.addi %mul3A_7, %add3A_60 : i32
    "tpu.region"() ({
      %run_scoped3A = tpu.sem_alloc : memref<!tpu.dma_semaphore, #tpu.memory_space<semaphore_mem>>
      %dma_start3A = arith.constant 0 : i32
      %dma_start3A_167 = tpu.memref_slice %arg6[%add3A_61, %dma_start3A] : memref<10240x128xf32, #tpu.memory_space<vmem_shared>> -> memref<64x128xf32, #tpu.memory_space<vmem_shared>>
      %dma_start3A_168 = arith.constant 0 : i32
      %dma_start3A_169 = tpu.memref_slice %arg6[%add3A_61, %dma_start3A_168] : memref<10240x128xf32, #tpu.memory_space<vmem_shared>> -> memref<64x128xf32, #tpu.memory_space<vmem_shared>>
      tpu.enqueue_dma source(%arg10 : memref<64x128xf32, #tpu.memory_space<vmem>>) target(%dma_start3A_169 : memref<64x128xf32, #tpu.memory_space<vmem_shared>>) target_semaphore(%run_scoped3A : memref<!tpu.dma_semaphore, #tpu.memory_space<semaphore_mem>>)
      %dma_wait3A = arith.constant 0 : i32
      %dma_wait3A_170 = tpu.memref_slice %arg6[%add3A_61, %dma_wait3A] : memref<10240x128xf32, #tpu.memory_space<vmem_shared>> -> memref<64x128xf32, #tpu.memory_space<vmem_shared>>
      %dma_wait3A_171 = arith.constant 0 : i32
      %dma_wait3A_172 = tpu.memref_slice %arg6[%add3A_61, %dma_wait3A_171] : memref<10240x128xf32, #tpu.memory_space<vmem_shared>> -> memref<64x128xf32, #tpu.memory_space<vmem_shared>>
      tpu.wait_dma2 semaphore(%run_scoped3A : memref<!tpu.dma_semaphore, #tpu.memory_space<semaphore_mem>>) src(%arg10 : memref<64x128xf32, #tpu.memory_space<vmem>>) dst(%dma_wait3A_172 : memref<64x128xf32, #tpu.memory_space<vmem_shared>>)
      tpu.yield
    }) : () -> ()
    %add3A_62 = arith.constant 384 : i32
    %add3A_63 = arith.addi %mul3A_7, %add3A_62 : i32
    "tpu.region"() ({
      %run_scoped3A = tpu.sem_alloc : memref<!tpu.dma_semaphore, #tpu.memory_space<semaphore_mem>>
      %dma_start3A = arith.constant 0 : i32
      %dma_start3A_167 = tpu.memref_slice %arg6[%add3A_63, %dma_start3A] : memref<10240x128xf32, #tpu.memory_space<vmem_shared>> -> memref<64x128xf32, #tpu.memory_space<vmem_shared>>
      %dma_start3A_168 = arith.constant 0 : i32
      %dma_start3A_169 = tpu.memref_slice %arg6[%add3A_63, %dma_start3A_168] : memref<10240x128xf32, #tpu.memory_space<vmem_shared>> -> memref<64x128xf32, #tpu.memory_space<vmem_shared>>
      tpu.enqueue_dma source(%arg10 : memref<64x128xf32, #tpu.memory_space<vmem>>) target(%dma_start3A_169 : memref<64x128xf32, #tpu.memory_space<vmem_shared>>) target_semaphore(%run_scoped3A : memref<!tpu.dma_semaphore, #tpu.memory_space<semaphore_mem>>)
      %dma_wait3A = arith.constant 0 : i32
      %dma_wait3A_170 = tpu.memref_slice %arg6[%add3A_63, %dma_wait3A] : memref<10240x128xf32, #tpu.memory_space<vmem_shared>> -> memref<64x128xf32, #tpu.memory_space<vmem_shared>>
      %dma_wait3A_171 = arith.constant 0 : i32
      %dma_wait3A_172 = tpu.memref_slice %arg6[%add3A_63, %dma_wait3A_171] : memref<10240x128xf32, #tpu.memory_space<vmem_shared>> -> memref<64x128xf32, #tpu.memory_space<vmem_shared>>
      tpu.wait_dma2 semaphore(%run_scoped3A : memref<!tpu.dma_semaphore, #tpu.memory_space<semaphore_mem>>) src(%arg10 : memref<64x128xf32, #tpu.memory_space<vmem>>) dst(%dma_wait3A_172 : memref<64x128xf32, #tpu.memory_space<vmem_shared>>)
      tpu.yield
    }) : () -> ()
    %add3A_64 = arith.constant 448 : i32
    %add3A_65 = arith.addi %mul3A_7, %add3A_64 : i32
    "tpu.region"() ({
      %run_scoped3A = tpu.sem_alloc : memref<!tpu.dma_semaphore, #tpu.memory_space<semaphore_mem>>
      %dma_start3A = arith.constant 0 : i32
      %dma_start3A_167 = tpu.memref_slice %arg6[%add3A_65, %dma_start3A] : memref<10240x128xf32, #tpu.memory_space<vmem_shared>> -> memref<64x128xf32, #tpu.memory_space<vmem_shared>>
      %dma_start3A_168 = arith.constant 0 : i32
      %dma_start3A_169 = tpu.memref_slice %arg6[%add3A_65, %dma_start3A_168] : memref<10240x128xf32, #tpu.memory_space<vmem_shared>> -> memref<64x128xf32, #tpu.memory_space<vmem_shared>>
      tpu.enqueue_dma source(%arg10 : memref<64x128xf32, #tpu.memory_space<vmem>>) target(%dma_start3A_169 : memref<64x128xf32, #tpu.memory_space<vmem_shared>>) target_semaphore(%run_scoped3A : memref<!tpu.dma_semaphore, #tpu.memory_space<semaphore_mem>>)
      %dma_wait3A = arith.constant 0 : i32
      %dma_wait3A_170 = tpu.memref_slice %arg6[%add3A_65, %dma_wait3A] : memref<10240x128xf32, #tpu.memory_space<vmem_shared>> -> memref<64x128xf32, #tpu.memory_space<vmem_shared>>
      %dma_wait3A_171 = arith.constant 0 : i32
      %dma_wait3A_172 = tpu.memref_slice %arg6[%add3A_65, %dma_wait3A_171] : memref<10240x128xf32, #tpu.memory_space<vmem_shared>> -> memref<64x128xf32, #tpu.memory_space<vmem_shared>>
      tpu.wait_dma2 semaphore(%run_scoped3A : memref<!tpu.dma_semaphore, #tpu.memory_space<semaphore_mem>>) src(%arg10 : memref<64x128xf32, #tpu.memory_space<vmem>>) dst(%dma_wait3A_172 : memref<64x128xf32, #tpu.memory_space<vmem_shared>>)
      tpu.yield
    }) : () -> ()
    %add3A_66 = arith.constant 512 : i32
    %add3A_67 = arith.addi %mul3A_7, %add3A_66 : i32
    "tpu.region"() ({
      %run_scoped3A = tpu.sem_alloc : memref<!tpu.dma_semaphore, #tpu.memory_space<semaphore_mem>>
      %dma_start3A = arith.constant 0 : i32
      %dma_start3A_167 = tpu.memref_slice %arg6[%add3A_67, %dma_start3A] : memref<10240x128xf32, #tpu.memory_space<vmem_shared>> -> memref<64x128xf32, #tpu.memory_space<vmem_shared>>
      %dma_start3A_168 = arith.constant 0 : i32
      %dma_start3A_169 = tpu.memref_slice %arg6[%add3A_67, %dma_start3A_168] : memref<10240x128xf32, #tpu.memory_space<vmem_shared>> -> memref<64x128xf32, #tpu.memory_space<vmem_shared>>
      tpu.enqueue_dma source(%arg10 : memref<64x128xf32, #tpu.memory_space<vmem>>) target(%dma_start3A_169 : memref<64x128xf32, #tpu.memory_space<vmem_shared>>) target_semaphore(%run_scoped3A : memref<!tpu.dma_semaphore, #tpu.memory_space<semaphore_mem>>)
      %dma_wait3A = arith.constant 0 : i32
      %dma_wait3A_170 = tpu.memref_slice %arg6[%add3A_67, %dma_wait3A] : memref<10240x128xf32, #tpu.memory_space<vmem_shared>> -> memref<64x128xf32, #tpu.memory_space<vmem_shared>>
      %dma_wait3A_171 = arith.constant 0 : i32
      %dma_wait3A_172 = tpu.memref_slice %arg6[%add3A_67, %dma_wait3A_171] : memref<10240x128xf32, #tpu.memory_space<vmem_shared>> -> memref<64x128xf32, #tpu.memory_space<vmem_shared>>
      tpu.wait_dma2 semaphore(%run_scoped3A : memref<!tpu.dma_semaphore, #tpu.memory_space<semaphore_mem>>) src(%arg10 : memref<64x128xf32, #tpu.memory_space<vmem>>) dst(%dma_wait3A_172 : memref<64x128xf32, #tpu.memory_space<vmem_shared>>)
      tpu.yield
    }) : () -> ()
    %add3A_68 = arith.constant 576 : i32
    %add3A_69 = arith.addi %mul3A_7, %add3A_68 : i32
    "tpu.region"() ({
      %run_scoped3A = tpu.sem_alloc : memref<!tpu.dma_semaphore, #tpu.memory_space<semaphore_mem>>
      %dma_start3A = arith.constant 0 : i32
      %dma_start3A_167 = tpu.memref_slice %arg6[%add3A_69, %dma_start3A] : memref<10240x128xf32, #tpu.memory_space<vmem_shared>> -> memref<64x128xf32, #tpu.memory_space<vmem_shared>>
      %dma_start3A_168 = arith.constant 0 : i32
      %dma_start3A_169 = tpu.memref_slice %arg6[%add3A_69, %dma_start3A_168] : memref<10240x128xf32, #tpu.memory_space<vmem_shared>> -> memref<64x128xf32, #tpu.memory_space<vmem_shared>>
      tpu.enqueue_dma source(%arg10 : memref<64x128xf32, #tpu.memory_space<vmem>>) target(%dma_start3A_169 : memref<64x128xf32, #tpu.memory_space<vmem_shared>>) target_semaphore(%run_scoped3A : memref<!tpu.dma_semaphore, #tpu.memory_space<semaphore_mem>>)
      %dma_wait3A = arith.constant 0 : i32
      %dma_wait3A_170 = tpu.memref_slice %arg6[%add3A_69, %dma_wait3A] : memref<10240x128xf32, #tpu.memory_space<vmem_shared>> -> memref<64x128xf32, #tpu.memory_space<vmem_shared>>
      %dma_wait3A_171 = arith.constant 0 : i32
      %dma_wait3A_172 = tpu.memref_slice %arg6[%add3A_69, %dma_wait3A_171] : memref<10240x128xf32, #tpu.memory_space<vmem_shared>> -> memref<64x128xf32, #tpu.memory_space<vmem_shared>>
      tpu.wait_dma2 semaphore(%run_scoped3A : memref<!tpu.dma_semaphore, #tpu.memory_space<semaphore_mem>>) src(%arg10 : memref<64x128xf32, #tpu.memory_space<vmem>>) dst(%dma_wait3A_172 : memref<64x128xf32, #tpu.memory_space<vmem_shared>>)
      tpu.yield
    }) : () -> ()
    %scan3A_70 = arith.constant 0 : i32
    %scan3A_71 = arith.constant 0 : i32
    %scan3A_72 = arith.constant 320 : i32
    %scan3A_73 = arith.addi %scan3A_71, %scan3A_72 : i32
    %scan3A_74 = arith.constant 1 : i32
    scf.for %scan3A_167 = %scan3A_71 to %scan3A_73 step %scan3A_74  : i32 {
      %jit3A = arith.constant 8 : i32
      %div3A = arith.divsi %scan3A_167, %jit3A : i32
      %sign3A = arith.constant 0 : i32
      %sign3A_168 = arith.cmpi sgt, %scan3A_167, %sign3A : i32
      %sign3A_169 = arith.extui %sign3A_168 : i1 to i32
      %sign3A_170 = arith.constant 0 : i32
      %sign3A_171 = arith.cmpi slt, %scan3A_167, %sign3A_170 : i32
      %sign3A_172 = arith.extui %sign3A_171 : i1 to i32
      %sign3A_173 = arith.subi %sign3A_169, %sign3A_172 : i32
      %sign3A_174 = arith.constant 0 : i32
      %sign3A_175 = arith.cmpi sgt, %jit3A, %sign3A_174 : i32
      %sign3A_176 = arith.extui %sign3A_175 : i1 to i32
      %sign3A_177 = arith.constant 0 : i32
      %sign3A_178 = arith.cmpi slt, %jit3A, %sign3A_177 : i32
      %sign3A_179 = arith.extui %sign3A_178 : i1 to i32
      %sign3A_180 = arith.subi %sign3A_176, %sign3A_179 : i32
      %ne3A = arith.cmpi ne, %sign3A_173, %sign3A_180 : i32
      %rem3A = arith.remsi %scan3A_167, %jit3A : i32
      %ne3A_181 = arith.constant 0 : i32
      %ne3A_182 = arith.cmpi ne, %rem3A, %ne3A_181 : i32
      %and3A = arith.andi %ne3A, %ne3A_182 : i1
      %sub3A = arith.constant 1 : i32
      %sub3A_183 = arith.subi %div3A, %sub3A : i32
      %select_n3A = arith.select %and3A, %sub3A_183, %div3A : i32
      %jit3A_184 = arith.constant 8 : i32
      %eq3A = arith.constant 0 : i32
      %eq3A_185 = arith.cmpi eq, %jit3A_184, %eq3A : i32
      %jit3A_186 = arith.constant 1 : i32
      %select_n3A_187 = arith.select %eq3A_185, %jit3A_186, %jit3A_184 : i32
      %rem3A_188 = arith.remsi %scan3A_167, %select_n3A_187 : i32
      %ne3A_189 = arith.constant 0 : i32
      %ne3A_190 = arith.cmpi ne, %rem3A_188, %ne3A_189 : i32
      %lt3A = arith.constant 0 : i32
      %lt3A_191 = arith.cmpi slt, %rem3A_188, %lt3A : i32
      %lt3A_192 = arith.constant 0 : i32
      %lt3A_193 = arith.cmpi slt, %select_n3A_187, %lt3A_192 : i32
      %ne3A_194 = arith.xori %lt3A_191, %lt3A_193 : i1
      %and3A_195 = arith.andi %ne3A_194, %ne3A_190 : i1
      %add3A_196 = arith.addi %rem3A_188, %select_n3A_187 : i32
      %select_n3A_197 = arith.select %and3A_195, %add3A_196, %rem3A_188 : i32
      %mul3A_198 = arith.constant 16 : i32
      %mul3A_199 = arith.muli %select_n3A_197, %mul3A_198 : i32
      %get3A = arith.index_cast %select_n3A : i32 to index
      %get3A_200 = arith.index_cast %mul3A_199 : i32 to index
      %get3A_201 = tpu.vector_load %arg7[%get3A, %get3A_200] {strides = array<i32>} : memref<40x128xi32, #tpu.memory_space<vmem>>, vector<1x16xi32>,
      %get3A_202 = vector.shape_cast %get3A_201 : vector<1x16xi32> to vector<16xi32>
      %mul3A_203 = arith.constant 4 : i32
      %mul3A_204 = vector.broadcast %mul3A_203 : i32 to vector<16xi32>
      %mul3A_205 = arith.muli %get3A_202, %mul3A_204 : vector<16xi32>
      %add3A_206 = arith.constant 1 : i32
      %add3A_207 = vector.broadcast %add3A_206 : i32 to vector<16xi32>
      %add3A_208 = arith.addi %mul3A_205, %add3A_207 : vector<16xi32>
      %jit3A_209 = arith.constant 8 : i32
      %div3A_210 = arith.divsi %scan3A_167, %jit3A_209 : i32
      %sign3A_211 = arith.constant 0 : i32
      %sign3A_212 = arith.cmpi sgt, %scan3A_167, %sign3A_211 : i32
      %sign3A_213 = arith.extui %sign3A_212 : i1 to i32
      %sign3A_214 = arith.constant 0 : i32
      %sign3A_215 = arith.cmpi slt, %scan3A_167, %sign3A_214 : i32
      %sign3A_216 = arith.extui %sign3A_215 : i1 to i32
      %sign3A_217 = arith.subi %sign3A_213, %sign3A_216 : i32
      %sign3A_218 = arith.constant 0 : i32
      %sign3A_219 = arith.cmpi sgt, %jit3A_209, %sign3A_218 : i32
      %sign3A_220 = arith.extui %sign3A_219 : i1 to i32
      %sign3A_221 = arith.constant 0 : i32
      %sign3A_222 = arith.cmpi slt, %jit3A_209, %sign3A_221 : i32
      %sign3A_223 = arith.extui %sign3A_222 : i1 to i32
      %sign3A_224 = arith.subi %sign3A_220, %sign3A_223 : i32
      %ne3A_225 = arith.cmpi ne, %sign3A_217, %sign3A_224 : i32
      %rem3A_226 = arith.remsi %scan3A_167, %jit3A_209 : i32
      %ne3A_227 = arith.constant 0 : i32
      %ne3A_228 = arith.cmpi ne, %rem3A_226, %ne3A_227 : i32
      %and3A_229 = arith.andi %ne3A_225, %ne3A_228 : i1
      %sub3A_230 = arith.constant 1 : i32
      %sub3A_231 = arith.subi %div3A_210, %sub3A_230 : i32
      %select_n3A_232 = arith.select %and3A_229, %sub3A_231, %div3A_210 : i32
      %jit3A_233 = arith.constant 8 : i32
      %eq3A_234 = arith.constant 0 : i32
      %eq3A_235 = arith.cmpi eq, %jit3A_233, %eq3A_234 : i32
      %jit3A_236 = arith.constant 1 : i32
      %select_n3A_237 = arith.select %eq3A_235, %jit3A_236, %jit3A_233 : i32
      %rem3A_238 = arith.remsi %scan3A_167, %select_n3A_237 : i32
      %ne3A_239 = arith.constant 0 : i32
      %ne3A_240 = arith.cmpi ne, %rem3A_238, %ne3A_239 : i32
      %lt3A_241 = arith.constant 0 : i32
      %lt3A_242 = arith.cmpi slt, %rem3A_238, %lt3A_241 : i32
      %lt3A_243 = arith.constant 0 : i32
      %lt3A_244 = arith.cmpi slt, %select_n3A_237, %lt3A_243 : i32
      %ne3A_245 = arith.xori %lt3A_242, %lt3A_244 : i1
      %and3A_246 = arith.andi %ne3A_245, %ne3A_240 : i1
      %add3A_247 = arith.addi %rem3A_238, %select_n3A_237 : i32
      %select_n3A_248 = arith.select %and3A_246, %add3A_247, %rem3A_238 : i32
      %mul3A_249 = arith.constant 16 : i32
      %mul3A_250 = arith.muli %select_n3A_248, %mul3A_249 : i32
      %swap3A = arith.index_cast %select_n3A_232 : i32 to index
      %swap3A_251 = arith.index_cast %mul3A_250 : i32 to index
      %swap3A_252 = tpu.vector_load %arg8[%swap3A, %swap3A_251] {strides = array<i32>} : memref<40x128xi32, #tpu.memory_space<vmem>>, vector<1x16xi32>,
      %swap3A_253 = vector.shape_cast %swap3A_252 : vector<1x16xi32> to vector<16xi32>
      %swap3A_254 = vector.shape_cast %add3A_208 : vector<16xi32> to vector<1x16xi32>
      tpu.vector_store %arg8[%swap3A, %swap3A_251], %swap3A_254 {strides = array<i32>} : memref<40x128xi32, #tpu.memory_space<vmem>>, vector<1x16xi32>,
    }
    %scan3A_75 = arith.constant 320 : i32
    %barrier3A_76 = arith.constant 0 : index
    tpu.barrier barrier_id(%barrier3A_76)
    %scan3A_77 = arith.constant 0 : i32
    %scan3A_78 = arith.constant 0 : i32
    %scan3A_79 = arith.constant 40 : i32
    %scan3A_80 = arith.addi %scan3A_78, %scan3A_79 : i32
    %scan3A_81 = arith.constant 1 : i32
    scf.for %scan3A_167 = %scan3A_78 to %scan3A_80 step %scan3A_81  : i32 {
      %dma_start3A = arith.constant 0 : i32
      %dma_start3A_168 = tpu.memref_slice %arg8[%scan3A_167, %dma_start3A] : memref<40x128xi32, #tpu.memory_space<vmem>> -> memref<1x128xi32, #tpu.memory_space<vmem>>
      %dma_start3A_169 = tpu.memref_squeeze %dma_start3A_168 : memref<1x128xi32, #tpu.memory_space<vmem>> -> memref<128xi32, #tpu.memory_space<vmem>>
      %dma_start3A_170 = arith.constant 0 : i32
      %dma_start3A_171 = arith.constant 0 : i32
      %dma_start3A_172 = tpu.memref_slice %arg2[%dma_start3A_170, %dma_start3A_171] : memref<40000x128xf32, #tpu.memory_space<hbm>> -> memref<40000x128xf32, #tpu.memory_space<hbm>>
      tpu.enqueue_indirect_dma source(%dma_start3A_172 : memref<40000x128xf32, #tpu.memory_space<hbm>>) target(%arg11 : memref<128x128xf32, #tpu.memory_space<vmem>>) offsets(%dma_start3A_169 : memref<128xi32, #tpu.memory_space<vmem>>) semaphore(%arg13 : memref<!tpu.dma_semaphore, #tpu.memory_space<semaphore_mem>>)
      %dma_wait3A = arith.constant 0 : i32
      %dma_wait3A_173 = tpu.memref_slice %arg8[%scan3A_167, %dma_wait3A] : memref<40x128xi32, #tpu.memory_space<vmem>> -> memref<1x128xi32, #tpu.memory_space<vmem>>
      %dma_wait3A_174 = tpu.memref_squeeze %dma_wait3A_173 : memref<1x128xi32, #tpu.memory_space<vmem>> -> memref<128xi32, #tpu.memory_space<vmem>>
      %dma_wait3A_175 = arith.constant 0 : i32
      %dma_wait3A_176 = arith.constant 0 : i32
      %dma_wait3A_177 = tpu.memref_slice %arg2[%dma_wait3A_175, %dma_wait3A_176] : memref<40000x128xf32, #tpu.memory_space<hbm>> -> memref<40000x128xf32, #tpu.memory_space<hbm>>
      tpu.wait_indirect_dma semaphore(%arg13 : memref<!tpu.dma_semaphore, #tpu.memory_space<semaphore_mem>>) src(%dma_wait3A_177 : memref<40000x128xf32, #tpu.memory_space<hbm>>) dst(%arg11 : memref<128x128xf32, #tpu.memory_space<vmem>>)
      "tpu.region"() ({
        %run_scoped3A = tpu.sem_alloc : memref<!tpu.dma_semaphore, #tpu.memory_space<semaphore_mem>>
        %dma_start3A_178 = arith.constant 0 : i32
        %dma_start3A_179 = tpu.memref_slice %arg9[%scan3A_167, %dma_start3A_178] : memref<40x128xi32, #tpu.memory_space<vmem>> -> memref<1x128xi32, #tpu.memory_space<vmem>>
        %dma_start3A_180 = tpu.memref_squeeze %dma_start3A_179 : memref<1x128xi32, #tpu.memory_space<vmem>> -> memref<128xi32, #tpu.memory_space<vmem>>
        %dma_start3A_181 = arith.constant 0 : i32
        %dma_start3A_182 = arith.constant 0 : i32
        %dma_start3A_183 = tpu.memref_slice %arg6[%dma_start3A_181, %dma_start3A_182] : memref<10240x128xf32, #tpu.memory_space<vmem_shared>> -> memref<10240x128xf32, #tpu.memory_space<vmem_shared>>
        tpu.enqueue_indirect_dma source(%arg11 : memref<128x128xf32, #tpu.memory_space<vmem>>) target(%dma_start3A_183 : memref<10240x128xf32, #tpu.memory_space<vmem_shared>>) offsets(%dma_start3A_180 : memref<128xi32, #tpu.memory_space<vmem>>) semaphore(%run_scoped3A : memref<!tpu.dma_semaphore, #tpu.memory_space<semaphore_mem>>) {add = true}
        %dma_wait3A_184 = arith.constant 0 : i32
        %dma_wait3A_185 = tpu.memref_slice %arg9[%scan3A_167, %dma_wait3A_184] : memref<40x128xi32, #tpu.memory_space<vmem>> -> memref<1x128xi32, #tpu.memory_space<vmem>>
        %dma_wait3A_186 = tpu.memref_squeeze %dma_wait3A_185 : memref<1x128xi32, #tpu.memory_space<vmem>> -> memref<128xi32, #tpu.memory_space<vmem>>
        %dma_wait3A_187 = arith.constant 0 : i32
        %dma_wait3A_188 = arith.constant 0 : i32
        %dma_wait3A_189 = tpu.memref_slice %arg6[%dma_wait3A_187, %dma_wait3A_188] : memref<10240x128xf32, #tpu.memory_space<vmem_shared>> -> memref<10240x128xf32, #tpu.memory_space<vmem_shared>>
        tpu.wait_indirect_dma semaphore(%run_scoped3A : memref<!tpu.dma_semaphore, #tpu.memory_space<semaphore_mem>>) src(%arg11 : memref<128x128xf32, #tpu.memory_space<vmem>>) dst(%dma_wait3A_189 : memref<10240x128xf32, #tpu.memory_space<vmem_shared>>)
        tpu.yield
      }) : () -> ()
    }
    %scan3A_82 = arith.constant 40 : i32
    %barrier3A_83 = arith.constant 0 : index
    tpu.barrier barrier_id(%barrier3A_83)
    %add3A_84 = arith.constant 2 : i32
    %add3A_85 = arith.addi %add3A_84, %arg0 : i32
    %mul3A_86 = arith.constant 10240 : i32
    %mul3A_87 = arith.muli %add3A_85, %mul3A_86 : i32
    %add3A_88 = arith.addi %mul3A_87, %mul3A_7 : i32
    "tpu.region"() ({
      %run_scoped3A = tpu.sem_alloc : memref<!tpu.dma_semaphore, #tpu.memory_space<semaphore_mem>>
      %dma_start3A = arith.constant 0 : i32
      %dma_start3A_167 = tpu.memref_slice %arg5[%add3A_88, %dma_start3A] : memref<81920x128xf32, #tpu.memory_space<hbm>> -> memref<640x128xf32, #tpu.memory_space<hbm>>
      %dma_start3A_168 = arith.constant 0 : i32
      %dma_start3A_169 = tpu.memref_slice %arg6[%mul3A_7, %dma_start3A_168] : memref<10240x128xf32, #tpu.memory_space<vmem_shared>> -> memref<640x128xf32, #tpu.memory_space<vmem_shared>>
      tpu.enqueue_dma source(%dma_start3A_169 : memref<640x128xf32, #tpu.memory_space<vmem_shared>>) target(%dma_start3A_167 : memref<640x128xf32, #tpu.memory_space<hbm>>) target_semaphore(%run_scoped3A : memref<!tpu.dma_semaphore, #tpu.memory_space<semaphore_mem>>)
      %dma_wait3A = arith.constant 0 : i32
      %dma_wait3A_170 = tpu.memref_slice %arg5[%add3A_88, %dma_wait3A] : memref<81920x128xf32, #tpu.memory_space<hbm>> -> memref<640x128xf32, #tpu.memory_space<hbm>>
      %dma_wait3A_171 = arith.constant 0 : i32
      %dma_wait3A_172 = tpu.memref_slice %arg6[%mul3A_7, %dma_wait3A_171] : memref<10240x128xf32, #tpu.memory_space<vmem_shared>> -> memref<640x128xf32, #tpu.memory_space<vmem_shared>>
      tpu.wait_dma2 semaphore(%run_scoped3A : memref<!tpu.dma_semaphore, #tpu.memory_space<semaphore_mem>>) src(%dma_wait3A_172 : memref<640x128xf32, #tpu.memory_space<vmem_shared>>) dst(%dma_wait3A_170 : memref<640x128xf32, #tpu.memory_space<hbm>>)
      tpu.yield
    }) : () -> ()
    %add3A_89 = arith.constant 0 : i32
    %add3A_90 = arith.addi %mul3A_7, %add3A_89 : i32
    "tpu.region"() ({
      %run_scoped3A = tpu.sem_alloc : memref<!tpu.dma_semaphore, #tpu.memory_space<semaphore_mem>>
      %dma_start3A = arith.constant 0 : i32
      %dma_start3A_167 = tpu.memref_slice %arg6[%add3A_90, %dma_start3A] : memref<10240x128xf32, #tpu.memory_space<vmem_shared>> -> memref<64x128xf32, #tpu.memory_space<vmem_shared>>
      %dma_start3A_168 = arith.constant 0 : i32
      %dma_start3A_169 = tpu.memref_slice %arg6[%add3A_90, %dma_start3A_168] : memref<10240x128xf32, #tpu.memory_space<vmem_shared>> -> memref<64x128xf32, #tpu.memory_space<vmem_shared>>
      tpu.enqueue_dma source(%arg10 : memref<64x128xf32, #tpu.memory_space<vmem>>) target(%dma_start3A_169 : memref<64x128xf32, #tpu.memory_space<vmem_shared>>) target_semaphore(%run_scoped3A : memref<!tpu.dma_semaphore, #tpu.memory_space<semaphore_mem>>)
      %dma_wait3A = arith.constant 0 : i32
      %dma_wait3A_170 = tpu.memref_slice %arg6[%add3A_90, %dma_wait3A] : memref<10240x128xf32, #tpu.memory_space<vmem_shared>> -> memref<64x128xf32, #tpu.memory_space<vmem_shared>>
      %dma_wait3A_171 = arith.constant 0 : i32
      %dma_wait3A_172 = tpu.memref_slice %arg6[%add3A_90, %dma_wait3A_171] : memref<10240x128xf32, #tpu.memory_space<vmem_shared>> -> memref<64x128xf32, #tpu.memory_space<vmem_shared>>
      tpu.wait_dma2 semaphore(%run_scoped3A : memref<!tpu.dma_semaphore, #tpu.memory_space<semaphore_mem>>) src(%arg10 : memref<64x128xf32, #tpu.memory_space<vmem>>) dst(%dma_wait3A_172 : memref<64x128xf32, #tpu.memory_space<vmem_shared>>)
      tpu.yield
    }) : () -> ()
    %add3A_91 = arith.constant 64 : i32
    %add3A_92 = arith.addi %mul3A_7, %add3A_91 : i32
    "tpu.region"() ({
      %run_scoped3A = tpu.sem_alloc : memref<!tpu.dma_semaphore, #tpu.memory_space<semaphore_mem>>
      %dma_start3A = arith.constant 0 : i32
      %dma_start3A_167 = tpu.memref_slice %arg6[%add3A_92, %dma_start3A] : memref<10240x128xf32, #tpu.memory_space<vmem_shared>> -> memref<64x128xf32, #tpu.memory_space<vmem_shared>>
      %dma_start3A_168 = arith.constant 0 : i32
      %dma_start3A_169 = tpu.memref_slice %arg6[%add3A_92, %dma_start3A_168] : memref<10240x128xf32, #tpu.memory_space<vmem_shared>> -> memref<64x128xf32, #tpu.memory_space<vmem_shared>>
      tpu.enqueue_dma source(%arg10 : memref<64x128xf32, #tpu.memory_space<vmem>>) target(%dma_start3A_169 : memref<64x128xf32, #tpu.memory_space<vmem_shared>>) target_semaphore(%run_scoped3A : memref<!tpu.dma_semaphore, #tpu.memory_space<semaphore_mem>>)
      %dma_wait3A = arith.constant 0 : i32
      %dma_wait3A_170 = tpu.memref_slice %arg6[%add3A_92, %dma_wait3A] : memref<10240x128xf32, #tpu.memory_space<vmem_shared>> -> memref<64x128xf32, #tpu.memory_space<vmem_shared>>
      %dma_wait3A_171 = arith.constant 0 : i32
      %dma_wait3A_172 = tpu.memref_slice %arg6[%add3A_92, %dma_wait3A_171] : memref<10240x128xf32, #tpu.memory_space<vmem_shared>> -> memref<64x128xf32, #tpu.memory_space<vmem_shared>>
      tpu.wait_dma2 semaphore(%run_scoped3A : memref<!tpu.dma_semaphore, #tpu.memory_space<semaphore_mem>>) src(%arg10 : memref<64x128xf32, #tpu.memory_space<vmem>>) dst(%dma_wait3A_172 : memref<64x128xf32, #tpu.memory_space<vmem_shared>>)
      tpu.yield
    }) : () -> ()
    %add3A_93 = arith.constant 128 : i32
    %add3A_94 = arith.addi %mul3A_7, %add3A_93 : i32
    "tpu.region"() ({
      %run_scoped3A = tpu.sem_alloc : memref<!tpu.dma_semaphore, #tpu.memory_space<semaphore_mem>>
      %dma_start3A = arith.constant 0 : i32
      %dma_start3A_167 = tpu.memref_slice %arg6[%add3A_94, %dma_start3A] : memref<10240x128xf32, #tpu.memory_space<vmem_shared>> -> memref<64x128xf32, #tpu.memory_space<vmem_shared>>
      %dma_start3A_168 = arith.constant 0 : i32
      %dma_start3A_169 = tpu.memref_slice %arg6[%add3A_94, %dma_start3A_168] : memref<10240x128xf32, #tpu.memory_space<vmem_shared>> -> memref<64x128xf32, #tpu.memory_space<vmem_shared>>
      tpu.enqueue_dma source(%arg10 : memref<64x128xf32, #tpu.memory_space<vmem>>) target(%dma_start3A_169 : memref<64x128xf32, #tpu.memory_space<vmem_shared>>) target_semaphore(%run_scoped3A : memref<!tpu.dma_semaphore, #tpu.memory_space<semaphore_mem>>)
      %dma_wait3A = arith.constant 0 : i32
      %dma_wait3A_170 = tpu.memref_slice %arg6[%add3A_94, %dma_wait3A] : memref<10240x128xf32, #tpu.memory_space<vmem_shared>> -> memref<64x128xf32, #tpu.memory_space<vmem_shared>>
      %dma_wait3A_171 = arith.constant 0 : i32
      %dma_wait3A_172 = tpu.memref_slice %arg6[%add3A_94, %dma_wait3A_171] : memref<10240x128xf32, #tpu.memory_space<vmem_shared>> -> memref<64x128xf32, #tpu.memory_space<vmem_shared>>
      tpu.wait_dma2 semaphore(%run_scoped3A : memref<!tpu.dma_semaphore, #tpu.memory_space<semaphore_mem>>) src(%arg10 : memref<64x128xf32, #tpu.memory_space<vmem>>) dst(%dma_wait3A_172 : memref<64x128xf32, #tpu.memory_space<vmem_shared>>)
      tpu.yield
    }) : () -> ()
    %add3A_95 = arith.constant 192 : i32
    %add3A_96 = arith.addi %mul3A_7, %add3A_95 : i32
    "tpu.region"() ({
      %run_scoped3A = tpu.sem_alloc : memref<!tpu.dma_semaphore, #tpu.memory_space<semaphore_mem>>
      %dma_start3A = arith.constant 0 : i32
      %dma_start3A_167 = tpu.memref_slice %arg6[%add3A_96, %dma_start3A] : memref<10240x128xf32, #tpu.memory_space<vmem_shared>> -> memref<64x128xf32, #tpu.memory_space<vmem_shared>>
      %dma_start3A_168 = arith.constant 0 : i32
      %dma_start3A_169 = tpu.memref_slice %arg6[%add3A_96, %dma_start3A_168] : memref<10240x128xf32, #tpu.memory_space<vmem_shared>> -> memref<64x128xf32, #tpu.memory_space<vmem_shared>>
      tpu.enqueue_dma source(%arg10 : memref<64x128xf32, #tpu.memory_space<vmem>>) target(%dma_start3A_169 : memref<64x128xf32, #tpu.memory_space<vmem_shared>>) target_semaphore(%run_scoped3A : memref<!tpu.dma_semaphore, #tpu.memory_space<semaphore_mem>>)
      %dma_wait3A = arith.constant 0 : i32
      %dma_wait3A_170 = tpu.memref_slice %arg6[%add3A_96, %dma_wait3A] : memref<10240x128xf32, #tpu.memory_space<vmem_shared>> -> memref<64x128xf32, #tpu.memory_space<vmem_shared>>
      %dma_wait3A_171 = arith.constant 0 : i32
      %dma_wait3A_172 = tpu.memref_slice %arg6[%add3A_96, %dma_wait3A_171] : memref<10240x128xf32, #tpu.memory_space<vmem_shared>> -> memref<64x128xf32, #tpu.memory_space<vmem_shared>>
      tpu.wait_dma2 semaphore(%run_scoped3A : memref<!tpu.dma_semaphore, #tpu.memory_space<semaphore_mem>>) src(%arg10 : memref<64x128xf32, #tpu.memory_space<vmem>>) dst(%dma_wait3A_172 : memref<64x128xf32, #tpu.memory_space<vmem_shared>>)
      tpu.yield
    }) : () -> ()
    %add3A_97 = arith.constant 256 : i32
    %add3A_98 = arith.addi %mul3A_7, %add3A_97 : i32
    "tpu.region"() ({
      %run_scoped3A = tpu.sem_alloc : memref<!tpu.dma_semaphore, #tpu.memory_space<semaphore_mem>>
      %dma_start3A = arith.constant 0 : i32
      %dma_start3A_167 = tpu.memref_slice %arg6[%add3A_98, %dma_start3A] : memref<10240x128xf32, #tpu.memory_space<vmem_shared>> -> memref<64x128xf32, #tpu.memory_space<vmem_shared>>
      %dma_start3A_168 = arith.constant 0 : i32
      %dma_start3A_169 = tpu.memref_slice %arg6[%add3A_98, %dma_start3A_168] : memref<10240x128xf32, #tpu.memory_space<vmem_shared>> -> memref<64x128xf32, #tpu.memory_space<vmem_shared>>
      tpu.enqueue_dma source(%arg10 : memref<64x128xf32, #tpu.memory_space<vmem>>) target(%dma_start3A_169 : memref<64x128xf32, #tpu.memory_space<vmem_shared>>) target_semaphore(%run_scoped3A : memref<!tpu.dma_semaphore, #tpu.memory_space<semaphore_mem>>)
      %dma_wait3A = arith.constant 0 : i32
      %dma_wait3A_170 = tpu.memref_slice %arg6[%add3A_98, %dma_wait3A] : memref<10240x128xf32, #tpu.memory_space<vmem_shared>> -> memref<64x128xf32, #tpu.memory_space<vmem_shared>>
      %dma_wait3A_171 = arith.constant 0 : i32
      %dma_wait3A_172 = tpu.memref_slice %arg6[%add3A_98, %dma_wait3A_171] : memref<10240x128xf32, #tpu.memory_space<vmem_shared>> -> memref<64x128xf32, #tpu.memory_space<vmem_shared>>
      tpu.wait_dma2 semaphore(%run_scoped3A : memref<!tpu.dma_semaphore, #tpu.memory_space<semaphore_mem>>) src(%arg10 : memref<64x128xf32, #tpu.memory_space<vmem>>) dst(%dma_wait3A_172 : memref<64x128xf32, #tpu.memory_space<vmem_shared>>)
      tpu.yield
    }) : () -> ()
    %add3A_99 = arith.constant 320 : i32
    %add3A_100 = arith.addi %mul3A_7, %add3A_99 : i32
    "tpu.region"() ({
      %run_scoped3A = tpu.sem_alloc : memref<!tpu.dma_semaphore, #tpu.memory_space<semaphore_mem>>
      %dma_start3A = arith.constant 0 : i32
      %dma_start3A_167 = tpu.memref_slice %arg6[%add3A_100, %dma_start3A] : memref<10240x128xf32, #tpu.memory_space<vmem_shared>> -> memref<64x128xf32, #tpu.memory_space<vmem_shared>>
      %dma_start3A_168 = arith.constant 0 : i32
      %dma_start3A_169 = tpu.memref_slice %arg6[%add3A_100, %dma_start3A_168] : memref<10240x128xf32, #tpu.memory_space<vmem_shared>> -> memref<64x128xf32, #tpu.memory_space<vmem_shared>>
      tpu.enqueue_dma source(%arg10 : memref<64x128xf32, #tpu.memory_space<vmem>>) target(%dma_start3A_169 : memref<64x128xf32, #tpu.memory_space<vmem_shared>>) target_semaphore(%run_scoped3A : memref<!tpu.dma_semaphore, #tpu.memory_space<semaphore_mem>>)
      %dma_wait3A = arith.constant 0 : i32
      %dma_wait3A_170 = tpu.memref_slice %arg6[%add3A_100, %dma_wait3A] : memref<10240x128xf32, #tpu.memory_space<vmem_shared>> -> memref<64x128xf32, #tpu.memory_space<vmem_shared>>
      %dma_wait3A_171 = arith.constant 0 : i32
      %dma_wait3A_172 = tpu.memref_slice %arg6[%add3A_100, %dma_wait3A_171] : memref<10240x128xf32, #tpu.memory_space<vmem_shared>> -> memref<64x128xf32, #tpu.memory_space<vmem_shared>>
      tpu.wait_dma2 semaphore(%run_scoped3A : memref<!tpu.dma_semaphore, #tpu.memory_space<semaphore_mem>>) src(%arg10 : memref<64x128xf32, #tpu.memory_space<vmem>>) dst(%dma_wait3A_172 : memref<64x128xf32, #tpu.memory_space<vmem_shared>>)
      tpu.yield
    }) : () -> ()
    %add3A_101 = arith.constant 384 : i32
    %add3A_102 = arith.addi %mul3A_7, %add3A_101 : i32
    "tpu.region"() ({
      %run_scoped3A = tpu.sem_alloc : memref<!tpu.dma_semaphore, #tpu.memory_space<semaphore_mem>>
      %dma_start3A = arith.constant 0 : i32
      %dma_start3A_167 = tpu.memref_slice %arg6[%add3A_102, %dma_start3A] : memref<10240x128xf32, #tpu.memory_space<vmem_shared>> -> memref<64x128xf32, #tpu.memory_space<vmem_shared>>
      %dma_start3A_168 = arith.constant 0 : i32
      %dma_start3A_169 = tpu.memref_slice %arg6[%add3A_102, %dma_start3A_168] : memref<10240x128xf32, #tpu.memory_space<vmem_shared>> -> memref<64x128xf32, #tpu.memory_space<vmem_shared>>
      tpu.enqueue_dma source(%arg10 : memref<64x128xf32, #tpu.memory_space<vmem>>) target(%dma_start3A_169 : memref<64x128xf32, #tpu.memory_space<vmem_shared>>) target_semaphore(%run_scoped3A : memref<!tpu.dma_semaphore, #tpu.memory_space<semaphore_mem>>)
      %dma_wait3A = arith.constant 0 : i32
      %dma_wait3A_170 = tpu.memref_slice %arg6[%add3A_102, %dma_wait3A] : memref<10240x128xf32, #tpu.memory_space<vmem_shared>> -> memref<64x128xf32, #tpu.memory_space<vmem_shared>>
      %dma_wait3A_171 = arith.constant 0 : i32
      %dma_wait3A_172 = tpu.memref_slice %arg6[%add3A_102, %dma_wait3A_171] : memref<10240x128xf32, #tpu.memory_space<vmem_shared>> -> memref<64x128xf32, #tpu.memory_space<vmem_shared>>
      tpu.wait_dma2 semaphore(%run_scoped3A : memref<!tpu.dma_semaphore, #tpu.memory_space<semaphore_mem>>) src(%arg10 : memref<64x128xf32, #tpu.memory_space<vmem>>) dst(%dma_wait3A_172 : memref<64x128xf32, #tpu.memory_space<vmem_shared>>)
      tpu.yield
    }) : () -> ()
    %add3A_103 = arith.constant 448 : i32
    %add3A_104 = arith.addi %mul3A_7, %add3A_103 : i32
    "tpu.region"() ({
      %run_scoped3A = tpu.sem_alloc : memref<!tpu.dma_semaphore, #tpu.memory_space<semaphore_mem>>
      %dma_start3A = arith.constant 0 : i32
      %dma_start3A_167 = tpu.memref_slice %arg6[%add3A_104, %dma_start3A] : memref<10240x128xf32, #tpu.memory_space<vmem_shared>> -> memref<64x128xf32, #tpu.memory_space<vmem_shared>>
      %dma_start3A_168 = arith.constant 0 : i32
      %dma_start3A_169 = tpu.memref_slice %arg6[%add3A_104, %dma_start3A_168] : memref<10240x128xf32, #tpu.memory_space<vmem_shared>> -> memref<64x128xf32, #tpu.memory_space<vmem_shared>>
      tpu.enqueue_dma source(%arg10 : memref<64x128xf32, #tpu.memory_space<vmem>>) target(%dma_start3A_169 : memref<64x128xf32, #tpu.memory_space<vmem_shared>>) target_semaphore(%run_scoped3A : memref<!tpu.dma_semaphore, #tpu.memory_space<semaphore_mem>>)
      %dma_wait3A = arith.constant 0 : i32
      %dma_wait3A_170 = tpu.memref_slice %arg6[%add3A_104, %dma_wait3A] : memref<10240x128xf32, #tpu.memory_space<vmem_shared>> -> memref<64x128xf32, #tpu.memory_space<vmem_shared>>
      %dma_wait3A_171 = arith.constant 0 : i32
      %dma_wait3A_172 = tpu.memref_slice %arg6[%add3A_104, %dma_wait3A_171] : memref<10240x128xf32, #tpu.memory_space<vmem_shared>> -> memref<64x128xf32, #tpu.memory_space<vmem_shared>>
      tpu.wait_dma2 semaphore(%run_scoped3A : memref<!tpu.dma_semaphore, #tpu.memory_space<semaphore_mem>>) src(%arg10 : memref<64x128xf32, #tpu.memory_space<vmem>>) dst(%dma_wait3A_172 : memref<64x128xf32, #tpu.memory_space<vmem_shared>>)
      tpu.yield
    }) : () -> ()
    %add3A_105 = arith.constant 512 : i32
    %add3A_106 = arith.addi %mul3A_7, %add3A_105 : i32
    "tpu.region"() ({
      %run_scoped3A = tpu.sem_alloc : memref<!tpu.dma_semaphore, #tpu.memory_space<semaphore_mem>>
      %dma_start3A = arith.constant 0 : i32
      %dma_start3A_167 = tpu.memref_slice %arg6[%add3A_106, %dma_start3A] : memref<10240x128xf32, #tpu.memory_space<vmem_shared>> -> memref<64x128xf32, #tpu.memory_space<vmem_shared>>
      %dma_start3A_168 = arith.constant 0 : i32
      %dma_start3A_169 = tpu.memref_slice %arg6[%add3A_106, %dma_start3A_168] : memref<10240x128xf32, #tpu.memory_space<vmem_shared>> -> memref<64x128xf32, #tpu.memory_space<vmem_shared>>
      tpu.enqueue_dma source(%arg10 : memref<64x128xf32, #tpu.memory_space<vmem>>) target(%dma_start3A_169 : memref<64x128xf32, #tpu.memory_space<vmem_shared>>) target_semaphore(%run_scoped3A : memref<!tpu.dma_semaphore, #tpu.memory_space<semaphore_mem>>)
      %dma_wait3A = arith.constant 0 : i32
      %dma_wait3A_170 = tpu.memref_slice %arg6[%add3A_106, %dma_wait3A] : memref<10240x128xf32, #tpu.memory_space<vmem_shared>> -> memref<64x128xf32, #tpu.memory_space<vmem_shared>>
      %dma_wait3A_171 = arith.constant 0 : i32
      %dma_wait3A_172 = tpu.memref_slice %arg6[%add3A_106, %dma_wait3A_171] : memref<10240x128xf32, #tpu.memory_space<vmem_shared>> -> memref<64x128xf32, #tpu.memory_space<vmem_shared>>
      tpu.wait_dma2 semaphore(%run_scoped3A : memref<!tpu.dma_semaphore, #tpu.memory_space<semaphore_mem>>) src(%arg10 : memref<64x128xf32, #tpu.memory_space<vmem>>) dst(%dma_wait3A_172 : memref<64x128xf32, #tpu.memory_space<vmem_shared>>)
      tpu.yield
    }) : () -> ()
    %add3A_107 = arith.constant 576 : i32
    %add3A_108 = arith.addi %mul3A_7, %add3A_107 : i32
    "tpu.region"() ({
      %run_scoped3A = tpu.sem_alloc : memref<!tpu.dma_semaphore, #tpu.memory_space<semaphore_mem>>
      %dma_start3A = arith.constant 0 : i32
      %dma_start3A_167 = tpu.memref_slice %arg6[%add3A_108, %dma_start3A] : memref<10240x128xf32, #tpu.memory_space<vmem_shared>> -> memref<64x128xf32, #tpu.memory_space<vmem_shared>>
      %dma_start3A_168 = arith.constant 0 : i32
      %dma_start3A_169 = tpu.memref_slice %arg6[%add3A_108, %dma_start3A_168] : memref<10240x128xf32, #tpu.memory_space<vmem_shared>> -> memref<64x128xf32, #tpu.memory_space<vmem_shared>>
      tpu.enqueue_dma source(%arg10 : memref<64x128xf32, #tpu.memory_space<vmem>>) target(%dma_start3A_169 : memref<64x128xf32, #tpu.memory_space<vmem_shared>>) target_semaphore(%run_scoped3A : memref<!tpu.dma_semaphore, #tpu.memory_space<semaphore_mem>>)
      %dma_wait3A = arith.constant 0 : i32
      %dma_wait3A_170 = tpu.memref_slice %arg6[%add3A_108, %dma_wait3A] : memref<10240x128xf32, #tpu.memory_space<vmem_shared>> -> memref<64x128xf32, #tpu.memory_space<vmem_shared>>
      %dma_wait3A_171 = arith.constant 0 : i32
      %dma_wait3A_172 = tpu.memref_slice %arg6[%add3A_108, %dma_wait3A_171] : memref<10240x128xf32, #tpu.memory_space<vmem_shared>> -> memref<64x128xf32, #tpu.memory_space<vmem_shared>>
      tpu.wait_dma2 semaphore(%run_scoped3A : memref<!tpu.dma_semaphore, #tpu.memory_space<semaphore_mem>>) src(%arg10 : memref<64x128xf32, #tpu.memory_space<vmem>>) dst(%dma_wait3A_172 : memref<64x128xf32, #tpu.memory_space<vmem_shared>>)
      tpu.yield
    }) : () -> ()
    %scan3A_109 = arith.constant 0 : i32
    %scan3A_110 = arith.constant 0 : i32
    %scan3A_111 = arith.constant 320 : i32
    %scan3A_112 = arith.addi %scan3A_110, %scan3A_111 : i32
    %scan3A_113 = arith.constant 1 : i32
    scf.for %scan3A_167 = %scan3A_110 to %scan3A_112 step %scan3A_113  : i32 {
      %jit3A = arith.constant 8 : i32
      %div3A = arith.divsi %scan3A_167, %jit3A : i32
      %sign3A = arith.constant 0 : i32
      %sign3A_168 = arith.cmpi sgt, %scan3A_167, %sign3A : i32
      %sign3A_169 = arith.extui %sign3A_168 : i1 to i32
      %sign3A_170 = arith.constant 0 : i32
      %sign3A_171 = arith.cmpi slt, %scan3A_167, %sign3A_170 : i32
      %sign3A_172 = arith.extui %sign3A_171 : i1 to i32
      %sign3A_173 = arith.subi %sign3A_169, %sign3A_172 : i32
      %sign3A_174 = arith.constant 0 : i32
      %sign3A_175 = arith.cmpi sgt, %jit3A, %sign3A_174 : i32
      %sign3A_176 = arith.extui %sign3A_175 : i1 to i32
      %sign3A_177 = arith.constant 0 : i32
      %sign3A_178 = arith.cmpi slt, %jit3A, %sign3A_177 : i32
      %sign3A_179 = arith.extui %sign3A_178 : i1 to i32
      %sign3A_180 = arith.subi %sign3A_176, %sign3A_179 : i32
      %ne3A = arith.cmpi ne, %sign3A_173, %sign3A_180 : i32
      %rem3A = arith.remsi %scan3A_167, %jit3A : i32
      %ne3A_181 = arith.constant 0 : i32
      %ne3A_182 = arith.cmpi ne, %rem3A, %ne3A_181 : i32
      %and3A = arith.andi %ne3A, %ne3A_182 : i1
      %sub3A = arith.constant 1 : i32
      %sub3A_183 = arith.subi %div3A, %sub3A : i32
      %select_n3A = arith.select %and3A, %sub3A_183, %div3A : i32
      %jit3A_184 = arith.constant 8 : i32
      %eq3A = arith.constant 0 : i32
      %eq3A_185 = arith.cmpi eq, %jit3A_184, %eq3A : i32
      %jit3A_186 = arith.constant 1 : i32
      %select_n3A_187 = arith.select %eq3A_185, %jit3A_186, %jit3A_184 : i32
      %rem3A_188 = arith.remsi %scan3A_167, %select_n3A_187 : i32
      %ne3A_189 = arith.constant 0 : i32
      %ne3A_190 = arith.cmpi ne, %rem3A_188, %ne3A_189 : i32
      %lt3A = arith.constant 0 : i32
      %lt3A_191 = arith.cmpi slt, %rem3A_188, %lt3A : i32
      %lt3A_192 = arith.constant 0 : i32
      %lt3A_193 = arith.cmpi slt, %select_n3A_187, %lt3A_192 : i32
      %ne3A_194 = arith.xori %lt3A_191, %lt3A_193 : i1
      %and3A_195 = arith.andi %ne3A_194, %ne3A_190 : i1
      %add3A_196 = arith.addi %rem3A_188, %select_n3A_187 : i32
      %select_n3A_197 = arith.select %and3A_195, %add3A_196, %rem3A_188 : i32
      %mul3A_198 = arith.constant 16 : i32
      %mul3A_199 = arith.muli %select_n3A_197, %mul3A_198 : i32
      %get3A = arith.index_cast %select_n3A : i32 to index
      %get3A_200 = arith.index_cast %mul3A_199 : i32 to index
      %get3A_201 = tpu.vector_load %arg7[%get3A, %get3A_200] {strides = array<i32>} : memref<40x128xi32, #tpu.memory_space<vmem>>, vector<1x16xi32>,
      %get3A_202 = vector.shape_cast %get3A_201 : vector<1x16xi32> to vector<16xi32>
      %mul3A_203 = arith.constant 4 : i32
      %mul3A_204 = vector.broadcast %mul3A_203 : i32 to vector<16xi32>
      %mul3A_205 = arith.muli %get3A_202, %mul3A_204 : vector<16xi32>
      %add3A_206 = arith.constant 2 : i32
      %add3A_207 = vector.broadcast %add3A_206 : i32 to vector<16xi32>
      %add3A_208 = arith.addi %mul3A_205, %add3A_207 : vector<16xi32>
      %jit3A_209 = arith.constant 8 : i32
      %div3A_210 = arith.divsi %scan3A_167, %jit3A_209 : i32
      %sign3A_211 = arith.constant 0 : i32
      %sign3A_212 = arith.cmpi sgt, %scan3A_167, %sign3A_211 : i32
      %sign3A_213 = arith.extui %sign3A_212 : i1 to i32
      %sign3A_214 = arith.constant 0 : i32
      %sign3A_215 = arith.cmpi slt, %scan3A_167, %sign3A_214 : i32
      %sign3A_216 = arith.extui %sign3A_215 : i1 to i32
      %sign3A_217 = arith.subi %sign3A_213, %sign3A_216 : i32
      %sign3A_218 = arith.constant 0 : i32
      %sign3A_219 = arith.cmpi sgt, %jit3A_209, %sign3A_218 : i32
      %sign3A_220 = arith.extui %sign3A_219 : i1 to i32
      %sign3A_221 = arith.constant 0 : i32
      %sign3A_222 = arith.cmpi slt, %jit3A_209, %sign3A_221 : i32
      %sign3A_223 = arith.extui %sign3A_222 : i1 to i32
      %sign3A_224 = arith.subi %sign3A_220, %sign3A_223 : i32
      %ne3A_225 = arith.cmpi ne, %sign3A_217, %sign3A_224 : i32
      %rem3A_226 = arith.remsi %scan3A_167, %jit3A_209 : i32
      %ne3A_227 = arith.constant 0 : i32
      %ne3A_228 = arith.cmpi ne, %rem3A_226, %ne3A_227 : i32
      %and3A_229 = arith.andi %ne3A_225, %ne3A_228 : i1
      %sub3A_230 = arith.constant 1 : i32
      %sub3A_231 = arith.subi %div3A_210, %sub3A_230 : i32
      %select_n3A_232 = arith.select %and3A_229, %sub3A_231, %div3A_210 : i32
      %jit3A_233 = arith.constant 8 : i32
      %eq3A_234 = arith.constant 0 : i32
      %eq3A_235 = arith.cmpi eq, %jit3A_233, %eq3A_234 : i32
      %jit3A_236 = arith.constant 1 : i32
      %select_n3A_237 = arith.select %eq3A_235, %jit3A_236, %jit3A_233 : i32
      %rem3A_238 = arith.remsi %scan3A_167, %select_n3A_237 : i32
      %ne3A_239 = arith.constant 0 : i32
      %ne3A_240 = arith.cmpi ne, %rem3A_238, %ne3A_239 : i32
      %lt3A_241 = arith.constant 0 : i32
      %lt3A_242 = arith.cmpi slt, %rem3A_238, %lt3A_241 : i32
      %lt3A_243 = arith.constant 0 : i32
      %lt3A_244 = arith.cmpi slt, %select_n3A_237, %lt3A_243 : i32
      %ne3A_245 = arith.xori %lt3A_242, %lt3A_244 : i1
      %and3A_246 = arith.andi %ne3A_245, %ne3A_240 : i1
      %add3A_247 = arith.addi %rem3A_238, %select_n3A_237 : i32
      %select_n3A_248 = arith.select %and3A_246, %add3A_247, %rem3A_238 : i32
      %mul3A_249 = arith.constant 16 : i32
      %mul3A_250 = arith.muli %select_n3A_248, %mul3A_249 : i32
      %swap3A = arith.index_cast %select_n3A_232 : i32 to index
      %swap3A_251 = arith.index_cast %mul3A_250 : i32 to index
      %swap3A_252 = tpu.vector_load %arg8[%swap3A, %swap3A_251] {strides = array<i32>} : memref<40x128xi32, #tpu.memory_space<vmem>>, vector<1x16xi32>,
      %swap3A_253 = vector.shape_cast %swap3A_252 : vector<1x16xi32> to vector<16xi32>
      %swap3A_254 = vector.shape_cast %add3A_208 : vector<16xi32> to vector<1x16xi32>
      tpu.vector_store %arg8[%swap3A, %swap3A_251], %swap3A_254 {strides = array<i32>} : memref<40x128xi32, #tpu.memory_space<vmem>>, vector<1x16xi32>,
    }
    %scan3A_114 = arith.constant 320 : i32
    %barrier3A_115 = arith.constant 0 : index
    tpu.barrier barrier_id(%barrier3A_115)
    %scan3A_116 = arith.constant 0 : i32
    %scan3A_117 = arith.constant 0 : i32
    %scan3A_118 = arith.constant 40 : i32
    %scan3A_119 = arith.addi %scan3A_117, %scan3A_118 : i32
    %scan3A_120 = arith.constant 1 : i32
    scf.for %scan3A_167 = %scan3A_117 to %scan3A_119 step %scan3A_120  : i32 {
      %dma_start3A = arith.constant 0 : i32
      %dma_start3A_168 = tpu.memref_slice %arg8[%scan3A_167, %dma_start3A] : memref<40x128xi32, #tpu.memory_space<vmem>> -> memref<1x128xi32, #tpu.memory_space<vmem>>
      %dma_start3A_169 = tpu.memref_squeeze %dma_start3A_168 : memref<1x128xi32, #tpu.memory_space<vmem>> -> memref<128xi32, #tpu.memory_space<vmem>>
      %dma_start3A_170 = arith.constant 0 : i32
      %dma_start3A_171 = arith.constant 0 : i32
      %dma_start3A_172 = tpu.memref_slice %arg2[%dma_start3A_170, %dma_start3A_171] : memref<40000x128xf32, #tpu.memory_space<hbm>> -> memref<40000x128xf32, #tpu.memory_space<hbm>>
      tpu.enqueue_indirect_dma source(%dma_start3A_172 : memref<40000x128xf32, #tpu.memory_space<hbm>>) target(%arg11 : memref<128x128xf32, #tpu.memory_space<vmem>>) offsets(%dma_start3A_169 : memref<128xi32, #tpu.memory_space<vmem>>) semaphore(%arg13 : memref<!tpu.dma_semaphore, #tpu.memory_space<semaphore_mem>>)
      %dma_wait3A = arith.constant 0 : i32
      %dma_wait3A_173 = tpu.memref_slice %arg8[%scan3A_167, %dma_wait3A] : memref<40x128xi32, #tpu.memory_space<vmem>> -> memref<1x128xi32, #tpu.memory_space<vmem>>
      %dma_wait3A_174 = tpu.memref_squeeze %dma_wait3A_173 : memref<1x128xi32, #tpu.memory_space<vmem>> -> memref<128xi32, #tpu.memory_space<vmem>>
      %dma_wait3A_175 = arith.constant 0 : i32
      %dma_wait3A_176 = arith.constant 0 : i32
      %dma_wait3A_177 = tpu.memref_slice %arg2[%dma_wait3A_175, %dma_wait3A_176] : memref<40000x128xf32, #tpu.memory_space<hbm>> -> memref<40000x128xf32, #tpu.memory_space<hbm>>
      tpu.wait_indirect_dma semaphore(%arg13 : memref<!tpu.dma_semaphore, #tpu.memory_space<semaphore_mem>>) src(%dma_wait3A_177 : memref<40000x128xf32, #tpu.memory_space<hbm>>) dst(%arg11 : memref<128x128xf32, #tpu.memory_space<vmem>>)
      "tpu.region"() ({
        %run_scoped3A = tpu.sem_alloc : memref<!tpu.dma_semaphore, #tpu.memory_space<semaphore_mem>>
        %dma_start3A_178 = arith.constant 0 : i32
        %dma_start3A_179 = tpu.memref_slice %arg9[%scan3A_167, %dma_start3A_178] : memref<40x128xi32, #tpu.memory_space<vmem>> -> memref<1x128xi32, #tpu.memory_space<vmem>>
        %dma_start3A_180 = tpu.memref_squeeze %dma_start3A_179 : memref<1x128xi32, #tpu.memory_space<vmem>> -> memref<128xi32, #tpu.memory_space<vmem>>
        %dma_start3A_181 = arith.constant 0 : i32
        %dma_start3A_182 = arith.constant 0 : i32
        %dma_start3A_183 = tpu.memref_slice %arg6[%dma_start3A_181, %dma_start3A_182] : memref<10240x128xf32, #tpu.memory_space<vmem_shared>> -> memref<10240x128xf32, #tpu.memory_space<vmem_shared>>
        tpu.enqueue_indirect_dma source(%arg11 : memref<128x128xf32, #tpu.memory_space<vmem>>) target(%dma_start3A_183 : memref<10240x128xf32, #tpu.memory_space<vmem_shared>>) offsets(%dma_start3A_180 : memref<128xi32, #tpu.memory_space<vmem>>) semaphore(%run_scoped3A : memref<!tpu.dma_semaphore, #tpu.memory_space<semaphore_mem>>) {add = true}
        %dma_wait3A_184 = arith.constant 0 : i32
        %dma_wait3A_185 = tpu.memref_slice %arg9[%scan3A_167, %dma_wait3A_184] : memref<40x128xi32, #tpu.memory_space<vmem>> -> memref<1x128xi32, #tpu.memory_space<vmem>>
        %dma_wait3A_186 = tpu.memref_squeeze %dma_wait3A_185 : memref<1x128xi32, #tpu.memory_space<vmem>> -> memref<128xi32, #tpu.memory_space<vmem>>
        %dma_wait3A_187 = arith.constant 0 : i32
        %dma_wait3A_188 = arith.constant 0 : i32
        %dma_wait3A_189 = tpu.memref_slice %arg6[%dma_wait3A_187, %dma_wait3A_188] : memref<10240x128xf32, #tpu.memory_space<vmem_shared>> -> memref<10240x128xf32, #tpu.memory_space<vmem_shared>>
        tpu.wait_indirect_dma semaphore(%run_scoped3A : memref<!tpu.dma_semaphore, #tpu.memory_space<semaphore_mem>>) src(%arg11 : memref<128x128xf32, #tpu.memory_space<vmem>>) dst(%dma_wait3A_189 : memref<10240x128xf32, #tpu.memory_space<vmem_shared>>)
        tpu.yield
      }) : () -> ()
    }
    %scan3A_121 = arith.constant 40 : i32
    %barrier3A_122 = arith.constant 0 : index
    tpu.barrier barrier_id(%barrier3A_122)
    %add3A_123 = arith.constant 4 : i32
    %add3A_124 = arith.addi %add3A_123, %arg0 : i32
    %mul3A_125 = arith.constant 10240 : i32
    %mul3A_126 = arith.muli %add3A_124, %mul3A_125 : i32
    %add3A_127 = arith.addi %mul3A_126, %mul3A_7 : i32
    "tpu.region"() ({
      %run_scoped3A = tpu.sem_alloc : memref<!tpu.dma_semaphore, #tpu.memory_space<semaphore_mem>>
      %dma_start3A = arith.constant 0 : i32
      %dma_start3A_167 = tpu.memref_slice %arg5[%add3A_127, %dma_start3A] : memref<81920x128xf32, #tpu.memory_space<hbm>> -> memref<640x128xf32, #tpu.memory_space<hbm>>
      %dma_start3A_168 = arith.constant 0 : i32
      %dma_start3A_169 = tpu.memref_slice %arg6[%mul3A_7, %dma_start3A_168] : memref<10240x128xf32, #tpu.memory_space<vmem_shared>> -> memref<640x128xf32, #tpu.memory_space<vmem_shared>>
      tpu.enqueue_dma source(%dma_start3A_169 : memref<640x128xf32, #tpu.memory_space<vmem_shared>>) target(%dma_start3A_167 : memref<640x128xf32, #tpu.memory_space<hbm>>) target_semaphore(%run_scoped3A : memref<!tpu.dma_semaphore, #tpu.memory_space<semaphore_mem>>)
      %dma_wait3A = arith.constant 0 : i32
      %dma_wait3A_170 = tpu.memref_slice %arg5[%add3A_127, %dma_wait3A] : memref<81920x128xf32, #tpu.memory_space<hbm>> -> memref<640x128xf32, #tpu.memory_space<hbm>>
      %dma_wait3A_171 = arith.constant 0 : i32
      %dma_wait3A_172 = tpu.memref_slice %arg6[%mul3A_7, %dma_wait3A_171] : memref<10240x128xf32, #tpu.memory_space<vmem_shared>> -> memref<640x128xf32, #tpu.memory_space<vmem_shared>>
      tpu.wait_dma2 semaphore(%run_scoped3A : memref<!tpu.dma_semaphore, #tpu.memory_space<semaphore_mem>>) src(%dma_wait3A_172 : memref<640x128xf32, #tpu.memory_space<vmem_shared>>) dst(%dma_wait3A_170 : memref<640x128xf32, #tpu.memory_space<hbm>>)
      tpu.yield
    }) : () -> ()
    %add3A_128 = arith.constant 0 : i32
    %add3A_129 = arith.addi %mul3A_7, %add3A_128 : i32
    "tpu.region"() ({
      %run_scoped3A = tpu.sem_alloc : memref<!tpu.dma_semaphore, #tpu.memory_space<semaphore_mem>>
      %dma_start3A = arith.constant 0 : i32
      %dma_start3A_167 = tpu.memref_slice %arg6[%add3A_129, %dma_start3A] : memref<10240x128xf32, #tpu.memory_space<vmem_shared>> -> memref<64x128xf32, #tpu.memory_space<vmem_shared>>
      %dma_start3A_168 = arith.constant 0 : i32
      %dma_start3A_169 = tpu.memref_slice %arg6[%add3A_129, %dma_start3A_168] : memref<10240x128xf32, #tpu.memory_space<vmem_shared>> -> memref<64x128xf32, #tpu.memory_space<vmem_shared>>
      tpu.enqueue_dma source(%arg10 : memref<64x128xf32, #tpu.memory_space<vmem>>) target(%dma_start3A_169 : memref<64x128xf32, #tpu.memory_space<vmem_shared>>) target_semaphore(%run_scoped3A : memref<!tpu.dma_semaphore, #tpu.memory_space<semaphore_mem>>)
      %dma_wait3A = arith.constant 0 : i32
      %dma_wait3A_170 = tpu.memref_slice %arg6[%add3A_129, %dma_wait3A] : memref<10240x128xf32, #tpu.memory_space<vmem_shared>> -> memref<64x128xf32, #tpu.memory_space<vmem_shared>>
      %dma_wait3A_171 = arith.constant 0 : i32
      %dma_wait3A_172 = tpu.memref_slice %arg6[%add3A_129, %dma_wait3A_171] : memref<10240x128xf32, #tpu.memory_space<vmem_shared>> -> memref<64x128xf32, #tpu.memory_space<vmem_shared>>
      tpu.wait_dma2 semaphore(%run_scoped3A : memref<!tpu.dma_semaphore, #tpu.memory_space<semaphore_mem>>) src(%arg10 : memref<64x128xf32, #tpu.memory_space<vmem>>) dst(%dma_wait3A_172 : memref<64x128xf32, #tpu.memory_space<vmem_shared>>)
      tpu.yield
    }) : () -> ()
    %add3A_130 = arith.constant 64 : i32
    %add3A_131 = arith.addi %mul3A_7, %add3A_130 : i32
    "tpu.region"() ({
      %run_scoped3A = tpu.sem_alloc : memref<!tpu.dma_semaphore, #tpu.memory_space<semaphore_mem>>
      %dma_start3A = arith.constant 0 : i32
      %dma_start3A_167 = tpu.memref_slice %arg6[%add3A_131, %dma_start3A] : memref<10240x128xf32, #tpu.memory_space<vmem_shared>> -> memref<64x128xf32, #tpu.memory_space<vmem_shared>>
      %dma_start3A_168 = arith.constant 0 : i32
      %dma_start3A_169 = tpu.memref_slice %arg6[%add3A_131, %dma_start3A_168] : memref<10240x128xf32, #tpu.memory_space<vmem_shared>> -> memref<64x128xf32, #tpu.memory_space<vmem_shared>>
      tpu.enqueue_dma source(%arg10 : memref<64x128xf32, #tpu.memory_space<vmem>>) target(%dma_start3A_169 : memref<64x128xf32, #tpu.memory_space<vmem_shared>>) target_semaphore(%run_scoped3A : memref<!tpu.dma_semaphore, #tpu.memory_space<semaphore_mem>>)
      %dma_wait3A = arith.constant 0 : i32
      %dma_wait3A_170 = tpu.memref_slice %arg6[%add3A_131, %dma_wait3A] : memref<10240x128xf32, #tpu.memory_space<vmem_shared>> -> memref<64x128xf32, #tpu.memory_space<vmem_shared>>
      %dma_wait3A_171 = arith.constant 0 : i32
      %dma_wait3A_172 = tpu.memref_slice %arg6[%add3A_131, %dma_wait3A_171] : memref<10240x128xf32, #tpu.memory_space<vmem_shared>> -> memref<64x128xf32, #tpu.memory_space<vmem_shared>>
      tpu.wait_dma2 semaphore(%run_scoped3A : memref<!tpu.dma_semaphore, #tpu.memory_space<semaphore_mem>>) src(%arg10 : memref<64x128xf32, #tpu.memory_space<vmem>>) dst(%dma_wait3A_172 : memref<64x128xf32, #tpu.memory_space<vmem_shared>>)
      tpu.yield
    }) : () -> ()
    %add3A_132 = arith.constant 128 : i32
    %add3A_133 = arith.addi %mul3A_7, %add3A_132 : i32
    "tpu.region"() ({
      %run_scoped3A = tpu.sem_alloc : memref<!tpu.dma_semaphore, #tpu.memory_space<semaphore_mem>>
      %dma_start3A = arith.constant 0 : i32
      %dma_start3A_167 = tpu.memref_slice %arg6[%add3A_133, %dma_start3A] : memref<10240x128xf32, #tpu.memory_space<vmem_shared>> -> memref<64x128xf32, #tpu.memory_space<vmem_shared>>
      %dma_start3A_168 = arith.constant 0 : i32
      %dma_start3A_169 = tpu.memref_slice %arg6[%add3A_133, %dma_start3A_168] : memref<10240x128xf32, #tpu.memory_space<vmem_shared>> -> memref<64x128xf32, #tpu.memory_space<vmem_shared>>
      tpu.enqueue_dma source(%arg10 : memref<64x128xf32, #tpu.memory_space<vmem>>) target(%dma_start3A_169 : memref<64x128xf32, #tpu.memory_space<vmem_shared>>) target_semaphore(%run_scoped3A : memref<!tpu.dma_semaphore, #tpu.memory_space<semaphore_mem>>)
      %dma_wait3A = arith.constant 0 : i32
      %dma_wait3A_170 = tpu.memref_slice %arg6[%add3A_133, %dma_wait3A] : memref<10240x128xf32, #tpu.memory_space<vmem_shared>> -> memref<64x128xf32, #tpu.memory_space<vmem_shared>>
      %dma_wait3A_171 = arith.constant 0 : i32
      %dma_wait3A_172 = tpu.memref_slice %arg6[%add3A_133, %dma_wait3A_171] : memref<10240x128xf32, #tpu.memory_space<vmem_shared>> -> memref<64x128xf32, #tpu.memory_space<vmem_shared>>
      tpu.wait_dma2 semaphore(%run_scoped3A : memref<!tpu.dma_semaphore, #tpu.memory_space<semaphore_mem>>) src(%arg10 : memref<64x128xf32, #tpu.memory_space<vmem>>) dst(%dma_wait3A_172 : memref<64x128xf32, #tpu.memory_space<vmem_shared>>)
      tpu.yield
    }) : () -> ()
    %add3A_134 = arith.constant 192 : i32
    %add3A_135 = arith.addi %mul3A_7, %add3A_134 : i32
    "tpu.region"() ({
      %run_scoped3A = tpu.sem_alloc : memref<!tpu.dma_semaphore, #tpu.memory_space<semaphore_mem>>
      %dma_start3A = arith.constant 0 : i32
      %dma_start3A_167 = tpu.memref_slice %arg6[%add3A_135, %dma_start3A] : memref<10240x128xf32, #tpu.memory_space<vmem_shared>> -> memref<64x128xf32, #tpu.memory_space<vmem_shared>>
      %dma_start3A_168 = arith.constant 0 : i32
      %dma_start3A_169 = tpu.memref_slice %arg6[%add3A_135, %dma_start3A_168] : memref<10240x128xf32, #tpu.memory_space<vmem_shared>> -> memref<64x128xf32, #tpu.memory_space<vmem_shared>>
      tpu.enqueue_dma source(%arg10 : memref<64x128xf32, #tpu.memory_space<vmem>>) target(%dma_start3A_169 : memref<64x128xf32, #tpu.memory_space<vmem_shared>>) target_semaphore(%run_scoped3A : memref<!tpu.dma_semaphore, #tpu.memory_space<semaphore_mem>>)
      %dma_wait3A = arith.constant 0 : i32
      %dma_wait3A_170 = tpu.memref_slice %arg6[%add3A_135, %dma_wait3A] : memref<10240x128xf32, #tpu.memory_space<vmem_shared>> -> memref<64x128xf32, #tpu.memory_space<vmem_shared>>
      %dma_wait3A_171 = arith.constant 0 : i32
      %dma_wait3A_172 = tpu.memref_slice %arg6[%add3A_135, %dma_wait3A_171] : memref<10240x128xf32, #tpu.memory_space<vmem_shared>> -> memref<64x128xf32, #tpu.memory_space<vmem_shared>>
      tpu.wait_dma2 semaphore(%run_scoped3A : memref<!tpu.dma_semaphore, #tpu.memory_space<semaphore_mem>>) src(%arg10 : memref<64x128xf32, #tpu.memory_space<vmem>>) dst(%dma_wait3A_172 : memref<64x128xf32, #tpu.memory_space<vmem_shared>>)
      tpu.yield
    }) : () -> ()
    %add3A_136 = arith.constant 256 : i32
    %add3A_137 = arith.addi %mul3A_7, %add3A_136 : i32
    "tpu.region"() ({
      %run_scoped3A = tpu.sem_alloc : memref<!tpu.dma_semaphore, #tpu.memory_space<semaphore_mem>>
      %dma_start3A = arith.constant 0 : i32
      %dma_start3A_167 = tpu.memref_slice %arg6[%add3A_137, %dma_start3A] : memref<10240x128xf32, #tpu.memory_space<vmem_shared>> -> memref<64x128xf32, #tpu.memory_space<vmem_shared>>
      %dma_start3A_168 = arith.constant 0 : i32
      %dma_start3A_169 = tpu.memref_slice %arg6[%add3A_137, %dma_start3A_168] : memref<10240x128xf32, #tpu.memory_space<vmem_shared>> -> memref<64x128xf32, #tpu.memory_space<vmem_shared>>
      tpu.enqueue_dma source(%arg10 : memref<64x128xf32, #tpu.memory_space<vmem>>) target(%dma_start3A_169 : memref<64x128xf32, #tpu.memory_space<vmem_shared>>) target_semaphore(%run_scoped3A : memref<!tpu.dma_semaphore, #tpu.memory_space<semaphore_mem>>)
      %dma_wait3A = arith.constant 0 : i32
      %dma_wait3A_170 = tpu.memref_slice %arg6[%add3A_137, %dma_wait3A] : memref<10240x128xf32, #tpu.memory_space<vmem_shared>> -> memref<64x128xf32, #tpu.memory_space<vmem_shared>>
      %dma_wait3A_171 = arith.constant 0 : i32
      %dma_wait3A_172 = tpu.memref_slice %arg6[%add3A_137, %dma_wait3A_171] : memref<10240x128xf32, #tpu.memory_space<vmem_shared>> -> memref<64x128xf32, #tpu.memory_space<vmem_shared>>
      tpu.wait_dma2 semaphore(%run_scoped3A : memref<!tpu.dma_semaphore, #tpu.memory_space<semaphore_mem>>) src(%arg10 : memref<64x128xf32, #tpu.memory_space<vmem>>) dst(%dma_wait3A_172 : memref<64x128xf32, #tpu.memory_space<vmem_shared>>)
      tpu.yield
    }) : () -> ()
    %add3A_138 = arith.constant 320 : i32
    %add3A_139 = arith.addi %mul3A_7, %add3A_138 : i32
    "tpu.region"() ({
      %run_scoped3A = tpu.sem_alloc : memref<!tpu.dma_semaphore, #tpu.memory_space<semaphore_mem>>
      %dma_start3A = arith.constant 0 : i32
      %dma_start3A_167 = tpu.memref_slice %arg6[%add3A_139, %dma_start3A] : memref<10240x128xf32, #tpu.memory_space<vmem_shared>> -> memref<64x128xf32, #tpu.memory_space<vmem_shared>>
      %dma_start3A_168 = arith.constant 0 : i32
      %dma_start3A_169 = tpu.memref_slice %arg6[%add3A_139, %dma_start3A_168] : memref<10240x128xf32, #tpu.memory_space<vmem_shared>> -> memref<64x128xf32, #tpu.memory_space<vmem_shared>>
      tpu.enqueue_dma source(%arg10 : memref<64x128xf32, #tpu.memory_space<vmem>>) target(%dma_start3A_169 : memref<64x128xf32, #tpu.memory_space<vmem_shared>>) target_semaphore(%run_scoped3A : memref<!tpu.dma_semaphore, #tpu.memory_space<semaphore_mem>>)
      %dma_wait3A = arith.constant 0 : i32
      %dma_wait3A_170 = tpu.memref_slice %arg6[%add3A_139, %dma_wait3A] : memref<10240x128xf32, #tpu.memory_space<vmem_shared>> -> memref<64x128xf32, #tpu.memory_space<vmem_shared>>
      %dma_wait3A_171 = arith.constant 0 : i32
      %dma_wait3A_172 = tpu.memref_slice %arg6[%add3A_139, %dma_wait3A_171] : memref<10240x128xf32, #tpu.memory_space<vmem_shared>> -> memref<64x128xf32, #tpu.memory_space<vmem_shared>>
      tpu.wait_dma2 semaphore(%run_scoped3A : memref<!tpu.dma_semaphore, #tpu.memory_space<semaphore_mem>>) src(%arg10 : memref<64x128xf32, #tpu.memory_space<vmem>>) dst(%dma_wait3A_172 : memref<64x128xf32, #tpu.memory_space<vmem_shared>>)
      tpu.yield
    }) : () -> ()
    %add3A_140 = arith.constant 384 : i32
    %add3A_141 = arith.addi %mul3A_7, %add3A_140 : i32
    "tpu.region"() ({
      %run_scoped3A = tpu.sem_alloc : memref<!tpu.dma_semaphore, #tpu.memory_space<semaphore_mem>>
      %dma_start3A = arith.constant 0 : i32
      %dma_start3A_167 = tpu.memref_slice %arg6[%add3A_141, %dma_start3A] : memref<10240x128xf32, #tpu.memory_space<vmem_shared>> -> memref<64x128xf32, #tpu.memory_space<vmem_shared>>
      %dma_start3A_168 = arith.constant 0 : i32
      %dma_start3A_169 = tpu.memref_slice %arg6[%add3A_141, %dma_start3A_168] : memref<10240x128xf32, #tpu.memory_space<vmem_shared>> -> memref<64x128xf32, #tpu.memory_space<vmem_shared>>
      tpu.enqueue_dma source(%arg10 : memref<64x128xf32, #tpu.memory_space<vmem>>) target(%dma_start3A_169 : memref<64x128xf32, #tpu.memory_space<vmem_shared>>) target_semaphore(%run_scoped3A : memref<!tpu.dma_semaphore, #tpu.memory_space<semaphore_mem>>)
      %dma_wait3A = arith.constant 0 : i32
      %dma_wait3A_170 = tpu.memref_slice %arg6[%add3A_141, %dma_wait3A] : memref<10240x128xf32, #tpu.memory_space<vmem_shared>> -> memref<64x128xf32, #tpu.memory_space<vmem_shared>>
      %dma_wait3A_171 = arith.constant 0 : i32
      %dma_wait3A_172 = tpu.memref_slice %arg6[%add3A_141, %dma_wait3A_171] : memref<10240x128xf32, #tpu.memory_space<vmem_shared>> -> memref<64x128xf32, #tpu.memory_space<vmem_shared>>
      tpu.wait_dma2 semaphore(%run_scoped3A : memref<!tpu.dma_semaphore, #tpu.memory_space<semaphore_mem>>) src(%arg10 : memref<64x128xf32, #tpu.memory_space<vmem>>) dst(%dma_wait3A_172 : memref<64x128xf32, #tpu.memory_space<vmem_shared>>)
      tpu.yield
    }) : () -> ()
    %add3A_142 = arith.constant 448 : i32
    %add3A_143 = arith.addi %mul3A_7, %add3A_142 : i32
    "tpu.region"() ({
      %run_scoped3A = tpu.sem_alloc : memref<!tpu.dma_semaphore, #tpu.memory_space<semaphore_mem>>
      %dma_start3A = arith.constant 0 : i32
      %dma_start3A_167 = tpu.memref_slice %arg6[%add3A_143, %dma_start3A] : memref<10240x128xf32, #tpu.memory_space<vmem_shared>> -> memref<64x128xf32, #tpu.memory_space<vmem_shared>>
      %dma_start3A_168 = arith.constant 0 : i32
      %dma_start3A_169 = tpu.memref_slice %arg6[%add3A_143, %dma_start3A_168] : memref<10240x128xf32, #tpu.memory_space<vmem_shared>> -> memref<64x128xf32, #tpu.memory_space<vmem_shared>>
      tpu.enqueue_dma source(%arg10 : memref<64x128xf32, #tpu.memory_space<vmem>>) target(%dma_start3A_169 : memref<64x128xf32, #tpu.memory_space<vmem_shared>>) target_semaphore(%run_scoped3A : memref<!tpu.dma_semaphore, #tpu.memory_space<semaphore_mem>>)
      %dma_wait3A = arith.constant 0 : i32
      %dma_wait3A_170 = tpu.memref_slice %arg6[%add3A_143, %dma_wait3A] : memref<10240x128xf32, #tpu.memory_space<vmem_shared>> -> memref<64x128xf32, #tpu.memory_space<vmem_shared>>
      %dma_wait3A_171 = arith.constant 0 : i32
      %dma_wait3A_172 = tpu.memref_slice %arg6[%add3A_143, %dma_wait3A_171] : memref<10240x128xf32, #tpu.memory_space<vmem_shared>> -> memref<64x128xf32, #tpu.memory_space<vmem_shared>>
      tpu.wait_dma2 semaphore(%run_scoped3A : memref<!tpu.dma_semaphore, #tpu.memory_space<semaphore_mem>>) src(%arg10 : memref<64x128xf32, #tpu.memory_space<vmem>>) dst(%dma_wait3A_172 : memref<64x128xf32, #tpu.memory_space<vmem_shared>>)
      tpu.yield
    }) : () -> ()
    %add3A_144 = arith.constant 512 : i32
    %add3A_145 = arith.addi %mul3A_7, %add3A_144 : i32
    "tpu.region"() ({
      %run_scoped3A = tpu.sem_alloc : memref<!tpu.dma_semaphore, #tpu.memory_space<semaphore_mem>>
      %dma_start3A = arith.constant 0 : i32
      %dma_start3A_167 = tpu.memref_slice %arg6[%add3A_145, %dma_start3A] : memref<10240x128xf32, #tpu.memory_space<vmem_shared>> -> memref<64x128xf32, #tpu.memory_space<vmem_shared>>
      %dma_start3A_168 = arith.constant 0 : i32
      %dma_start3A_169 = tpu.memref_slice %arg6[%add3A_145, %dma_start3A_168] : memref<10240x128xf32, #tpu.memory_space<vmem_shared>> -> memref<64x128xf32, #tpu.memory_space<vmem_shared>>
      tpu.enqueue_dma source(%arg10 : memref<64x128xf32, #tpu.memory_space<vmem>>) target(%dma_start3A_169 : memref<64x128xf32, #tpu.memory_space<vmem_shared>>) target_semaphore(%run_scoped3A : memref<!tpu.dma_semaphore, #tpu.memory_space<semaphore_mem>>)
      %dma_wait3A = arith.constant 0 : i32
      %dma_wait3A_170 = tpu.memref_slice %arg6[%add3A_145, %dma_wait3A] : memref<10240x128xf32, #tpu.memory_space<vmem_shared>> -> memref<64x128xf32, #tpu.memory_space<vmem_shared>>
      %dma_wait3A_171 = arith.constant 0 : i32
      %dma_wait3A_172 = tpu.memref_slice %arg6[%add3A_145, %dma_wait3A_171] : memref<10240x128xf32, #tpu.memory_space<vmem_shared>> -> memref<64x128xf32, #tpu.memory_space<vmem_shared>>
      tpu.wait_dma2 semaphore(%run_scoped3A : memref<!tpu.dma_semaphore, #tpu.memory_space<semaphore_mem>>) src(%arg10 : memref<64x128xf32, #tpu.memory_space<vmem>>) dst(%dma_wait3A_172 : memref<64x128xf32, #tpu.memory_space<vmem_shared>>)
      tpu.yield
    }) : () -> ()
    %add3A_146 = arith.constant 576 : i32
    %add3A_147 = arith.addi %mul3A_7, %add3A_146 : i32
    "tpu.region"() ({
      %run_scoped3A = tpu.sem_alloc : memref<!tpu.dma_semaphore, #tpu.memory_space<semaphore_mem>>
      %dma_start3A = arith.constant 0 : i32
      %dma_start3A_167 = tpu.memref_slice %arg6[%add3A_147, %dma_start3A] : memref<10240x128xf32, #tpu.memory_space<vmem_shared>> -> memref<64x128xf32, #tpu.memory_space<vmem_shared>>
      %dma_start3A_168 = arith.constant 0 : i32
      %dma_start3A_169 = tpu.memref_slice %arg6[%add3A_147, %dma_start3A_168] : memref<10240x128xf32, #tpu.memory_space<vmem_shared>> -> memref<64x128xf32, #tpu.memory_space<vmem_shared>>
      tpu.enqueue_dma source(%arg10 : memref<64x128xf32, #tpu.memory_space<vmem>>) target(%dma_start3A_169 : memref<64x128xf32, #tpu.memory_space<vmem_shared>>) target_semaphore(%run_scoped3A : memref<!tpu.dma_semaphore, #tpu.memory_space<semaphore_mem>>)
      %dma_wait3A = arith.constant 0 : i32
      %dma_wait3A_170 = tpu.memref_slice %arg6[%add3A_147, %dma_wait3A] : memref<10240x128xf32, #tpu.memory_space<vmem_shared>> -> memref<64x128xf32, #tpu.memory_space<vmem_shared>>
      %dma_wait3A_171 = arith.constant 0 : i32
      %dma_wait3A_172 = tpu.memref_slice %arg6[%add3A_147, %dma_wait3A_171] : memref<10240x128xf32, #tpu.memory_space<vmem_shared>> -> memref<64x128xf32, #tpu.memory_space<vmem_shared>>
      tpu.wait_dma2 semaphore(%run_scoped3A : memref<!tpu.dma_semaphore, #tpu.memory_space<semaphore_mem>>) src(%arg10 : memref<64x128xf32, #tpu.memory_space<vmem>>) dst(%dma_wait3A_172 : memref<64x128xf32, #tpu.memory_space<vmem_shared>>)
      tpu.yield
    }) : () -> ()
    %scan3A_148 = arith.constant 0 : i32
    %scan3A_149 = arith.constant 0 : i32
    %scan3A_150 = arith.constant 320 : i32
    %scan3A_151 = arith.addi %scan3A_149, %scan3A_150 : i32
    %scan3A_152 = arith.constant 1 : i32
    scf.for %scan3A_167 = %scan3A_149 to %scan3A_151 step %scan3A_152  : i32 {
      %jit3A = arith.constant 8 : i32
      %div3A = arith.divsi %scan3A_167, %jit3A : i32
      %sign3A = arith.constant 0 : i32
      %sign3A_168 = arith.cmpi sgt, %scan3A_167, %sign3A : i32
      %sign3A_169 = arith.extui %sign3A_168 : i1 to i32
      %sign3A_170 = arith.constant 0 : i32
      %sign3A_171 = arith.cmpi slt, %scan3A_167, %sign3A_170 : i32
      %sign3A_172 = arith.extui %sign3A_171 : i1 to i32
      %sign3A_173 = arith.subi %sign3A_169, %sign3A_172 : i32
      %sign3A_174 = arith.constant 0 : i32
      %sign3A_175 = arith.cmpi sgt, %jit3A, %sign3A_174 : i32
      %sign3A_176 = arith.extui %sign3A_175 : i1 to i32
      %sign3A_177 = arith.constant 0 : i32
      %sign3A_178 = arith.cmpi slt, %jit3A, %sign3A_177 : i32
      %sign3A_179 = arith.extui %sign3A_178 : i1 to i32
      %sign3A_180 = arith.subi %sign3A_176, %sign3A_179 : i32
      %ne3A = arith.cmpi ne, %sign3A_173, %sign3A_180 : i32
      %rem3A = arith.remsi %scan3A_167, %jit3A : i32
      %ne3A_181 = arith.constant 0 : i32
      %ne3A_182 = arith.cmpi ne, %rem3A, %ne3A_181 : i32
      %and3A = arith.andi %ne3A, %ne3A_182 : i1
      %sub3A = arith.constant 1 : i32
      %sub3A_183 = arith.subi %div3A, %sub3A : i32
      %select_n3A = arith.select %and3A, %sub3A_183, %div3A : i32
      %jit3A_184 = arith.constant 8 : i32
      %eq3A = arith.constant 0 : i32
      %eq3A_185 = arith.cmpi eq, %jit3A_184, %eq3A : i32
      %jit3A_186 = arith.constant 1 : i32
      %select_n3A_187 = arith.select %eq3A_185, %jit3A_186, %jit3A_184 : i32
      %rem3A_188 = arith.remsi %scan3A_167, %select_n3A_187 : i32
      %ne3A_189 = arith.constant 0 : i32
      %ne3A_190 = arith.cmpi ne, %rem3A_188, %ne3A_189 : i32
      %lt3A = arith.constant 0 : i32
      %lt3A_191 = arith.cmpi slt, %rem3A_188, %lt3A : i32
      %lt3A_192 = arith.constant 0 : i32
      %lt3A_193 = arith.cmpi slt, %select_n3A_187, %lt3A_192 : i32
      %ne3A_194 = arith.xori %lt3A_191, %lt3A_193 : i1
      %and3A_195 = arith.andi %ne3A_194, %ne3A_190 : i1
      %add3A_196 = arith.addi %rem3A_188, %select_n3A_187 : i32
      %select_n3A_197 = arith.select %and3A_195, %add3A_196, %rem3A_188 : i32
      %mul3A_198 = arith.constant 16 : i32
      %mul3A_199 = arith.muli %select_n3A_197, %mul3A_198 : i32
      %get3A = arith.index_cast %select_n3A : i32 to index
      %get3A_200 = arith.index_cast %mul3A_199 : i32 to index
      %get3A_201 = tpu.vector_load %arg7[%get3A, %get3A_200] {strides = array<i32>} : memref<40x128xi32, #tpu.memory_space<vmem>>, vector<1x16xi32>,
      %get3A_202 = vector.shape_cast %get3A_201 : vector<1x16xi32> to vector<16xi32>
      %mul3A_203 = arith.constant 4 : i32
      %mul3A_204 = vector.broadcast %mul3A_203 : i32 to vector<16xi32>
      %mul3A_205 = arith.muli %get3A_202, %mul3A_204 : vector<16xi32>
      %add3A_206 = arith.constant 3 : i32
      %add3A_207 = vector.broadcast %add3A_206 : i32 to vector<16xi32>
      %add3A_208 = arith.addi %mul3A_205, %add3A_207 : vector<16xi32>
      %jit3A_209 = arith.constant 8 : i32
      %div3A_210 = arith.divsi %scan3A_167, %jit3A_209 : i32
      %sign3A_211 = arith.constant 0 : i32
      %sign3A_212 = arith.cmpi sgt, %scan3A_167, %sign3A_211 : i32
      %sign3A_213 = arith.extui %sign3A_212 : i1 to i32
      %sign3A_214 = arith.constant 0 : i32
      %sign3A_215 = arith.cmpi slt, %scan3A_167, %sign3A_214 : i32
      %sign3A_216 = arith.extui %sign3A_215 : i1 to i32
      %sign3A_217 = arith.subi %sign3A_213, %sign3A_216 : i32
      %sign3A_218 = arith.constant 0 : i32
      %sign3A_219 = arith.cmpi sgt, %jit3A_209, %sign3A_218 : i32
      %sign3A_220 = arith.extui %sign3A_219 : i1 to i32
      %sign3A_221 = arith.constant 0 : i32
      %sign3A_222 = arith.cmpi slt, %jit3A_209, %sign3A_221 : i32
      %sign3A_223 = arith.extui %sign3A_222 : i1 to i32
      %sign3A_224 = arith.subi %sign3A_220, %sign3A_223 : i32
      %ne3A_225 = arith.cmpi ne, %sign3A_217, %sign3A_224 : i32
      %rem3A_226 = arith.remsi %scan3A_167, %jit3A_209 : i32
      %ne3A_227 = arith.constant 0 : i32
      %ne3A_228 = arith.cmpi ne, %rem3A_226, %ne3A_227 : i32
      %and3A_229 = arith.andi %ne3A_225, %ne3A_228 : i1
      %sub3A_230 = arith.constant 1 : i32
      %sub3A_231 = arith.subi %div3A_210, %sub3A_230 : i32
      %select_n3A_232 = arith.select %and3A_229, %sub3A_231, %div3A_210 : i32
      %jit3A_233 = arith.constant 8 : i32
      %eq3A_234 = arith.constant 0 : i32
      %eq3A_235 = arith.cmpi eq, %jit3A_233, %eq3A_234 : i32
      %jit3A_236 = arith.constant 1 : i32
      %select_n3A_237 = arith.select %eq3A_235, %jit3A_236, %jit3A_233 : i32
      %rem3A_238 = arith.remsi %scan3A_167, %select_n3A_237 : i32
      %ne3A_239 = arith.constant 0 : i32
      %ne3A_240 = arith.cmpi ne, %rem3A_238, %ne3A_239 : i32
      %lt3A_241 = arith.constant 0 : i32
      %lt3A_242 = arith.cmpi slt, %rem3A_238, %lt3A_241 : i32
      %lt3A_243 = arith.constant 0 : i32
      %lt3A_244 = arith.cmpi slt, %select_n3A_237, %lt3A_243 : i32
      %ne3A_245 = arith.xori %lt3A_242, %lt3A_244 : i1
      %and3A_246 = arith.andi %ne3A_245, %ne3A_240 : i1
      %add3A_247 = arith.addi %rem3A_238, %select_n3A_237 : i32
      %select_n3A_248 = arith.select %and3A_246, %add3A_247, %rem3A_238 : i32
      %mul3A_249 = arith.constant 16 : i32
      %mul3A_250 = arith.muli %select_n3A_248, %mul3A_249 : i32
      %swap3A = arith.index_cast %select_n3A_232 : i32 to index
      %swap3A_251 = arith.index_cast %mul3A_250 : i32 to index
      %swap3A_252 = tpu.vector_load %arg8[%swap3A, %swap3A_251] {strides = array<i32>} : memref<40x128xi32, #tpu.memory_space<vmem>>, vector<1x16xi32>,
      %swap3A_253 = vector.shape_cast %swap3A_252 : vector<1x16xi32> to vector<16xi32>
      %swap3A_254 = vector.shape_cast %add3A_208 : vector<16xi32> to vector<1x16xi32>
      tpu.vector_store %arg8[%swap3A, %swap3A_251], %swap3A_254 {strides = array<i32>} : memref<40x128xi32, #tpu.memory_space<vmem>>, vector<1x16xi32>,
    }
    %scan3A_153 = arith.constant 320 : i32
    %barrier3A_154 = arith.constant 0 : index
    tpu.barrier barrier_id(%barrier3A_154)
    %scan3A_155 = arith.constant 0 : i32
    %scan3A_156 = arith.constant 0 : i32
    %scan3A_157 = arith.constant 40 : i32
    %scan3A_158 = arith.addi %scan3A_156, %scan3A_157 : i32
    %scan3A_159 = arith.constant 1 : i32
    scf.for %scan3A_167 = %scan3A_156 to %scan3A_158 step %scan3A_159  : i32 {
      %dma_start3A = arith.constant 0 : i32
      %dma_start3A_168 = tpu.memref_slice %arg8[%scan3A_167, %dma_start3A] : memref<40x128xi32, #tpu.memory_space<vmem>> -> memref<1x128xi32, #tpu.memory_space<vmem>>
      %dma_start3A_169 = tpu.memref_squeeze %dma_start3A_168 : memref<1x128xi32, #tpu.memory_space<vmem>> -> memref<128xi32, #tpu.memory_space<vmem>>
      %dma_start3A_170 = arith.constant 0 : i32
      %dma_start3A_171 = arith.constant 0 : i32
      %dma_start3A_172 = tpu.memref_slice %arg2[%dma_start3A_170, %dma_start3A_171] : memref<40000x128xf32, #tpu.memory_space<hbm>> -> memref<40000x128xf32, #tpu.memory_space<hbm>>
      tpu.enqueue_indirect_dma source(%dma_start3A_172 : memref<40000x128xf32, #tpu.memory_space<hbm>>) target(%arg11 : memref<128x128xf32, #tpu.memory_space<vmem>>) offsets(%dma_start3A_169 : memref<128xi32, #tpu.memory_space<vmem>>) semaphore(%arg13 : memref<!tpu.dma_semaphore, #tpu.memory_space<semaphore_mem>>)
      %dma_wait3A = arith.constant 0 : i32
      %dma_wait3A_173 = tpu.memref_slice %arg8[%scan3A_167, %dma_wait3A] : memref<40x128xi32, #tpu.memory_space<vmem>> -> memref<1x128xi32, #tpu.memory_space<vmem>>
      %dma_wait3A_174 = tpu.memref_squeeze %dma_wait3A_173 : memref<1x128xi32, #tpu.memory_space<vmem>> -> memref<128xi32, #tpu.memory_space<vmem>>
      %dma_wait3A_175 = arith.constant 0 : i32
      %dma_wait3A_176 = arith.constant 0 : i32
      %dma_wait3A_177 = tpu.memref_slice %arg2[%dma_wait3A_175, %dma_wait3A_176] : memref<40000x128xf32, #tpu.memory_space<hbm>> -> memref<40000x128xf32, #tpu.memory_space<hbm>>
      tpu.wait_indirect_dma semaphore(%arg13 : memref<!tpu.dma_semaphore, #tpu.memory_space<semaphore_mem>>) src(%dma_wait3A_177 : memref<40000x128xf32, #tpu.memory_space<hbm>>) dst(%arg11 : memref<128x128xf32, #tpu.memory_space<vmem>>)
      "tpu.region"() ({
        %run_scoped3A = tpu.sem_alloc : memref<!tpu.dma_semaphore, #tpu.memory_space<semaphore_mem>>
        %dma_start3A_178 = arith.constant 0 : i32
        %dma_start3A_179 = tpu.memref_slice %arg9[%scan3A_167, %dma_start3A_178] : memref<40x128xi32, #tpu.memory_space<vmem>> -> memref<1x128xi32, #tpu.memory_space<vmem>>
        %dma_start3A_180 = tpu.memref_squeeze %dma_start3A_179 : memref<1x128xi32, #tpu.memory_space<vmem>> -> memref<128xi32, #tpu.memory_space<vmem>>
        %dma_start3A_181 = arith.constant 0 : i32
        %dma_start3A_182 = arith.constant 0 : i32
        %dma_start3A_183 = tpu.memref_slice %arg6[%dma_start3A_181, %dma_start3A_182] : memref<10240x128xf32, #tpu.memory_space<vmem_shared>> -> memref<10240x128xf32, #tpu.memory_space<vmem_shared>>
        tpu.enqueue_indirect_dma source(%arg11 : memref<128x128xf32, #tpu.memory_space<vmem>>) target(%dma_start3A_183 : memref<10240x128xf32, #tpu.memory_space<vmem_shared>>) offsets(%dma_start3A_180 : memref<128xi32, #tpu.memory_space<vmem>>) semaphore(%run_scoped3A : memref<!tpu.dma_semaphore, #tpu.memory_space<semaphore_mem>>) {add = true}
        %dma_wait3A_184 = arith.constant 0 : i32
        %dma_wait3A_185 = tpu.memref_slice %arg9[%scan3A_167, %dma_wait3A_184] : memref<40x128xi32, #tpu.memory_space<vmem>> -> memref<1x128xi32, #tpu.memory_space<vmem>>
        %dma_wait3A_186 = tpu.memref_squeeze %dma_wait3A_185 : memref<1x128xi32, #tpu.memory_space<vmem>> -> memref<128xi32, #tpu.memory_space<vmem>>
        %dma_wait3A_187 = arith.constant 0 : i32
        %dma_wait3A_188 = arith.constant 0 : i32
        %dma_wait3A_189 = tpu.memref_slice %arg6[%dma_wait3A_187, %dma_wait3A_188] : memref<10240x128xf32, #tpu.memory_space<vmem_shared>> -> memref<10240x128xf32, #tpu.memory_space<vmem_shared>>
        tpu.wait_indirect_dma semaphore(%run_scoped3A : memref<!tpu.dma_semaphore, #tpu.memory_space<semaphore_mem>>) src(%arg11 : memref<128x128xf32, #tpu.memory_space<vmem>>) dst(%dma_wait3A_189 : memref<10240x128xf32, #tpu.memory_space<vmem_shared>>)
        tpu.yield
      }) : () -> ()
    }
    %scan3A_160 = arith.constant 40 : i32
    %barrier3A_161 = arith.constant 0 : index
    tpu.barrier barrier_id(%barrier3A_161)
    %add3A_162 = arith.constant 6 : i32
    %add3A_163 = arith.addi %add3A_162, %arg0 : i32
    %mul3A_164 = arith.constant 10240 : i32
    %mul3A_165 = arith.muli %add3A_163, %mul3A_164 : i32
    %add3A_166 = arith.addi %mul3A_165, %mul3A_7 : i32
    "tpu.region"() ({
      %run_scoped3A = tpu.sem_alloc : memref<!tpu.dma_semaphore, #tpu.memory_space<semaphore_mem>>
      %dma_start3A = arith.constant 0 : i32
      %dma_start3A_167 = tpu.memref_slice %arg5[%add3A_166, %dma_start3A] : memref<81920x128xf32, #tpu.memory_space<hbm>> -> memref<640x128xf32, #tpu.memory_space<hbm>>
      %dma_start3A_168 = arith.constant 0 : i32
      %dma_start3A_169 = tpu.memref_slice %arg6[%mul3A_7, %dma_start3A_168] : memref<10240x128xf32, #tpu.memory_space<vmem_shared>> -> memref<640x128xf32, #tpu.memory_space<vmem_shared>>
      tpu.enqueue_dma source(%dma_start3A_169 : memref<640x128xf32, #tpu.memory_space<vmem_shared>>) target(%dma_start3A_167 : memref<640x128xf32, #tpu.memory_space<hbm>>) target_semaphore(%run_scoped3A : memref<!tpu.dma_semaphore, #tpu.memory_space<semaphore_mem>>)
      %dma_wait3A = arith.constant 0 : i32
      %dma_wait3A_170 = tpu.memref_slice %arg5[%add3A_166, %dma_wait3A] : memref<81920x128xf32, #tpu.memory_space<hbm>> -> memref<640x128xf32, #tpu.memory_space<hbm>>
      %dma_wait3A_171 = arith.constant 0 : i32
      %dma_wait3A_172 = tpu.memref_slice %arg6[%mul3A_7, %dma_wait3A_171] : memref<10240x128xf32, #tpu.memory_space<vmem_shared>> -> memref<640x128xf32, #tpu.memory_space<vmem_shared>>
      tpu.wait_dma2 semaphore(%run_scoped3A : memref<!tpu.dma_semaphore, #tpu.memory_space<semaphore_mem>>) src(%dma_wait3A_172 : memref<640x128xf32, #tpu.memory_space<vmem_shared>>) dst(%dma_wait3A_170 : memref<640x128xf32, #tpu.memory_space<hbm>>)
      tpu.yield
    }) : () -> ()
    return
  }
}

module attributes {stable_mosaic.version = 14 : i64} {
  func.func @_conv_body(%arg0: i32, %arg1: memref<400x128xf32, #tpu.memory_space<vmem>>, %arg2: memref<400x128xf32, #tpu.memory_space<vmem>>, %arg3: memref<400x128xf32, #tpu.memory_space<vmem>>, %arg4: memref<128x512xf32, #tpu.memory_space<vmem>>, %arg5: memref<128x512xf32, #tpu.memory_space<vmem>>, %arg6: memref<1x512xf32, #tpu.memory_space<vmem>>, %arg7: memref<400x512xf32, #tpu.memory_space<vmem>>, %arg8: memref<1x512xf32, #tpu.memory_space<vmem>>, %arg9: memref<1x512xf32, #tpu.memory_space<vmem>>) attributes {dimension_semantics = [#tpu.dimension_semantics<arbitrary>], iteration_bounds = array<i64: 25>, scalar_prefetch = 0 : i64, scratch_operands = 0 : i64, tpu.core_type = #tpu.core_type<tc>, window_params = [{transform_indices = @transform_0, window_bounds = array<i64: 400, 128>}, {transform_indices = @transform_1, window_bounds = array<i64: 400, 128>}, {transform_indices = @transform_2, window_bounds = array<i64: 400, 128>}, {pipeline_mode = #tpu.pipeline_mode<synchronous>, transform_indices = @transform_3, window_bounds = array<i64: 128, 512>}, {pipeline_mode = #tpu.pipeline_mode<synchronous>, transform_indices = @transform_4, window_bounds = array<i64: 128, 512>}, {pipeline_mode = #tpu.pipeline_mode<synchronous>, transform_indices = @transform_5, window_bounds = array<i64: 1, 512>}, {transform_indices = @transform_6, window_bounds = array<i64: 400, 512>}, {pipeline_mode = #tpu.pipeline_mode<synchronous>, transform_indices = @transform_7, window_bounds = array<i64: 1, 512>}, {pipeline_mode = #tpu.pipeline_mode<synchronous>, transform_indices = @transform_8, window_bounds = array<i64: 1, 512>}]} {
    %get3A = arith.constant 0 : index
    %get3A_0 = arith.constant 0 : index
    %get3A_1 = vector.load %arg1[%get3A, %get3A_0] : memref<400x128xf32, #tpu.memory_space<vmem>>, vector<400x128xf32>
    %get3A_2 = arith.constant 0 : index
    %get3A_3 = arith.constant 0 : index
    %get3A_4 = vector.load %arg2[%get3A_2, %get3A_3] : memref<400x128xf32, #tpu.memory_space<vmem>>, vector<400x128xf32>
    %add3A = arith.addf %get3A_1, %get3A_4 : vector<400x128xf32>
    %get3A_5 = arith.constant 0 : index
    %get3A_6 = arith.constant 0 : index
    %get3A_7 = vector.load %arg4[%get3A_5, %get3A_6] : memref<128x512xf32, #tpu.memory_space<vmem>>, vector<128x512xf32>
    %dot_general3A = arith.constant dense<0.000000e+00> : vector<400x512xf32>
    %dot_general3A_8 = tpu.matmul %add3A, %get3A_7, %dot_general3A {dimension_numbers = #tpu.dot_dimension_numbers<[1], [0], [0], [1], [0, 0, 1, 1], [], []>, transpose_lhs_hint = false} : vector<400x128xf32>, vector<128x512xf32>, vector<400x512xf32> -> vector<400x512xf32>
    %get3A_9 = arith.constant 0 : index
    %get3A_10 = arith.constant 0 : index
    %get3A_11 = vector.load %arg3[%get3A_9, %get3A_10] : memref<400x128xf32, #tpu.memory_space<vmem>>, vector<400x128xf32>
    %get3A_12 = arith.constant 0 : index
    %get3A_13 = arith.constant 0 : index
    %get3A_14 = vector.load %arg5[%get3A_12, %get3A_13] : memref<128x512xf32, #tpu.memory_space<vmem>>, vector<128x512xf32>
    %dot_general3A_15 = arith.constant dense<0.000000e+00> : vector<400x512xf32>
    %dot_general3A_16 = tpu.matmul %get3A_11, %get3A_14, %dot_general3A_15 {dimension_numbers = #tpu.dot_dimension_numbers<[1], [0], [0], [1], [0, 0, 1, 1], [], []>, transpose_lhs_hint = false} : vector<400x128xf32>, vector<128x512xf32>, vector<400x512xf32> -> vector<400x512xf32>
    %add3A_17 = arith.addf %dot_general3A_8, %dot_general3A_16 : vector<400x512xf32>
    %get3A_18 = arith.constant 0 : index
    %get3A_19 = arith.constant 0 : index
    %get3A_20 = vector.load %arg6[%get3A_18, %get3A_19] : memref<1x512xf32, #tpu.memory_space<vmem>>, vector<1x512xf32>
    %add3A_21 = vector.broadcast %get3A_20 : vector<1x512xf32> to vector<400x512xf32>
    %add3A_22 = arith.addf %add3A_17, %add3A_21 : vector<400x512xf32>
    %max3A = arith.constant 0.000000e+00 : f32
    %max3A_23 = vector.broadcast %max3A : f32 to vector<400x512xf32>
    %max3A_24 = arith.maximumf %add3A_22, %max3A_23 : vector<400x512xf32>
    %swap3A = arith.constant 0 : index
    %swap3A_25 = arith.constant 0 : index
    %swap3A_26 = vector.load %arg7[%swap3A, %swap3A_25] : memref<400x512xf32, #tpu.memory_space<vmem>>, vector<400x512xf32>
    tpu.vector_store %arg7[%swap3A, %swap3A_25], %max3A_24 {strides = array<i32>} : memref<400x512xf32, #tpu.memory_space<vmem>>, vector<400x512xf32>,
    %eq3A = arith.constant 0 : i32
    %eq3A_27 = arith.cmpi eq, %arg0, %eq3A : i32
    %convert_element_type3A = arith.extui %eq3A_27 : i1 to i32
    %cond3A = arith.constant 0 : i32
    %cond3A_28 = arith.cmpi ne, %convert_element_type3A, %cond3A : i32
    scf.if %cond3A_28 {
      %broadcast_in_dim3A_47 = arith.constant 0.000000e+00 : f32
      %broadcast_in_dim3A_48 = vector.broadcast %broadcast_in_dim3A_47 : f32 to vector<1x512xf32>
      %swap3A_49 = arith.constant 0 : index
      %swap3A_50 = arith.constant 0 : index
      %swap3A_51 = vector.load %arg8[%swap3A_49, %swap3A_50] : memref<1x512xf32, #tpu.memory_space<vmem>>, vector<1x512xf32>
      tpu.vector_store %arg8[%swap3A_49, %swap3A_50], %broadcast_in_dim3A_48 {strides = array<i32>} : memref<1x512xf32, #tpu.memory_space<vmem>>, vector<1x512xf32>,
      %broadcast_in_dim3A_52 = arith.constant 0.000000e+00 : f32
      %broadcast_in_dim3A_53 = vector.broadcast %broadcast_in_dim3A_52 : f32 to vector<1x512xf32>
      %swap3A_54 = arith.constant 0 : index
      %swap3A_55 = arith.constant 0 : index
      %swap3A_56 = vector.load %arg9[%swap3A_54, %swap3A_55] : memref<1x512xf32, #tpu.memory_space<vmem>>, vector<1x512xf32>
      tpu.vector_store %arg9[%swap3A_54, %swap3A_55], %broadcast_in_dim3A_53 {strides = array<i32>} : memref<1x512xf32, #tpu.memory_space<vmem>>, vector<1x512xf32>,
    } else {
    }
    %get3A_29 = arith.constant 0 : index
    %get3A_30 = arith.constant 0 : index
    %get3A_31 = vector.load %arg8[%get3A_29, %get3A_30] : memref<1x512xf32, #tpu.memory_space<vmem>>, vector<1x512xf32>
    %reduce_sum3A = arith.constant dense<0.000000e+00> : vector<512xf32>
    %reduce_sum3A_32 = vector.multi_reduction <add>, %max3A_24, %reduce_sum3A [0] : vector<400x512xf32> to vector<512xf32>
    %broadcast_in_dim3A = vector.shape_cast %reduce_sum3A_32 : vector<512xf32> to vector<1x512xf32>
    %add3A_33 = arith.addf %get3A_31, %broadcast_in_dim3A : vector<1x512xf32>
    %swap3A_34 = arith.constant 0 : index
    %swap3A_35 = arith.constant 0 : index
    %swap3A_36 = vector.load %arg8[%swap3A_34, %swap3A_35] : memref<1x512xf32, #tpu.memory_space<vmem>>, vector<1x512xf32>
    tpu.vector_store %arg8[%swap3A_34, %swap3A_35], %add3A_33 {strides = array<i32>} : memref<1x512xf32, #tpu.memory_space<vmem>>, vector<1x512xf32>,
    %get3A_37 = arith.constant 0 : index
    %get3A_38 = arith.constant 0 : index
    %get3A_39 = vector.load %arg9[%get3A_37, %get3A_38] : memref<1x512xf32, #tpu.memory_space<vmem>>, vector<1x512xf32>
    %mul3A = arith.mulf %max3A_24, %max3A_24 : vector<400x512xf32>
    %reduce_sum3A_40 = arith.constant dense<0.000000e+00> : vector<512xf32>
    %reduce_sum3A_41 = vector.multi_reduction <add>, %mul3A, %reduce_sum3A_40 [0] : vector<400x512xf32> to vector<512xf32>
    %broadcast_in_dim3A_42 = vector.shape_cast %reduce_sum3A_41 : vector<512xf32> to vector<1x512xf32>
    %add3A_43 = arith.addf %get3A_39, %broadcast_in_dim3A_42 : vector<1x512xf32>
    %swap3A_44 = arith.constant 0 : index
    %swap3A_45 = arith.constant 0 : index
    %swap3A_46 = vector.load %arg9[%swap3A_44, %swap3A_45] : memref<1x512xf32, #tpu.memory_space<vmem>>, vector<1x512xf32>
    tpu.vector_store %arg9[%swap3A_44, %swap3A_45], %add3A_43 {strides = array<i32>} : memref<1x512xf32, #tpu.memory_space<vmem>>, vector<1x512xf32>,
    return
  }
  func.func @transform_0(%arg0: i32) -> (i32, i32) {
    %c0_i32 = arith.constant 0 : i32
    %c0_i32_0 = arith.constant 0 : i32
    return %arg0, %c0_i32 : i32, i32
  }
  func.func @transform_1(%arg0: i32) -> (i32, i32) {
    %c0_i32 = arith.constant 0 : i32
    %c0_i32_0 = arith.constant 0 : i32
    return %arg0, %c0_i32 : i32, i32
  }
  func.func @transform_2(%arg0: i32) -> (i32, i32) {
    %c0_i32 = arith.constant 0 : i32
    %c0_i32_0 = arith.constant 0 : i32
    return %arg0, %c0_i32 : i32, i32
  }
  func.func @transform_3(%arg0: i32) -> (i32, i32) {
    %c0_i32 = arith.constant 0 : i32
    %c0_i32_0 = arith.constant 0 : i32
    %c0_i32_1 = arith.constant 0 : i32
    return %c0_i32, %c0_i32_0 : i32, i32
  }
  func.func @transform_4(%arg0: i32) -> (i32, i32) {
    %c0_i32 = arith.constant 0 : i32
    %c0_i32_0 = arith.constant 0 : i32
    %c0_i32_1 = arith.constant 0 : i32
    return %c0_i32, %c0_i32_0 : i32, i32
  }
  func.func @transform_5(%arg0: i32) -> (i32, i32) {
    %c0_i32 = arith.constant 0 : i32
    %c0_i32_0 = arith.constant 0 : i32
    %c0_i32_1 = arith.constant 0 : i32
    return %c0_i32, %c0_i32_0 : i32, i32
  }
  func.func @transform_6(%arg0: i32) -> (i32, i32) {
    %c0_i32 = arith.constant 0 : i32
    %c0_i32_0 = arith.constant 0 : i32
    return %arg0, %c0_i32 : i32, i32
  }
  func.func @transform_7(%arg0: i32) -> (i32, i32) {
    %c0_i32 = arith.constant 0 : i32
    %c0_i32_0 = arith.constant 0 : i32
    %c0_i32_1 = arith.constant 0 : i32
    return %c0_i32, %c0_i32_0 : i32, i32
  }
  func.func @transform_8(%arg0: i32) -> (i32, i32) {
    %c0_i32 = arith.constant 0 : i32
    %c0_i32_0 = arith.constant 0 : i32
    %c0_i32_1 = arith.constant 0 : i32
    return %c0_i32, %c0_i32_0 : i32, i32
  }
}

module attributes {stable_mosaic.version = 14 : i64} {
  func.func @_bn_body(%arg0: i32, %arg1: memref<400x512xf32, #tpu.memory_space<vmem>>, %arg2: memref<1x512xf32, #tpu.memory_space<vmem>>, %arg3: memref<1x512xf32, #tpu.memory_space<vmem>>, %arg4: memref<1x512xf32, #tpu.memory_space<vmem>>, %arg5: memref<1x512xf32, #tpu.memory_space<vmem>>, %arg6: memref<400x512xf32, #tpu.memory_space<vmem>>) attributes {dimension_semantics = [#tpu.dimension_semantics<arbitrary>], iteration_bounds = array<i64: 25>, scalar_prefetch = 0 : i64, scratch_operands = 0 : i64, tpu.core_type = #tpu.core_type<tc>, window_params = [{transform_indices = @transform_0, window_bounds = array<i64: 400, 512>}, {pipeline_mode = #tpu.pipeline_mode<synchronous>, transform_indices = @transform_1, window_bounds = array<i64: 1, 512>}, {pipeline_mode = #tpu.pipeline_mode<synchronous>, transform_indices = @transform_2, window_bounds = array<i64: 1, 512>}, {pipeline_mode = #tpu.pipeline_mode<synchronous>, transform_indices = @transform_3, window_bounds = array<i64: 1, 512>}, {pipeline_mode = #tpu.pipeline_mode<synchronous>, transform_indices = @transform_4, window_bounds = array<i64: 1, 512>}, {transform_indices = @transform_5, window_bounds = array<i64: 400, 512>}]} {
    %get3A = arith.constant 0 : index
    %get3A_0 = arith.constant 0 : index
    %get3A_1 = vector.load %arg2[%get3A, %get3A_0] : memref<1x512xf32, #tpu.memory_space<vmem>>, vector<1x512xf32>
    %div3A = arith.constant 1.000000e+04 : f32
    %div3A_2 = vector.broadcast %div3A : f32 to vector<1x512xf32>
    %div3A_3 = arith.divf %get3A_1, %div3A_2 : vector<1x512xf32>
    %get3A_4 = arith.constant 0 : index
    %get3A_5 = arith.constant 0 : index
    %get3A_6 = vector.load %arg3[%get3A_4, %get3A_5] : memref<1x512xf32, #tpu.memory_space<vmem>>, vector<1x512xf32>
    %div3A_7 = arith.constant 1.000000e+04 : f32
    %div3A_8 = vector.broadcast %div3A_7 : f32 to vector<1x512xf32>
    %div3A_9 = arith.divf %get3A_6, %div3A_8 : vector<1x512xf32>
    %mul3A = arith.mulf %div3A_3, %div3A_3 : vector<1x512xf32>
    %sub3A = arith.subf %div3A_9, %mul3A : vector<1x512xf32>
    %get3A_10 = arith.constant 0 : index
    %get3A_11 = arith.constant 0 : index
    %get3A_12 = vector.load %arg4[%get3A_10, %get3A_11] : memref<1x512xf32, #tpu.memory_space<vmem>>, vector<1x512xf32>
    %add3A = arith.constant 9.99999974E-6 : f32
    %add3A_13 = vector.broadcast %add3A : f32 to vector<1x512xf32>
    %add3A_14 = arith.addf %sub3A, %add3A_13 : vector<1x512xf32>
    %rsqrt3A = math.rsqrt %add3A_14 : vector<1x512xf32>
    %mul3A_15 = arith.mulf %get3A_12, %rsqrt3A : vector<1x512xf32>
    %get3A_16 = arith.constant 0 : index
    %get3A_17 = arith.constant 0 : index
    %get3A_18 = vector.load %arg1[%get3A_16, %get3A_17] : memref<400x512xf32, #tpu.memory_space<vmem>>, vector<400x512xf32>
    %sub3A_19 = vector.broadcast %div3A_3 : vector<1x512xf32> to vector<400x512xf32>
    %sub3A_20 = arith.subf %get3A_18, %sub3A_19 : vector<400x512xf32>
    %mul3A_21 = vector.broadcast %mul3A_15 : vector<1x512xf32> to vector<400x512xf32>
    %mul3A_22 = arith.mulf %sub3A_20, %mul3A_21 : vector<400x512xf32>
    %get3A_23 = arith.constant 0 : index
    %get3A_24 = arith.constant 0 : index
    %get3A_25 = vector.load %arg5[%get3A_23, %get3A_24] : memref<1x512xf32, #tpu.memory_space<vmem>>, vector<1x512xf32>
    %add3A_26 = vector.broadcast %get3A_25 : vector<1x512xf32> to vector<400x512xf32>
    %add3A_27 = arith.addf %mul3A_22, %add3A_26 : vector<400x512xf32>
    %swap3A = arith.constant 0 : index
    %swap3A_28 = arith.constant 0 : index
    %swap3A_29 = vector.load %arg6[%swap3A, %swap3A_28] : memref<400x512xf32, #tpu.memory_space<vmem>>, vector<400x512xf32>
    tpu.vector_store %arg6[%swap3A, %swap3A_28], %add3A_27 {strides = array<i32>} : memref<400x512xf32, #tpu.memory_space<vmem>>, vector<400x512xf32>,
    return
  }
  func.func @transform_0(%arg0: i32) -> (i32, i32) {
    %c0_i32 = arith.constant 0 : i32
    %c0_i32_0 = arith.constant 0 : i32
    return %arg0, %c0_i32 : i32, i32
  }
  func.func @transform_1(%arg0: i32) -> (i32, i32) {
    %c0_i32 = arith.constant 0 : i32
    %c0_i32_0 = arith.constant 0 : i32
    %c0_i32_1 = arith.constant 0 : i32
    return %c0_i32, %c0_i32_0 : i32, i32
  }
  func.func @transform_2(%arg0: i32) -> (i32, i32) {
    %c0_i32 = arith.constant 0 : i32
    %c0_i32_0 = arith.constant 0 : i32
    %c0_i32_1 = arith.constant 0 : i32
    return %c0_i32, %c0_i32_0 : i32, i32
  }
  func.func @transform_3(%arg0: i32) -> (i32, i32) {
    %c0_i32 = arith.constant 0 : i32
    %c0_i32_0 = arith.constant 0 : i32
    %c0_i32_1 = arith.constant 0 : i32
    return %c0_i32, %c0_i32_0 : i32, i32
  }
  func.func @transform_4(%arg0: i32) -> (i32, i32) {
    %c0_i32 = arith.constant 0 : i32
    %c0_i32_0 = arith.constant 0 : i32
    %c0_i32_1 = arith.constant 0 : i32
    return %c0_i32, %c0_i32_0 : i32, i32
  }
  func.func @transform_5(%arg0: i32) -> (i32, i32) {
    %c0_i32 = arith.constant 0 : i32
    %c0_i32_0 = arith.constant 0 : i32
    return %arg0, %c0_i32 : i32, i32
  }
}

module attributes {stable_mosaic.version = 14 : i64} {
  func.func @_conv_body(%arg0: i32, %arg1: memref<400x512xf32, #tpu.memory_space<vmem>>, %arg2: memref<400x512xf32, #tpu.memory_space<vmem>>, %arg3: memref<400x512xf32, #tpu.memory_space<vmem>>, %arg4: memref<512x512xf32, #tpu.memory_space<vmem>>, %arg5: memref<512x512xf32, #tpu.memory_space<vmem>>, %arg6: memref<1x512xf32, #tpu.memory_space<vmem>>, %arg7: memref<400x512xf32, #tpu.memory_space<vmem>>, %arg8: memref<1x512xf32, #tpu.memory_space<vmem>>, %arg9: memref<1x512xf32, #tpu.memory_space<vmem>>) attributes {dimension_semantics = [#tpu.dimension_semantics<arbitrary>], iteration_bounds = array<i64: 25>, scalar_prefetch = 0 : i64, scratch_operands = 0 : i64, tpu.core_type = #tpu.core_type<tc>, window_params = [{transform_indices = @transform_0, window_bounds = array<i64: 400, 512>}, {transform_indices = @transform_1, window_bounds = array<i64: 400, 512>}, {transform_indices = @transform_2, window_bounds = array<i64: 400, 512>}, {pipeline_mode = #tpu.pipeline_mode<synchronous>, transform_indices = @transform_3, window_bounds = array<i64: 512, 512>}, {pipeline_mode = #tpu.pipeline_mode<synchronous>, transform_indices = @transform_4, window_bounds = array<i64: 512, 512>}, {pipeline_mode = #tpu.pipeline_mode<synchronous>, transform_indices = @transform_5, window_bounds = array<i64: 1, 512>}, {transform_indices = @transform_6, window_bounds = array<i64: 400, 512>}, {pipeline_mode = #tpu.pipeline_mode<synchronous>, transform_indices = @transform_7, window_bounds = array<i64: 1, 512>}, {pipeline_mode = #tpu.pipeline_mode<synchronous>, transform_indices = @transform_8, window_bounds = array<i64: 1, 512>}]} {
    %get3A = arith.constant 0 : index
    %get3A_0 = arith.constant 0 : index
    %get3A_1 = vector.load %arg1[%get3A, %get3A_0] : memref<400x512xf32, #tpu.memory_space<vmem>>, vector<400x512xf32>
    %get3A_2 = arith.constant 0 : index
    %get3A_3 = arith.constant 0 : index
    %get3A_4 = vector.load %arg2[%get3A_2, %get3A_3] : memref<400x512xf32, #tpu.memory_space<vmem>>, vector<400x512xf32>
    %add3A = arith.addf %get3A_1, %get3A_4 : vector<400x512xf32>
    %get3A_5 = arith.constant 0 : index
    %get3A_6 = arith.constant 0 : index
    %get3A_7 = vector.load %arg4[%get3A_5, %get3A_6] : memref<512x512xf32, #tpu.memory_space<vmem>>, vector<512x512xf32>
    %dot_general3A = arith.constant dense<0.000000e+00> : vector<400x512xf32>
    %dot_general3A_8 = tpu.matmul %add3A, %get3A_7, %dot_general3A {dimension_numbers = #tpu.dot_dimension_numbers<[1], [0], [0], [1], [0, 0, 1, 1], [], []>, transpose_lhs_hint = false} : vector<400x512xf32>, vector<512x512xf32>, vector<400x512xf32> -> vector<400x512xf32>
    %get3A_9 = arith.constant 0 : index
    %get3A_10 = arith.constant 0 : index
    %get3A_11 = vector.load %arg3[%get3A_9, %get3A_10] : memref<400x512xf32, #tpu.memory_space<vmem>>, vector<400x512xf32>
    %get3A_12 = arith.constant 0 : index
    %get3A_13 = arith.constant 0 : index
    %get3A_14 = vector.load %arg5[%get3A_12, %get3A_13] : memref<512x512xf32, #tpu.memory_space<vmem>>, vector<512x512xf32>
    %dot_general3A_15 = arith.constant dense<0.000000e+00> : vector<400x512xf32>
    %dot_general3A_16 = tpu.matmul %get3A_11, %get3A_14, %dot_general3A_15 {dimension_numbers = #tpu.dot_dimension_numbers<[1], [0], [0], [1], [0, 0, 1, 1], [], []>, transpose_lhs_hint = false} : vector<400x512xf32>, vector<512x512xf32>, vector<400x512xf32> -> vector<400x512xf32>
    %add3A_17 = arith.addf %dot_general3A_8, %dot_general3A_16 : vector<400x512xf32>
    %get3A_18 = arith.constant 0 : index
    %get3A_19 = arith.constant 0 : index
    %get3A_20 = vector.load %arg6[%get3A_18, %get3A_19] : memref<1x512xf32, #tpu.memory_space<vmem>>, vector<1x512xf32>
    %add3A_21 = vector.broadcast %get3A_20 : vector<1x512xf32> to vector<400x512xf32>
    %add3A_22 = arith.addf %add3A_17, %add3A_21 : vector<400x512xf32>
    %max3A = arith.constant 0.000000e+00 : f32
    %max3A_23 = vector.broadcast %max3A : f32 to vector<400x512xf32>
    %max3A_24 = arith.maximumf %add3A_22, %max3A_23 : vector<400x512xf32>
    %swap3A = arith.constant 0 : index
    %swap3A_25 = arith.constant 0 : index
    %swap3A_26 = vector.load %arg7[%swap3A, %swap3A_25] : memref<400x512xf32, #tpu.memory_space<vmem>>, vector<400x512xf32>
    tpu.vector_store %arg7[%swap3A, %swap3A_25], %max3A_24 {strides = array<i32>} : memref<400x512xf32, #tpu.memory_space<vmem>>, vector<400x512xf32>,
    %eq3A = arith.constant 0 : i32
    %eq3A_27 = arith.cmpi eq, %arg0, %eq3A : i32
    %convert_element_type3A = arith.extui %eq3A_27 : i1 to i32
    %cond3A = arith.constant 0 : i32
    %cond3A_28 = arith.cmpi ne, %convert_element_type3A, %cond3A : i32
    scf.if %cond3A_28 {
      %broadcast_in_dim3A_47 = arith.constant 0.000000e+00 : f32
      %broadcast_in_dim3A_48 = vector.broadcast %broadcast_in_dim3A_47 : f32 to vector<1x512xf32>
      %swap3A_49 = arith.constant 0 : index
      %swap3A_50 = arith.constant 0 : index
      %swap3A_51 = vector.load %arg8[%swap3A_49, %swap3A_50] : memref<1x512xf32, #tpu.memory_space<vmem>>, vector<1x512xf32>
      tpu.vector_store %arg8[%swap3A_49, %swap3A_50], %broadcast_in_dim3A_48 {strides = array<i32>} : memref<1x512xf32, #tpu.memory_space<vmem>>, vector<1x512xf32>,
      %broadcast_in_dim3A_52 = arith.constant 0.000000e+00 : f32
      %broadcast_in_dim3A_53 = vector.broadcast %broadcast_in_dim3A_52 : f32 to vector<1x512xf32>
      %swap3A_54 = arith.constant 0 : index
      %swap3A_55 = arith.constant 0 : index
      %swap3A_56 = vector.load %arg9[%swap3A_54, %swap3A_55] : memref<1x512xf32, #tpu.memory_space<vmem>>, vector<1x512xf32>
      tpu.vector_store %arg9[%swap3A_54, %swap3A_55], %broadcast_in_dim3A_53 {strides = array<i32>} : memref<1x512xf32, #tpu.memory_space<vmem>>, vector<1x512xf32>,
    } else {
    }
    %get3A_29 = arith.constant 0 : index
    %get3A_30 = arith.constant 0 : index
    %get3A_31 = vector.load %arg8[%get3A_29, %get3A_30] : memref<1x512xf32, #tpu.memory_space<vmem>>, vector<1x512xf32>
    %reduce_sum3A = arith.constant dense<0.000000e+00> : vector<512xf32>
    %reduce_sum3A_32 = vector.multi_reduction <add>, %max3A_24, %reduce_sum3A [0] : vector<400x512xf32> to vector<512xf32>
    %broadcast_in_dim3A = vector.shape_cast %reduce_sum3A_32 : vector<512xf32> to vector<1x512xf32>
    %add3A_33 = arith.addf %get3A_31, %broadcast_in_dim3A : vector<1x512xf32>
    %swap3A_34 = arith.constant 0 : index
    %swap3A_35 = arith.constant 0 : index
    %swap3A_36 = vector.load %arg8[%swap3A_34, %swap3A_35] : memref<1x512xf32, #tpu.memory_space<vmem>>, vector<1x512xf32>
    tpu.vector_store %arg8[%swap3A_34, %swap3A_35], %add3A_33 {strides = array<i32>} : memref<1x512xf32, #tpu.memory_space<vmem>>, vector<1x512xf32>,
    %get3A_37 = arith.constant 0 : index
    %get3A_38 = arith.constant 0 : index
    %get3A_39 = vector.load %arg9[%get3A_37, %get3A_38] : memref<1x512xf32, #tpu.memory_space<vmem>>, vector<1x512xf32>
    %mul3A = arith.mulf %max3A_24, %max3A_24 : vector<400x512xf32>
    %reduce_sum3A_40 = arith.constant dense<0.000000e+00> : vector<512xf32>
    %reduce_sum3A_41 = vector.multi_reduction <add>, %mul3A, %reduce_sum3A_40 [0] : vector<400x512xf32> to vector<512xf32>
    %broadcast_in_dim3A_42 = vector.shape_cast %reduce_sum3A_41 : vector<512xf32> to vector<1x512xf32>
    %add3A_43 = arith.addf %get3A_39, %broadcast_in_dim3A_42 : vector<1x512xf32>
    %swap3A_44 = arith.constant 0 : index
    %swap3A_45 = arith.constant 0 : index
    %swap3A_46 = vector.load %arg9[%swap3A_44, %swap3A_45] : memref<1x512xf32, #tpu.memory_space<vmem>>, vector<1x512xf32>
    tpu.vector_store %arg9[%swap3A_44, %swap3A_45], %add3A_43 {strides = array<i32>} : memref<1x512xf32, #tpu.memory_space<vmem>>, vector<1x512xf32>,
    return
  }
  func.func @transform_0(%arg0: i32) -> (i32, i32) {
    %c0_i32 = arith.constant 0 : i32
    %c0_i32_0 = arith.constant 0 : i32
    return %arg0, %c0_i32 : i32, i32
  }
  func.func @transform_1(%arg0: i32) -> (i32, i32) {
    %c0_i32 = arith.constant 0 : i32
    %c0_i32_0 = arith.constant 0 : i32
    return %arg0, %c0_i32 : i32, i32
  }
  func.func @transform_2(%arg0: i32) -> (i32, i32) {
    %c0_i32 = arith.constant 0 : i32
    %c0_i32_0 = arith.constant 0 : i32
    return %arg0, %c0_i32 : i32, i32
  }
  func.func @transform_3(%arg0: i32) -> (i32, i32) {
    %c0_i32 = arith.constant 0 : i32
    %c0_i32_0 = arith.constant 0 : i32
    %c0_i32_1 = arith.constant 0 : i32
    return %c0_i32, %c0_i32_0 : i32, i32
  }
  func.func @transform_4(%arg0: i32) -> (i32, i32) {
    %c0_i32 = arith.constant 0 : i32
    %c0_i32_0 = arith.constant 0 : i32
    %c0_i32_1 = arith.constant 0 : i32
    return %c0_i32, %c0_i32_0 : i32, i32
  }
  func.func @transform_5(%arg0: i32) -> (i32, i32) {
    %c0_i32 = arith.constant 0 : i32
    %c0_i32_0 = arith.constant 0 : i32
    %c0_i32_1 = arith.constant 0 : i32
    return %c0_i32, %c0_i32_0 : i32, i32
  }
  func.func @transform_6(%arg0: i32) -> (i32, i32) {
    %c0_i32 = arith.constant 0 : i32
    %c0_i32_0 = arith.constant 0 : i32
    return %arg0, %c0_i32 : i32, i32
  }
  func.func @transform_7(%arg0: i32) -> (i32, i32) {
    %c0_i32 = arith.constant 0 : i32
    %c0_i32_0 = arith.constant 0 : i32
    %c0_i32_1 = arith.constant 0 : i32
    return %c0_i32, %c0_i32_0 : i32, i32
  }
  func.func @transform_8(%arg0: i32) -> (i32, i32) {
    %c0_i32 = arith.constant 0 : i32
    %c0_i32_0 = arith.constant 0 : i32
    %c0_i32_1 = arith.constant 0 : i32
    return %c0_i32, %c0_i32_0 : i32, i32
  }
}

module attributes {stable_mosaic.version = 14 : i64} {
  func.func @_pre3_body(%arg0: i32, %arg1: memref<400x512xf32, #tpu.memory_space<vmem>>, %arg2: memref<512x256xf32, #tpu.memory_space<vmem>>, %arg3: memref<512x256xf32, #tpu.memory_space<vmem>>, %arg4: memref<1x256xf32, #tpu.memory_space<vmem>>, %arg5: memref<400x256xf32, #tpu.memory_space<vmem>>, %arg6: memref<400x256xf32, #tpu.memory_space<vmem>>) attributes {dimension_semantics = [#tpu.dimension_semantics<arbitrary>], iteration_bounds = array<i64: 25>, scalar_prefetch = 0 : i64, scratch_operands = 0 : i64, tpu.core_type = #tpu.core_type<tc>, window_params = [{transform_indices = @transform_0, window_bounds = array<i64: 400, 512>}, {pipeline_mode = #tpu.pipeline_mode<synchronous>, transform_indices = @transform_1, window_bounds = array<i64: 512, 256>}, {pipeline_mode = #tpu.pipeline_mode<synchronous>, transform_indices = @transform_2, window_bounds = array<i64: 512, 256>}, {pipeline_mode = #tpu.pipeline_mode<synchronous>, transform_indices = @transform_3, window_bounds = array<i64: 1, 256>}, {transform_indices = @transform_4, window_bounds = array<i64: 400, 256>}, {transform_indices = @transform_5, window_bounds = array<i64: 400, 256>}]} {
    %get3A = arith.constant 0 : index
    %get3A_0 = arith.constant 0 : index
    %get3A_1 = vector.load %arg1[%get3A, %get3A_0] : memref<400x512xf32, #tpu.memory_space<vmem>>, vector<400x512xf32>
    %get3A_2 = arith.constant 0 : index
    %get3A_3 = arith.constant 0 : index
    %get3A_4 = vector.load %arg2[%get3A_2, %get3A_3] : memref<512x256xf32, #tpu.memory_space<vmem>>, vector<512x256xf32>
    %dot_general3A = arith.constant dense<0.000000e+00> : vector<400x256xf32>
    %dot_general3A_5 = tpu.matmul %get3A_1, %get3A_4, %dot_general3A {dimension_numbers = #tpu.dot_dimension_numbers<[1], [0], [0], [1], [0, 0, 1, 1], [], []>, transpose_lhs_hint = false} : vector<400x512xf32>, vector<512x256xf32>, vector<400x256xf32> -> vector<400x256xf32>
    %swap3A = arith.constant 0 : index
    %swap3A_6 = arith.constant 0 : index
    %swap3A_7 = vector.load %arg5[%swap3A, %swap3A_6] : memref<400x256xf32, #tpu.memory_space<vmem>>, vector<400x256xf32>
    tpu.vector_store %arg5[%swap3A, %swap3A_6], %dot_general3A_5 {strides = array<i32>} : memref<400x256xf32, #tpu.memory_space<vmem>>, vector<400x256xf32>,
    %get3A_8 = arith.constant 0 : index
    %get3A_9 = arith.constant 0 : index
    %get3A_10 = vector.load %arg1[%get3A_8, %get3A_9] : memref<400x512xf32, #tpu.memory_space<vmem>>, vector<400x512xf32>
    %get3A_11 = arith.constant 0 : index
    %get3A_12 = arith.constant 0 : index
    %get3A_13 = vector.load %arg3[%get3A_11, %get3A_12] : memref<512x256xf32, #tpu.memory_space<vmem>>, vector<512x256xf32>
    %dot_general3A_14 = arith.constant dense<0.000000e+00> : vector<400x256xf32>
    %dot_general3A_15 = tpu.matmul %get3A_10, %get3A_13, %dot_general3A_14 {dimension_numbers = #tpu.dot_dimension_numbers<[1], [0], [0], [1], [0, 0, 1, 1], [], []>, transpose_lhs_hint = false} : vector<400x512xf32>, vector<512x256xf32>, vector<400x256xf32> -> vector<400x256xf32>
    %get3A_16 = arith.constant 0 : index
    %get3A_17 = arith.constant 0 : index
    %get3A_18 = vector.load %arg4[%get3A_16, %get3A_17] : memref<1x256xf32, #tpu.memory_space<vmem>>, vector<1x256xf32>
    %add3A = vector.broadcast %get3A_18 : vector<1x256xf32> to vector<400x256xf32>
    %add3A_19 = arith.addf %dot_general3A_15, %add3A : vector<400x256xf32>
    %swap3A_20 = arith.constant 0 : index
    %swap3A_21 = arith.constant 0 : index
    %swap3A_22 = vector.load %arg6[%swap3A_20, %swap3A_21] : memref<400x256xf32, #tpu.memory_space<vmem>>, vector<400x256xf32>
    tpu.vector_store %arg6[%swap3A_20, %swap3A_21], %add3A_19 {strides = array<i32>} : memref<400x256xf32, #tpu.memory_space<vmem>>, vector<400x256xf32>,
    return
  }
  func.func @transform_0(%arg0: i32) -> (i32, i32) {
    %c0_i32 = arith.constant 0 : i32
    %c0_i32_0 = arith.constant 0 : i32
    return %arg0, %c0_i32 : i32, i32
  }
  func.func @transform_1(%arg0: i32) -> (i32, i32) {
    %c0_i32 = arith.constant 0 : i32
    %c0_i32_0 = arith.constant 0 : i32
    %c0_i32_1 = arith.constant 0 : i32
    return %c0_i32, %c0_i32_0 : i32, i32
  }
  func.func @transform_2(%arg0: i32) -> (i32, i32) {
    %c0_i32 = arith.constant 0 : i32
    %c0_i32_0 = arith.constant 0 : i32
    %c0_i32_1 = arith.constant 0 : i32
    return %c0_i32, %c0_i32_0 : i32, i32
  }
  func.func @transform_3(%arg0: i32) -> (i32, i32) {
    %c0_i32 = arith.constant 0 : i32
    %c0_i32_0 = arith.constant 0 : i32
    %c0_i32_1 = arith.constant 0 : i32
    return %c0_i32, %c0_i32_0 : i32, i32
  }
  func.func @transform_4(%arg0: i32) -> (i32, i32) {
    %c0_i32 = arith.constant 0 : i32
    %c0_i32_0 = arith.constant 0 : i32
    return %arg0, %c0_i32 : i32, i32
  }
  func.func @transform_5(%arg0: i32) -> (i32, i32) {
    %c0_i32 = arith.constant 0 : i32
    %c0_i32_0 = arith.constant 0 : i32
    return %arg0, %c0_i32 : i32, i32
  }
}

module attributes {stable_mosaic.version = 14 : i64} {
  func.func @_pool_body(%arg0: i32, %arg1: memref<400x256xf32, #tpu.memory_space<vmem>>, %arg2: memref<400x256xf32, #tpu.memory_space<vmem>>, %arg3: memref<400x256xf32, #tpu.memory_space<vmem>>, %arg4: memref<400x1xi32, #tpu.memory_space<vmem>>, %arg5: memref<64x256xf32, #tpu.memory_space<vmem>>, %arg6: memref<64x1xf32, #tpu.memory_space<vmem>>) attributes {dimension_semantics = [#tpu.dimension_semantics<arbitrary>], iteration_bounds = array<i64: 25>, scalar_prefetch = 0 : i64, scratch_operands = 0 : i64, tpu.core_type = #tpu.core_type<tc>, window_params = [{transform_indices = @transform_0, window_bounds = array<i64: 400, 256>}, {transform_indices = @transform_1, window_bounds = array<i64: 400, 256>}, {transform_indices = @transform_2, window_bounds = array<i64: 400, 256>}, {transform_indices = @transform_3, window_bounds = array<i64: 400, 1>}, {pipeline_mode = #tpu.pipeline_mode<synchronous>, transform_indices = @transform_4, window_bounds = array<i64: 64, 256>}, {pipeline_mode = #tpu.pipeline_mode<synchronous>, transform_indices = @transform_5, window_bounds = array<i64: 64, 1>}]} {
    %get3A = arith.constant 0 : index
    %get3A_0 = arith.constant 0 : index
    %get3A_1 = vector.load %arg1[%get3A, %get3A_0] : memref<400x256xf32, #tpu.memory_space<vmem>>, vector<400x256xf32>
    %get3A_2 = arith.constant 0 : index
    %get3A_3 = arith.constant 0 : index
    %get3A_4 = vector.load %arg2[%get3A_2, %get3A_3] : memref<400x256xf32, #tpu.memory_space<vmem>>, vector<400x256xf32>
    %add3A = arith.addf %get3A_1, %get3A_4 : vector<400x256xf32>
    %get3A_5 = arith.constant 0 : index
    %get3A_6 = arith.constant 0 : index
    %get3A_7 = vector.load %arg3[%get3A_5, %get3A_6] : memref<400x256xf32, #tpu.memory_space<vmem>>, vector<400x256xf32>
    %add3A_8 = arith.addf %add3A, %get3A_7 : vector<400x256xf32>
    %max3A = arith.constant 0.000000e+00 : f32
    %max3A_9 = vector.broadcast %max3A : f32 to vector<400x256xf32>
    %max3A_10 = arith.maximumf %add3A_8, %max3A_9 : vector<400x256xf32>
    %get3A_11 = arith.constant 0 : index
    %get3A_12 = arith.constant 0 : index
    %get3A_13 = vector.load %arg4[%get3A_11, %get3A_12] : memref<400x1xi32, #tpu.memory_space<vmem>>, vector<400x1xi32>
    %iota3A = tpu.iota {dimensions = array<i32: 1>} : vector<400x64xi32>
    %eq3A = vector.broadcast %get3A_13 : vector<400x1xi32> to vector<400x64xi32>
    %eq3A_14 = arith.cmpi eq, %eq3A, %iota3A : vector<400x64xi32>
    %convert_element_type3A = arith.extui %eq3A_14 : vector<400x64xi1> to vector<400x64xi32>
    %convert_element_type3A_15 = arith.sitofp %convert_element_type3A : vector<400x64xi32> to vector<400x64xf32>
    %eq3A_16 = arith.constant 0 : i32
    %eq3A_17 = arith.cmpi eq, %arg0, %eq3A_16 : i32
    %convert_element_type3A_18 = arith.extui %eq3A_17 : i1 to i32
    %cond3A = arith.constant 0 : i32
    %cond3A_19 = arith.cmpi ne, %convert_element_type3A_18, %cond3A : i32
    scf.if %cond3A_19 {
      %broadcast_in_dim3A_37 = arith.constant 0.000000e+00 : f32
      %broadcast_in_dim3A_38 = vector.broadcast %broadcast_in_dim3A_37 : f32 to vector<64x256xf32>
      %swap3A_39 = arith.constant 0 : index
      %swap3A_40 = arith.constant 0 : index
      %swap3A_41 = vector.load %arg5[%swap3A_39, %swap3A_40] : memref<64x256xf32, #tpu.memory_space<vmem>>, vector<64x256xf32>
      tpu.vector_store %arg5[%swap3A_39, %swap3A_40], %broadcast_in_dim3A_38 {strides = array<i32>} : memref<64x256xf32, #tpu.memory_space<vmem>>, vector<64x256xf32>,
      %broadcast_in_dim3A_42 = arith.constant 0.000000e+00 : f32
      %broadcast_in_dim3A_43 = vector.broadcast %broadcast_in_dim3A_42 : f32 to vector<64x1xf32>
      %swap3A_44 = arith.constant 0 : index
      %swap3A_45 = arith.constant 0 : index
      %swap3A_46 = vector.load %arg6[%swap3A_44, %swap3A_45] : memref<64x1xf32, #tpu.memory_space<vmem>>, vector<64x1xf32>
      tpu.vector_store %arg6[%swap3A_44, %swap3A_45], %broadcast_in_dim3A_43 {strides = array<i32>} : memref<64x1xf32, #tpu.memory_space<vmem>>, vector<64x1xf32>,
    } else {
    }
    %get3A_20 = arith.constant 0 : index
    %get3A_21 = arith.constant 0 : index
    %get3A_22 = vector.load %arg5[%get3A_20, %get3A_21] : memref<64x256xf32, #tpu.memory_space<vmem>>, vector<64x256xf32>
    %dot_general3A = arith.constant dense<0.000000e+00> : vector<64x256xf32>
    %dot_general3A_23 = tpu.matmul %convert_element_type3A_15, %max3A_10, %dot_general3A {dimension_numbers = #tpu.dot_dimension_numbers<[0], [0], [1], [1], [0, 1, 1, 1], [], []>, transpose_lhs_hint = false} : vector<400x64xf32>, vector<400x256xf32>, vector<64x256xf32> -> vector<64x256xf32>
    %add3A_24 = arith.addf %get3A_22, %dot_general3A_23 : vector<64x256xf32>
    %swap3A = arith.constant 0 : index
    %swap3A_25 = arith.constant 0 : index
    %swap3A_26 = vector.load %arg5[%swap3A, %swap3A_25] : memref<64x256xf32, #tpu.memory_space<vmem>>, vector<64x256xf32>
    tpu.vector_store %arg5[%swap3A, %swap3A_25], %add3A_24 {strides = array<i32>} : memref<64x256xf32, #tpu.memory_space<vmem>>, vector<64x256xf32>,
    %get3A_27 = arith.constant 0 : index
    %get3A_28 = arith.constant 0 : index
    %get3A_29 = vector.load %arg6[%get3A_27, %get3A_28] : memref<64x1xf32, #tpu.memory_space<vmem>>, vector<64x1xf32>
    %broadcast_in_dim3A = arith.constant 1.000000e+00 : f32
    %broadcast_in_dim3A_30 = vector.broadcast %broadcast_in_dim3A : f32 to vector<400x1xf32>
    %dot_general3A_31 = arith.constant dense<0.000000e+00> : vector<64x1xf32>
    %dot_general3A_32 = tpu.matmul %convert_element_type3A_15, %broadcast_in_dim3A_30, %dot_general3A_31 {dimension_numbers = #tpu.dot_dimension_numbers<[0], [0], [1], [1], [0, 1, 1, 1], [], []>, transpose_lhs_hint = false} : vector<400x64xf32>, vector<400x1xf32>, vector<64x1xf32> -> vector<64x1xf32>
    %add3A_33 = arith.addf %get3A_29, %dot_general3A_32 : vector<64x1xf32>
    %swap3A_34 = arith.constant 0 : index
    %swap3A_35 = arith.constant 0 : index
    %swap3A_36 = vector.load %arg6[%swap3A_34, %swap3A_35] : memref<64x1xf32, #tpu.memory_space<vmem>>, vector<64x1xf32>
    tpu.vector_store %arg6[%swap3A_34, %swap3A_35], %add3A_33 {strides = array<i32>} : memref<64x1xf32, #tpu.memory_space<vmem>>, vector<64x1xf32>,
    return
  }
  func.func @transform_0(%arg0: i32) -> (i32, i32) {
    %c0_i32 = arith.constant 0 : i32
    %c0_i32_0 = arith.constant 0 : i32
    return %arg0, %c0_i32 : i32, i32
  }
  func.func @transform_1(%arg0: i32) -> (i32, i32) {
    %c0_i32 = arith.constant 0 : i32
    %c0_i32_0 = arith.constant 0 : i32
    return %arg0, %c0_i32 : i32, i32
  }
  func.func @transform_2(%arg0: i32) -> (i32, i32) {
    %c0_i32 = arith.constant 0 : i32
    %c0_i32_0 = arith.constant 0 : i32
    return %arg0, %c0_i32 : i32, i32
  }
  func.func @transform_3(%arg0: i32) -> (i32, i32) {
    %c0_i32 = arith.constant 0 : i32
    %c0_i32_0 = arith.constant 0 : i32
    return %arg0, %c0_i32 : i32, i32
  }
  func.func @transform_4(%arg0: i32) -> (i32, i32) {
    %c0_i32 = arith.constant 0 : i32
    %c0_i32_0 = arith.constant 0 : i32
    %c0_i32_1 = arith.constant 0 : i32
    return %c0_i32, %c0_i32_0 : i32, i32
  }
  func.func @transform_5(%arg0: i32) -> (i32, i32) {
    %c0_i32 = arith.constant 0 : i32
    %c0_i32_0 = arith.constant 0 : i32
    %c0_i32_1 = arith.constant 0 : i32
    return %c0_i32, %c0_i32_0 : i32, i32
  }
}

module attributes {stable_mosaic.version = 14 : i64} {
  func.func @_mlp_body(%arg0: memref<64x256xf32, #tpu.memory_space<vmem>>, %arg1: memref<64x1xf32, #tpu.memory_space<vmem>>, %arg2: memref<64x3xf32, #tpu.memory_space<vmem>>, %arg3: memref<256x512xf32, #tpu.memory_space<vmem>>, %arg4: memref<3x512xf32, #tpu.memory_space<vmem>>, %arg5: memref<1x512xf32, #tpu.memory_space<vmem>>, %arg6: memref<512x256xf32, #tpu.memory_space<vmem>>, %arg7: memref<1x256xf32, #tpu.memory_space<vmem>>, %arg8: memref<256x1xf32, #tpu.memory_space<vmem>>, %arg9: memref<1x1xf32, #tpu.memory_space<vmem>>, %arg10: memref<64x1xf32, #tpu.memory_space<vmem>>) attributes {dimension_semantics = [], scalar_prefetch = 0 : i64, scratch_operands = 0 : i64, tpu.core_type = #tpu.core_type<tc>} {
    %get3A = arith.constant 0 : index
    %get3A_0 = arith.constant 0 : index
    %get3A_1 = vector.load %arg0[%get3A, %get3A_0] : memref<64x256xf32, #tpu.memory_space<vmem>>, vector<64x256xf32>
    %get3A_2 = arith.constant 0 : index
    %get3A_3 = arith.constant 0 : index
    %get3A_4 = vector.load %arg1[%get3A_2, %get3A_3] : memref<64x1xf32, #tpu.memory_space<vmem>>, vector<64x1xf32>
    %max3A = arith.constant 1.000000e+00 : f32
    %max3A_5 = vector.broadcast %max3A : f32 to vector<64x1xf32>
    %max3A_6 = arith.maximumf %get3A_4, %max3A_5 : vector<64x1xf32>
    %div3A = vector.broadcast %max3A_6 : vector<64x1xf32> to vector<64x256xf32>
    %div3A_7 = arith.divf %get3A_1, %div3A : vector<64x256xf32>
    %get3A_8 = arith.constant 0 : index
    %get3A_9 = arith.constant 0 : index
    %get3A_10 = vector.load %arg3[%get3A_8, %get3A_9] : memref<256x512xf32, #tpu.memory_space<vmem>>, vector<256x512xf32>
    %dot_general3A = arith.constant dense<0.000000e+00> : vector<64x512xf32>
    %dot_general3A_11 = tpu.matmul %div3A_7, %get3A_10, %dot_general3A {dimension_numbers = #tpu.dot_dimension_numbers<[1], [0], [0], [1], [0, 0, 1, 1], [], []>, transpose_lhs_hint = false} : vector<64x256xf32>, vector<256x512xf32>, vector<64x512xf32> -> vector<64x512xf32>
    %get3A_12 = arith.constant 0 : index
    %get3A_13 = arith.constant 0 : index
    %get3A_14 = vector.load %arg2[%get3A_12, %get3A_13] : memref<64x3xf32, #tpu.memory_space<vmem>>, vector<64x3xf32>
    %get3A_15 = arith.constant 0 : index
    %get3A_16 = arith.constant 0 : index
    %get3A_17 = vector.load %arg4[%get3A_15, %get3A_16] : memref<3x512xf32, #tpu.memory_space<vmem>>, vector<3x512xf32>
    %dot_general3A_18 = arith.constant dense<0.000000e+00> : vector<64x512xf32>
    %dot_general3A_19 = tpu.matmul %get3A_14, %get3A_17, %dot_general3A_18 {dimension_numbers = #tpu.dot_dimension_numbers<[1], [0], [0], [1], [0, 0, 1, 1], [], []>, transpose_lhs_hint = false} : vector<64x3xf32>, vector<3x512xf32>, vector<64x512xf32> -> vector<64x512xf32>
    %add3A = arith.addf %dot_general3A_11, %dot_general3A_19 : vector<64x512xf32>
    %get3A_20 = arith.constant 0 : index
    %get3A_21 = arith.constant 0 : index
    %get3A_22 = vector.load %arg5[%get3A_20, %get3A_21] : memref<1x512xf32, #tpu.memory_space<vmem>>, vector<1x512xf32>
    %add3A_23 = vector.broadcast %get3A_22 : vector<1x512xf32> to vector<64x512xf32>
    %add3A_24 = arith.addf %add3A, %add3A_23 : vector<64x512xf32>
    %max3A_25 = arith.constant 0.000000e+00 : f32
    %max3A_26 = vector.broadcast %max3A_25 : f32 to vector<64x512xf32>
    %max3A_27 = arith.maximumf %add3A_24, %max3A_26 : vector<64x512xf32>
    %get3A_28 = arith.constant 0 : index
    %get3A_29 = arith.constant 0 : index
    %get3A_30 = vector.load %arg6[%get3A_28, %get3A_29] : memref<512x256xf32, #tpu.memory_space<vmem>>, vector<512x256xf32>
    %dot_general3A_31 = arith.constant dense<0.000000e+00> : vector<64x256xf32>
    %dot_general3A_32 = tpu.matmul %max3A_27, %get3A_30, %dot_general3A_31 {dimension_numbers = #tpu.dot_dimension_numbers<[1], [0], [0], [1], [0, 0, 1, 1], [], []>, transpose_lhs_hint = false} : vector<64x512xf32>, vector<512x256xf32>, vector<64x256xf32> -> vector<64x256xf32>
    %get3A_33 = arith.constant 0 : index
    %get3A_34 = arith.constant 0 : index
    %get3A_35 = vector.load %arg7[%get3A_33, %get3A_34] : memref<1x256xf32, #tpu.memory_space<vmem>>, vector<1x256xf32>
    %add3A_36 = vector.broadcast %get3A_35 : vector<1x256xf32> to vector<64x256xf32>
    %add3A_37 = arith.addf %dot_general3A_32, %add3A_36 : vector<64x256xf32>
    %max3A_38 = arith.constant 0.000000e+00 : f32
    %max3A_39 = vector.broadcast %max3A_38 : f32 to vector<64x256xf32>
    %max3A_40 = arith.maximumf %add3A_37, %max3A_39 : vector<64x256xf32>
    %get3A_41 = arith.constant 0 : index
    %get3A_42 = arith.constant 0 : index
    %get3A_43 = vector.load %arg8[%get3A_41, %get3A_42] : memref<256x1xf32, #tpu.memory_space<vmem>>, vector<256x1xf32>
    %dot_general3A_44 = arith.constant dense<0.000000e+00> : vector<64x1xf32>
    %dot_general3A_45 = tpu.matmul %max3A_40, %get3A_43, %dot_general3A_44 {dimension_numbers = #tpu.dot_dimension_numbers<[1], [0], [0], [1], [0, 0, 1, 1], [], []>, transpose_lhs_hint = false} : vector<64x256xf32>, vector<256x1xf32>, vector<64x1xf32> -> vector<64x1xf32>
    %get3A_46 = arith.constant 0 : index
    %get3A_47 = arith.constant 0 : index
    %get3A_48 = vector.load %arg9[%get3A_46, %get3A_47] : memref<1x1xf32, #tpu.memory_space<vmem>>, vector<1x1xf32>
    %add3A_49 = vector.broadcast %get3A_48 : vector<1x1xf32> to vector<64x1xf32>
    %add3A_50 = arith.addf %dot_general3A_45, %add3A_49 : vector<64x1xf32>
    %swap3A = arith.constant 0 : index
    %swap3A_51 = arith.constant 0 : index
    %swap3A_52 = vector.load %arg10[%swap3A, %swap3A_51] : memref<64x1xf32, #tpu.memory_space<vmem>>, vector<64x1xf32>
    tpu.vector_store %arg10[%swap3A, %swap3A_51], %add3A_50 {strides = array<i32>} : memref<64x1xf32, #tpu.memory_space<vmem>>, vector<64x1xf32>,
    return
  }
}

</mosaic_0001>

<sc_bundles>
// kernel: kernel.12.cloned.1.call-start
scs
__scs_entry_jumppad:
0x0: {  	(pc) =	sbr.rel $0x88, $3  }
0x1: {  	(tag) =	ssettag $0x0;
	lr =	simm.s32 $0x1  }
0x2: {  	[smem:$0x3F8A] =	sst lr;
	_ =	strace $0xD0000000  }
0x3: {  	_ = 	snop  }
0x4: {  	_ = 	snop  }
0x5: {  	_ = 	snop  }
0x6: {  	_ = 	snop  }
0x7: {  	_ = 	snop  }
__scs_overlays_trampoline_lowered:
0x8: {  	[smem:$0x3F99] =	sst s0  }
0x9: {  	[smem:$0x3F9A] =	sst s1  }
0xa: {  	[smem:$0x3F9B] =	sst s2  }
0xb: {  	[smem:$0x3F9C] =	sst s3  }
0xc: {  	[smem:$0x3F9D] =	sst s4  }
0xd: {  	[smem:$0x3F9E] =	sst s5  }
0xe: {  	[smem:$0x3F9F] =	sst s6  }
0xf: {  	[smem:$0x3FA0] =	sst s7  }
0x10: {  	[smem:$0x3FA1] =	sst s8  }
0x11: {  	[smem:$0x3FA2] =	sst s9;
	s0 =	simm.s32 @!p0 $0x0  }
0x12: {  	s1 =	sld [smem:$0x3F88];
	s0 =	simm.s32 @p0 $0x1  }
0x13: {  	[smem:$0x3FA3] =	sst s0;
	s0 =	simm.s32 @!p1 $0x0  }
0x14: {  	s2 =	sld [smem:$0x3F87];
	s0 =	simm.s32 @p1 $0x1  }
0x15: {  	[smem:$0x3FA4] =	sst s0;
	s0 =	simm.s32 @!p2 $0x0  }
0x16: {  	s3 =	sld [smem:$0x3FDB];
	s0 =	simm.s32 @p2 $0x1  }
0x17: {  	s4 =	simm.s32 $0x1BF5;
	[smem:$0x3FA6] =	sst s0  }
0x18: {  	s0 =	sld [smem:$0x3F89];
	_ =	swait.ge [sflag:s4], $0x0  }
0x19: {  	s7 =	sld [smem:$0x3F8A]  }
0x1a: {  	s8 =	sadd.s32 $0xFFFFE003, lr  }
0x1b: {  	s9 =	sadd.s32 $0xFFFFFEF7, lr;
	s5 =	simm.s32 $0xFFFFFFFF;
	p2 =	slt.u32 s8, $0xFFFFF086  }
0x1c: {  	p1 =	slt.u32 s9, $0xF7A;
	s5 =	simm.s32 @!p2 $0x0  }
0x1d: {  	s5 =	simm.s32 @p1 $0x1;
	p0 =	seq.s32 s7, s2  }
0x1e: {  	s7 =	smul.u32 @!p0 $0xF7A, s2;
	p2 =	seq.s32 @!p0 s5, $0x0  }
0x1f: {  	s9 =	smul.u32 $0xF7A, s1;
	s8 =	simm.s32 @!p0 $0x1BF5;
	p2 =	por !p2, p0  }
0x20: {  	[sflag:s8] =	ssyncset.s32 @!p0 $0xFFFFF086;
	s6 =	sadd.s32 @!p0 s3, s7;
	s7 =	simm.s32 @!p0 $0x108  }
0x21: {  	s3 =	sadd.s32 s3, s9;
	s6 =	sadd.s32 @!p0 $0x88, s6;
	s7 =	simm.s32 @p2 $0x1082  }
0x22: {  	[simem:s7], [sflag:s8] =	dma.local @!p0 [hbm:s6], $0xF7A  }
0x23: {  	s9 =	sor.u32 $0xD0000000, s2;
	s6 =	simm.s32 $0x108;
	_ =	swait.ge @!p0 [sflag:s8], $0x0  }
0x24: {  	s3 =	sadd.s32 $0x88, s3;
	s6 =	simm.s32 @!p1 $0x1082;
	[sflag:s4] =	ssyncset.s32 $0xFFFFF086  }
0x25: {  	[simem:s6], [sflag:s4] =	dma.local [hbm:s3], $0xF7A  }
0x26: {  	[smem:$0x3F8A] =	sst s1;
	(tag) =	ssettag s2;
	_ =	strace s9  }
0x27: {  	s1 =	sld [smem:$0x3F9A]  }
0x28: {  	s2 =	sld [smem:$0x3F9B]  }
0x29: {  	s4 =	sld [smem:$0x3F9D]  }
0x2a: {  	p0 =	seq.s32 s5, $0x0;
	s5 =	sld [smem:$0x3F9E]  }
0x2b: {  	s6 =	sld [smem:$0x3F9F]  }
0x2c: {  	s7 =	sld [smem:$0x3FA0]  }
0x2d: {  	s3 =	simm.s32 $0x108;
	s8 =	sld [smem:$0x3FA1]  }
0x2e: {  	s3 =	simm.s32 @!p0 $0x1082;
	s9 =	sld [smem:$0x3FA2]  }
0x2f: {  	lr =	sadd.s32 s0, s3;
	s0 =	sld [smem:$0x3F99]  }
0x30: {  	s3 =	sld [smem:$0x3F9C]  }
0x31: {  	[smem:$0x3FA5] =	sst s10  }
0x32: {  	s10 =	sld [smem:$0x3FA3];
	_ =	sdelay $0x3  }
0x33: {  	p0 =	seq.s32 s10, $0x1;
	s10 =	sld [smem:$0x3FA5];
	_ =	sdelay $0x3  }
0x34: {  	[smem:$0x3FA5] =	sst s10  }
0x35: {  	s10 =	sld [smem:$0x3FA4];
	_ =	sdelay $0x3  }
0x36: {  	p1 =	seq.s32 s10, $0x1;
	s10 =	sld [smem:$0x3FA5];
	_ =	sdelay $0x3  }
0x37: {  	[smem:$0x3FA5] =	sst s10  }
0x38: {  	s10 =	sld [smem:$0x3FA6]  }
0x39: {  	_ = 	snop;
	(pc) =	sbr.ind lr, $3  }
0x3a: {  	_ = 	snop  }
0x3b: {  	_ = 	snop  }
0x3c: {  	p2 =	seq.s32 s10, $0x1;
	s10 =	sld [smem:$0x3FA5]  }
0x3d: {  	_ =	shalt  }
0x3e: {  	_ =	shalt  }
0x3f: {  	_ =	shalt  }
0x40: {  	_ =	shalt  }
0x41: {  	_ =	shalt  }
0x42: {  	_ =	shalt  }
0x43: {  	_ =	shalt  }
0x44: {  	_ =	shalt  }
0x45: {  	_ =	shalt  }
0x46: {  	_ =	shalt  }
0x47: {  	_ =	shalt  }
0x48: {  	_ =	shalt  }
0x49: {  	_ =	shalt  }
0x4a: {  	_ =	shalt  }
0x4b: {  	_ =	shalt  }
0x4c: {  	_ =	shalt  }
0x4d: {  	_ =	shalt  }
0x4e: {  	_ =	shalt  }
0x4f: {  	_ =	shalt  }
0x50: {  	_ =	shalt  }
0x51: {  	_ =	shalt  }
0x52: {  	_ =	shalt  }
0x53: {  	_ =	shalt  }
0x54: {  	_ =	shalt  }
0x55: {  	_ =	shalt  }
0x56: {  	_ =	shalt  }
0x57: {  	_ =	shalt  }
0x58: {  	_ =	shalt  }
0x59: {  	_ =	shalt  }
0x5a: {  	_ =	shalt  }
0x5b: {  	_ =	shalt  }
0x5c: {  	_ =	shalt  }
0x5d: {  	_ =	shalt  }
0x5e: {  	_ =	shalt  }
0x5f: {  	_ =	shalt  }
0x60: {  	_ =	shalt  }
0x61: {  	_ =	shalt  }
0x62: {  	_ =	shalt  }
0x63: {  	_ =	shalt  }
0x64: {  	_ =	shalt  }
0x65: {  	_ =	shalt  }
0x66: {  	_ =	shalt  }
0x67: {  	_ =	shalt  }
0x68: {  	_ =	shalt  }
0x69: {  	_ =	shalt  }
0x6a: {  	_ =	shalt  }
0x6b: {  	_ =	shalt  }
0x6c: {  	_ =	shalt  }
0x6d: {  	_ =	shalt  }
0x6e: {  	_ =	shalt  }
0x6f: {  	_ =	shalt  }
0x70: {  	_ =	shalt  }
0x71: {  	_ =	shalt  }
0x72: {  	_ =	shalt  }
0x73: {  	_ =	shalt  }
0x74: {  	_ =	shalt  }
0x75: {  	_ =	shalt  }
0x76: {  	_ =	shalt  }
0x77: {  	_ =	shalt  }
0x78: {  	_ =	shalt  }
0x79: {  	_ =	shalt  }
0x7a: {  	_ =	shalt  }
0x7b: {  	_ =	shalt  }
0x7c: {  	_ =	shalt  }
0x7d: {  	_ =	shalt  }
0x7e: {  	_ =	shalt  }
0x7f: {  	_ =	shalt  }
0x80: {  	_ =	shalt  }
0x81: {  	_ =	shalt  }
0x82: {  	_ =	shalt  }
0x83: {  	_ =	shalt  }
0x84: {  	_ =	shalt  }
0x85: {  	_ =	shalt  }
0x86: {  	_ =	shalt  }
0x87: {  	_ =	shalt  }
.Lfunc_end0:
.L_simem_size_0:
called_computation_lowered:
.L_overlay_start_0:
0x88: {  	s2 =	sld [smem:$0x3FD9]  }
0x89: {  	s3 =	sld [smem:$0x3FFE];
	_ =	sdelay $0x1  }
0x8a: {  	s1 =	srdreg.scid  }
0x8b: {  	s0 =	sand.u32 $0x1, s1  }
0x8c: {  	s17 =	sshll.u32 s0, $0xA;
	s2 =	sadd.s32 s3, s2  }
0x8d: {  	s2 =	sadd.s32 s2, s17  }
0x8e: {  	[smem:$0x3FB1] =	sst s2  }
0x8f: {  	_ = 	snop  }
0x90: {  	s2 =	sld [smem:$0x3FC9];
	(tm) =	ssettm $0x1  }
0x91: {  	s18 =	sld [smem:$0x3FFB];
	_ =	sdelay $0x3  }
0x92: {  	_ =	strace s18  }
0x93: {  	s3 =	sld [smem:$0x3FFC];
	_ =	sdelay $0x3  }
0x94: {  	_ =	strace s3  }
0x95: {  	s3 =	sld [smem:$0x3FFD];
	_ =	sdelay $0x3  }
0x96: {  	_ =	strace s3  }
0x97: {  	_ =	strace $0x8FFFFFFF  }
0x98: {  	s19 =	sld [smem:$0x3FDB];
	_ =	sdelay $0x1  }
0x99: {  	s4 =	simm.s32 $_scs_section_size  }
0x9a: {  	s5 =	simm.s32 $_size__tile_overlayer_lowered;
	s6 =	simm.s32 $_tile_overlayer_lowered  }
0x9b: {  	s22 =	simm.s32 $0x1BFF;
	s21 =	sshll.u32 s6, $0x1;
	s3 =	sadd.s32 s4, s19  }
0x9c: {  	s7 =	simm.s32 $0x0;
	s20 =	sshll.u32 s5, $0x1;
	s5 =	sadd.s32 s21, s3  }
0x9d: {  	[timem:s7], [sflag:s22] =	dma.local [hbm:s5], s20  }
0x9e: {  	_ =	swait.ge [sflag:s22], s20  }
0x9f: {  	s4 =	ssub.s32 $0x0, s20;
	[sflag:s22] =	ssyncset.done $0x0  }
0xa0: {  	[sflag:s22] =	ssyncadd.s32 s4;
	_ =	sdelay $0x1  }
0xa1: {  	s23 =	simm.s32 $0x1B8B  }
0xa2: {  	_ =	swait.ge [sflag:s23], $0x1  }
0xa3: {  	[sflag:s23] =	ssyncset.done $0x0  }
0xa4: {  	s25 =	simm.s32 $0x1B8E;
	s24 =	sld [smem:$0x3FFE];
	[sflag:s23] =	ssyncadd.s32 $0xFFFFFFFF  }
0xa5: {  	s26 =	simm.s32 $execute0_lowered;
	[smem:$0x3FD2] =	sst s25  }
0xa6: {  	s5 =	sshll.u32 s26, $0x1;
	_ =	strace $0x80000046;
	[dreg:$0x1] =	wrdreg $0xFFFFFFFF  }
0xa7: {  	s28 =	simm.s32 $_size_execute0_lowered;
	s3 =	sadd.s32 s3, s5;
	[dreg:$0x0] =	wrdreg $0x0  }
0xa8: {  	s5 =	sshll.u32 s28, $0x1;
	[dreg:$0x2] =	wrdreg s3  }
0xa9: {  	[dreg:$0x3] =	wrdreg s5  }
0xaa: {  	[dreg:$0x4] =	wrdreg $0xC0  }
0xab: {  	_ =	task [dreg:s7], $0x5FFFF  }
0xac: {  	[dreg:$0x1] =	wrdreg $0xFFFFFFFF  }
0xad: {  	[dreg:$0x0] =	wrdreg $0x60  }
0xae: {  	[dreg:$0x2] =	wrdreg s2  }
0xaf: {  	[dreg:$0x3] =	wrdreg s24  }
0xb0: {  	[dreg:$0x4] =	wrdreg $0x0  }
0xb1: {  	[dreg:$0x5] =	wrdreg $0x9  }
0xb2: {  	_ =	task.clear_ibuf [dreg:s7], $0x6FFFF;
	_ =	strace $0x90000046  }
0xb3: {  	s29 =	simm.s32 $0x9;
	_ =	strace $0x80000048  }
0xb4: {  	_ =	swait.ge [sflag:s29], $0x1  }
0xb5: {  	[sflag:s29] =	ssyncadd.s32 $0xFFFFFFFF  }
0xb6: {  	_ =	strace $0x90000048  }
0xb7: {  	_ =	sfence  }
0xb8: {  	s30 =	sld [smem:$0x0];
	_ =	sdelay $0x2  }
0xb9: {  	s31 =	sshll.u32 s1, $0xD;
	s1 =	sshrl.u32 s1, $0x2  }
0xba: {  	s3 =	sand.u32 $0x4000, s31;
	s1 =	sadd.s32 s1, s30  }
0xbb: {  	s0 =	sor.u32 s3, s0;
	s1 =	sshll.u32 s1, $0x11  }
0xbc: {  	s0 =	sor.u32 s1, s0  }
0xbd: {  	s0 =	sadd.s32 $0x8F2B, s0  }
0xbe: {  	[sflag:s0] =	ssyncadd.remote.s32 $0x1  }
0xbf: {  	_ =	sfence.sel $0xFFFF  }
0xc0: {  	[dreg:$0x0] =	wrdreg $0xFFFFFFFF;
	(pc) =	sbr.abs _section_cstart, $3  }
0xc1: {  	[dreg:$0x1] =	wrdreg $0xFFFFFFFF  }
0xc2: {  	_ =	task.clear_ibuf [dreg:s7], $0x2FFFF;
	_ =	strace $0x9FFFFFFF  }
0xc3: {  	(tm) =	ssettm $0x7FFFFFFF  }
tec
execute0_lowered:
.L_overlay_start_1:
0x0: {  	(tag) =	ssettag $0x1  }
0x1: {  	s2 =	rddreg [dreg:$0x0]  }
0x2: {  	s6 =	rddreg [dreg:$0x1]  }
0x3: {  	s0 =	srdreg.scid;
	s3 =	rddreg [dreg:$0x2];
	s4 =	simm.s32 $0x0  }
0x4: {  	s19 =	simm.s32 $0x17C00;
	s20 =	simm.s32 $0x2;
	s21 =	simm.s32 $0x14000  }
0x5: {  	s22 =	simm.s32 $0x16800;
	s5 =	sand.u32 $0x1, s0;
	s0 =	stileid.u32  }
0x6: {  	s23 =	simm.s32 $0x80;
	s24 =	simm.s32 $0x19C00;
	s8 =	smul.u32 $0x2800, s0  }
0x7: {  	s25 =	simm.s32 $0x1;
	s26 =	simm.s32 $0x0;
	s9 =	smul.u32 $0x28000, s5  }
0x8: {  	[smem:$0x7FF] =	sst s4;
	s1 =	sshll.u32 s5, $0x4;
	s10 =	smul.u32 $0x50000, s0  }
0x9: {  	_ =	strace $0x80000047;
	s5 =	ssub.s32 $0x2, s5;
	s1 =	sor.u32 s0, s1  }
0xa: {  	s30 =	sshrl.u32 s5, $0x1;
	s7 =	smul.u32 $0x280, s1;
	s29 =	sadd.s32 s8, s9  }
0xb: {  	s31 =	sshrl.u32 s10, $0x2;
	s18 =	ssub.s32 s5, s30;
	s17 =	sadd.s32 s29, s6  }
0xc: {  	s5 =	sadd.s32 s31, s3;
	s18 =	smax.u32 s18, $0x1;
	s16 =	sadd.s32 s7, s6  }
0xd: {  	s6 =	sadd.s32 $0x2000, s5;
	s7 =	sadd.s32 $0x4000, s5;
	s8 =	sadd.s32 $0x6000, s5  }
0xe: {  	s9 =	sadd.s32 $0x8000, s5;
	s10 =	sadd.s32 $0xA000, s5;
	s11 =	sadd.s32 $0xC000, s5  }
0xf: {  	s12 =	sadd.s32 $0xE000, s5;
	s13 =	sadd.s32 $0x10000, s5;
	s14 =	sadd.s32 $0x12000, s5  }
0x10: {  	v0 =	vimm.f32 $0.0e+00;
	s17 =	sadd.s32 $0xE600, s17;
	s15 =	sadd.s32 $0x9600, s16;
	s16 =	sadd.s32 $0x4600, s16  }
.LBB2_1:
0x11: {  	s28 =	sand.u32 $0x7E00, s4  }
0x12: {  	s29 =	sand.u32 $0x70, s4;
	s30 =	sshrl.u32 s28, $0x2  }
0x13: {  	s28 =	simm.s32 $0x40;
	s30 =	sor.u32 s29, s30;
	s29 =	simm.s32 $0x0  }
.LBB2_2:
0x14: {  	p0 =	sne.s32 s28, $0x7FC0  }
0x15: {  	[tilespmem:s30+$0x17C00] =	vst v0;
	s29 =	sadd.s32 $0x10, s29;
	s30 =	smov.u32 s28;
	s28 =	sadd.s32 $0x40, s28  }
.Ltmp0:
0x16: {  	(pc) =	sbr.rel @p0 .LBB2_2-.Ltmp0, $4  }
0x17: {  	_ = 	snop  }
0x18: {  	s30 =	sand.u32 $0x7E00, s30  }
0x19: {  	s31 =	sand.u32 $0x70, s29;
	s30 =	sshrl.u32 s30, $0x2  }
0x1a: {  	s30 =	sor.u32 s31, s30  }
0x1b: {  	[tilespmem:s30+$0x17C00] =	vst v0  }
0x1c: {  	[spmem:s5] =	stream.linear.scatter [tilespmem:s19], [sflag:$0x2], $0x2000, $0x38;
	[tilespmem:$0x1DC00] =	vst v63  }
0x1d: {  	_ =	swait.ge [sflag:s20], $0x2000  }
0x1e: {  	[sflag:s20] =	ssyncset.done $0x0  }
0x1f: {  	[sflag:s20] =	ssyncadd.s32 $0xFFFFE000  }
0x20: {  	[spmem:s6] =	stream.linear.scatter [tilespmem:s19], [sflag:$0x2], $0x2000, $0x38;
	[tilespmem:$0x1DC00] =	vst v63  }
0x21: {  	_ =	swait.ge [sflag:s20], $0x2000  }
0x22: {  	[sflag:s20] =	ssyncset.done $0x0  }
0x23: {  	[sflag:s20] =	ssyncadd.s32 $0xFFFFE000  }
0x24: {  	[spmem:s7] =	stream.linear.scatter [tilespmem:s19], [sflag:$0x2], $0x2000, $0x38;
	[tilespmem:$0x1DC00] =	vst v63  }
0x25: {  	_ =	swait.ge [sflag:s20], $0x2000  }
0x26: {  	[sflag:s20] =	ssyncset.done $0x0  }
0x27: {  	[sflag:s20] =	ssyncadd.s32 $0xFFFFE000  }
0x28: {  	[spmem:s8] =	stream.linear.scatter [tilespmem:s19], [sflag:$0x2], $0x2000, $0x38;
	[tilespmem:$0x1DC00] =	vst v63  }
0x29: {  	_ =	swait.ge [sflag:s20], $0x2000  }
0x2a: {  	[sflag:s20] =	ssyncset.done $0x0  }
0x2b: {  	[sflag:s20] =	ssyncadd.s32 $0xFFFFE000  }
0x2c: {  	[spmem:s9] =	stream.linear.scatter [tilespmem:s19], [sflag:$0x2], $0x2000, $0x38;
	[tilespmem:$0x1DC00] =	vst v63  }
0x2d: {  	_ =	swait.ge [sflag:s20], $0x2000  }
0x2e: {  	[sflag:s20] =	ssyncset.done $0x0  }
0x2f: {  	[sflag:s20] =	ssyncadd.s32 $0xFFFFE000  }
0x30: {  	[spmem:s10] =	stream.linear.scatter [tilespmem:s19], [sflag:$0x2], $0x2000, $0x38;
	[tilespmem:$0x1DC00] =	vst v63  }
0x31: {  	_ =	swait.ge [sflag:s20], $0x2000  }
0x32: {  	[sflag:s20] =	ssyncset.done $0x0  }
0x33: {  	[sflag:s20] =	ssyncadd.s32 $0xFFFFE000  }
0x34: {  	[spmem:s11] =	stream.linear.scatter [tilespmem:s19], [sflag:$0x2], $0x2000, $0x38;
	[tilespmem:$0x1DC00] =	vst v63  }
0x35: {  	_ =	swait.ge [sflag:s20], $0x2000  }
0x36: {  	[sflag:s20] =	ssyncset.done $0x0  }
0x37: {  	[sflag:s20] =	ssyncadd.s32 $0xFFFFE000  }
0x38: {  	[spmem:s12] =	stream.linear.scatter [tilespmem:s19], [sflag:$0x2], $0x2000, $0x38;
	[tilespmem:$0x1DC00] =	vst v63  }
0x39: {  	_ =	swait.ge [sflag:s20], $0x2000  }
0x3a: {  	[sflag:s20] =	ssyncset.done $0x0  }
0x3b: {  	[sflag:s20] =	ssyncadd.s32 $0xFFFFE000  }
0x3c: {  	[spmem:s13] =	stream.linear.scatter [tilespmem:s19], [sflag:$0x2], $0x2000, $0x38;
	[tilespmem:$0x1DC00] =	vst v63  }
0x3d: {  	_ =	swait.ge [sflag:s20], $0x2000  }
0x3e: {  	[sflag:s20] =	ssyncset.done $0x0  }
0x3f: {  	[sflag:s20] =	ssyncadd.s32 $0xFFFFE000  }
0x40: {  	[spmem:s14] =	stream.linear.scatter [tilespmem:s19], [sflag:$0x2], $0x2000, $0x38;
	[tilespmem:$0x1DC00] =	vst v63  }
0x41: {  	_ =	swait.ge [sflag:s20], $0x2000  }
0x42: {  	[sflag:s20] =	ssyncset.done $0x0  }
0x43: {  	s28 =	simm.s32 $0x0;
	[sflag:s20] =	ssyncadd.s32 $0xFFFFE000  }
0x44: {  	[tilespmem:s21], [sflag:$0x2] =	stream.linear.gather [hbm4b:s15+s28], $0x1400, $0x38;
	[tilespmem:$0x1DC00] =	vst v63  }
0x45: {  	_ =	swait.ge [sflag:s20], $0x1400  }
0x46: {  	[sflag:s20] =	ssyncset.done $0x0  }
0x47: {  	[sflag:s20] =	ssyncadd.s32 $0xFFFFEC00  }
0x48: {  	[tilespmem:s22], [sflag:$0x2] =	stream.linear.gather [hbm4b:s16+s28], $0x1400, $0x38;
	[tilespmem:$0x1DC00] =	vst v63  }
0x49: {  	_ =	swait.ge [sflag:s20], $0x1400  }
0x4a: {  	[sflag:s20] =	ssyncset.done $0x0  }
0x4b: {  	s28 =	simm.s32 $0x0;
	[sflag:s20] =	ssyncadd.s32 $0xFFFFEC00  }
0x4c: {  	s29 =	simm.s32 $0x40;
	v1 =	vld [tilespmem:s28+$0x14000]  }
.LBB2_4:
0x4d: {  	p0 =	sne.s32 s29, $0x4FC0  }
.Ltmp1:
0x4e: {  	_ = 	snop;
	(pc) =	sbr.rel @p0 .LBB2_4-.Ltmp1, $3  }
0x4f: {  	_ =	sdelay $0x1  }
0x50: {  	[tilespmem:s28+$0x15400] =	vst v1;
	s28 =	sshra.s32 s29, $0x2;
	s29 =	sadd.s32 $0x40, s29  }
0x51: {  	v1 =	vld [tilespmem:s28+$0x14000]  }
0x52: {  	_ =	sdelay $0x3  }
0x53: {  	[tilespmem:s28+$0x15400] =	vst v1  }
0x54: {  	s28 =	simm.s32 $0x15400;
	[bflag:$0x0] =	sbarrier.arrive $0xFFFF  }
0x55: {  	[tilespmem:s24], [sflag:$0x1] =	stream.indirect.gather [hbm4b:s2+s23], $0x80, s28, s23, $0xb8;
	[tilespmem:$0x1DC00] =	vst v63  }
0x56: {  	_ =	swait.ge [sflag:s25], $0x4000  }
0x57: {  	[sflag:s25] =	ssyncset.done $0x0  }
0x58: {  	s28 =	simm.s32 $0x16800;
	[sflag:s25] =	ssyncadd.s32 $0xFFFFC000  }
0x59: {  	[spmem:s3] =	stream.indirect.scatter.add.f32 [tilespmem:s24], [sflag:$0x2], $0x80, s28, s23, $0xb8;
	[tilespmem:$0x1DC00] =	vst v63  }
0x5a: {  	_ =	swait.ge [sflag:s20], $0x4000  }
0x5b: {  	s29 =	simm.s32 $0x400;
	s28 =	simm.s32 $0x80;
	[sflag:s20] =	ssyncset.done $0x0  }
.LBB2_6:
0x5c: {  	s30 =	sadd.s32 $0x15400, s28  }
0x5d: {  	[sflag:s20] =	ssyncadd.s32 $0xFFFFC000;
	s31 =	smov.u32 s29;
	s1 =	sadd.s32 $0x200, s29  }
0x5e: {  	[tilespmem:s24], [sflag:$0x1] =	stream.indirect.gather [hbm4b:s2+s23], $0x80, s30, s23, $0xb8;
	[tilespmem:$0x1DC00] =	vst v63  }
0x5f: {  	p0 =	sne.s32 s29, $0x4E00;
	_ =	swait.ge [sflag:s25], $0x4000  }
.Ltmp2:
0x60: {  	[sflag:s25] =	ssyncset.done $0x0;
	(pc) =	sbr.rel @p0 .LBB2_6-.Ltmp2, $4  }
0x61: {  	s28 =	sadd.s32 $0x16800, s28;
	[sflag:s25] =	ssyncadd.s32 $0xFFFFC000  }
0x62: {  	[spmem:s3] =	stream.indirect.scatter.add.f32 [tilespmem:s24], [sflag:$0x2], $0x80, s28, s23, $0xb8;
	[tilespmem:$0x1DC00] =	vst v63  }
0x63: {  	_ =	swait.ge [sflag:s20], $0x4000  }
0x64: {  	s29 =	smov.u32 s1;
	s28 =	sshra.s32 s31, $0x2;
	[sflag:s20] =	ssyncset.done $0x0  }
0x65: {  	s1 =	sadd.s32 $0x15400, s28;
	[sflag:s20] =	ssyncadd.s32 $0xFFFFC000  }
0x66: {  	[tilespmem:s24], [sflag:$0x1] =	stream.indirect.gather [hbm4b:s2+s23], $0x80, s1, s23, $0xb8;
	[tilespmem:$0x1DC00] =	vst v63  }
0x67: {  	_ =	swait.ge [sflag:s25], $0x4000  }
0x68: {  	[sflag:s25] =	ssyncset.done $0x0  }
0x69: {  	s29 =	sadd.s32 $0x16800, s28;
	[sflag:s25] =	ssyncadd.s32 $0xFFFFC000  }
0x6a: {  	[spmem:s3] =	stream.indirect.scatter.add.f32 [tilespmem:s24], [sflag:$0x2], $0x80, s29, s23, $0xb8;
	[tilespmem:$0x1DC00] =	vst v63  }
0x6b: {  	_ =	swait.ge [sflag:s20], $0x4000  }
0x6c: {  	s30 =	sshll.u32 s0, $0x6;
	s26 =	sadd.s32 $0x1, s26;
	[sflag:s20] =	ssyncset.done $0x0  }
0x6d: {  	s31 =	sshrl.u32 s5, $0x3;
	p0 =	sne.s32 s26, s18;
	[sflag:s20] =	ssyncadd.s32 $0xFFFFC000  }
.Ltmp3:
0x6e: {  	s1 =	sor.u32 $0x1C02, s30;
	[bflag:$0x0] =	sbarrier.arrive $0xFFFF;
	(pc) =	sbr.rel @p0 .LBB2_1-.Ltmp3, $4  }
0x6f: {  	[hbm:s17], [sflag:s1] =	dma.local [spmem:s31], $0x2800  }
0x70: {  	_ =	swait.ge [sflag:s20], $0x2800  }
0x71: {  	[sflag:s20] =	ssyncset.done $0x0  }
0x72: {  	[sflag:s20] =	ssyncadd.s32 $0xFFFFD800  }
0x73: {  	_ =	sfence.sel $0x180000  }
0x74: {  	[bflag:$0x0] =	sbarrier.arrive $0xFFFF  }
0x75: {  	_ =	strace $0x90000047  }
0x76: {  	[bflag:$0x2] =	sbarrier.arrive $0xFFFF  }
0x77: {  	p0 =	sne.s32 s0, $0x0;
	s0 =	rddreg [dreg:$0x3]  }
0x78: {  	s0 =	sadd.s32 @!p0 $0x100000, s0  }
0x79: {  	[sflag:s0] =	ssyncadd.tile.s32 @!p0 $0x1;
	_ =	shalt  }
.Lfunc_end2:
_tile_overlayer_lowered:
.L_overlay_start_2:
0x7a: {  	(tag) =	ssettag $0x2  }
0x7b: {  	s0 =	rddreg [dreg:$0x0];
	s2 =	stileid.u32  }
0x7c: {  	s1 =	rddreg [dreg:$0x1];
	p0 =	sne.s32 s2, $0x0  }
0x7d: {  	s3 =	rddreg [dreg:$0x2];
	[bflag:$0x3] =	sbarrier.arrive $0xFFFF;
	s2 =	simm.s32 @!p0 $0x1C02  }
0x7e: {  	[timem:s3], [sflag:s2] =	dma.local @!p0 [hbm:s0], s1  }
0x7f: {  	s0 =	simm.s32 @!p0 $0x2  }
0x80: {  	_ =	swait.ge @!p0 [sflag:s0], s1  }
0x81: {  	s1 =	ssub.s32 @!p0 $0x0, s1;
	[sflag:s0] =	ssyncset.done @!p0 $0x0  }
0x82: {  	[sflag:s0] =	ssyncadd.s32 @!p0 s1  }
0x83: {  	[bflag:$0x3] =	sbarrier.arrive $0xFFFF  }
0x84: {  	_ =	shalt  }

// kernel: kernel.15.cloned.1.call-start
scs
__scs_entry_jumppad:
0x0: {  	(pc) =	sbr.rel $0x88, $3  }
0x1: {  	(tag) =	ssettag $0x0;
	lr =	simm.s32 $0x1  }
0x2: {  	[smem:$0x3F8A] =	sst lr;
	_ =	strace $0xD0000000  }
0x3: {  	_ = 	snop  }
0x4: {  	_ = 	snop  }
0x5: {  	_ = 	snop  }
0x6: {  	_ = 	snop  }
0x7: {  	_ = 	snop  }
__scs_overlays_trampoline_lowered:
0x8: {  	[smem:$0x3F99] =	sst s0  }
0x9: {  	[smem:$0x3F9A] =	sst s1  }
0xa: {  	[smem:$0x3F9B] =	sst s2  }
0xb: {  	[smem:$0x3F9C] =	sst s3  }
0xc: {  	[smem:$0x3F9D] =	sst s4  }
0xd: {  	[smem:$0x3F9E] =	sst s5  }
0xe: {  	[smem:$0x3F9F] =	sst s6  }
0xf: {  	[smem:$0x3FA0] =	sst s7  }
0x10: {  	[smem:$0x3FA1] =	sst s8  }
0x11: {  	[smem:$0x3FA2] =	sst s9;
	s0 =	simm.s32 @!p0 $0x0  }
0x12: {  	s1 =	sld [smem:$0x3F88];
	s0 =	simm.s32 @p0 $0x1  }
0x13: {  	[smem:$0x3FA3] =	sst s0;
	s0 =	simm.s32 @!p1 $0x0  }
0x14: {  	s2 =	sld [smem:$0x3F87];
	s0 =	simm.s32 @p1 $0x1  }
0x15: {  	[smem:$0x3FA4] =	sst s0;
	s0 =	simm.s32 @!p2 $0x0  }
0x16: {  	s3 =	sld [smem:$0x3FDB];
	s0 =	simm.s32 @p2 $0x1  }
0x17: {  	s4 =	simm.s32 $0x1BF5;
	[smem:$0x3FA6] =	sst s0  }
0x18: {  	s0 =	sld [smem:$0x3F89];
	_ =	swait.ge [sflag:s4], $0x0  }
0x19: {  	s7 =	sld [smem:$0x3F8A]  }
0x1a: {  	s8 =	sadd.s32 $0xFFFFE003, lr  }
0x1b: {  	s9 =	sadd.s32 $0xFFFFFEF7, lr;
	s5 =	simm.s32 $0xFFFFFFFF;
	p2 =	slt.u32 s8, $0xFFFFF086  }
0x1c: {  	p1 =	slt.u32 s9, $0xF7A;
	s5 =	simm.s32 @!p2 $0x0  }
0x1d: {  	s5 =	simm.s32 @p1 $0x1;
	p0 =	seq.s32 s7, s2  }
0x1e: {  	s7 =	smul.u32 @!p0 $0xF7A, s2;
	p2 =	seq.s32 @!p0 s5, $0x0  }
0x1f: {  	s9 =	smul.u32 $0xF7A, s1;
	s8 =	simm.s32 @!p0 $0x1BF5;
	p2 =	por !p2, p0  }
0x20: {  	[sflag:s8] =	ssyncset.s32 @!p0 $0xFFFFF086;
	s6 =	sadd.s32 @!p0 s3, s7;
	s7 =	simm.s32 @!p0 $0x108  }
0x21: {  	s3 =	sadd.s32 s3, s9;
	s6 =	sadd.s32 @!p0 $0x88, s6;
	s7 =	simm.s32 @p2 $0x1082  }
0x22: {  	[simem:s7], [sflag:s8] =	dma.local @!p0 [hbm:s6], $0xF7A  }
0x23: {  	s9 =	sor.u32 $0xD0000000, s2;
	s6 =	simm.s32 $0x108;
	_ =	swait.ge @!p0 [sflag:s8], $0x0  }
0x24: {  	s3 =	sadd.s32 $0x88, s3;
	s6 =	simm.s32 @!p1 $0x1082;
	[sflag:s4] =	ssyncset.s32 $0xFFFFF086  }
0x25: {  	[simem:s6], [sflag:s4] =	dma.local [hbm:s3], $0xF7A  }
0x26: {  	[smem:$0x3F8A] =	sst s1;
	(tag) =	ssettag s2;
	_ =	strace s9  }
0x27: {  	s1 =	sld [smem:$0x3F9A]  }
0x28: {  	s2 =	sld [smem:$0x3F9B]  }
0x29: {  	s4 =	sld [smem:$0x3F9D]  }
0x2a: {  	p0 =	seq.s32 s5, $0x0;
	s5 =	sld [smem:$0x3F9E]  }
0x2b: {  	s6 =	sld [smem:$0x3F9F]  }
0x2c: {  	s7 =	sld [smem:$0x3FA0]  }
0x2d: {  	s3 =	simm.s32 $0x108;
	s8 =	sld [smem:$0x3FA1]  }
0x2e: {  	s3 =	simm.s32 @!p0 $0x1082;
	s9 =	sld [smem:$0x3FA2]  }
0x2f: {  	lr =	sadd.s32 s0, s3;
	s0 =	sld [smem:$0x3F99]  }
0x30: {  	s3 =	sld [smem:$0x3F9C]  }
0x31: {  	[smem:$0x3FA5] =	sst s10  }
0x32: {  	s10 =	sld [smem:$0x3FA3];
	_ =	sdelay $0x3  }
0x33: {  	p0 =	seq.s32 s10, $0x1;
	s10 =	sld [smem:$0x3FA5];
	_ =	sdelay $0x3  }
0x34: {  	[smem:$0x3FA5] =	sst s10  }
0x35: {  	s10 =	sld [smem:$0x3FA4];
	_ =	sdelay $0x3  }
0x36: {  	p1 =	seq.s32 s10, $0x1;
	s10 =	sld [smem:$0x3FA5];
	_ =	sdelay $0x3  }
0x37: {  	[smem:$0x3FA5] =	sst s10  }
0x38: {  	s10 =	sld [smem:$0x3FA6]  }
0x39: {  	_ = 	snop;
	(pc) =	sbr.ind lr, $3  }
0x3a: {  	_ = 	snop  }
0x3b: {  	_ = 	snop  }
0x3c: {  	p2 =	seq.s32 s10, $0x1;
	s10 =	sld [smem:$0x3FA5]  }
0x3d: {  	_ =	shalt  }
0x3e: {  	_ =	shalt  }
0x3f: {  	_ =	shalt  }
0x40: {  	_ =	shalt  }
0x41: {  	_ =	shalt  }
0x42: {  	_ =	shalt  }
0x43: {  	_ =	shalt  }
0x44: {  	_ =	shalt  }
0x45: {  	_ =	shalt  }
0x46: {  	_ =	shalt  }
0x47: {  	_ =	shalt  }
0x48: {  	_ =	shalt  }
0x49: {  	_ =	shalt  }
0x4a: {  	_ =	shalt  }
0x4b: {  	_ =	shalt  }
0x4c: {  	_ =	shalt  }
0x4d: {  	_ =	shalt  }
0x4e: {  	_ =	shalt  }
0x4f: {  	_ =	shalt  }
0x50: {  	_ =	shalt  }
0x51: {  	_ =	shalt  }
0x52: {  	_ =	shalt  }
0x53: {  	_ =	shalt  }
0x54: {  	_ =	shalt  }
0x55: {  	_ =	shalt  }
0x56: {  	_ =	shalt  }
0x57: {  	_ =	shalt  }
0x58: {  	_ =	shalt  }
0x59: {  	_ =	shalt  }
0x5a: {  	_ =	shalt  }
0x5b: {  	_ =	shalt  }
0x5c: {  	_ =	shalt  }
0x5d: {  	_ =	shalt  }
0x5e: {  	_ =	shalt  }
0x5f: {  	_ =	shalt  }
0x60: {  	_ =	shalt  }
0x61: {  	_ =	shalt  }
0x62: {  	_ =	shalt  }
0x63: {  	_ =	shalt  }
0x64: {  	_ =	shalt  }
0x65: {  	_ =	shalt  }
0x66: {  	_ =	shalt  }
0x67: {  	_ =	shalt  }
0x68: {  	_ =	shalt  }
0x69: {  	_ =	shalt  }
0x6a: {  	_ =	shalt  }
0x6b: {  	_ =	shalt  }
0x6c: {  	_ =	shalt  }
0x6d: {  	_ =	shalt  }
0x6e: {  	_ =	shalt  }
0x6f: {  	_ =	shalt  }
0x70: {  	_ =	shalt  }
0x71: {  	_ =	shalt  }
0x72: {  	_ =	shalt  }
0x73: {  	_ =	shalt  }
0x74: {  	_ =	shalt  }
0x75: {  	_ =	shalt  }
0x76: {  	_ =	shalt  }
0x77: {  	_ =	shalt  }
0x78: {  	_ =	shalt  }
0x79: {  	_ =	shalt  }
0x7a: {  	_ =	shalt  }
0x7b: {  	_ =	shalt  }
0x7c: {  	_ =	shalt  }
0x7d: {  	_ =	shalt  }
0x7e: {  	_ =	shalt  }
0x7f: {  	_ =	shalt  }
0x80: {  	_ =	shalt  }
0x81: {  	_ =	shalt  }
0x82: {  	_ =	shalt  }
0x83: {  	_ =	shalt  }
0x84: {  	_ =	shalt  }
0x85: {  	_ =	shalt  }
0x86: {  	_ =	shalt  }
0x87: {  	_ =	shalt  }
.Lfunc_end0:
.L_simem_size_0:
called_computation.1_lowered:
.L_overlay_start_0:
0x88: {  	s2 =	sld [smem:$0x3FD9]  }
0x89: {  	s3 =	sld [smem:$0x3FFE];
	_ =	sdelay $0x1  }
0x8a: {  	s1 =	srdreg.scid  }
0x8b: {  	s0 =	sand.u32 $0x1, s1  }
0x8c: {  	s16 =	sshll.u32 s0, $0xA;
	s2 =	sadd.s32 s3, s2  }
0x8d: {  	s2 =	sadd.s32 s2, s16  }
0x8e: {  	[smem:$0x3FB1] =	sst s2  }
0x8f: {  	_ = 	snop  }
0x90: {  	(tm) =	ssettm $0x1  }
0x91: {  	s17 =	sld [smem:$0x3FFB];
	_ =	sdelay $0x3  }
0x92: {  	_ =	strace s17  }
0x93: {  	s2 =	sld [smem:$0x3FFC];
	_ =	sdelay $0x3  }
0x94: {  	_ =	strace s2  }
0x95: {  	s2 =	sld [smem:$0x3FFD];
	_ =	sdelay $0x3  }
0x96: {  	_ =	strace s2  }
0x97: {  	_ =	strace $0x8FFFFFFF  }
0x98: {  	s18 =	sld [smem:$0x3FDB];
	_ =	sdelay $0x1  }
0x99: {  	s19 =	simm.s32 $_scs_section_size  }
0x9a: {  	s4 =	simm.s32 $_size__tile_overlayer_lowered;
	s5 =	simm.s32 $_tile_overlayer_lowered  }
0x9b: {  	s22 =	simm.s32 $0x1BFF;
	s21 =	sshll.u32 s5, $0x1;
	s2 =	sadd.s32 s19, s18  }
0x9c: {  	s6 =	simm.s32 $0x0;
	s20 =	sshll.u32 s4, $0x1;
	s4 =	sadd.s32 s21, s2  }
0x9d: {  	[timem:s6], [sflag:s22] =	dma.local [hbm:s4], s20  }
0x9e: {  	_ =	swait.ge [sflag:s22], s20  }
0x9f: {  	s3 =	ssub.s32 $0x0, s20;
	[sflag:s22] =	ssyncset.done $0x0  }
0xa0: {  	[sflag:s22] =	ssyncadd.s32 s3;
	_ =	sdelay $0x1  }
0xa1: {  	s23 =	simm.s32 $0x1B8B  }
0xa2: {  	_ =	swait.ge [sflag:s23], $0x1  }
0xa3: {  	[sflag:s23] =	ssyncset.done $0x0  }
0xa4: {  	s25 =	simm.s32 $0x1B8E;
	s24 =	sld [smem:$0x3FFE];
	[sflag:s23] =	ssyncadd.s32 $0xFFFFFFFF  }
0xa5: {  	s26 =	simm.s32 $execute0_lowered;
	[smem:$0x3FD2] =	sst s25  }
0xa6: {  	s4 =	sshll.u32 s26, $0x1;
	_ =	strace $0x80000049;
	[dreg:$0x1] =	wrdreg $0xFFFFFFFF  }
0xa7: {  	s28 =	simm.s32 $_size_execute0_lowered;
	s2 =	sadd.s32 s2, s4;
	[dreg:$0x0] =	wrdreg $0x0  }
0xa8: {  	s4 =	sshll.u32 s28, $0x1;
	[dreg:$0x2] =	wrdreg s2  }
0xa9: {  	[dreg:$0x3] =	wrdreg s4  }
0xaa: {  	[dreg:$0x4] =	wrdreg $0xC0  }
0xab: {  	_ =	task [dreg:s6], $0x5FFFF  }
0xac: {  	[dreg:$0x1] =	wrdreg $0xFFFFFFFF  }
0xad: {  	[dreg:$0x0] =	wrdreg $0x60  }
0xae: {  	[dreg:$0x2] =	wrdreg s24  }
0xaf: {  	[dreg:$0x3] =	wrdreg $0x0  }
0xb0: {  	[dreg:$0x4] =	wrdreg $0x9  }
0xb1: {  	_ =	task.clear_ibuf [dreg:s6], $0x5FFFF;
	_ =	strace $0x90000049  }
0xb2: {  	s29 =	simm.s32 $0x9;
	_ =	strace $0x8000004B  }
0xb3: {  	_ =	swait.ge [sflag:s29], $0x1  }
0xb4: {  	[sflag:s29] =	ssyncadd.s32 $0xFFFFFFFF  }
0xb5: {  	_ =	strace $0x9000004B  }
0xb6: {  	_ =	sfence  }
0xb7: {  	s30 =	sld [smem:$0x0];
	_ =	sdelay $0x2  }
0xb8: {  	s31 =	sshll.u32 s1, $0xD;
	s1 =	sshrl.u32 s1, $0x2  }
0xb9: {  	s3 =	sand.u32 $0x4000, s31;
	s1 =	sadd.s32 s1, s30  }
0xba: {  	s0 =	sor.u32 s3, s0;
	s1 =	sshll.u32 s1, $0x11  }
0xbb: {  	s0 =	sor.u32 s1, s0  }
0xbc: {  	s0 =	sadd.s32 $0x8F2B, s0  }
0xbd: {  	[sflag:s0] =	ssyncadd.remote.s32 $0x1  }
0xbe: {  	_ =	sfence.sel $0xFFFF  }
0xbf: {  	[dreg:$0x0] =	wrdreg $0xFFFFFFFF;
	(pc) =	sbr.abs _section_cstart, $3  }
0xc0: {  	[dreg:$0x1] =	wrdreg $0xFFFFFFFF  }
0xc1: {  	_ =	task.clear_ibuf [dreg:s6], $0x2FFFF;
	_ =	strace $0x9FFFFFFF  }
0xc2: {  	(tm) =	ssettm $0x7FFFFFFF  }
0xc3: {  	_ =	shalt  }
tec
execute0_lowered:
.L_overlay_start_1:
0x0: {  	(tag) =	ssettag $0x1  }
0x1: {  	s0 =	rddreg [dreg:$0x0]  }
0x2: {  	s2 =	rddreg [dreg:$0x1]  }
0x3: {  	s3 =	srdreg.scid;
	s1 =	stileid.u32;
	s26 =	simm.s32 $0x0  }
0x4: {  	s22 =	simm.s32 $0x17C00;
	s23 =	simm.s32 $0x2;
	s28 =	simm.s32 $0x19C00  }
0x5: {  	s29 =	simm.s32 $0x1;
	s30 =	simm.s32 $0x0;
	s4 =	smul.u32 $0x280, s1  }
0x6: {  	s6 =	sand.u32 $0x1, s3;
	[smem:$0x7FF] =	sst s26;
	s8 =	smul.u32 $0x50000, s1  }
0x7: {  	s26 =	simm.s32 $0x80;
	s5 =	sshll.u32 s6, $0x4;
	s7 =	smul.u32 $0x2800, s6  }
0x8: {  	_ =	strace $0x8000004A;
	s19 =	ssub.s32 $0x2, s6;
	s5 =	sor.u32 s1, s5  }
0x9: {  	s8 =	sshrl.u32 s8, $0x2;
	s20 =	sshrl.u32 s19, $0x1;
	s5 =	smul.u32 $0x280, s5  }
0xa: {  	s7 =	sadd.s32 s4, s7;
	s4 =	sadd.s32 $0xAAA00, s0;
	s21 =	ssub.s32 s19, s20  }
0xb: {  	s7 =	sshll.u32 s7, $0x4;
	s16 =	sadd.s32 s5, s0;
	s5 =	sadd.s32 s8, s2  }
0xc: {  	s0 =	sadd.s32 s7, s0;
	s6 =	sadd.s32 $0x2000, s5;
	s7 =	sadd.s32 $0x4000, s5  }
0xd: {  	s8 =	sadd.s32 $0x6000, s5;
	s9 =	sadd.s32 $0x8000, s5;
	s10 =	sadd.s32 $0xA000, s5  }
0xe: {  	s11 =	sadd.s32 $0xC000, s5;
	s12 =	sadd.s32 $0xE000, s5;
	s13 =	sadd.s32 $0x10000, s5  }
0xf: {  	s14 =	sadd.s32 $0x12000, s5;
	s31 =	sadd.s32 $0x9600, s16;
	s16 =	sadd.s32 $0x4600, s16  }
0x10: {  	s21 =	smax.u32 s21, $0x1;
	s17 =	sadd.s32 $0x146E00, s0;
	s18 =	sadd.s32 $0x196E00, s0  }
0x11: {  	v0 =	vimm.f32 $0.0e+00;
	s19 =	sadd.s32 $0x1E6E00, s0;
	s20 =	sadd.s32 $0x236E00, s0;
	[dreg:$0x3] =	wrdreg s31  }
.LBB2_1:
0x12: {  	s1 =	simm.s32 $0x0  }
0x13: {  	s0 =	sand.u32 $0x7E00, s1  }
0x14: {  	s24 =	sand.u32 $0x70, s1;
	s25 =	sshrl.u32 s0, $0x2  }
0x15: {  	s0 =	simm.s32 $0x40;
	s25 =	sor.u32 s24, s25;
	s24 =	simm.s32 $0x0  }
.LBB2_2:
0x16: {  	p0 =	sne.s32 s0, $0x7FC0  }
0x17: {  	[tilespmem:s25+$0x17C00] =	vst v0;
	s24 =	sadd.s32 $0x10, s24;
	s25 =	smov.u32 s0;
	s0 =	sadd.s32 $0x40, s0  }
.Ltmp0:
0x18: {  	(pc) =	sbr.rel @p0 .LBB2_2-.Ltmp0, $4  }
0x19: {  	_ = 	snop  }
0x1a: {  	s25 =	sand.u32 $0x7E00, s25  }
0x1b: {  	s31 =	sand.u32 $0x70, s24;
	s25 =	sshrl.u32 s25, $0x2  }
0x1c: {  	s25 =	sor.u32 s31, s25  }
0x1d: {  	[tilespmem:s25+$0x17C00] =	vst v0  }
0x1e: {  	[spmem:s5] =	stream.linear.scatter [tilespmem:s22], [sflag:$0x2], $0x2000, $0x38;
	[tilespmem:$0x1DC00] =	vst v63  }
0x1f: {  	_ =	swait.ge [sflag:s23], $0x2000  }
0x20: {  	[sflag:s23] =	ssyncset.done $0x0  }
0x21: {  	[sflag:s23] =	ssyncadd.s32 $0xFFFFE000  }
0x22: {  	[spmem:s6] =	stream.linear.scatter [tilespmem:s22], [sflag:$0x2], $0x2000, $0x38;
	[tilespmem:$0x1DC00] =	vst v63  }
0x23: {  	_ =	swait.ge [sflag:s23], $0x2000  }
0x24: {  	[sflag:s23] =	ssyncset.done $0x0  }
0x25: {  	[sflag:s23] =	ssyncadd.s32 $0xFFFFE000  }
0x26: {  	[spmem:s7] =	stream.linear.scatter [tilespmem:s22], [sflag:$0x2], $0x2000, $0x38;
	[tilespmem:$0x1DC00] =	vst v63  }
0x27: {  	_ =	swait.ge [sflag:s23], $0x2000  }
0x28: {  	[sflag:s23] =	ssyncset.done $0x0  }
0x29: {  	[sflag:s23] =	ssyncadd.s32 $0xFFFFE000  }
0x2a: {  	[spmem:s8] =	stream.linear.scatter [tilespmem:s22], [sflag:$0x2], $0x2000, $0x38;
	[tilespmem:$0x1DC00] =	vst v63  }
0x2b: {  	_ =	swait.ge [sflag:s23], $0x2000  }
0x2c: {  	[sflag:s23] =	ssyncset.done $0x0  }
0x2d: {  	[sflag:s23] =	ssyncadd.s32 $0xFFFFE000  }
0x2e: {  	[spmem:s9] =	stream.linear.scatter [tilespmem:s22], [sflag:$0x2], $0x2000, $0x38;
	[tilespmem:$0x1DC00] =	vst v63  }
0x2f: {  	_ =	swait.ge [sflag:s23], $0x2000  }
0x30: {  	[sflag:s23] =	ssyncset.done $0x0  }
0x31: {  	[sflag:s23] =	ssyncadd.s32 $0xFFFFE000  }
0x32: {  	[spmem:s10] =	stream.linear.scatter [tilespmem:s22], [sflag:$0x2], $0x2000, $0x38;
	[tilespmem:$0x1DC00] =	vst v63  }
0x33: {  	_ =	swait.ge [sflag:s23], $0x2000  }
0x34: {  	[sflag:s23] =	ssyncset.done $0x0  }
0x35: {  	[sflag:s23] =	ssyncadd.s32 $0xFFFFE000  }
0x36: {  	[spmem:s11] =	stream.linear.scatter [tilespmem:s22], [sflag:$0x2], $0x2000, $0x38;
	[tilespmem:$0x1DC00] =	vst v63  }
0x37: {  	_ =	swait.ge [sflag:s23], $0x2000  }
0x38: {  	[sflag:s23] =	ssyncset.done $0x0  }
0x39: {  	[sflag:s23] =	ssyncadd.s32 $0xFFFFE000  }
0x3a: {  	[spmem:s12] =	stream.linear.scatter [tilespmem:s22], [sflag:$0x2], $0x2000, $0x38;
	[tilespmem:$0x1DC00] =	vst v63  }
0x3b: {  	_ =	swait.ge [sflag:s23], $0x2000  }
0x3c: {  	[sflag:s23] =	ssyncset.done $0x0  }
0x3d: {  	[sflag:s23] =	ssyncadd.s32 $0xFFFFE000  }
0x3e: {  	[spmem:s13] =	stream.linear.scatter [tilespmem:s22], [sflag:$0x2], $0x2000, $0x38;
	[tilespmem:$0x1DC00] =	vst v63  }
0x3f: {  	_ =	swait.ge [sflag:s23], $0x2000  }
0x40: {  	[sflag:s23] =	ssyncset.done $0x0  }
0x41: {  	[sflag:s23] =	ssyncadd.s32 $0xFFFFE000  }
0x42: {  	[spmem:s14] =	stream.linear.scatter [tilespmem:s22], [sflag:$0x2], $0x2000, $0x38;
	[tilespmem:$0x1DC00] =	vst v63  }
0x43: {  	_ =	swait.ge [sflag:s23], $0x2000  }
0x44: {  	s0 =	simm.s32 $0x0;
	[sflag:s23] =	ssyncset.done $0x0  }
0x45: {  	s3 =	simm.s32 $0x14000;
	s1 =	rddreg [dreg:$0x3];
	[sflag:s23] =	ssyncadd.s32 $0xFFFFE000  }
0x46: {  	[tilespmem:s3], [sflag:$0x2] =	stream.linear.gather [hbm4b:s1+s0], $0x1400, $0x38;
	[tilespmem:$0x1DC00] =	vst v63  }
0x47: {  	_ =	swait.ge [sflag:s23], $0x1400  }
0x48: {  	[sflag:s23] =	ssyncset.done $0x0  }
0x49: {  	s31 =	simm.s32 $0x16800;
	[sflag:s23] =	ssyncadd.s32 $0xFFFFEC00  }
0x4a: {  	[tilespmem:s31], [sflag:$0x2] =	stream.linear.gather [hbm4b:s16+s0], $0x1400, $0x38;
	[tilespmem:$0x1DC00] =	vst v63  }
0x4b: {  	_ =	swait.ge [sflag:s23], $0x1400  }
0x4c: {  	[sflag:s23] =	ssyncset.done $0x0  }
0x4d: {  	s0 =	simm.s32 $0x0;
	[sflag:s23] =	ssyncadd.s32 $0xFFFFEC00  }
0x4e: {  	s24 =	simm.s32 $0x40;
	v1 =	vld [tilespmem:s0+$0x14000]  }
.LBB2_4:
0x4f: {  	p0 =	sne.s32 s24, $0x4FC0  }
.Ltmp1:
0x50: {  	_ = 	snop;
	(pc) =	sbr.rel @p0 .LBB2_4-.Ltmp1, $3  }
0x51: {  	_ =	sdelay $0x1  }
0x52: {  	s25 =	sshra.s32 s24, $0x2;
	s24 =	sadd.s32 $0x40, s24;
	v2 =	vshll.u32 v1, $0x2  }
0x53: {  	v1 =	vld [tilespmem:s25+$0x14000];
	[tilespmem:s0+$0x15400] =	vst v2;
	s0 =	smov.u32 s25  }
0x54: {  	_ =	sdelay $0x3  }
0x55: {  	v1 =	vshll.u32 v1, $0x2  }
0x56: {  	[tilespmem:s0+$0x15400] =	vst v1  }
0x57: {  	s25 =	simm.s32 $0x15400;
	[bflag:$0x0] =	sbarrier.arrive $0xFFFF  }
0x58: {  	[tilespmem:s28], [sflag:$0x1] =	stream.indirect.gather [hbm4b:s4+s26], $0x80, s25, s26, $0xb8;
	[tilespmem:$0x1DC00] =	vst v63  }
0x59: {  	_ =	swait.ge [sflag:s29], $0x4000  }
0x5a: {  	[sflag:s29] =	ssyncset.done $0x0  }
0x5b: {  	s31 =	simm.s32 $0x16800;
	[sflag:s29] =	ssyncadd.s32 $0xFFFFC000  }
0x5c: {  	[spmem:s2] =	stream.indirect.scatter.add.f32 [tilespmem:s28], [sflag:$0x2], $0x80, s31, s26, $0xb8;
	[tilespmem:$0x1DC00] =	vst v63  }
0x5d: {  	_ =	swait.ge [sflag:s23], $0x4000  }
0x5e: {  	s24 =	simm.s32 $0x400;
	s0 =	simm.s32 $0x80;
	[sflag:s23] =	ssyncset.done $0x0  }
.LBB2_6:
0x5f: {  	s25 =	sadd.s32 $0x15400, s0  }
0x60: {  	[sflag:s23] =	ssyncadd.s32 $0xFFFFC000;
	s31 =	smov.u32 s24;
	s1 =	sadd.s32 $0x200, s24  }
0x61: {  	[tilespmem:s28], [sflag:$0x1] =	stream.indirect.gather [hbm4b:s4+s26], $0x80, s25, s26, $0xb8;
	[tilespmem:$0x1DC00] =	vst v63  }
0x62: {  	p0 =	sne.s32 s24, $0x4E00;
	_ =	swait.ge [sflag:s29], $0x4000  }
.Ltmp2:
0x63: {  	[sflag:s29] =	ssyncset.done $0x0;
	(pc) =	sbr.rel @p0 .LBB2_6-.Ltmp2, $4  }
0x64: {  	s0 =	sadd.s32 $0x16800, s0;
	[sflag:s29] =	ssyncadd.s32 $0xFFFFC000  }
0x65: {  	[spmem:s2] =	stream.indirect.scatter.add.f32 [tilespmem:s28], [sflag:$0x2], $0x80, s0, s26, $0xb8;
	[tilespmem:$0x1DC00] =	vst v63  }
0x66: {  	_ =	swait.ge [sflag:s23], $0x4000  }
0x67: {  	s24 =	smov.u32 s1;
	s0 =	sshra.s32 s31, $0x2;
	[sflag:s23] =	ssyncset.done $0x0  }
0x68: {  	s1 =	sadd.s32 $0x15400, s0;
	[sflag:s23] =	ssyncadd.s32 $0xFFFFC000  }
0x69: {  	[tilespmem:s28], [sflag:$0x1] =	stream.indirect.gather [hbm4b:s4+s26], $0x80, s1, s26, $0xb8;
	[tilespmem:$0x1DC00] =	vst v63  }
0x6a: {  	_ =	swait.ge [sflag:s29], $0x4000  }
0x6b: {  	[sflag:s29] =	ssyncset.done $0x0  }
0x6c: {  	s24 =	sadd.s32 $0x16800, s0;
	[sflag:s29] =	ssyncadd.s32 $0xFFFFC000  }
0x6d: {  	[spmem:s2] =	stream.indirect.scatter.add.f32 [tilespmem:s28], [sflag:$0x2], $0x80, s24, s26, $0xb8;
	[tilespmem:$0x1DC00] =	vst v63  }
0x6e: {  	_ =	swait.ge [sflag:s23], $0x4000  }
0x6f: {  	s25 =	stileid.u32;
	[sflag:s23] =	ssyncset.done $0x0  }
0x70: {  	s0 =	sshll.u32 s25, $0x6;
	[sflag:s23] =	ssyncadd.s32 $0xFFFFC000  }
0x71: {  	s31 =	sor.u32 $0x1C02, s0;
	s0 =	sshrl.u32 s5, $0x3;
	[bflag:$0x0] =	sbarrier.arrive $0xFFFF  }
0x72: {  	[hbm:s17], [sflag:s31] =	dma.local [spmem:s0], $0x2800  }
0x73: {  	_ =	swait.ge [sflag:s23], $0x2800  }
0x74: {  	[sflag:s23] =	ssyncset.done $0x0  }
0x75: {  	[sflag:s23] =	ssyncadd.s32 $0xFFFFD800  }
0x76: {  	[spmem:s5] =	stream.linear.scatter [tilespmem:s22], [sflag:$0x2], $0x2000, $0x38;
	[tilespmem:$0x1DC00] =	vst v63  }
0x77: {  	_ =	swait.ge [sflag:s23], $0x2000  }
0x78: {  	[sflag:s23] =	ssyncset.done $0x0  }
0x79: {  	[sflag:s23] =	ssyncadd.s32 $0xFFFFE000  }
0x7a: {  	[spmem:s6] =	stream.linear.scatter [tilespmem:s22], [sflag:$0x2], $0x2000, $0x38;
	[tilespmem:$0x1DC00] =	vst v63  }
0x7b: {  	_ =	swait.ge [sflag:s23], $0x2000  }
0x7c: {  	[sflag:s23] =	ssyncset.done $0x0  }
0x7d: {  	[sflag:s23] =	ssyncadd.s32 $0xFFFFE000  }
0x7e: {  	[spmem:s7] =	stream.linear.scatter [tilespmem:s22], [sflag:$0x2], $0x2000, $0x38;
	[tilespmem:$0x1DC00] =	vst v63  }
0x7f: {  	_ =	swait.ge [sflag:s23], $0x2000  }
0x80: {  	[sflag:s23] =	ssyncset.done $0x0  }
0x81: {  	[sflag:s23] =	ssyncadd.s32 $0xFFFFE000  }
0x82: {  	[spmem:s8] =	stream.linear.scatter [tilespmem:s22], [sflag:$0x2], $0x2000, $0x38;
	[tilespmem:$0x1DC00] =	vst v63  }
0x83: {  	_ =	swait.ge [sflag:s23], $0x2000  }
0x84: {  	[sflag:s23] =	ssyncset.done $0x0  }
0x85: {  	[sflag:s23] =	ssyncadd.s32 $0xFFFFE000  }
0x86: {  	[spmem:s9] =	stream.linear.scatter [tilespmem:s22], [sflag:$0x2], $0x2000, $0x38;
	[tilespmem:$0x1DC00] =	vst v63  }
0x87: {  	_ =	swait.ge [sflag:s23], $0x2000  }
0x88: {  	[sflag:s23] =	ssyncset.done $0x0  }
0x89: {  	[sflag:s23] =	ssyncadd.s32 $0xFFFFE000  }
0x8a: {  	[spmem:s10] =	stream.linear.scatter [tilespmem:s22], [sflag:$0x2], $0x2000, $0x38;
	[tilespmem:$0x1DC00] =	vst v63  }
0x8b: {  	_ =	swait.ge [sflag:s23], $0x2000  }
0x8c: {  	[sflag:s23] =	ssyncset.done $0x0  }
0x8d: {  	[sflag:s23] =	ssyncadd.s32 $0xFFFFE000  }
0x8e: {  	[spmem:s11] =	stream.linear.scatter [tilespmem:s22], [sflag:$0x2], $0x2000, $0x38;
	[tilespmem:$0x1DC00] =	vst v63  }
0x8f: {  	_ =	swait.ge [sflag:s23], $0x2000  }
0x90: {  	[sflag:s23] =	ssyncset.done $0x0  }
0x91: {  	[sflag:s23] =	ssyncadd.s32 $0xFFFFE000  }
0x92: {  	[spmem:s12] =	stream.linear.scatter [tilespmem:s22], [sflag:$0x2], $0x2000, $0x38;
	[tilespmem:$0x1DC00] =	vst v63  }
0x93: {  	_ =	swait.ge [sflag:s23], $0x2000  }
0x94: {  	[sflag:s23] =	ssyncset.done $0x0  }
0x95: {  	[sflag:s23] =	ssyncadd.s32 $0xFFFFE000  }
0x96: {  	[spmem:s13] =	stream.linear.scatter [tilespmem:s22], [sflag:$0x2], $0x2000, $0x38;
	[tilespmem:$0x1DC00] =	vst v63  }
0x97: {  	_ =	swait.ge [sflag:s23], $0x2000  }
0x98: {  	[sflag:s23] =	ssyncset.done $0x0  }
0x99: {  	[sflag:s23] =	ssyncadd.s32 $0xFFFFE000  }
0x9a: {  	[spmem:s14] =	stream.linear.scatter [tilespmem:s22], [sflag:$0x2], $0x2000, $0x38;
	[tilespmem:$0x1DC00] =	vst v63  }
0x9b: {  	_ =	swait.ge [sflag:s23], $0x2000  }
0x9c: {  	[sflag:s23] =	ssyncset.done $0x0  }
0x9d: {  	s24 =	simm.s32 $0x0;
	[sflag:s23] =	ssyncadd.s32 $0xFFFFE000  }
0x9e: {  	v1 =	vld [tilespmem:s24+$0x14000]  }
0x9f: {  	s25 =	simm.s32 $0x40  }
.LBB2_8:
0xa0: {  	p0 =	sne.s32 s25, $0x4FC0  }
.Ltmp3:
0xa1: {  	_ = 	snop;
	(pc) =	sbr.rel @p0 .LBB2_8-.Ltmp3, $4  }
0xa2: {  	_ = 	snop  }
0xa3: {  	s1 =	sshra.s32 s25, $0x2;
	s25 =	sadd.s32 $0x40, s25;
	v2 =	vshll.u32 v1, $0x2  }
0xa4: {  	v1 =	vld [tilespmem:s1+$0x14000];
	v2 =	vor.u32 $0x1, v2  }
0xa5: {  	[tilespmem:s24+$0x15400] =	vst v2;
	s24 =	smov.u32 s1  }
0xa6: {  	_ =	sdelay $0x2  }
0xa7: {  	v1 =	vshll.u32 v1, $0x2  }
0xa8: {  	v1 =	vor.u32 $0x1, v1  }
0xa9: {  	[tilespmem:s24+$0x15400] =	vst v1  }
0xaa: {  	s1 =	simm.s32 $0x15400;
	[bflag:$0x0] =	sbarrier.arrive $0xFFFF  }
0xab: {  	[tilespmem:s28], [sflag:$0x1] =	stream.indirect.gather [hbm4b:s4+s26], $0x80, s1, s26, $0xb8;
	[tilespmem:$0x1DC00] =	vst v63  }
0xac: {  	_ =	swait.ge [sflag:s29], $0x4000  }
0xad: {  	[sflag:s29] =	ssyncset.done $0x0  }
0xae: {  	s25 =	simm.s32 $0x16800;
	[sflag:s29] =	ssyncadd.s32 $0xFFFFC000  }
0xaf: {  	[spmem:s2] =	stream.indirect.scatter.add.f32 [tilespmem:s28], [sflag:$0x2], $0x80, s25, s26, $0xb8;
	[tilespmem:$0x1DC00] =	vst v63  }
0xb0: {  	_ =	swait.ge [sflag:s23], $0x4000  }
0xb1: {  	s24 =	simm.s32 $0x80;
	s25 =	simm.s32 $0x400;
	[sflag:s23] =	ssyncset.done $0x0  }
.LBB2_10:
0xb2: {  	s1 =	sadd.s32 $0x15400, s24  }
0xb3: {  	[sflag:s23] =	ssyncadd.s32 $0xFFFFC000;
	s3 =	smov.u32 s25;
	s15 =	sadd.s32 $0x200, s25  }
0xb4: {  	[tilespmem:s28], [sflag:$0x1] =	stream.indirect.gather [hbm4b:s4+s26], $0x80, s1, s26, $0xb8;
	[tilespmem:$0x1DC00] =	vst v63  }
0xb5: {  	p0 =	sne.s32 s25, $0x4E00;
	_ =	swait.ge [sflag:s29], $0x4000  }
.Ltmp4:
0xb6: {  	[sflag:s29] =	ssyncset.done $0x0;
	(pc) =	sbr.rel @p0 .LBB2_10-.Ltmp4, $4  }
0xb7: {  	s1 =	sadd.s32 $0x16800, s24;
	[sflag:s29] =	ssyncadd.s32 $0xFFFFC000  }
0xb8: {  	[spmem:s2] =	stream.indirect.scatter.add.f32 [tilespmem:s28], [sflag:$0x2], $0x80, s1, s26, $0xb8;
	[tilespmem:$0x1DC00] =	vst v63  }
0xb9: {  	_ =	swait.ge [sflag:s23], $0x4000  }
0xba: {  	s24 =	sshra.s32 s3, $0x2;
	s25 =	smov.u32 s15;
	[sflag:s23] =	ssyncset.done $0x0  }
0xbb: {  	s1 =	sadd.s32 $0x15400, s24;
	[sflag:s23] =	ssyncadd.s32 $0xFFFFC000  }
0xbc: {  	[tilespmem:s28], [sflag:$0x1] =	stream.indirect.gather [hbm4b:s4+s26], $0x80, s1, s26, $0xb8;
	[tilespmem:$0x1DC00] =	vst v63  }
0xbd: {  	_ =	swait.ge [sflag:s29], $0x4000  }
0xbe: {  	[sflag:s29] =	ssyncset.done $0x0  }
0xbf: {  	s25 =	sadd.s32 $0x16800, s24;
	[sflag:s29] =	ssyncadd.s32 $0xFFFFC000  }
0xc0: {  	[spmem:s2] =	stream.indirect.scatter.add.f32 [tilespmem:s28], [sflag:$0x2], $0x80, s25, s26, $0xb8;
	[tilespmem:$0x1DC00] =	vst v63  }
0xc1: {  	_ =	swait.ge [sflag:s23], $0x4000  }
0xc2: {  	[sflag:s23] =	ssyncset.done $0x0  }
0xc3: {  	[sflag:s23] =	ssyncadd.s32 $0xFFFFC000  }
0xc4: {  	[bflag:$0x0] =	sbarrier.arrive $0xFFFF  }
0xc5: {  	[hbm:s18], [sflag:s31] =	dma.local [spmem:s0], $0x2800  }
0xc6: {  	_ =	swait.ge [sflag:s23], $0x2800  }
0xc7: {  	[sflag:s23] =	ssyncset.done $0x0  }
0xc8: {  	[sflag:s23] =	ssyncadd.s32 $0xFFFFD800  }
0xc9: {  	[spmem:s5] =	stream.linear.scatter [tilespmem:s22], [sflag:$0x2], $0x2000, $0x38;
	[tilespmem:$0x1DC00] =	vst v63  }
0xca: {  	_ =	swait.ge [sflag:s23], $0x2000  }
0xcb: {  	[sflag:s23] =	ssyncset.done $0x0  }
0xcc: {  	[sflag:s23] =	ssyncadd.s32 $0xFFFFE000  }
0xcd: {  	[spmem:s6] =	stream.linear.scatter [tilespmem:s22], [sflag:$0x2], $0x2000, $0x38;
	[tilespmem:$0x1DC00] =	vst v63  }
0xce: {  	_ =	swait.ge [sflag:s23], $0x2000  }
0xcf: {  	[sflag:s23] =	ssyncset.done $0x0  }
0xd0: {  	[sflag:s23] =	ssyncadd.s32 $0xFFFFE000  }
0xd1: {  	[spmem:s7] =	stream.linear.scatter [tilespmem:s22], [sflag:$0x2], $0x2000, $0x38;
	[tilespmem:$0x1DC00] =	vst v63  }
0xd2: {  	_ =	swait.ge [sflag:s23], $0x2000  }
0xd3: {  	[sflag:s23] =	ssyncset.done $0x0  }
0xd4: {  	[sflag:s23] =	ssyncadd.s32 $0xFFFFE000  }
0xd5: {  	[spmem:s8] =	stream.linear.scatter [tilespmem:s22], [sflag:$0x2], $0x2000, $0x38;
	[tilespmem:$0x1DC00] =	vst v63  }
0xd6: {  	_ =	swait.ge [sflag:s23], $0x2000  }
0xd7: {  	[sflag:s23] =	ssyncset.done $0x0  }
0xd8: {  	[sflag:s23] =	ssyncadd.s32 $0xFFFFE000  }
0xd9: {  	[spmem:s9] =	stream.linear.scatter [tilespmem:s22], [sflag:$0x2], $0x2000, $0x38;
	[tilespmem:$0x1DC00] =	vst v63  }
0xda: {  	_ =	swait.ge [sflag:s23], $0x2000  }
0xdb: {  	[sflag:s23] =	ssyncset.done $0x0  }
0xdc: {  	[sflag:s23] =	ssyncadd.s32 $0xFFFFE000  }
0xdd: {  	[spmem:s10] =	stream.linear.scatter [tilespmem:s22], [sflag:$0x2], $0x2000, $0x38;
	[tilespmem:$0x1DC00] =	vst v63  }
0xde: {  	_ =	swait.ge [sflag:s23], $0x2000  }
0xdf: {  	[sflag:s23] =	ssyncset.done $0x0  }
0xe0: {  	[sflag:s23] =	ssyncadd.s32 $0xFFFFE000  }
0xe1: {  	[spmem:s11] =	stream.linear.scatter [tilespmem:s22], [sflag:$0x2], $0x2000, $0x38;
	[tilespmem:$0x1DC00] =	vst v63  }
0xe2: {  	_ =	swait.ge [sflag:s23], $0x2000  }
0xe3: {  	[sflag:s23] =	ssyncset.done $0x0  }
0xe4: {  	[sflag:s23] =	ssyncadd.s32 $0xFFFFE000  }
0xe5: {  	[spmem:s12] =	stream.linear.scatter [tilespmem:s22], [sflag:$0x2], $0x2000, $0x38;
	[tilespmem:$0x1DC00] =	vst v63  }
0xe6: {  	_ =	swait.ge [sflag:s23], $0x2000  }
0xe7: {  	[sflag:s23] =	ssyncset.done $0x0  }
0xe8: {  	[sflag:s23] =	ssyncadd.s32 $0xFFFFE000  }
0xe9: {  	[spmem:s13] =	stream.linear.scatter [tilespmem:s22], [sflag:$0x2], $0x2000, $0x38;
	[tilespmem:$0x1DC00] =	vst v63  }
0xea: {  	_ =	swait.ge [sflag:s23], $0x2000  }
0xeb: {  	[sflag:s23] =	ssyncset.done $0x0  }
0xec: {  	[sflag:s23] =	ssyncadd.s32 $0xFFFFE000  }
0xed: {  	[spmem:s14] =	stream.linear.scatter [tilespmem:s22], [sflag:$0x2], $0x2000, $0x38;
	[tilespmem:$0x1DC00] =	vst v63  }
0xee: {  	_ =	swait.ge [sflag:s23], $0x2000  }
0xef: {  	[sflag:s23] =	ssyncset.done $0x0  }
0xf0: {  	s24 =	simm.s32 $0x0;
	[sflag:s23] =	ssyncadd.s32 $0xFFFFE000  }
0xf1: {  	v1 =	vld [tilespmem:s24+$0x14000]  }
0xf2: {  	s25 =	simm.s32 $0x40  }
.LBB2_12:
0xf3: {  	p0 =	sne.s32 s25, $0x4FC0  }
.Ltmp5:
0xf4: {  	_ = 	snop;
	(pc) =	sbr.rel @p0 .LBB2_12-.Ltmp5, $4  }
0xf5: {  	_ = 	snop  }
0xf6: {  	s1 =	sshra.s32 s25, $0x2;
	s25 =	sadd.s32 $0x40, s25;
	v2 =	vshll.u32 v1, $0x2  }
0xf7: {  	v1 =	vld [tilespmem:s1+$0x14000];
	v2 =	vor.u32 $0x2, v2  }
0xf8: {  	[tilespmem:s24+$0x15400] =	vst v2;
	s24 =	smov.u32 s1  }
0xf9: {  	_ =	sdelay $0x2  }
0xfa: {  	v1 =	vshll.u32 v1, $0x2  }
0xfb: {  	v1 =	vor.u32 $0x2, v1  }
0xfc: {  	[tilespmem:s24+$0x15400] =	vst v1  }
0xfd: {  	s1 =	simm.s32 $0x15400;
	[bflag:$0x0] =	sbarrier.arrive $0xFFFF  }
0xfe: {  	[tilespmem:s28], [sflag:$0x1] =	stream.indirect.gather [hbm4b:s4+s26], $0x80, s1, s26, $0xb8;
	[tilespmem:$0x1DC00] =	vst v63  }
0xff: {  	_ =	swait.ge [sflag:s29], $0x4000  }
0x100: {  	[sflag:s29] =	ssyncset.done $0x0  }
0x101: {  	s25 =	simm.s32 $0x16800;
	[sflag:s29] =	ssyncadd.s32 $0xFFFFC000  }
0x102: {  	[spmem:s2] =	stream.indirect.scatter.add.f32 [tilespmem:s28], [sflag:$0x2], $0x80, s25, s26, $0xb8;
	[tilespmem:$0x1DC00] =	vst v63  }
0x103: {  	_ =	swait.ge [sflag:s23], $0x4000  }
0x104: {  	s24 =	simm.s32 $0x80;
	s25 =	simm.s32 $0x400;
	[sflag:s23] =	ssyncset.done $0x0  }
.LBB2_14:
0x105: {  	s1 =	sadd.s32 $0x15400, s24  }
0x106: {  	[sflag:s23] =	ssyncadd.s32 $0xFFFFC000;
	s3 =	smov.u32 s25;
	s15 =	sadd.s32 $0x200, s25  }
0x107: {  	[tilespmem:s28], [sflag:$0x1] =	stream.indirect.gather [hbm4b:s4+s26], $0x80, s1, s26, $0xb8;
	[tilespmem:$0x1DC00] =	vst v63  }
0x108: {  	p0 =	sne.s32 s25, $0x4E00;
	_ =	swait.ge [sflag:s29], $0x4000  }
.Ltmp6:
0x109: {  	[sflag:s29] =	ssyncset.done $0x0;
	(pc) =	sbr.rel @p0 .LBB2_14-.Ltmp6, $4  }
0x10a: {  	s1 =	sadd.s32 $0x16800, s24;
	[sflag:s29] =	ssyncadd.s32 $0xFFFFC000  }
0x10b: {  	[spmem:s2] =	stream.indirect.scatter.add.f32 [tilespmem:s28], [sflag:$0x2], $0x80, s1, s26, $0xb8;
	[tilespmem:$0x1DC00] =	vst v63  }
0x10c: {  	_ =	swait.ge [sflag:s23], $0x4000  }
0x10d: {  	s24 =	sshra.s32 s3, $0x2;
	s25 =	smov.u32 s15;
	[sflag:s23] =	ssyncset.done $0x0  }
0x10e: {  	s1 =	sadd.s32 $0x15400, s24;
	[sflag:s23] =	ssyncadd.s32 $0xFFFFC000  }
0x10f: {  	[tilespmem:s28], [sflag:$0x1] =	stream.indirect.gather [hbm4b:s4+s26], $0x80, s1, s26, $0xb8;
	[tilespmem:$0x1DC00] =	vst v63  }
0x110: {  	_ =	swait.ge [sflag:s29], $0x4000  }
0x111: {  	[sflag:s29] =	ssyncset.done $0x0  }
0x112: {  	s25 =	sadd.s32 $0x16800, s24;
	[sflag:s29] =	ssyncadd.s32 $0xFFFFC000  }
0x113: {  	[spmem:s2] =	stream.indirect.scatter.add.f32 [tilespmem:s28], [sflag:$0x2], $0x80, s25, s26, $0xb8;
	[tilespmem:$0x1DC00] =	vst v63  }
0x114: {  	_ =	swait.ge [sflag:s23], $0x4000  }
0x115: {  	[sflag:s23] =	ssyncset.done $0x0  }
0x116: {  	[sflag:s23] =	ssyncadd.s32 $0xFFFFC000  }
0x117: {  	[bflag:$0x0] =	sbarrier.arrive $0xFFFF  }
0x118: {  	[hbm:s19], [sflag:s31] =	dma.local [spmem:s0], $0x2800  }
0x119: {  	_ =	swait.ge [sflag:s23], $0x2800  }
0x11a: {  	[sflag:s23] =	ssyncset.done $0x0  }
0x11b: {  	[sflag:s23] =	ssyncadd.s32 $0xFFFFD800  }
0x11c: {  	[spmem:s5] =	stream.linear.scatter [tilespmem:s22], [sflag:$0x2], $0x2000, $0x38;
	[tilespmem:$0x1DC00] =	vst v63  }
0x11d: {  	_ =	swait.ge [sflag:s23], $0x2000  }
0x11e: {  	[sflag:s23] =	ssyncset.done $0x0  }
0x11f: {  	[sflag:s23] =	ssyncadd.s32 $0xFFFFE000  }
0x120: {  	[spmem:s6] =	stream.linear.scatter [tilespmem:s22], [sflag:$0x2], $0x2000, $0x38;
	[tilespmem:$0x1DC00] =	vst v63  }
0x121: {  	_ =	swait.ge [sflag:s23], $0x2000  }
0x122: {  	[sflag:s23] =	ssyncset.done $0x0  }
0x123: {  	[sflag:s23] =	ssyncadd.s32 $0xFFFFE000  }
0x124: {  	[spmem:s7] =	stream.linear.scatter [tilespmem:s22], [sflag:$0x2], $0x2000, $0x38;
	[tilespmem:$0x1DC00] =	vst v63  }
0x125: {  	_ =	swait.ge [sflag:s23], $0x2000  }
0x126: {  	[sflag:s23] =	ssyncset.done $0x0  }
0x127: {  	[sflag:s23] =	ssyncadd.s32 $0xFFFFE000  }
0x128: {  	[spmem:s8] =	stream.linear.scatter [tilespmem:s22], [sflag:$0x2], $0x2000, $0x38;
	[tilespmem:$0x1DC00] =	vst v63  }
0x129: {  	_ =	swait.ge [sflag:s23], $0x2000  }
0x12a: {  	[sflag:s23] =	ssyncset.done $0x0  }
0x12b: {  	[sflag:s23] =	ssyncadd.s32 $0xFFFFE000  }
0x12c: {  	[spmem:s9] =	stream.linear.scatter [tilespmem:s22], [sflag:$0x2], $0x2000, $0x38;
	[tilespmem:$0x1DC00] =	vst v63  }
0x12d: {  	_ =	swait.ge [sflag:s23], $0x2000  }
0x12e: {  	[sflag:s23] =	ssyncset.done $0x0  }
0x12f: {  	[sflag:s23] =	ssyncadd.s32 $0xFFFFE000  }
0x130: {  	[spmem:s10] =	stream.linear.scatter [tilespmem:s22], [sflag:$0x2], $0x2000, $0x38;
	[tilespmem:$0x1DC00] =	vst v63  }
0x131: {  	_ =	swait.ge [sflag:s23], $0x2000  }
0x132: {  	[sflag:s23] =	ssyncset.done $0x0  }
0x133: {  	[sflag:s23] =	ssyncadd.s32 $0xFFFFE000  }
0x134: {  	[spmem:s11] =	stream.linear.scatter [tilespmem:s22], [sflag:$0x2], $0x2000, $0x38;
	[tilespmem:$0x1DC00] =	vst v63  }
0x135: {  	_ =	swait.ge [sflag:s23], $0x2000  }
0x136: {  	[sflag:s23] =	ssyncset.done $0x0  }
0x137: {  	[sflag:s23] =	ssyncadd.s32 $0xFFFFE000  }
0x138: {  	[spmem:s12] =	stream.linear.scatter [tilespmem:s22], [sflag:$0x2], $0x2000, $0x38;
	[tilespmem:$0x1DC00] =	vst v63  }
0x139: {  	_ =	swait.ge [sflag:s23], $0x2000  }
0x13a: {  	[sflag:s23] =	ssyncset.done $0x0  }
0x13b: {  	[sflag:s23] =	ssyncadd.s32 $0xFFFFE000  }
0x13c: {  	[spmem:s13] =	stream.linear.scatter [tilespmem:s22], [sflag:$0x2], $0x2000, $0x38;
	[tilespmem:$0x1DC00] =	vst v63  }
0x13d: {  	_ =	swait.ge [sflag:s23], $0x2000  }
0x13e: {  	[sflag:s23] =	ssyncset.done $0x0  }
0x13f: {  	[sflag:s23] =	ssyncadd.s32 $0xFFFFE000  }
0x140: {  	[spmem:s14] =	stream.linear.scatter [tilespmem:s22], [sflag:$0x2], $0x2000, $0x38;
	[tilespmem:$0x1DC00] =	vst v63  }
0x141: {  	_ =	swait.ge [sflag:s23], $0x2000  }
0x142: {  	[sflag:s23] =	ssyncset.done $0x0  }
0x143: {  	s24 =	simm.s32 $0x0;
	[sflag:s23] =	ssyncadd.s32 $0xFFFFE000  }
0x144: {  	v1 =	vld [tilespmem:s24+$0x14000]  }
0x145: {  	s25 =	simm.s32 $0x40  }
.LBB2_16:
0x146: {  	p0 =	sne.s32 s25, $0x4FC0  }
.Ltmp7:
0x147: {  	_ = 	snop;
	(pc) =	sbr.rel @p0 .LBB2_16-.Ltmp7, $4  }
0x148: {  	_ = 	snop  }
0x149: {  	s1 =	sshra.s32 s25, $0x2;
	s25 =	sadd.s32 $0x40, s25;
	v2 =	vshll.u32 v1, $0x2  }
0x14a: {  	v1 =	vld [tilespmem:s1+$0x14000];
	v2 =	vor.u32 $0x3, v2  }
0x14b: {  	[tilespmem:s24+$0x15400] =	vst v2;
	s24 =	smov.u32 s1  }
0x14c: {  	_ =	sdelay $0x2  }
0x14d: {  	v1 =	vshll.u32 v1, $0x2  }
0x14e: {  	v1 =	vor.u32 $0x3, v1  }
0x14f: {  	[tilespmem:s24+$0x15400] =	vst v1  }
0x150: {  	s1 =	simm.s32 $0x15400;
	[bflag:$0x0] =	sbarrier.arrive $0xFFFF  }
0x151: {  	[tilespmem:s28], [sflag:$0x1] =	stream.indirect.gather [hbm4b:s4+s26], $0x80, s1, s26, $0xb8;
	[tilespmem:$0x1DC00] =	vst v63  }
0x152: {  	_ =	swait.ge [sflag:s29], $0x4000  }
0x153: {  	[sflag:s29] =	ssyncset.done $0x0  }
0x154: {  	s25 =	simm.s32 $0x16800;
	[sflag:s29] =	ssyncadd.s32 $0xFFFFC000  }
0x155: {  	[spmem:s2] =	stream.indirect.scatter.add.f32 [tilespmem:s28], [sflag:$0x2], $0x80, s25, s26, $0xb8;
	[tilespmem:$0x1DC00] =	vst v63  }
0x156: {  	_ =	swait.ge [sflag:s23], $0x4000  }
0x157: {  	s24 =	simm.s32 $0x80;
	s25 =	simm.s32 $0x400;
	[sflag:s23] =	ssyncset.done $0x0  }
.LBB2_18:
0x158: {  	s1 =	sadd.s32 $0x15400, s24  }
0x159: {  	[sflag:s23] =	ssyncadd.s32 $0xFFFFC000;
	s3 =	smov.u32 s25;
	s15 =	sadd.s32 $0x200, s25  }
0x15a: {  	[tilespmem:s28], [sflag:$0x1] =	stream.indirect.gather [hbm4b:s4+s26], $0x80, s1, s26, $0xb8;
	[tilespmem:$0x1DC00] =	vst v63  }
0x15b: {  	p0 =	sne.s32 s25, $0x4E00;
	_ =	swait.ge [sflag:s29], $0x4000  }
.Ltmp8:
0x15c: {  	[sflag:s29] =	ssyncset.done $0x0;
	(pc) =	sbr.rel @p0 .LBB2_18-.Ltmp8, $4  }
0x15d: {  	s1 =	sadd.s32 $0x16800, s24;
	[sflag:s29] =	ssyncadd.s32 $0xFFFFC000  }
0x15e: {  	[spmem:s2] =	stream.indirect.scatter.add.f32 [tilespmem:s28], [sflag:$0x2], $0x80, s1, s26, $0xb8;
	[tilespmem:$0x1DC00] =	vst v63  }
0x15f: {  	_ =	swait.ge [sflag:s23], $0x4000  }
0x160: {  	s24 =	sshra.s32 s3, $0x2;
	s25 =	smov.u32 s15;
	[sflag:s23] =	ssyncset.done $0x0  }
0x161: {  	s1 =	sadd.s32 $0x15400, s24;
	[sflag:s23] =	ssyncadd.s32 $0xFFFFC000  }
0x162: {  	[tilespmem:s28], [sflag:$0x1] =	stream.indirect.gather [hbm4b:s4+s26], $0x80, s1, s26, $0xb8;
	[tilespmem:$0x1DC00] =	vst v63  }
0x163: {  	_ =	swait.ge [sflag:s29], $0x4000  }
0x164: {  	[sflag:s29] =	ssyncset.done $0x0  }
0x165: {  	s25 =	sadd.s32 $0x16800, s24;
	[sflag:s29] =	ssyncadd.s32 $0xFFFFC000  }
0x166: {  	[spmem:s2] =	stream.indirect.scatter.add.f32 [tilespmem:s28], [sflag:$0x2], $0x80, s25, s26, $0xb8;
	[tilespmem:$0x1DC00] =	vst v63  }
0x167: {  	_ =	swait.ge [sflag:s23], $0x4000  }
0x168: {  	s30 =	sadd.s32 $0x1, s30;
	[sflag:s23] =	ssyncset.done $0x0  }
0x169: {  	p0 =	sne.s32 s30, s21;
	[sflag:s23] =	ssyncadd.s32 $0xFFFFC000  }
.Ltmp9:
0x16a: {  	[bflag:$0x0] =	sbarrier.arrive $0xFFFF;
	(pc) =	sbr.rel @p0 .LBB2_1-.Ltmp9, $4  }
0x16b: {  	[hbm:s20], [sflag:s31] =	dma.local [spmem:s0], $0x2800  }
0x16c: {  	_ =	swait.ge [sflag:s23], $0x2800  }
0x16d: {  	[sflag:s23] =	ssyncset.done $0x0  }
0x16e: {  	[sflag:s23] =	ssyncadd.s32 $0xFFFFD800  }
0x16f: {  	_ =	sfence.sel $0x180000  }
0x170: {  	[bflag:$0x0] =	sbarrier.arrive $0xFFFF  }
0x171: {  	_ =	strace $0x9000004A  }
0x172: {  	s0 =	stileid.u32;
	[bflag:$0x2] =	sbarrier.arrive $0xFFFF  }
0x173: {  	p0 =	sne.s32 s0, $0x0;
	s0 =	rddreg [dreg:$0x2]  }
0x174: {  	s0 =	sadd.s32 @!p0 $0x100000, s0  }
0x175: {  	[sflag:s0] =	ssyncadd.tile.s32 @!p0 $0x1;
	_ =	shalt  }
.Lfunc_end2:
_tile_overlayer_lowered:
.L_overlay_start_2:
0x176: {  	(tag) =	ssettag $0x2  }
0x177: {  	s0 =	rddreg [dreg:$0x0];
	s2 =	stileid.u32  }
0x178: {  	s1 =	rddreg [dreg:$0x1];
	p0 =	sne.s32 s2, $0x0  }
0x179: {  	s3 =	rddreg [dreg:$0x2];
	[bflag:$0x3] =	sbarrier.arrive $0xFFFF;
	s2 =	simm.s32 @!p0 $0x1C02  }
0x17a: {  	[timem:s3], [sflag:s2] =	dma.local @!p0 [hbm:s0], s1  }
0x17b: {  	s0 =	simm.s32 @!p0 $0x2  }
0x17c: {  	_ =	swait.ge @!p0 [sflag:s0], s1  }
0x17d: {  	s1 =	ssub.s32 @!p0 $0x0, s1;
	[sflag:s0] =	ssyncset.done @!p0 $0x0  }
0x17e: {  	[sflag:s0] =	ssyncadd.s32 @!p0 s1  }
0x17f: {  	[bflag:$0x3] =	sbarrier.arrive $0xFFFF  }
0x180: {  	_ =	shalt  }

// kernel: kernel.18.cloned.1.call-start
scs
__scs_entry_jumppad:
0x0: {  	(pc) =	sbr.rel $0x88, $3  }
0x1: {  	(tag) =	ssettag $0x0;
	lr =	simm.s32 $0x1  }
0x2: {  	[smem:$0x3F8A] =	sst lr;
	_ =	strace $0xD0000000  }
0x3: {  	_ = 	snop  }
0x4: {  	_ = 	snop  }
0x5: {  	_ = 	snop  }
0x6: {  	_ = 	snop  }
0x7: {  	_ = 	snop  }
__scs_overlays_trampoline_lowered:
0x8: {  	[smem:$0x3F99] =	sst s0  }
0x9: {  	[smem:$0x3F9A] =	sst s1  }
0xa: {  	[smem:$0x3F9B] =	sst s2  }
0xb: {  	[smem:$0x3F9C] =	sst s3  }
0xc: {  	[smem:$0x3F9D] =	sst s4  }
0xd: {  	[smem:$0x3F9E] =	sst s5  }
0xe: {  	[smem:$0x3F9F] =	sst s6  }
0xf: {  	[smem:$0x3FA0] =	sst s7  }
0x10: {  	[smem:$0x3FA1] =	sst s8  }
0x11: {  	[smem:$0x3FA2] =	sst s9;
	s0 =	simm.s32 @!p0 $0x0  }
0x12: {  	s1 =	sld [smem:$0x3F88];
	s0 =	simm.s32 @p0 $0x1  }
0x13: {  	[smem:$0x3FA3] =	sst s0;
	s0 =	simm.s32 @!p1 $0x0  }
0x14: {  	s2 =	sld [smem:$0x3F87];
	s0 =	simm.s32 @p1 $0x1  }
0x15: {  	[smem:$0x3FA4] =	sst s0;
	s0 =	simm.s32 @!p2 $0x0  }
0x16: {  	s3 =	sld [smem:$0x3FDB];
	s0 =	simm.s32 @p2 $0x1  }
0x17: {  	s4 =	simm.s32 $0x1BF5;
	[smem:$0x3FA6] =	sst s0  }
0x18: {  	s0 =	sld [smem:$0x3F89];
	_ =	swait.ge [sflag:s4], $0x0  }
0x19: {  	s7 =	sld [smem:$0x3F8A]  }
0x1a: {  	s8 =	sadd.s32 $0xFFFFE003, lr  }
0x1b: {  	s9 =	sadd.s32 $0xFFFFFEF7, lr;
	s5 =	simm.s32 $0xFFFFFFFF;
	p2 =	slt.u32 s8, $0xFFFFF086  }
0x1c: {  	p1 =	slt.u32 s9, $0xF7A;
	s5 =	simm.s32 @!p2 $0x0  }
0x1d: {  	s5 =	simm.s32 @p1 $0x1;
	p0 =	seq.s32 s7, s2  }
0x1e: {  	s7 =	smul.u32 @!p0 $0xF7A, s2;
	p2 =	seq.s32 @!p0 s5, $0x0  }
0x1f: {  	s9 =	smul.u32 $0xF7A, s1;
	s8 =	simm.s32 @!p0 $0x1BF5;
	p2 =	por !p2, p0  }
0x20: {  	[sflag:s8] =	ssyncset.s32 @!p0 $0xFFFFF086;
	s6 =	sadd.s32 @!p0 s3, s7;
	s7 =	simm.s32 @!p0 $0x108  }
0x21: {  	s3 =	sadd.s32 s3, s9;
	s6 =	sadd.s32 @!p0 $0x88, s6;
	s7 =	simm.s32 @p2 $0x1082  }
0x22: {  	[simem:s7], [sflag:s8] =	dma.local @!p0 [hbm:s6], $0xF7A  }
0x23: {  	s9 =	sor.u32 $0xD0000000, s2;
	s6 =	simm.s32 $0x108;
	_ =	swait.ge @!p0 [sflag:s8], $0x0  }
0x24: {  	s3 =	sadd.s32 $0x88, s3;
	s6 =	simm.s32 @!p1 $0x1082;
	[sflag:s4] =	ssyncset.s32 $0xFFFFF086  }
0x25: {  	[simem:s6], [sflag:s4] =	dma.local [hbm:s3], $0xF7A  }
0x26: {  	[smem:$0x3F8A] =	sst s1;
	(tag) =	ssettag s2;
	_ =	strace s9  }
0x27: {  	s1 =	sld [smem:$0x3F9A]  }
0x28: {  	s2 =	sld [smem:$0x3F9B]  }
0x29: {  	s4 =	sld [smem:$0x3F9D]  }
0x2a: {  	p0 =	seq.s32 s5, $0x0;
	s5 =	sld [smem:$0x3F9E]  }
0x2b: {  	s6 =	sld [smem:$0x3F9F]  }
0x2c: {  	s7 =	sld [smem:$0x3FA0]  }
0x2d: {  	s3 =	simm.s32 $0x108;
	s8 =	sld [smem:$0x3FA1]  }
0x2e: {  	s3 =	simm.s32 @!p0 $0x1082;
	s9 =	sld [smem:$0x3FA2]  }
0x2f: {  	lr =	sadd.s32 s0, s3;
	s0 =	sld [smem:$0x3F99]  }
0x30: {  	s3 =	sld [smem:$0x3F9C]  }
0x31: {  	[smem:$0x3FA5] =	sst s10  }
0x32: {  	s10 =	sld [smem:$0x3FA3];
	_ =	sdelay $0x3  }
0x33: {  	p0 =	seq.s32 s10, $0x1;
	s10 =	sld [smem:$0x3FA5];
	_ =	sdelay $0x3  }
0x34: {  	[smem:$0x3FA5] =	sst s10  }
0x35: {  	s10 =	sld [smem:$0x3FA4];
	_ =	sdelay $0x3  }
0x36: {  	p1 =	seq.s32 s10, $0x1;
	s10 =	sld [smem:$0x3FA5];
	_ =	sdelay $0x3  }
0x37: {  	[smem:$0x3FA5] =	sst s10  }
0x38: {  	s10 =	sld [smem:$0x3FA6]  }
0x39: {  	_ = 	snop;
	(pc) =	sbr.ind lr, $3  }
0x3a: {  	_ = 	snop  }
0x3b: {  	_ = 	snop  }
0x3c: {  	p2 =	seq.s32 s10, $0x1;
	s10 =	sld [smem:$0x3FA5]  }
0x3d: {  	_ =	shalt  }
0x3e: {  	_ =	shalt  }
0x3f: {  	_ =	shalt  }
0x40: {  	_ =	shalt  }
0x41: {  	_ =	shalt  }
0x42: {  	_ =	shalt  }
0x43: {  	_ =	shalt  }
0x44: {  	_ =	shalt  }
0x45: {  	_ =	shalt  }
0x46: {  	_ =	shalt  }
0x47: {  	_ =	shalt  }
0x48: {  	_ =	shalt  }
0x49: {  	_ =	shalt  }
0x4a: {  	_ =	shalt  }
0x4b: {  	_ =	shalt  }
0x4c: {  	_ =	shalt  }
0x4d: {  	_ =	shalt  }
0x4e: {  	_ =	shalt  }
0x4f: {  	_ =	shalt  }
0x50: {  	_ =	shalt  }
0x51: {  	_ =	shalt  }
0x52: {  	_ =	shalt  }
0x53: {  	_ =	shalt  }
0x54: {  	_ =	shalt  }
0x55: {  	_ =	shalt  }
0x56: {  	_ =	shalt  }
0x57: {  	_ =	shalt  }
0x58: {  	_ =	shalt  }
0x59: {  	_ =	shalt  }
0x5a: {  	_ =	shalt  }
0x5b: {  	_ =	shalt  }
0x5c: {  	_ =	shalt  }
0x5d: {  	_ =	shalt  }
0x5e: {  	_ =	shalt  }
0x5f: {  	_ =	shalt  }
0x60: {  	_ =	shalt  }
0x61: {  	_ =	shalt  }
0x62: {  	_ =	shalt  }
0x63: {  	_ =	shalt  }
0x64: {  	_ =	shalt  }
0x65: {  	_ =	shalt  }
0x66: {  	_ =	shalt  }
0x67: {  	_ =	shalt  }
0x68: {  	_ =	shalt  }
0x69: {  	_ =	shalt  }
0x6a: {  	_ =	shalt  }
0x6b: {  	_ =	shalt  }
0x6c: {  	_ =	shalt  }
0x6d: {  	_ =	shalt  }
0x6e: {  	_ =	shalt  }
0x6f: {  	_ =	shalt  }
0x70: {  	_ =	shalt  }
0x71: {  	_ =	shalt  }
0x72: {  	_ =	shalt  }
0x73: {  	_ =	shalt  }
0x74: {  	_ =	shalt  }
0x75: {  	_ =	shalt  }
0x76: {  	_ =	shalt  }
0x77: {  	_ =	shalt  }
0x78: {  	_ =	shalt  }
0x79: {  	_ =	shalt  }
0x7a: {  	_ =	shalt  }
0x7b: {  	_ =	shalt  }
0x7c: {  	_ =	shalt  }
0x7d: {  	_ =	shalt  }
0x7e: {  	_ =	shalt  }
0x7f: {  	_ =	shalt  }
0x80: {  	_ =	shalt  }
0x81: {  	_ =	shalt  }
0x82: {  	_ =	shalt  }
0x83: {  	_ =	shalt  }
0x84: {  	_ =	shalt  }
0x85: {  	_ =	shalt  }
0x86: {  	_ =	shalt  }
0x87: {  	_ =	shalt  }
.Lfunc_end0:
.L_simem_size_0:
called_computation.2_lowered:
.L_overlay_start_0:
0x88: {  	s2 =	sld [smem:$0x3FD9]  }
0x89: {  	s3 =	sld [smem:$0x3FFE];
	_ =	sdelay $0x1  }
0x8a: {  	s1 =	srdreg.scid  }
0x8b: {  	s0 =	sand.u32 $0x1, s1  }
0x8c: {  	s16 =	sshll.u32 s0, $0xA;
	s2 =	sadd.s32 s3, s2  }
0x8d: {  	s2 =	sadd.s32 s2, s16  }
0x8e: {  	[smem:$0x3FB1] =	sst s2  }
0x8f: {  	_ = 	snop  }
0x90: {  	(tm) =	ssettm $0x1  }
0x91: {  	s17 =	sld [smem:$0x3FFB];
	_ =	sdelay $0x3  }
0x92: {  	_ =	strace s17  }
0x93: {  	s2 =	sld [smem:$0x3FFC];
	_ =	sdelay $0x3  }
0x94: {  	_ =	strace s2  }
0x95: {  	s2 =	sld [smem:$0x3FFD];
	_ =	sdelay $0x3  }
0x96: {  	_ =	strace s2  }
0x97: {  	_ =	strace $0x8FFFFFFF  }
0x98: {  	s18 =	sld [smem:$0x3FDB];
	_ =	sdelay $0x1  }
0x99: {  	s19 =	simm.s32 $_scs_section_size  }
0x9a: {  	s4 =	simm.s32 $_size__tile_overlayer_lowered;
	s5 =	simm.s32 $_tile_overlayer_lowered  }
0x9b: {  	s22 =	simm.s32 $0x1BFF;
	s21 =	sshll.u32 s5, $0x1;
	s2 =	sadd.s32 s19, s18  }
0x9c: {  	s6 =	simm.s32 $0x0;
	s20 =	sshll.u32 s4, $0x1;
	s4 =	sadd.s32 s21, s2  }
0x9d: {  	[timem:s6], [sflag:s22] =	dma.local [hbm:s4], s20  }
0x9e: {  	_ =	swait.ge [sflag:s22], s20  }
0x9f: {  	s3 =	ssub.s32 $0x0, s20;
	[sflag:s22] =	ssyncset.done $0x0  }
0xa0: {  	[sflag:s22] =	ssyncadd.s32 s3;
	_ =	sdelay $0x1  }
0xa1: {  	s23 =	simm.s32 $0x1B8B  }
0xa2: {  	_ =	swait.ge [sflag:s23], $0x1  }
0xa3: {  	[sflag:s23] =	ssyncset.done $0x0  }
0xa4: {  	s25 =	simm.s32 $0x1B8E;
	s24 =	sld [smem:$0x3FFE];
	[sflag:s23] =	ssyncadd.s32 $0xFFFFFFFF  }
0xa5: {  	s26 =	simm.s32 $execute0_lowered;
	[smem:$0x3FD2] =	sst s25  }
0xa6: {  	s4 =	sshll.u32 s26, $0x1;
	_ =	strace $0x8000004C;
	[dreg:$0x1] =	wrdreg $0xFFFFFFFF  }
0xa7: {  	s28 =	simm.s32 $_size_execute0_lowered;
	s2 =	sadd.s32 s2, s4;
	[dreg:$0x0] =	wrdreg $0x0  }
0xa8: {  	s4 =	sshll.u32 s28, $0x1;
	[dreg:$0x2] =	wrdreg s2  }
0xa9: {  	[dreg:$0x3] =	wrdreg s4  }
0xaa: {  	[dreg:$0x4] =	wrdreg $0xC0  }
0xab: {  	_ =	task [dreg:s6], $0x5FFFF  }
0xac: {  	[dreg:$0x1] =	wrdreg $0xFFFFFFFF  }
0xad: {  	[dreg:$0x0] =	wrdreg $0x60  }
0xae: {  	[dreg:$0x2] =	wrdreg s24  }
0xaf: {  	[dreg:$0x3] =	wrdreg $0x0  }
0xb0: {  	[dreg:$0x4] =	wrdreg $0x9  }
0xb1: {  	_ =	task.clear_ibuf [dreg:s6], $0x5FFFF;
	_ =	strace $0x9000004C  }
0xb2: {  	s29 =	simm.s32 $0x9;
	_ =	strace $0x8000004E  }
0xb3: {  	_ =	swait.ge [sflag:s29], $0x1  }
0xb4: {  	[sflag:s29] =	ssyncadd.s32 $0xFFFFFFFF  }
0xb5: {  	_ =	strace $0x9000004E  }
0xb6: {  	_ =	sfence  }
0xb7: {  	s30 =	sld [smem:$0x0];
	_ =	sdelay $0x2  }
0xb8: {  	s31 =	sshll.u32 s1, $0xD;
	s1 =	sshrl.u32 s1, $0x2  }
0xb9: {  	s3 =	sand.u32 $0x4000, s31;
	s1 =	sadd.s32 s1, s30  }
0xba: {  	s0 =	sor.u32 s3, s0;
	s1 =	sshll.u32 s1, $0x11  }
0xbb: {  	s0 =	sor.u32 s1, s0  }
0xbc: {  	s0 =	sadd.s32 $0x8F2B, s0  }
0xbd: {  	[sflag:s0] =	ssyncadd.remote.s32 $0x1  }
0xbe: {  	_ =	sfence.sel $0xFFFF  }
0xbf: {  	[dreg:$0x0] =	wrdreg $0xFFFFFFFF;
	(pc) =	sbr.abs _section_cstart, $3  }
0xc0: {  	[dreg:$0x1] =	wrdreg $0xFFFFFFFF  }
0xc1: {  	_ =	task.clear_ibuf [dreg:s6], $0x2FFFF;
	_ =	strace $0x9FFFFFFF  }
0xc2: {  	(tm) =	ssettm $0x7FFFFFFF  }
0xc3: {  	_ =	shalt  }
tec
execute0_lowered:
.L_overlay_start_1:
0x0: {  	(tag) =	ssettag $0x1  }
0x1: {  	s0 =	srdreg.scid;
	s26 =	stileid.u32  }
0x2: {  	s6 =	rddreg [dreg:$0x0];
	s3 =	simm.s32 $0x0;
	s20 =	simm.s32 $0x17C00  }
0x3: {  	s21 =	simm.s32 $0x2;
	s24 =	simm.s32 $0x80;
	s25 =	simm.s32 $0x19C00  }
0x4: {  	s28 =	simm.s32 $0x0;
	s1 =	sand.u32 $0x1, s0;
	s7 =	smul.u32 $0x280, s26  }
0x5: {  	[smem:$0x7FF] =	sst s3;
	s9 =	smul.u32 $0x50000, s26;
	s4 =	sadd.s32 $0x5C800, s6  }
0x6: {  	s2 =	sshll.u32 s1, $0x4;
	s8 =	smul.u32 $0x2800, s1;
	s1 =	ssub.s32 $0x2, s1  }
0x7: {  	s2 =	sor.u32 s26, s2;
	s30 =	sshrl.u32 s9, $0x2;
	s31 =	sshrl.u32 s1, $0x1  }
0x8: {  	s26 =	simm.s32 $0x1;
	s5 =	smul.u32 $0x280, s2;
	s2 =	rddreg [dreg:$0x1]  }
0x9: {  	_ =	strace $0x8000004D;
	s29 =	sadd.s32 s7, s8;
	s1 =	ssub.s32 s1, s31  }
0xa: {  	s8 =	sshll.u32 s29, $0x4;
	s16 =	sadd.s32 s5, s6;
	s5 =	sadd.s32 s30, s2  }
0xb: {  	s19 =	smax.u32 s1, $0x1;
	s18 =	sadd.s32 s8, s6;
	s6 =	sadd.s32 $0x2000, s5  }
0xc: {  	s7 =	sadd.s32 $0x4000, s5;
	s8 =	sadd.s32 $0x6000, s5;
	s9 =	sadd.s32 $0x8000, s5  }
0xd: {  	s10 =	sadd.s32 $0xA000, s5;
	s11 =	sadd.s32 $0xC000, s5;
	s12 =	sadd.s32 $0xE000, s5  }
0xe: {  	s13 =	sadd.s32 $0x10000, s5;
	s14 =	sadd.s32 $0x12000, s5;
	s15 =	sadd.s32 $0x9600, s16  }
0xf: {  	v0 =	vimm.f32 $0.0e+00;
	s16 =	sadd.s32 $0x4600, s16;
	s17 =	sadd.s32 $0xAAA00, s18;
	s18 =	sadd.s32 $0xFAA00, s18  }
.LBB2_1:
0x10: {  	s1 =	sand.u32 $0x7E00, s3  }
0x11: {  	s30 =	sand.u32 $0x70, s3;
	s1 =	sshrl.u32 s1, $0x2  }
0x12: {  	s29 =	simm.s32 $0x40;
	s1 =	sor.u32 s30, s1;
	s30 =	simm.s32 $0x0  }
.LBB2_2:
0x13: {  	p0 =	sne.s32 s29, $0x7FC0  }
0x14: {  	[tilespmem:s1+$0x17C00] =	vst v0;
	s30 =	sadd.s32 $0x10, s30;
	s1 =	smov.u32 s29;
	s29 =	sadd.s32 $0x40, s29  }
.Ltmp0:
0x15: {  	(pc) =	sbr.rel @p0 .LBB2_2-.Ltmp0, $4  }
0x16: {  	_ = 	snop  }
0x17: {  	s1 =	sand.u32 $0x7E00, s1  }
0x18: {  	s31 =	sand.u32 $0x70, s30;
	s1 =	sshrl.u32 s1, $0x2  }
0x19: {  	s1 =	sor.u32 s31, s1  }
0x1a: {  	[tilespmem:s1+$0x17C00] =	vst v0  }
0x1b: {  	[spmem:s5] =	stream.linear.scatter [tilespmem:s20], [sflag:$0x2], $0x2000, $0x38;
	[tilespmem:$0x1DC00] =	vst v63  }
0x1c: {  	_ =	swait.ge [sflag:s21], $0x2000  }
0x1d: {  	[sflag:s21] =	ssyncset.done $0x0  }
0x1e: {  	[sflag:s21] =	ssyncadd.s32 $0xFFFFE000  }
0x1f: {  	[spmem:s6] =	stream.linear.scatter [tilespmem:s20], [sflag:$0x2], $0x2000, $0x38;
	[tilespmem:$0x1DC00] =	vst v63  }
0x20: {  	_ =	swait.ge [sflag:s21], $0x2000  }
0x21: {  	[sflag:s21] =	ssyncset.done $0x0  }
0x22: {  	[sflag:s21] =	ssyncadd.s32 $0xFFFFE000  }
0x23: {  	[spmem:s7] =	stream.linear.scatter [tilespmem:s20], [sflag:$0x2], $0x2000, $0x38;
	[tilespmem:$0x1DC00] =	vst v63  }
0x24: {  	_ =	swait.ge [sflag:s21], $0x2000  }
0x25: {  	[sflag:s21] =	ssyncset.done $0x0  }
0x26: {  	[sflag:s21] =	ssyncadd.s32 $0xFFFFE000  }
0x27: {  	[spmem:s8] =	stream.linear.scatter [tilespmem:s20], [sflag:$0x2], $0x2000, $0x38;
	[tilespmem:$0x1DC00] =	vst v63  }
0x28: {  	_ =	swait.ge [sflag:s21], $0x2000  }
0x29: {  	[sflag:s21] =	ssyncset.done $0x0  }
0x2a: {  	[sflag:s21] =	ssyncadd.s32 $0xFFFFE000  }
0x2b: {  	[spmem:s9] =	stream.linear.scatter [tilespmem:s20], [sflag:$0x2], $0x2000, $0x38;
	[tilespmem:$0x1DC00] =	vst v63  }
0x2c: {  	_ =	swait.ge [sflag:s21], $0x2000  }
0x2d: {  	[sflag:s21] =	ssyncset.done $0x0  }
0x2e: {  	[sflag:s21] =	ssyncadd.s32 $0xFFFFE000  }
0x2f: {  	[spmem:s10] =	stream.linear.scatter [tilespmem:s20], [sflag:$0x2], $0x2000, $0x38;
	[tilespmem:$0x1DC00] =	vst v63  }
0x30: {  	_ =	swait.ge [sflag:s21], $0x2000  }
0x31: {  	[sflag:s21] =	ssyncset.done $0x0  }
0x32: {  	[sflag:s21] =	ssyncadd.s32 $0xFFFFE000  }
0x33: {  	[spmem:s11] =	stream.linear.scatter [tilespmem:s20], [sflag:$0x2], $0x2000, $0x38;
	[tilespmem:$0x1DC00] =	vst v63  }
0x34: {  	_ =	swait.ge [sflag:s21], $0x2000  }
0x35: {  	[sflag:s21] =	ssyncset.done $0x0  }
0x36: {  	[sflag:s21] =	ssyncadd.s32 $0xFFFFE000  }
0x37: {  	[spmem:s12] =	stream.linear.scatter [tilespmem:s20], [sflag:$0x2], $0x2000, $0x38;
	[tilespmem:$0x1DC00] =	vst v63  }
0x38: {  	_ =	swait.ge [sflag:s21], $0x2000  }
0x39: {  	[sflag:s21] =	ssyncset.done $0x0  }
0x3a: {  	[sflag:s21] =	ssyncadd.s32 $0xFFFFE000  }
0x3b: {  	[spmem:s13] =	stream.linear.scatter [tilespmem:s20], [sflag:$0x2], $0x2000, $0x38;
	[tilespmem:$0x1DC00] =	vst v63  }
0x3c: {  	_ =	swait.ge [sflag:s21], $0x2000  }
0x3d: {  	[sflag:s21] =	ssyncset.done $0x0  }
0x3e: {  	[sflag:s21] =	ssyncadd.s32 $0xFFFFE000  }
0x3f: {  	[spmem:s14] =	stream.linear.scatter [tilespmem:s20], [sflag:$0x2], $0x2000, $0x38;
	[tilespmem:$0x1DC00] =	vst v63  }
0x40: {  	_ =	swait.ge [sflag:s21], $0x2000  }
0x41: {  	[sflag:s21] =	ssyncset.done $0x0  }
0x42: {  	s30 =	simm.s32 $0x0;
	s0 =	simm.s32 $0x14000;
	[sflag:s21] =	ssyncadd.s32 $0xFFFFE000  }
0x43: {  	[tilespmem:s0], [sflag:$0x2] =	stream.linear.gather [hbm4b:s15+s30], $0x1400, $0x38;
	[tilespmem:$0x1DC00] =	vst v63  }
0x44: {  	_ =	swait.ge [sflag:s21], $0x1400  }
0x45: {  	[sflag:s21] =	ssyncset.done $0x0  }
0x46: {  	s31 =	simm.s32 $0x16800;
	[sflag:s21] =	ssyncadd.s32 $0xFFFFEC00  }
0x47: {  	[tilespmem:s31], [sflag:$0x2] =	stream.linear.gather [hbm4b:s16+s30], $0x1400, $0x38;
	[tilespmem:$0x1DC00] =	vst v63  }
0x48: {  	_ =	swait.ge [sflag:s21], $0x1400  }
0x49: {  	[sflag:s21] =	ssyncset.done $0x0  }
0x4a: {  	s29 =	simm.s32 $0x0;
	[sflag:s21] =	ssyncadd.s32 $0xFFFFEC00  }
0x4b: {  	s1 =	simm.s32 $0x40;
	v1 =	vld [tilespmem:s29+$0x14000]  }
.LBB2_4:
0x4c: {  	p0 =	sne.s32 s1, $0x4FC0  }
.Ltmp1:
0x4d: {  	_ = 	snop;
	(pc) =	sbr.rel @p0 .LBB2_4-.Ltmp1, $3  }
0x4e: {  	_ =	sdelay $0x1  }
0x4f: {  	s30 =	sshra.s32 s1, $0x2;
	s1 =	sadd.s32 $0x40, s1;
	v2 =	vshll.u32 v1, $0x1  }
0x50: {  	v1 =	vld [tilespmem:s30+$0x14000];
	[tilespmem:s29+$0x15400] =	vst v2;
	s29 =	smov.u32 s30  }
0x51: {  	_ =	sdelay $0x3  }
0x52: {  	v1 =	vshll.u32 v1, $0x1  }
0x53: {  	[tilespmem:s29+$0x15400] =	vst v1  }
0x54: {  	s1 =	simm.s32 $0x15400;
	[bflag:$0x0] =	sbarrier.arrive $0xFFFF  }
0x55: {  	[tilespmem:s25], [sflag:$0x1] =	stream.indirect.gather [hbm4b:s4+s24], $0x80, s1, s24, $0xb8;
	[tilespmem:$0x1DC00] =	vst v63  }
0x56: {  	_ =	swait.ge [sflag:s26], $0x4000  }
0x57: {  	[sflag:s26] =	ssyncset.done $0x0  }
0x58: {  	s31 =	simm.s32 $0x16800;
	[sflag:s26] =	ssyncadd.s32 $0xFFFFC000  }
0x59: {  	[spmem:s2] =	stream.indirect.scatter.add.f32 [tilespmem:s25], [sflag:$0x2], $0x80, s31, s24, $0xb8;
	[tilespmem:$0x1DC00] =	vst v63  }
0x5a: {  	_ =	swait.ge [sflag:s21], $0x4000  }
0x5b: {  	s29 =	simm.s32 $0x80;
	s1 =	simm.s32 $0x400;
	[sflag:s21] =	ssyncset.done $0x0  }
.LBB2_6:
0x5c: {  	s30 =	sadd.s32 $0x15400, s29  }
0x5d: {  	[sflag:s21] =	ssyncadd.s32 $0xFFFFC000;
	s31 =	smov.u32 s1;
	s0 =	sadd.s32 $0x200, s1  }
0x5e: {  	[tilespmem:s25], [sflag:$0x1] =	stream.indirect.gather [hbm4b:s4+s24], $0x80, s30, s24, $0xb8;
	[tilespmem:$0x1DC00] =	vst v63  }
0x5f: {  	p0 =	sne.s32 s1, $0x4E00;
	_ =	swait.ge [sflag:s26], $0x4000  }
.Ltmp2:
0x60: {  	[sflag:s26] =	ssyncset.done $0x0;
	(pc) =	sbr.rel @p0 .LBB2_6-.Ltmp2, $4  }
0x61: {  	s1 =	sadd.s32 $0x16800, s29;
	[sflag:s26] =	ssyncadd.s32 $0xFFFFC000  }
0x62: {  	[spmem:s2] =	stream.indirect.scatter.add.f32 [tilespmem:s25], [sflag:$0x2], $0x80, s1, s24, $0xb8;
	[tilespmem:$0x1DC00] =	vst v63  }
0x63: {  	_ =	swait.ge [sflag:s21], $0x4000  }
0x64: {  	s29 =	sshra.s32 s31, $0x2;
	s1 =	smov.u32 s0;
	[sflag:s21] =	ssyncset.done $0x0  }
0x65: {  	s0 =	sadd.s32 $0x15400, s29;
	[sflag:s21] =	ssyncadd.s32 $0xFFFFC000  }
0x66: {  	[tilespmem:s25], [sflag:$0x1] =	stream.indirect.gather [hbm4b:s4+s24], $0x80, s0, s24, $0xb8;
	[tilespmem:$0x1DC00] =	vst v63  }
0x67: {  	_ =	swait.ge [sflag:s26], $0x4000  }
0x68: {  	[sflag:s26] =	ssyncset.done $0x0  }
0x69: {  	s22 =	sadd.s32 $0x16800, s29;
	[sflag:s26] =	ssyncadd.s32 $0xFFFFC000  }
0x6a: {  	[spmem:s2] =	stream.indirect.scatter.add.f32 [tilespmem:s25], [sflag:$0x2], $0x80, s22, s24, $0xb8;
	[tilespmem:$0x1DC00] =	vst v63  }
0x6b: {  	_ =	swait.ge [sflag:s21], $0x4000  }
0x6c: {  	s23 =	stileid.u32;
	[sflag:s21] =	ssyncset.done $0x0  }
0x6d: {  	s0 =	sshll.u32 s23, $0x6;
	[sflag:s21] =	ssyncadd.s32 $0xFFFFC000  }
0x6e: {  	s30 =	sshrl.u32 s5, $0x3;
	s29 =	sor.u32 $0x1C02, s0;
	[bflag:$0x0] =	sbarrier.arrive $0xFFFF  }
0x6f: {  	[hbm:s17], [sflag:s29] =	dma.local [spmem:s30], $0x2800  }
0x70: {  	_ =	swait.ge [sflag:s21], $0x2800  }
0x71: {  	[sflag:s21] =	ssyncset.done $0x0  }
0x72: {  	[sflag:s21] =	ssyncadd.s32 $0xFFFFD800  }
0x73: {  	[spmem:s5] =	stream.linear.scatter [tilespmem:s20], [sflag:$0x2], $0x2000, $0x38;
	[tilespmem:$0x1DC00] =	vst v63  }
0x74: {  	_ =	swait.ge [sflag:s21], $0x2000  }
0x75: {  	[sflag:s21] =	ssyncset.done $0x0  }
0x76: {  	[sflag:s21] =	ssyncadd.s32 $0xFFFFE000  }
0x77: {  	[spmem:s6] =	stream.linear.scatter [tilespmem:s20], [sflag:$0x2], $0x2000, $0x38;
	[tilespmem:$0x1DC00] =	vst v63  }
0x78: {  	_ =	swait.ge [sflag:s21], $0x2000  }
0x79: {  	[sflag:s21] =	ssyncset.done $0x0  }
0x7a: {  	[sflag:s21] =	ssyncadd.s32 $0xFFFFE000  }
0x7b: {  	[spmem:s7] =	stream.linear.scatter [tilespmem:s20], [sflag:$0x2], $0x2000, $0x38;
	[tilespmem:$0x1DC00] =	vst v63  }
0x7c: {  	_ =	swait.ge [sflag:s21], $0x2000  }
0x7d: {  	[sflag:s21] =	ssyncset.done $0x0  }
0x7e: {  	[sflag:s21] =	ssyncadd.s32 $0xFFFFE000  }
0x7f: {  	[spmem:s8] =	stream.linear.scatter [tilespmem:s20], [sflag:$0x2], $0x2000, $0x38;
	[tilespmem:$0x1DC00] =	vst v63  }
0x80: {  	_ =	swait.ge [sflag:s21], $0x2000  }
0x81: {  	[sflag:s21] =	ssyncset.done $0x0  }
0x82: {  	[sflag:s21] =	ssyncadd.s32 $0xFFFFE000  }
0x83: {  	[spmem:s9] =	stream.linear.scatter [tilespmem:s20], [sflag:$0x2], $0x2000, $0x38;
	[tilespmem:$0x1DC00] =	vst v63  }
0x84: {  	_ =	swait.ge [sflag:s21], $0x2000  }
0x85: {  	[sflag:s21] =	ssyncset.done $0x0  }
0x86: {  	[sflag:s21] =	ssyncadd.s32 $0xFFFFE000  }
0x87: {  	[spmem:s10] =	stream.linear.scatter [tilespmem:s20], [sflag:$0x2], $0x2000, $0x38;
	[tilespmem:$0x1DC00] =	vst v63  }
0x88: {  	_ =	swait.ge [sflag:s21], $0x2000  }
0x89: {  	[sflag:s21] =	ssyncset.done $0x0  }
0x8a: {  	[sflag:s21] =	ssyncadd.s32 $0xFFFFE000  }
0x8b: {  	[spmem:s11] =	stream.linear.scatter [tilespmem:s20], [sflag:$0x2], $0x2000, $0x38;
	[tilespmem:$0x1DC00] =	vst v63  }
0x8c: {  	_ =	swait.ge [sflag:s21], $0x2000  }
0x8d: {  	[sflag:s21] =	ssyncset.done $0x0  }
0x8e: {  	[sflag:s21] =	ssyncadd.s32 $0xFFFFE000  }
0x8f: {  	[spmem:s12] =	stream.linear.scatter [tilespmem:s20], [sflag:$0x2], $0x2000, $0x38;
	[tilespmem:$0x1DC00] =	vst v63  }
0x90: {  	_ =	swait.ge [sflag:s21], $0x2000  }
0x91: {  	[sflag:s21] =	ssyncset.done $0x0  }
0x92: {  	[sflag:s21] =	ssyncadd.s32 $0xFFFFE000  }
0x93: {  	[spmem:s13] =	stream.linear.scatter [tilespmem:s20], [sflag:$0x2], $0x2000, $0x38;
	[tilespmem:$0x1DC00] =	vst v63  }
0x94: {  	_ =	swait.ge [sflag:s21], $0x2000  }
0x95: {  	[sflag:s21] =	ssyncset.done $0x0  }
0x96: {  	[sflag:s21] =	ssyncadd.s32 $0xFFFFE000  }
0x97: {  	[spmem:s14] =	stream.linear.scatter [tilespmem:s20], [sflag:$0x2], $0x2000, $0x38;
	[tilespmem:$0x1DC00] =	vst v63  }
0x98: {  	_ =	swait.ge [sflag:s21], $0x2000  }
0x99: {  	[sflag:s21] =	ssyncset.done $0x0  }
0x9a: {  	s31 =	simm.s32 $0x0;
	[sflag:s21] =	ssyncadd.s32 $0xFFFFE000  }
0x9b: {  	v1 =	vld [tilespmem:s31+$0x14000]  }
0x9c: {  	s1 =	simm.s32 $0x40  }
.LBB2_8:
0x9d: {  	p0 =	sne.s32 s1, $0x4FC0  }
.Ltmp3:
0x9e: {  	_ = 	snop;
	(pc) =	sbr.rel @p0 .LBB2_8-.Ltmp3, $4  }
0x9f: {  	_ = 	snop  }
0xa0: {  	s0 =	sshra.s32 s1, $0x2;
	s1 =	sadd.s32 $0x40, s1;
	v2 =	vshll.u32 v1, $0x1  }
0xa1: {  	v1 =	vld [tilespmem:s0+$0x14000];
	v2 =	vor.u32 $0x1, v2  }
0xa2: {  	[tilespmem:s31+$0x15400] =	vst v2;
	s31 =	smov.u32 s0  }
0xa3: {  	_ =	sdelay $0x2  }
0xa4: {  	v1 =	vshll.u32 v1, $0x1  }
0xa5: {  	v1 =	vor.u32 $0x1, v1  }
0xa6: {  	[tilespmem:s31+$0x15400] =	vst v1  }
0xa7: {  	s0 =	simm.s32 $0x15400;
	[bflag:$0x0] =	sbarrier.arrive $0xFFFF  }
0xa8: {  	[tilespmem:s25], [sflag:$0x1] =	stream.indirect.gather [hbm4b:s4+s24], $0x80, s0, s24, $0xb8;
	[tilespmem:$0x1DC00] =	vst v63  }
0xa9: {  	_ =	swait.ge [sflag:s26], $0x4000  }
0xaa: {  	[sflag:s26] =	ssyncset.done $0x0  }
0xab: {  	s23 =	simm.s32 $0x16800;
	[sflag:s26] =	ssyncadd.s32 $0xFFFFC000  }
0xac: {  	[spmem:s2] =	stream.indirect.scatter.add.f32 [tilespmem:s25], [sflag:$0x2], $0x80, s23, s24, $0xb8;
	[tilespmem:$0x1DC00] =	vst v63  }
0xad: {  	_ =	swait.ge [sflag:s21], $0x4000  }
0xae: {  	s1 =	simm.s32 $0x400;
	s31 =	simm.s32 $0x80;
	[sflag:s21] =	ssyncset.done $0x0  }
.LBB2_10:
0xaf: {  	s0 =	sadd.s32 $0x15400, s31  }
0xb0: {  	[sflag:s21] =	ssyncadd.s32 $0xFFFFC000;
	s22 =	smov.u32 s1;
	s23 =	sadd.s32 $0x200, s1  }
0xb1: {  	[tilespmem:s25], [sflag:$0x1] =	stream.indirect.gather [hbm4b:s4+s24], $0x80, s0, s24, $0xb8;
	[tilespmem:$0x1DC00] =	vst v63  }
0xb2: {  	p0 =	sne.s32 s1, $0x4E00;
	_ =	swait.ge [sflag:s26], $0x4000  }
.Ltmp4:
0xb3: {  	[sflag:s26] =	ssyncset.done $0x0;
	(pc) =	sbr.rel @p0 .LBB2_10-.Ltmp4, $4  }
0xb4: {  	s0 =	sadd.s32 $0x16800, s31;
	[sflag:s26] =	ssyncadd.s32 $0xFFFFC000  }
0xb5: {  	[spmem:s2] =	stream.indirect.scatter.add.f32 [tilespmem:s25], [sflag:$0x2], $0x80, s0, s24, $0xb8;
	[tilespmem:$0x1DC00] =	vst v63  }
0xb6: {  	_ =	swait.ge [sflag:s21], $0x4000  }
0xb7: {  	s31 =	sshra.s32 s22, $0x2;
	s1 =	smov.u32 s23;
	[sflag:s21] =	ssyncset.done $0x0  }
0xb8: {  	s0 =	sadd.s32 $0x15400, s31;
	[sflag:s21] =	ssyncadd.s32 $0xFFFFC000  }
0xb9: {  	[tilespmem:s25], [sflag:$0x1] =	stream.indirect.gather [hbm4b:s4+s24], $0x80, s0, s24, $0xb8;
	[tilespmem:$0x1DC00] =	vst v63  }
0xba: {  	_ =	swait.ge [sflag:s26], $0x4000  }
0xbb: {  	[sflag:s26] =	ssyncset.done $0x0  }
0xbc: {  	s31 =	sadd.s32 $0x16800, s31;
	[sflag:s26] =	ssyncadd.s32 $0xFFFFC000  }
0xbd: {  	[spmem:s2] =	stream.indirect.scatter.add.f32 [tilespmem:s25], [sflag:$0x2], $0x80, s31, s24, $0xb8;
	[tilespmem:$0x1DC00] =	vst v63  }
0xbe: {  	_ =	swait.ge [sflag:s21], $0x4000  }
0xbf: {  	s28 =	sadd.s32 $0x1, s28;
	[sflag:s21] =	ssyncset.done $0x0  }
0xc0: {  	p0 =	sne.s32 s28, s19;
	[sflag:s21] =	ssyncadd.s32 $0xFFFFC000  }
.Ltmp5:
0xc1: {  	[bflag:$0x0] =	sbarrier.arrive $0xFFFF;
	(pc) =	sbr.rel @p0 .LBB2_1-.Ltmp5, $4  }
0xc2: {  	[hbm:s18], [sflag:s29] =	dma.local [spmem:s30], $0x2800  }
0xc3: {  	_ =	swait.ge [sflag:s21], $0x2800  }
0xc4: {  	[sflag:s21] =	ssyncset.done $0x0  }
0xc5: {  	[sflag:s21] =	ssyncadd.s32 $0xFFFFD800  }
0xc6: {  	_ =	sfence.sel $0x180000  }
0xc7: {  	[bflag:$0x0] =	sbarrier.arrive $0xFFFF  }
0xc8: {  	_ =	strace $0x9000004D  }
0xc9: {  	s0 =	stileid.u32;
	[bflag:$0x2] =	sbarrier.arrive $0xFFFF  }
0xca: {  	p0 =	sne.s32 s0, $0x0;
	s0 =	rddreg [dreg:$0x2]  }
0xcb: {  	s0 =	sadd.s32 @!p0 $0x100000, s0  }
0xcc: {  	[sflag:s0] =	ssyncadd.tile.s32 @!p0 $0x1;
	_ =	shalt  }
.Lfunc_end2:
_tile_overlayer_lowered:
.L_overlay_start_2:
0xcd: {  	(tag) =	ssettag $0x2  }
0xce: {  	s0 =	rddreg [dreg:$0x0];
	s2 =	stileid.u32  }
0xcf: {  	s1 =	rddreg [dreg:$0x1];
	p0 =	sne.s32 s2, $0x0  }
0xd0: {  	s3 =	rddreg [dreg:$0x2];
	[bflag:$0x3] =	sbarrier.arrive $0xFFFF;
	s2 =	simm.s32 @!p0 $0x1C02  }
0xd1: {  	[timem:s3], [sflag:s2] =	dma.local @!p0 [hbm:s0], s1  }
0xd2: {  	s0 =	simm.s32 @!p0 $0x2  }
0xd3: {  	_ =	swait.ge @!p0 [sflag:s0], s1  }
0xd4: {  	s1 =	ssub.s32 @!p0 $0x0, s1;
	[sflag:s0] =	ssyncset.done @!p0 $0x0  }
0xd5: {  	[sflag:s0] =	ssyncadd.s32 @!p0 s1  }
0xd6: {  	[bflag:$0x3] =	sbarrier.arrive $0xFFFF  }
0xd7: {  	_ =	shalt  }

</sc_bundles>
